<compile_context>
chip_gen: v7x
topology: tpu7x:2x2x1
jax: 0.10.2.dev20260603
libtpu: 0.0.44.dev20260713+nightly
codegen_flags: <defaults>
</compile_context>

<pallas_src>
import dataclasses
import functools

import jax
import jax.numpy as jnp
from jax import lax
from jax.experimental import pallas as pl
from jax.experimental.pallas import tpu as pltpu
from jax.experimental.pallas import tpu_sc as plsc

N = 10000
E = 320000
D = 128
H = 128

NC = 2
NS = 16
L = 16
NW = NC * NS
EP = E // NW

_mesh = plsc.VectorSubcoreMesh(core_axis_name="c", subcore_axis_name="s")

_sc_params = pltpu.CompilerParams()
if "needs_layout_passes" in pltpu.CompilerParams.__dataclass_fields__:
    _sc_params = dataclasses.replace(_sc_params, needs_layout_passes=False)


def _widx(_):
    return lax.axis_index("s") * NC + lax.axis_index("c")


@functools.partial(
    pl.kernel,
    out_type=jax.ShapeDtypeStruct((NW * N,), jnp.float32),
    mesh=_mesh,
    compiler_params=_sc_params,
    scratch_types=[
        pltpu.VMEM((EP,), jnp.int32),
        pltpu.VMEM((EP,), jnp.float32),
        pltpu.VMEM((N,), jnp.float32),
    ],
)
def _deg_kernel(dst_hbm, ew_hbm, out_hbm, dst_v, ew_v, acc_v):
    wid = _widx(None)
    base = wid * EP
    pltpu.sync_copy(dst_hbm.at[pl.ds(base, EP)], dst_v)
    pltpu.sync_copy(ew_hbm.at[pl.ds(base, EP)], ew_v)

    zero = jnp.zeros((L,), jnp.float32)

    @pl.loop(0, N // L)
    def _(i):
        acc_v[pl.ds(i * L, L)] = zero

    @pl.loop(0, EP // L)
    def _(i):
        idx = dst_v[pl.ds(i * L, L)]
        w = ew_v[pl.ds(i * L, L)]
        plsc.addupdate_scatter(acc_v, [idx], w)

    pltpu.sync_copy(acc_v, out_hbm.at[pl.ds(wid * N, N)])


KW = 50
CR = E // KW
CPS = CR // NS
BI = 40
NBLK = CPS // BI
NB = 5
ZR = 40

SP = 640
SP_LAST = N - 15 * SP

_mesh1 = plsc.VectorSubcoreMesh(
    core_axis_name="c", subcore_axis_name="s", num_cores=1)


@functools.partial(
    pl.kernel,
    out_type=jax.ShapeDtypeStruct((N, H), jnp.float32),
    mesh=_mesh1,
    compiler_params=_sc_params,
    scratch_types=[
        pltpu.VMEM((BI, KW), jnp.int32),
        pltpu.VMEM((BI, KW), jnp.int32),
        pltpu.VMEM((BI * KW,), jnp.float32),
        pltpu.VMEM((KW, H), jnp.float32),
        pltpu.VMEM((KW, H), jnp.float32),
        pltpu.VMEM((KW, H), jnp.float32),
        pltpu.VMEM((KW, H), jnp.float32),
        pltpu.VMEM((KW, H), jnp.float32),
        pltpu.VMEM_SHARED((N, H), jnp.float32),
        pltpu.SemaphoreType.DMA,
        pltpu.SemaphoreType.DMA,
        pltpu.SemaphoreType.DMA,
        pltpu.SemaphoreType.DMA,
        pltpu.SemaphoreType.DMA,
        pltpu.SemaphoreType.DMA,
        pltpu.SemaphoreType.DMA,
        pltpu.SemaphoreType.DMA,
        pltpu.SemaphoreType.DMA,
        pltpu.SemaphoreType.DMA,
    ],
)
def _msg_kernel(src_hbm, dst_hbm, ew_hbm, hs_hbm, out_hbm,
                sidx_v, didx_v, ew_v, b0, b1, b2, b3, b4, acc_sh,
                g0, g1, g2, g3, g4, s0, s1, s2, s3, s4):
    sid = lax.axis_index("s")
    bufs = (b0, b1, b2, b3, b4)
    gsem = (g0, g1, g2, g3, g4)
    ssem = (s0, s1, s2, s3, s4)

    zero = jnp.zeros((L,), jnp.float32)

    @plsc.parallel_loop(0, ZR)
    def _(r):
        for j in range(H // L):
            b0[r, pl.ds(j * L, L)] = zero

    span = jnp.where(sid < 15, SP, SP_LAST)

    @pl.loop(0, SP // ZR)
    def _(z):
        @pl.when(z * ZR < span)
        def _():
            pltpu.sync_copy(b0.at[pl.ds(0, ZR)],
                            acc_sh.at[pl.ds(sid * SP + z * ZR, ZR)])

    plsc.subcore_barrier()

    def scale(rows_v, j):
        @plsc.parallel_loop(0, KW, unroll=5)
        def _(r):
            w16 = plsc.load_gather(
                ew_v, [jnp.full((L,), j * KW + r, jnp.int32)])
            for h in range(H // L):
                sl = (r, pl.ds(h * L, L))
                rows_v[sl] = rows_v[sl] * w16

    def g_desc(j, b):
        return pltpu.make_async_copy(hs_hbm.at[sidx_v.at[j]],
                                     bufs[b], gsem[b])

    def s_desc(j, b):
        return pltpu.make_async_copy(bufs[b], acc_sh.at[didx_v.at[j]],
                                     ssem[b])

    @pl.loop(0, NBLK)
    def _(bb):
        row0 = sid * CPS + bb * BI
        pltpu.sync_copy(src_hbm.at[pl.ds(row0, BI)], sidx_v)
        pltpu.sync_copy(dst_hbm.at[pl.ds(row0, BI)], didx_v)
        pltpu.sync_copy(ew_hbm.at[pl.ds(row0 * KW, BI * KW)], ew_v)

        g_desc(0, 0).start()
        g_desc(1, 1).start()
        g_desc(2, 2).start()

        @pl.loop(0, BI // NB)
        def _(q):
            for b in range(NB):
                j = q * NB + b

                @pl.when(j >= 2)
                def _():
                    s_desc(j - 2, (b + 3) % NB).wait()

                @pl.when(j + 3 <= BI - 1)
                def _():
                    g_desc(j + 3, (b + 3) % NB).start()

                g_desc(j, b).wait()
                scale(bufs[b], j)
                pltpu.async_copy(bufs[b], acc_sh.at[didx_v.at[j]],
                                 ssem[b], add=True)

        s_desc(BI - 2, (BI - 2) % NB).wait()
        s_desc(BI - 1, (BI - 1) % NB).wait()

    plsc.subcore_barrier()

    @pl.when(sid < 15)
    def _():
        pltpu.sync_copy(acc_sh.at[pl.ds(sid * SP, SP)],
                        out_hbm.at[pl.ds(sid * SP, SP)])

    @pl.when(sid == 15)
    def _():
        pltpu.sync_copy(acc_sh.at[pl.ds(15 * SP, SP_LAST)],
                        out_hbm.at[pl.ds(15 * SP, SP_LAST)])


@functools.partial(
    pl.kernel,
    out_type=jax.ShapeDtypeStruct((NW * N,), jnp.float32),
    mesh=_mesh,
    compiler_params=_sc_params,
    scratch_types=[
        pltpu.VMEM((EP,), jnp.int32),
        pltpu.VMEM((EP,), jnp.int32),
        pltpu.VMEM((EP,), jnp.float32),
        pltpu.VMEM((N,), jnp.float32),
        pltpu.VMEM((N,), jnp.float32),
    ],
)
def _msg1_kernel(src_hbm, dst_hbm, ew_hbm, hs_hbm, out_hbm,
                 src_v, dst_v, ew_v, tab_v, acc_v):
    wid = _widx(None)
    base = wid * EP
    pltpu.sync_copy(src_hbm.at[pl.ds(base, EP)], src_v)
    pltpu.sync_copy(dst_hbm.at[pl.ds(base, EP)], dst_v)
    pltpu.sync_copy(ew_hbm.at[pl.ds(base, EP)], ew_v)
    pltpu.sync_copy(hs_hbm, tab_v)

    zero = jnp.zeros((L,), jnp.float32)

    @pl.loop(0, N // L)
    def _(i):
        acc_v[pl.ds(i * L, L)] = zero

    @pl.loop(0, EP // L)
    def _(i):
        sl = pl.ds(i * L, L)
        g = plsc.load_gather(tab_v, [src_v[sl]])
        plsc.addupdate_scatter(acc_v, [dst_v[sl]], g * ew_v[sl])

    pltpu.sync_copy(acc_v, out_hbm.at[pl.ds(wid * N, N)])


def _tc_call(body, out_shapes):
    return pl.pallas_call(body, out_shape=out_shapes)


def _tc1_body(dp_ref, x_ref, w1_ref, dinv_ref, hs1_ref):
    deg = jnp.sum(dp_ref[...], axis=0) + 1.0
    dinv = lax.rsqrt(deg)[:, None]
    h = jnp.dot(x_ref[...], w1_ref[...],
                preferred_element_type=jnp.float32,
                precision=lax.Precision.HIGHEST)
    dinv_ref[...] = dinv
    hs1_ref[...] = dinv * h


def _tc2_body(sp_ref, hs_ref, dinv_ref, b_ref, w_ref, hs2_ref):
    dinv = dinv_ref[...]
    t = dinv * (sp_ref[...] + hs_ref[...]) + b_ref[...][None, :]
    t = jnp.maximum(t, 0.0)
    h = jnp.dot(t, w_ref[...], preferred_element_type=jnp.float32,
                precision=lax.Precision.HIGHEST)
    hs2_ref[...] = dinv * h


def _tc3_body(sp_ref, hs_ref, dinv_ref, b_ref, w_ref, hs3_ref):
    dinv = dinv_ref[...]
    t = dinv * (sp_ref[...] + hs_ref[...]) + b_ref[...][None, :]
    t = jnp.maximum(t, 0.0)
    z = jnp.dot(t, w_ref[...], preferred_element_type=jnp.float32,
                precision=lax.Precision.HIGHEST)
    hs3_ref[...] = dinv * z


def _tc4_body(sp_ref, hs3_ref, dinv_ref, b_ref, out_ref):
    s = jnp.sum(sp_ref[...], axis=0)[:, None]
    logits = dinv_ref[...] * (s + hs3_ref[...]) + b_ref[0]
    out_ref[...] = jax.nn.sigmoid(logits)


def kernel(x, edge_index, edge_weight, W1, b1, W2, b2, W3, b3):
    src = edge_index[0]
    dst = edge_index[1]
    ew = edge_weight
    src2 = src.reshape(CR, KW)
    dst2 = dst.reshape(CR, KW)

    deg_partials = _deg_kernel(dst, ew).reshape(NW, N)

    f32 = jnp.float32
    dinv, hs1 = _tc_call(
        _tc1_body,
        (jax.ShapeDtypeStruct((N, 1), f32), jax.ShapeDtypeStruct((N, D), f32)),
    )(deg_partials, x, W1)

    s1 = _msg_kernel(src2, dst2, ew, hs1)
    hs2 = _tc_call(_tc2_body, jax.ShapeDtypeStruct((N, H), f32))(
        s1, hs1, dinv, b1, W2)

    s2 = _msg_kernel(src2, dst2, ew, hs2)
    hs3 = _tc_call(_tc3_body, jax.ShapeDtypeStruct((N, 1), f32))(
        s2, hs2, dinv, b2, W3)

    s3 = _msg1_kernel(src, dst, ew, hs3.reshape(N)).reshape(NW, N)
    out = _tc_call(_tc4_body, jax.ShapeDtypeStruct((N, 1), f32))(
        s3, hs3, dinv, b3)
    return out

# --- scband reference (transcript-rebuilt; emitter-appended) ---
"""Pipeline reference for scband-dependency-gcn-66511863546172 (READ-ONLY COPY).

The authoritative reference and input builder live on the scoring server;
editing this copy changes nothing except your own understanding.
"""

import jax, jax.numpy as jnp
import numpy as np

N = 10000
E = 320000
D = 128
H = 128


def gcn_conv(x, edge_index, edge_weight, W, b):
    # GCNConv with add_self_loops=True and symmetric normalization
    num_nodes = x.shape[0]
    src = edge_index[0]
    dst = edge_index[1]
    loop = jnp.arange(num_nodes, dtype=src.dtype)
    src = jnp.concatenate([src, loop])
    dst = jnp.concatenate([dst, loop])
    ew = jnp.concatenate([edge_weight, jnp.ones((num_nodes,), dtype=edge_weight.dtype)])
    deg = jnp.zeros((num_nodes,), dtype=x.dtype).at[dst].add(ew)
    dinv = jnp.where(deg > 0, deg ** -0.5, 0.0)
    norm = dinv[src] * ew * dinv[dst]
    h = x @ W
    msg = norm[:, None] * jnp.take(h, src, axis=0)
    out = jnp.zeros((num_nodes, W.shape[1]), dtype=x.dtype).at[dst].add(msg)
    return out + b


def setup_inputs(seed: int = 0) -> dict:
    key = jax.random.key(seed)
    ks = jax.random.split(key, 9)
    x = jax.random.normal(ks[0], (N, D), dtype=jnp.float32)
    edge_index = jax.random.randint(ks[1], (2, E), 0, N, dtype=jnp.int32)
    edge_weight = jax.random.uniform(ks[2], (E,), dtype=jnp.float32)
    W1 = jax.random.normal(ks[3], (D, H), dtype=jnp.float32) * (1.0 / np.sqrt(D))
    b1 = jnp.zeros((H,), dtype=jnp.float32)
    W2 = jax.random.normal(ks[4], (H, H), dtype=jnp.float32) * (1.0 / np.sqrt(H))
    b2 = jnp.zeros((H,), dtype=jnp.float32)
    W3 = jax.random.normal(ks[5], (H, 1), dtype=jnp.float32) * (1.0 / np.sqrt(H))
    b3 = jnp.zeros((1,), dtype=jnp.float32)
    return {"x": x, "edge_index": edge_index, "edge_weight": edge_weight,
            "W1": W1, "b1": b1, "W2": W2, "b2": b2, "W3": W3, "b3": b3}


def reference(x, edge_index, edge_weight, W1, b1, W2, b2, W3, b3):
    h = jax.nn.relu(gcn_conv(x, edge_index, edge_weight, W1, b1))
    # F.dropout(p=0.5) is identity in eval mode
    h = jax.nn.relu(gcn_conv(h, edge_index, edge_weight, W2, b2))
    h = gcn_conv(h, edge_index, edge_weight, W3, b3)
    return jax.nn.sigmoid(h)

if __name__ == "__main__":
    import jax
    _d = setup_inputs()
    print(jax.jit(kernel)(*tuple(_d.values())))

</pallas_src>

<mosaic_0001>
#map = affine_map<(d0, d1) -> (0)>
module attributes {stable_mosaic.version = 14 : i64} {
  func.func @_msg1_kernel(%arg0: i32, %arg1: i32, %arg2: memref<320000xi32, #tpu.memory_space<hbm>>, %arg3: memref<320000xi32, #tpu.memory_space<hbm>>, %arg4: memref<320000xf32, #tpu.memory_space<hbm>>, %arg5: memref<10000xf32, #tpu.memory_space<hbm>>, %arg6: memref<320000xf32, #tpu.memory_space<hbm>>, %arg7: memref<10000xi32, #tpu.memory_space<vmem>>, %arg8: memref<10000xi32, #tpu.memory_space<vmem>>, %arg9: memref<10000xf32, #tpu.memory_space<vmem>>, %arg10: memref<10000xf32, #tpu.memory_space<vmem>>, %arg11: memref<10000xf32, #tpu.memory_space<vmem>>) attributes {dimension_semantics = [#tpu.dimension_semantics<core_parallel>, #tpu.dimension_semantics<subcore_parallel>], iteration_bounds = array<i64: 2, 16>, scalar_prefetch = 0 : i64, scratch_operands = 5 : i64, tpu.core_type = #tpu.core_type<sc_vector_subcore>, window_params = [{transform_indices = #map}, {transform_indices = #map}, {transform_indices = #map}, {transform_indices = #map}, {transform_indices = #map}]} {
    %mul3A = arith.constant 2 : i32
    %mul3A_0 = arith.muli %arg1, %mul3A : i32
    %add3A = arith.addi %mul3A_0, %arg0 : i32
    %mul3A_1 = arith.constant 10000 : i32
    %mul3A_2 = arith.muli %add3A, %mul3A_1 : i32
    "tpu.region"() ({
      %run_scoped3A = tpu.sem_alloc : memref<!tpu.dma_semaphore, #tpu.memory_space<semaphore_mem>>
      %dma_start3A = tpu.memref_slice %arg2[%mul3A_2] : memref<320000xi32, #tpu.memory_space<hbm>> -> memref<10000xi32, #tpu.memory_space<hbm>>
      %dma_start3A_15 = tpu.memref_slice %arg2[%mul3A_2] : memref<320000xi32, #tpu.memory_space<hbm>> -> memref<10000xi32, #tpu.memory_space<hbm>>
      tpu.enqueue_dma source(%dma_start3A_15 : memref<10000xi32, #tpu.memory_space<hbm>>) target(%arg7 : memref<10000xi32, #tpu.memory_space<vmem>>) target_semaphore(%run_scoped3A : memref<!tpu.dma_semaphore, #tpu.memory_space<semaphore_mem>>)
      %dma_wait3A = tpu.memref_slice %arg2[%mul3A_2] : memref<320000xi32, #tpu.memory_space<hbm>> -> memref<10000xi32, #tpu.memory_space<hbm>>
      %dma_wait3A_16 = tpu.memref_slice %arg2[%mul3A_2] : memref<320000xi32, #tpu.memory_space<hbm>> -> memref<10000xi32, #tpu.memory_space<hbm>>
      tpu.wait_dma2 semaphore(%run_scoped3A : memref<!tpu.dma_semaphore, #tpu.memory_space<semaphore_mem>>) src(%dma_wait3A_16 : memref<10000xi32, #tpu.memory_space<hbm>>) dst(%arg7 : memref<10000xi32, #tpu.memory_space<vmem>>)
      tpu.yield
    }) : () -> ()
    "tpu.region"() ({
      %run_scoped3A = tpu.sem_alloc : memref<!tpu.dma_semaphore, #tpu.memory_space<semaphore_mem>>
      %dma_start3A = tpu.memref_slice %arg3[%mul3A_2] : memref<320000xi32, #tpu.memory_space<hbm>> -> memref<10000xi32, #tpu.memory_space<hbm>>
      %dma_start3A_15 = tpu.memref_slice %arg3[%mul3A_2] : memref<320000xi32, #tpu.memory_space<hbm>> -> memref<10000xi32, #tpu.memory_space<hbm>>
      tpu.enqueue_dma source(%dma_start3A_15 : memref<10000xi32, #tpu.memory_space<hbm>>) target(%arg8 : memref<10000xi32, #tpu.memory_space<vmem>>) target_semaphore(%run_scoped3A : memref<!tpu.dma_semaphore, #tpu.memory_space<semaphore_mem>>)
      %dma_wait3A = tpu.memref_slice %arg3[%mul3A_2] : memref<320000xi32, #tpu.memory_space<hbm>> -> memref<10000xi32, #tpu.memory_space<hbm>>
      %dma_wait3A_16 = tpu.memref_slice %arg3[%mul3A_2] : memref<320000xi32, #tpu.memory_space<hbm>> -> memref<10000xi32, #tpu.memory_space<hbm>>
      tpu.wait_dma2 semaphore(%run_scoped3A : memref<!tpu.dma_semaphore, #tpu.memory_space<semaphore_mem>>) src(%dma_wait3A_16 : memref<10000xi32, #tpu.memory_space<hbm>>) dst(%arg8 : memref<10000xi32, #tpu.memory_space<vmem>>)
      tpu.yield
    }) : () -> ()
    "tpu.region"() ({
      %run_scoped3A = tpu.sem_alloc : memref<!tpu.dma_semaphore, #tpu.memory_space<semaphore_mem>>
      %dma_start3A = tpu.memref_slice %arg4[%mul3A_2] : memref<320000xf32, #tpu.memory_space<hbm>> -> memref<10000xf32, #tpu.memory_space<hbm>>
      %dma_start3A_15 = tpu.memref_slice %arg4[%mul3A_2] : memref<320000xf32, #tpu.memory_space<hbm>> -> memref<10000xf32, #tpu.memory_space<hbm>>
      tpu.enqueue_dma source(%dma_start3A_15 : memref<10000xf32, #tpu.memory_space<hbm>>) target(%arg9 : memref<10000xf32, #tpu.memory_space<vmem>>) target_semaphore(%run_scoped3A : memref<!tpu.dma_semaphore, #tpu.memory_space<semaphore_mem>>)
      %dma_wait3A = tpu.memref_slice %arg4[%mul3A_2] : memref<320000xf32, #tpu.memory_space<hbm>> -> memref<10000xf32, #tpu.memory_space<hbm>>
      %dma_wait3A_16 = tpu.memref_slice %arg4[%mul3A_2] : memref<320000xf32, #tpu.memory_space<hbm>> -> memref<10000xf32, #tpu.memory_space<hbm>>
      tpu.wait_dma2 semaphore(%run_scoped3A : memref<!tpu.dma_semaphore, #tpu.memory_space<semaphore_mem>>) src(%dma_wait3A_16 : memref<10000xf32, #tpu.memory_space<hbm>>) dst(%arg9 : memref<10000xf32, #tpu.memory_space<vmem>>)
      tpu.yield
    }) : () -> ()
    "tpu.region"() ({
      %run_scoped3A = tpu.sem_alloc : memref<!tpu.dma_semaphore, #tpu.memory_space<semaphore_mem>>
      tpu.enqueue_dma source(%arg5 : memref<10000xf32, #tpu.memory_space<hbm>>) target(%arg10 : memref<10000xf32, #tpu.memory_space<vmem>>) target_semaphore(%run_scoped3A : memref<!tpu.dma_semaphore, #tpu.memory_space<semaphore_mem>>)
      tpu.wait_dma2 semaphore(%run_scoped3A : memref<!tpu.dma_semaphore, #tpu.memory_space<semaphore_mem>>) src(%arg5 : memref<10000xf32, #tpu.memory_space<hbm>>) dst(%arg10 : memref<10000xf32, #tpu.memory_space<vmem>>)
      tpu.yield
    }) : () -> ()
    %broadcast_in_dim3A = arith.constant 0.000000e+00 : f32
    %broadcast_in_dim3A_3 = vector.broadcast %broadcast_in_dim3A : f32 to vector<16xf32>
    %scan3A = arith.constant 0 : i32
    %scan3A_4 = arith.constant 625 : i32
    %scan3A_5 = arith.addi %scan3A, %scan3A_4 : i32
    %scan3A_6 = arith.constant 1 : i32
    scf.for %scan3A_15 = %scan3A to %scan3A_5 step %scan3A_6  : i32 {
      %mul3A_16 = arith.constant 1 : i32
      %mul3A_17 = arith.muli %scan3A_15, %mul3A_16 : i32
      %add3A_18 = arith.constant 0 : i32
      %add3A_19 = arith.addi %add3A_18, %mul3A_17 : i32
      %mul3A_20 = arith.constant 16 : i32
      %mul3A_21 = arith.muli %add3A_19, %mul3A_20 : i32
      %swap3A = arith.index_cast %mul3A_21 : i32 to index
      %swap3A_22 = tpu.vector_load %arg11[%swap3A] {strides = array<i32>} : memref<10000xf32, #tpu.memory_space<vmem>>, vector<16xf32>,
      tpu.vector_store %arg11[%swap3A], %broadcast_in_dim3A_3 {strides = array<i32>} : memref<10000xf32, #tpu.memory_space<vmem>>, vector<16xf32>,
    }
    %scan3A_7 = arith.constant 625 : i32
    %scan3A_8 = arith.constant 0 : i32
    %scan3A_9 = arith.constant 625 : i32
    %scan3A_10 = arith.addi %scan3A_8, %scan3A_9 : i32
    %scan3A_11 = arith.constant 1 : i32
    scf.for %scan3A_15 = %scan3A_8 to %scan3A_10 step %scan3A_11  : i32 {
      %mul3A_16 = arith.constant 1 : i32
      %mul3A_17 = arith.muli %scan3A_15, %mul3A_16 : i32
      %add3A_18 = arith.constant 0 : i32
      %add3A_19 = arith.addi %add3A_18, %mul3A_17 : i32
      %mul3A_20 = arith.constant 16 : i32
      %mul3A_21 = arith.muli %add3A_19, %mul3A_20 : i32
      %get3A = arith.index_cast %mul3A_21 : i32 to index
      %get3A_22 = tpu.vector_load %arg7[%get3A] {strides = array<i32>} : memref<10000xi32, #tpu.memory_space<vmem>>, vector<16xi32>,
      %gather3A = tpu.vector_load_idx %arg10[%get3A_22] : memref<10000xf32, #tpu.memory_space<vmem>>[vector<16xi32>], vector<16xf32>,
      %get3A_23 = arith.index_cast %mul3A_21 : i32 to index
      %get3A_24 = tpu.vector_load %arg8[%get3A_23] {strides = array<i32>} : memref<10000xi32, #tpu.memory_space<vmem>>, vector<16xi32>,
      %get3A_25 = arith.index_cast %mul3A_21 : i32 to index
      %get3A_26 = tpu.vector_load %arg9[%get3A_25] {strides = array<i32>} : memref<10000xf32, #tpu.memory_space<vmem>>, vector<16xf32>,
      %mul3A_27 = arith.mulf %gather3A, %get3A_26 : vector<16xf32>
      tpu.vector_store_idx %arg11[%get3A_24], %mul3A_27 {add = true} : memref<10000xf32, #tpu.memory_space<vmem>>[vector<16xi32>], vector<16xf32>,
    }
    %scan3A_12 = arith.constant 625 : i32
    %mul3A_13 = arith.constant 10000 : i32
    %mul3A_14 = arith.muli %add3A, %mul3A_13 : i32
    "tpu.region"() ({
      %run_scoped3A = tpu.sem_alloc : memref<!tpu.dma_semaphore, #tpu.memory_space<semaphore_mem>>
      %dma_start3A = tpu.memref_slice %arg6[%mul3A_14] : memref<320000xf32, #tpu.memory_space<hbm>> -> memref<10000xf32, #tpu.memory_space<hbm>>
      %dma_start3A_15 = tpu.memref_slice %arg6[%mul3A_14] : memref<320000xf32, #tpu.memory_space<hbm>> -> memref<10000xf32, #tpu.memory_space<hbm>>
      tpu.enqueue_dma source(%arg11 : memref<10000xf32, #tpu.memory_space<vmem>>) target(%dma_start3A_15 : memref<10000xf32, #tpu.memory_space<hbm>>) target_semaphore(%run_scoped3A : memref<!tpu.dma_semaphore, #tpu.memory_space<semaphore_mem>>)
      %dma_wait3A = tpu.memref_slice %arg6[%mul3A_14] : memref<320000xf32, #tpu.memory_space<hbm>> -> memref<10000xf32, #tpu.memory_space<hbm>>
      %dma_wait3A_16 = tpu.memref_slice %arg6[%mul3A_14] : memref<320000xf32, #tpu.memory_space<hbm>> -> memref<10000xf32, #tpu.memory_space<hbm>>
      tpu.wait_dma2 semaphore(%run_scoped3A : memref<!tpu.dma_semaphore, #tpu.memory_space<semaphore_mem>>) src(%arg11 : memref<10000xf32, #tpu.memory_space<vmem>>) dst(%dma_wait3A_16 : memref<10000xf32, #tpu.memory_space<hbm>>)
      tpu.yield
    }) : () -> ()
    return
  }
}

#map = affine_map<(d0, d1) -> (0)>
module attributes {stable_mosaic.version = 14 : i64} {
  func.func @_deg_kernel(%arg0: i32, %arg1: i32, %arg2: memref<320000xi32, #tpu.memory_space<hbm>>, %arg3: memref<320000xf32, #tpu.memory_space<hbm>>, %arg4: memref<320000xf32, #tpu.memory_space<hbm>>, %arg5: memref<10000xi32, #tpu.memory_space<vmem>>, %arg6: memref<10000xf32, #tpu.memory_space<vmem>>, %arg7: memref<10000xf32, #tpu.memory_space<vmem>>) attributes {dimension_semantics = [#tpu.dimension_semantics<core_parallel>, #tpu.dimension_semantics<subcore_parallel>], iteration_bounds = array<i64: 2, 16>, scalar_prefetch = 0 : i64, scratch_operands = 3 : i64, tpu.core_type = #tpu.core_type<sc_vector_subcore>, window_params = [{transform_indices = #map}, {transform_indices = #map}, {transform_indices = #map}]} {
    %mul3A = arith.constant 2 : i32
    %mul3A_0 = arith.muli %arg1, %mul3A : i32
    %add3A = arith.addi %mul3A_0, %arg0 : i32
    %mul3A_1 = arith.constant 10000 : i32
    %mul3A_2 = arith.muli %add3A, %mul3A_1 : i32
    "tpu.region"() ({
      %run_scoped3A = tpu.sem_alloc : memref<!tpu.dma_semaphore, #tpu.memory_space<semaphore_mem>>
      %dma_start3A = tpu.memref_slice %arg2[%mul3A_2] : memref<320000xi32, #tpu.memory_space<hbm>> -> memref<10000xi32, #tpu.memory_space<hbm>>
      %dma_start3A_15 = tpu.memref_slice %arg2[%mul3A_2] : memref<320000xi32, #tpu.memory_space<hbm>> -> memref<10000xi32, #tpu.memory_space<hbm>>
      tpu.enqueue_dma source(%dma_start3A_15 : memref<10000xi32, #tpu.memory_space<hbm>>) target(%arg5 : memref<10000xi32, #tpu.memory_space<vmem>>) target_semaphore(%run_scoped3A : memref<!tpu.dma_semaphore, #tpu.memory_space<semaphore_mem>>)
      %dma_wait3A = tpu.memref_slice %arg2[%mul3A_2] : memref<320000xi32, #tpu.memory_space<hbm>> -> memref<10000xi32, #tpu.memory_space<hbm>>
      %dma_wait3A_16 = tpu.memref_slice %arg2[%mul3A_2] : memref<320000xi32, #tpu.memory_space<hbm>> -> memref<10000xi32, #tpu.memory_space<hbm>>
      tpu.wait_dma2 semaphore(%run_scoped3A : memref<!tpu.dma_semaphore, #tpu.memory_space<semaphore_mem>>) src(%dma_wait3A_16 : memref<10000xi32, #tpu.memory_space<hbm>>) dst(%arg5 : memref<10000xi32, #tpu.memory_space<vmem>>)
      tpu.yield
    }) : () -> ()
    "tpu.region"() ({
      %run_scoped3A = tpu.sem_alloc : memref<!tpu.dma_semaphore, #tpu.memory_space<semaphore_mem>>
      %dma_start3A = tpu.memref_slice %arg3[%mul3A_2] : memref<320000xf32, #tpu.memory_space<hbm>> -> memref<10000xf32, #tpu.memory_space<hbm>>
      %dma_start3A_15 = tpu.memref_slice %arg3[%mul3A_2] : memref<320000xf32, #tpu.memory_space<hbm>> -> memref<10000xf32, #tpu.memory_space<hbm>>
      tpu.enqueue_dma source(%dma_start3A_15 : memref<10000xf32, #tpu.memory_space<hbm>>) target(%arg6 : memref<10000xf32, #tpu.memory_space<vmem>>) target_semaphore(%run_scoped3A : memref<!tpu.dma_semaphore, #tpu.memory_space<semaphore_mem>>)
      %dma_wait3A = tpu.memref_slice %arg3[%mul3A_2] : memref<320000xf32, #tpu.memory_space<hbm>> -> memref<10000xf32, #tpu.memory_space<hbm>>
      %dma_wait3A_16 = tpu.memref_slice %arg3[%mul3A_2] : memref<320000xf32, #tpu.memory_space<hbm>> -> memref<10000xf32, #tpu.memory_space<hbm>>
      tpu.wait_dma2 semaphore(%run_scoped3A : memref<!tpu.dma_semaphore, #tpu.memory_space<semaphore_mem>>) src(%dma_wait3A_16 : memref<10000xf32, #tpu.memory_space<hbm>>) dst(%arg6 : memref<10000xf32, #tpu.memory_space<vmem>>)
      tpu.yield
    }) : () -> ()
    %broadcast_in_dim3A = arith.constant 0.000000e+00 : f32
    %broadcast_in_dim3A_3 = vector.broadcast %broadcast_in_dim3A : f32 to vector<16xf32>
    %scan3A = arith.constant 0 : i32
    %scan3A_4 = arith.constant 625 : i32
    %scan3A_5 = arith.addi %scan3A, %scan3A_4 : i32
    %scan3A_6 = arith.constant 1 : i32
    scf.for %scan3A_15 = %scan3A to %scan3A_5 step %scan3A_6  : i32 {
      %mul3A_16 = arith.constant 1 : i32
      %mul3A_17 = arith.muli %scan3A_15, %mul3A_16 : i32
      %add3A_18 = arith.constant 0 : i32
      %add3A_19 = arith.addi %add3A_18, %mul3A_17 : i32
      %mul3A_20 = arith.constant 16 : i32
      %mul3A_21 = arith.muli %add3A_19, %mul3A_20 : i32
      %swap3A = arith.index_cast %mul3A_21 : i32 to index
      %swap3A_22 = tpu.vector_load %arg7[%swap3A] {strides = array<i32>} : memref<10000xf32, #tpu.memory_space<vmem>>, vector<16xf32>,
      tpu.vector_store %arg7[%swap3A], %broadcast_in_dim3A_3 {strides = array<i32>} : memref<10000xf32, #tpu.memory_space<vmem>>, vector<16xf32>,
    }
    %scan3A_7 = arith.constant 625 : i32
    %scan3A_8 = arith.constant 0 : i32
    %scan3A_9 = arith.constant 625 : i32
    %scan3A_10 = arith.addi %scan3A_8, %scan3A_9 : i32
    %scan3A_11 = arith.constant 1 : i32
    scf.for %scan3A_15 = %scan3A_8 to %scan3A_10 step %scan3A_11  : i32 {
      %mul3A_16 = arith.constant 1 : i32
      %mul3A_17 = arith.muli %scan3A_15, %mul3A_16 : i32
      %add3A_18 = arith.constant 0 : i32
      %add3A_19 = arith.addi %add3A_18, %mul3A_17 : i32
      %mul3A_20 = arith.constant 16 : i32
      %mul3A_21 = arith.muli %add3A_19, %mul3A_20 : i32
      %get3A = arith.index_cast %mul3A_21 : i32 to index
      %get3A_22 = tpu.vector_load %arg5[%get3A] {strides = array<i32>} : memref<10000xi32, #tpu.memory_space<vmem>>, vector<16xi32>,
      %mul3A_23 = arith.constant 16 : i32
      %mul3A_24 = arith.muli %add3A_19, %mul3A_23 : i32
      %get3A_25 = arith.index_cast %mul3A_24 : i32 to index
      %get3A_26 = tpu.vector_load %arg6[%get3A_25] {strides = array<i32>} : memref<10000xf32, #tpu.memory_space<vmem>>, vector<16xf32>,
      tpu.vector_store_idx %arg7[%get3A_22], %get3A_26 {add = true} : memref<10000xf32, #tpu.memory_space<vmem>>[vector<16xi32>], vector<16xf32>,
    }
    %scan3A_12 = arith.constant 625 : i32
    %mul3A_13 = arith.constant 10000 : i32
    %mul3A_14 = arith.muli %add3A, %mul3A_13 : i32
    "tpu.region"() ({
      %run_scoped3A = tpu.sem_alloc : memref<!tpu.dma_semaphore, #tpu.memory_space<semaphore_mem>>
      %dma_start3A = tpu.memref_slice %arg4[%mul3A_14] : memref<320000xf32, #tpu.memory_space<hbm>> -> memref<10000xf32, #tpu.memory_space<hbm>>
      %dma_start3A_15 = tpu.memref_slice %arg4[%mul3A_14] : memref<320000xf32, #tpu.memory_space<hbm>> -> memref<10000xf32, #tpu.memory_space<hbm>>
      tpu.enqueue_dma source(%arg7 : memref<10000xf32, #tpu.memory_space<vmem>>) target(%dma_start3A_15 : memref<10000xf32, #tpu.memory_space<hbm>>) target_semaphore(%run_scoped3A : memref<!tpu.dma_semaphore, #tpu.memory_space<semaphore_mem>>)
      %dma_wait3A = tpu.memref_slice %arg4[%mul3A_14] : memref<320000xf32, #tpu.memory_space<hbm>> -> memref<10000xf32, #tpu.memory_space<hbm>>
      %dma_wait3A_16 = tpu.memref_slice %arg4[%mul3A_14] : memref<320000xf32, #tpu.memory_space<hbm>> -> memref<10000xf32, #tpu.memory_space<hbm>>
      tpu.wait_dma2 semaphore(%run_scoped3A : memref<!tpu.dma_semaphore, #tpu.memory_space<semaphore_mem>>) src(%arg7 : memref<10000xf32, #tpu.memory_space<vmem>>) dst(%dma_wait3A_16 : memref<10000xf32, #tpu.memory_space<hbm>>)
      tpu.yield
    }) : () -> ()
    return
  }
}

#map = affine_map<(d0, d1) -> (0, 0)>
#map1 = affine_map<(d0, d1) -> (0)>
module attributes {stable_mosaic.version = 14 : i64} {
  func.func @_msg_kernel(%arg0: i32, %arg1: i32, %arg2: memref<6400x50xi32, #tpu.memory_space<hbm>>, %arg3: memref<6400x50xi32, #tpu.memory_space<hbm>>, %arg4: memref<320000xf32, #tpu.memory_space<hbm>>, %arg5: memref<10000x128xf32, #tpu.memory_space<hbm>>, %arg6: memref<10000x128xf32, #tpu.memory_space<hbm>>, %arg7: memref<40x50xi32, #tpu.memory_space<vmem>>, %arg8: memref<40x50xi32, #tpu.memory_space<vmem>>, %arg9: memref<2000xf32, #tpu.memory_space<vmem>>, %arg10: memref<50x128xf32, #tpu.memory_space<vmem>>, %arg11: memref<50x128xf32, #tpu.memory_space<vmem>>, %arg12: memref<50x128xf32, #tpu.memory_space<vmem>>, %arg13: memref<50x128xf32, #tpu.memory_space<vmem>>, %arg14: memref<50x128xf32, #tpu.memory_space<vmem>>, %arg15: memref<10000x128xf32, #tpu.memory_space<vmem_shared>>, %arg16: memref<!tpu.dma_semaphore, #tpu.memory_space<semaphore_mem>>, %arg17: memref<!tpu.dma_semaphore, #tpu.memory_space<semaphore_mem>>, %arg18: memref<!tpu.dma_semaphore, #tpu.memory_space<semaphore_mem>>, %arg19: memref<!tpu.dma_semaphore, #tpu.memory_space<semaphore_mem>>, %arg20: memref<!tpu.dma_semaphore, #tpu.memory_space<semaphore_mem>>, %arg21: memref<!tpu.dma_semaphore, #tpu.memory_space<semaphore_mem>>, %arg22: memref<!tpu.dma_semaphore, #tpu.memory_space<semaphore_mem>>, %arg23: memref<!tpu.dma_semaphore, #tpu.memory_space<semaphore_mem>>, %arg24: memref<!tpu.dma_semaphore, #tpu.memory_space<semaphore_mem>>, %arg25: memref<!tpu.dma_semaphore, #tpu.memory_space<semaphore_mem>>) attributes {dimension_semantics = [#tpu.dimension_semantics<core_parallel>, #tpu.dimension_semantics<subcore_parallel>], iteration_bounds = array<i64: 1, 16>, scalar_prefetch = 0 : i64, scratch_operands = 19 : i64, tpu.core_type = #tpu.core_type<sc_vector_subcore>, window_params = [{transform_indices = #map}, {transform_indices = #map}, {transform_indices = #map1}, {transform_indices = #map}, {transform_indices = #map}]} {
    %broadcast_in_dim3A = arith.constant 0.000000e+00 : f32
    %broadcast_in_dim3A_0 = vector.broadcast %broadcast_in_dim3A : f32 to vector<16xf32>
    %parallel_loop3A = arith.constant 0 : i32
    %parallel_loop3A_1 = arith.constant 40 : i32
    %parallel_loop3A_2 = arith.constant 1 : i32
    scf.for %parallel_loop3A_22 = %parallel_loop3A to %parallel_loop3A_1 step %parallel_loop3A_2  : i32 {
      %parallel_loop3A_23 = arith.index_cast %parallel_loop3A_22 : i32 to index
      %parallel_loop3A_24 = arith.constant 0 : index
      %parallel_loop3A_25 = tpu.vector_load %arg10[%parallel_loop3A_23, %parallel_loop3A_24] {strides = array<i32>} : memref<50x128xf32, #tpu.memory_space<vmem>>, vector<16xf32>,
      tpu.vector_store %arg10[%parallel_loop3A_23, %parallel_loop3A_24], %broadcast_in_dim3A_0 {strides = array<i32>} : memref<50x128xf32, #tpu.memory_space<vmem>>, vector<16xf32>,
      %parallel_loop3A_26 = arith.index_cast %parallel_loop3A_22 : i32 to index
      %parallel_loop3A_27 = arith.constant 16 : index
      %parallel_loop3A_28 = tpu.vector_load %arg10[%parallel_loop3A_26, %parallel_loop3A_27] {strides = array<i32>} : memref<50x128xf32, #tpu.memory_space<vmem>>, vector<16xf32>,
      tpu.vector_store %arg10[%parallel_loop3A_26, %parallel_loop3A_27], %broadcast_in_dim3A_0 {strides = array<i32>} : memref<50x128xf32, #tpu.memory_space<vmem>>, vector<16xf32>,
      %parallel_loop3A_29 = arith.index_cast %parallel_loop3A_22 : i32 to index
      %parallel_loop3A_30 = arith.constant 32 : index
      %parallel_loop3A_31 = tpu.vector_load %arg10[%parallel_loop3A_29, %parallel_loop3A_30] {strides = array<i32>} : memref<50x128xf32, #tpu.memory_space<vmem>>, vector<16xf32>,
      tpu.vector_store %arg10[%parallel_loop3A_29, %parallel_loop3A_30], %broadcast_in_dim3A_0 {strides = array<i32>} : memref<50x128xf32, #tpu.memory_space<vmem>>, vector<16xf32>,
      %parallel_loop3A_32 = arith.index_cast %parallel_loop3A_22 : i32 to index
      %parallel_loop3A_33 = arith.constant 48 : index
      %parallel_loop3A_34 = tpu.vector_load %arg10[%parallel_loop3A_32, %parallel_loop3A_33] {strides = array<i32>} : memref<50x128xf32, #tpu.memory_space<vmem>>, vector<16xf32>,
      tpu.vector_store %arg10[%parallel_loop3A_32, %parallel_loop3A_33], %broadcast_in_dim3A_0 {strides = array<i32>} : memref<50x128xf32, #tpu.memory_space<vmem>>, vector<16xf32>,
      %parallel_loop3A_35 = arith.index_cast %parallel_loop3A_22 : i32 to index
      %parallel_loop3A_36 = arith.constant 64 : index
      %parallel_loop3A_37 = tpu.vector_load %arg10[%parallel_loop3A_35, %parallel_loop3A_36] {strides = array<i32>} : memref<50x128xf32, #tpu.memory_space<vmem>>, vector<16xf32>,
      tpu.vector_store %arg10[%parallel_loop3A_35, %parallel_loop3A_36], %broadcast_in_dim3A_0 {strides = array<i32>} : memref<50x128xf32, #tpu.memory_space<vmem>>, vector<16xf32>,
      %parallel_loop3A_38 = arith.index_cast %parallel_loop3A_22 : i32 to index
      %parallel_loop3A_39 = arith.constant 80 : index
      %parallel_loop3A_40 = tpu.vector_load %arg10[%parallel_loop3A_38, %parallel_loop3A_39] {strides = array<i32>} : memref<50x128xf32, #tpu.memory_space<vmem>>, vector<16xf32>,
      tpu.vector_store %arg10[%parallel_loop3A_38, %parallel_loop3A_39], %broadcast_in_dim3A_0 {strides = array<i32>} : memref<50x128xf32, #tpu.memory_space<vmem>>, vector<16xf32>,
      %parallel_loop3A_41 = arith.index_cast %parallel_loop3A_22 : i32 to index
      %parallel_loop3A_42 = arith.constant 96 : index
      %parallel_loop3A_43 = tpu.vector_load %arg10[%parallel_loop3A_41, %parallel_loop3A_42] {strides = array<i32>} : memref<50x128xf32, #tpu.memory_space<vmem>>, vector<16xf32>,
      tpu.vector_store %arg10[%parallel_loop3A_41, %parallel_loop3A_42], %broadcast_in_dim3A_0 {strides = array<i32>} : memref<50x128xf32, #tpu.memory_space<vmem>>, vector<16xf32>,
      %parallel_loop3A_44 = arith.index_cast %parallel_loop3A_22 : i32 to index
      %parallel_loop3A_45 = arith.constant 112 : index
      %parallel_loop3A_46 = tpu.vector_load %arg10[%parallel_loop3A_44, %parallel_loop3A_45] {strides = array<i32>} : memref<50x128xf32, #tpu.memory_space<vmem>>, vector<16xf32>,
      tpu.vector_store %arg10[%parallel_loop3A_44, %parallel_loop3A_45], %broadcast_in_dim3A_0 {strides = array<i32>} : memref<50x128xf32, #tpu.memory_space<vmem>>, vector<16xf32>,
    } {sc.loop_unroll_factor = 1 : i64, sc.parallel_access}
    %lt3A = arith.constant 15 : i32
    %lt3A_3 = arith.cmpi slt, %arg1, %lt3A : i32
    %jit3A = arith.constant 640 : i32
    %jit3A_4 = arith.constant 400 : i32
    %select_n3A = arith.select %lt3A_3, %jit3A, %jit3A_4 : i32
    %scan3A = arith.constant 0 : i32
    %scan3A_5 = arith.constant 16 : i32
    %scan3A_6 = arith.addi %scan3A, %scan3A_5 : i32
    %scan3A_7 = arith.constant 1 : i32
    scf.for %scan3A_22 = %scan3A to %scan3A_6 step %scan3A_7  : i32 {
      %mul3A = arith.constant 1 : i32
      %mul3A_23 = arith.muli %scan3A_22, %mul3A : i32
      %add3A = arith.constant 0 : i32
      %add3A_24 = arith.addi %add3A, %mul3A_23 : i32
      %mul3A_25 = arith.constant 40 : i32
      %mul3A_26 = arith.muli %add3A_24, %mul3A_25 : i32
      %lt3A_27 = arith.cmpi slt, %mul3A_26, %select_n3A : i32
      %convert_element_type3A_28 = arith.extui %lt3A_27 : i1 to i32
      %cond3A_29 = arith.constant 0 : i32
      %cond3A_30 = arith.cmpi ne, %convert_element_type3A_28, %cond3A_29 : i32
      scf.if %cond3A_30 {
        %mul3A_31 = arith.constant 640 : i32
        %mul3A_32 = arith.muli %arg1, %mul3A_31 : i32
        %mul3A_33 = arith.constant 40 : i32
        %mul3A_34 = arith.muli %add3A_24, %mul3A_33 : i32
        %add3A_35 = arith.addi %mul3A_32, %mul3A_34 : i32
        "tpu.region"() ({
          %run_scoped3A = tpu.sem_alloc : memref<!tpu.dma_semaphore, #tpu.memory_space<semaphore_mem>>
          %dma_start3A = arith.constant 0 : i32
          %dma_start3A_36 = arith.constant 0 : i32
          %dma_start3A_37 = tpu.memref_slice %arg10[%dma_start3A, %dma_start3A_36] : memref<50x128xf32, #tpu.memory_space<vmem>> -> memref<40x128xf32, #tpu.memory_space<vmem>>
          %dma_start3A_38 = arith.constant 0 : i32
          %dma_start3A_39 = tpu.memref_slice %arg15[%add3A_35, %dma_start3A_38] : memref<10000x128xf32, #tpu.memory_space<vmem_shared>> -> memref<40x128xf32, #tpu.memory_space<vmem_shared>>
          %dma_start3A_40 = arith.constant 0 : i32
          %dma_start3A_41 = tpu.memref_slice %arg15[%add3A_35, %dma_start3A_40] : memref<10000x128xf32, #tpu.memory_space<vmem_shared>> -> memref<40x128xf32, #tpu.memory_space<vmem_shared>>
          %dma_start3A_42 = arith.constant 0 : i32
          %dma_start3A_43 = arith.constant 0 : i32
          %dma_start3A_44 = tpu.memref_slice %arg10[%dma_start3A_42, %dma_start3A_43] : memref<50x128xf32, #tpu.memory_space<vmem>> -> memref<40x128xf32, #tpu.memory_space<vmem>>
          tpu.enqueue_dma source(%dma_start3A_44 : memref<40x128xf32, #tpu.memory_space<vmem>>) target(%dma_start3A_41 : memref<40x128xf32, #tpu.memory_space<vmem_shared>>) target_semaphore(%run_scoped3A : memref<!tpu.dma_semaphore, #tpu.memory_space<semaphore_mem>>)
          %dma_wait3A = arith.constant 0 : i32
          %dma_wait3A_45 = arith.constant 0 : i32
          %dma_wait3A_46 = tpu.memref_slice %arg10[%dma_wait3A, %dma_wait3A_45] : memref<50x128xf32, #tpu.memory_space<vmem>> -> memref<40x128xf32, #tpu.memory_space<vmem>>
          %dma_wait3A_47 = arith.constant 0 : i32
          %dma_wait3A_48 = tpu.memref_slice %arg15[%add3A_35, %dma_wait3A_47] : memref<10000x128xf32, #tpu.memory_space<vmem_shared>> -> memref<40x128xf32, #tpu.memory_space<vmem_shared>>
          %dma_wait3A_49 = arith.constant 0 : i32
          %dma_wait3A_50 = tpu.memref_slice %arg15[%add3A_35, %dma_wait3A_49] : memref<10000x128xf32, #tpu.memory_space<vmem_shared>> -> memref<40x128xf32, #tpu.memory_space<vmem_shared>>
          %dma_wait3A_51 = arith.constant 0 : i32
          %dma_wait3A_52 = arith.constant 0 : i32
          %dma_wait3A_53 = tpu.memref_slice %arg10[%dma_wait3A_51, %dma_wait3A_52] : memref<50x128xf32, #tpu.memory_space<vmem>> -> memref<40x128xf32, #tpu.memory_space<vmem>>
          tpu.wait_dma2 semaphore(%run_scoped3A : memref<!tpu.dma_semaphore, #tpu.memory_space<semaphore_mem>>) src(%dma_wait3A_53 : memref<40x128xf32, #tpu.memory_space<vmem>>) dst(%dma_wait3A_50 : memref<40x128xf32, #tpu.memory_space<vmem_shared>>)
          tpu.yield
        }) : () -> ()
      } else {
      }
    }
    %scan3A_8 = arith.constant 16 : i32
    %barrier3A = arith.constant 0 : index
    tpu.barrier barrier_id(%barrier3A)
    %scan3A_9 = arith.constant 0 : i32
    %scan3A_10 = arith.constant 10 : i32
    %scan3A_11 = arith.addi %scan3A_9, %scan3A_10 : i32
    %scan3A_12 = arith.constant 1 : i32
    scf.for %scan3A_22 = %scan3A_9 to %scan3A_11 step %scan3A_12  : i32 {
      %mul3A = arith.constant 1 : i32
      %mul3A_23 = arith.muli %scan3A_22, %mul3A : i32
      %add3A = arith.constant 0 : i32
      %add3A_24 = arith.addi %add3A, %mul3A_23 : i32
      %mul3A_25 = arith.constant 400 : i32
      %mul3A_26 = arith.muli %arg1, %mul3A_25 : i32
      %mul3A_27 = arith.constant 40 : i32
      %mul3A_28 = arith.muli %add3A_24, %mul3A_27 : i32
      %add3A_29 = arith.addi %mul3A_26, %mul3A_28 : i32
      "tpu.region"() ({
        %run_scoped3A = tpu.sem_alloc : memref<!tpu.dma_semaphore, #tpu.memory_space<semaphore_mem>>
        %dma_start3A_70 = arith.constant 0 : i32
        %dma_start3A_71 = tpu.memref_slice %arg2[%add3A_29, %dma_start3A_70] : memref<6400x50xi32, #tpu.memory_space<hbm>> -> memref<40x50xi32, #tpu.memory_space<hbm>>
        %dma_start3A_72 = arith.constant 0 : i32
        %dma_start3A_73 = tpu.memref_slice %arg2[%add3A_29, %dma_start3A_72] : memref<6400x50xi32, #tpu.memory_space<hbm>> -> memref<40x50xi32, #tpu.memory_space<hbm>>
        tpu.enqueue_dma source(%dma_start3A_73 : memref<40x50xi32, #tpu.memory_space<hbm>>) target(%arg7 : memref<40x50xi32, #tpu.memory_space<vmem>>) target_semaphore(%run_scoped3A : memref<!tpu.dma_semaphore, #tpu.memory_space<semaphore_mem>>)
        %dma_wait3A_74 = arith.constant 0 : i32
        %dma_wait3A_75 = tpu.memref_slice %arg2[%add3A_29, %dma_wait3A_74] : memref<6400x50xi32, #tpu.memory_space<hbm>> -> memref<40x50xi32, #tpu.memory_space<hbm>>
        %dma_wait3A_76 = arith.constant 0 : i32
        %dma_wait3A_77 = tpu.memref_slice %arg2[%add3A_29, %dma_wait3A_76] : memref<6400x50xi32, #tpu.memory_space<hbm>> -> memref<40x50xi32, #tpu.memory_space<hbm>>
        tpu.wait_dma2 semaphore(%run_scoped3A : memref<!tpu.dma_semaphore, #tpu.memory_space<semaphore_mem>>) src(%dma_wait3A_77 : memref<40x50xi32, #tpu.memory_space<hbm>>) dst(%arg7 : memref<40x50xi32, #tpu.memory_space<vmem>>)
        tpu.yield
      }) : () -> ()
      "tpu.region"() ({
        %run_scoped3A = tpu.sem_alloc : memref<!tpu.dma_semaphore, #tpu.memory_space<semaphore_mem>>
        %dma_start3A_70 = arith.constant 0 : i32
        %dma_start3A_71 = tpu.memref_slice %arg3[%add3A_29, %dma_start3A_70] : memref<6400x50xi32, #tpu.memory_space<hbm>> -> memref<40x50xi32, #tpu.memory_space<hbm>>
        %dma_start3A_72 = arith.constant 0 : i32
        %dma_start3A_73 = tpu.memref_slice %arg3[%add3A_29, %dma_start3A_72] : memref<6400x50xi32, #tpu.memory_space<hbm>> -> memref<40x50xi32, #tpu.memory_space<hbm>>
        tpu.enqueue_dma source(%dma_start3A_73 : memref<40x50xi32, #tpu.memory_space<hbm>>) target(%arg8 : memref<40x50xi32, #tpu.memory_space<vmem>>) target_semaphore(%run_scoped3A : memref<!tpu.dma_semaphore, #tpu.memory_space<semaphore_mem>>)
        %dma_wait3A_74 = arith.constant 0 : i32
        %dma_wait3A_75 = tpu.memref_slice %arg3[%add3A_29, %dma_wait3A_74] : memref<6400x50xi32, #tpu.memory_space<hbm>> -> memref<40x50xi32, #tpu.memory_space<hbm>>
        %dma_wait3A_76 = arith.constant 0 : i32
        %dma_wait3A_77 = tpu.memref_slice %arg3[%add3A_29, %dma_wait3A_76] : memref<6400x50xi32, #tpu.memory_space<hbm>> -> memref<40x50xi32, #tpu.memory_space<hbm>>
        tpu.wait_dma2 semaphore(%run_scoped3A : memref<!tpu.dma_semaphore, #tpu.memory_space<semaphore_mem>>) src(%dma_wait3A_77 : memref<40x50xi32, #tpu.memory_space<hbm>>) dst(%arg8 : memref<40x50xi32, #tpu.memory_space<vmem>>)
        tpu.yield
      }) : () -> ()
      %mul3A_30 = arith.constant 50 : i32
      %mul3A_31 = arith.muli %add3A_29, %mul3A_30 : i32
      "tpu.region"() ({
        %run_scoped3A = tpu.sem_alloc : memref<!tpu.dma_semaphore, #tpu.memory_space<semaphore_mem>>
        %dma_start3A_70 = tpu.memref_slice %arg4[%mul3A_31] : memref<320000xf32, #tpu.memory_space<hbm>> -> memref<2000xf32, #tpu.memory_space<hbm>>
        %dma_start3A_71 = tpu.memref_slice %arg4[%mul3A_31] : memref<320000xf32, #tpu.memory_space<hbm>> -> memref<2000xf32, #tpu.memory_space<hbm>>
        tpu.enqueue_dma source(%dma_start3A_71 : memref<2000xf32, #tpu.memory_space<hbm>>) target(%arg9 : memref<2000xf32, #tpu.memory_space<vmem>>) target_semaphore(%run_scoped3A : memref<!tpu.dma_semaphore, #tpu.memory_space<semaphore_mem>>)
        %dma_wait3A_72 = tpu.memref_slice %arg4[%mul3A_31] : memref<320000xf32, #tpu.memory_space<hbm>> -> memref<2000xf32, #tpu.memory_space<hbm>>
        %dma_wait3A_73 = tpu.memref_slice %arg4[%mul3A_31] : memref<320000xf32, #tpu.memory_space<hbm>> -> memref<2000xf32, #tpu.memory_space<hbm>>
        tpu.wait_dma2 semaphore(%run_scoped3A : memref<!tpu.dma_semaphore, #tpu.memory_space<semaphore_mem>>) src(%dma_wait3A_73 : memref<2000xf32, #tpu.memory_space<hbm>>) dst(%arg9 : memref<2000xf32, #tpu.memory_space<vmem>>)
        tpu.yield
      }) : () -> ()
      %dma_start3A = arith.constant 0 : i32
      %dma_start3A_32 = arith.constant 0 : i32
      %dma_start3A_33 = tpu.memref_slice %arg7[%dma_start3A, %dma_start3A_32] : memref<40x50xi32, #tpu.memory_space<vmem>> -> memref<1x50xi32, #tpu.memory_space<vmem>>
      %dma_start3A_34 = tpu.memref_squeeze %dma_start3A_33 : memref<1x50xi32, #tpu.memory_space<vmem>> -> memref<50xi32, #tpu.memory_space<vmem>>
      %dma_start3A_35 = arith.constant 0 : i32
      %dma_start3A_36 = arith.constant 0 : i32
      %dma_start3A_37 = tpu.memref_slice %arg5[%dma_start3A_35, %dma_start3A_36] : memref<10000x128xf32, #tpu.memory_space<hbm>> -> memref<10000x128xf32, #tpu.memory_space<hbm>>
      tpu.enqueue_indirect_dma source(%dma_start3A_37 : memref<10000x128xf32, #tpu.memory_space<hbm>>) target(%arg10 : memref<50x128xf32, #tpu.memory_space<vmem>>) offsets(%dma_start3A_34 : memref<50xi32, #tpu.memory_space<vmem>>) semaphore(%arg16 : memref<!tpu.dma_semaphore, #tpu.memory_space<semaphore_mem>>)
      %dma_start3A_38 = arith.constant 1 : i32
      %dma_start3A_39 = arith.constant 0 : i32
      %dma_start3A_40 = tpu.memref_slice %arg7[%dma_start3A_38, %dma_start3A_39] : memref<40x50xi32, #tpu.memory_space<vmem>> -> memref<1x50xi32, #tpu.memory_space<vmem>>
      %dma_start3A_41 = tpu.memref_squeeze %dma_start3A_40 : memref<1x50xi32, #tpu.memory_space<vmem>> -> memref<50xi32, #tpu.memory_space<vmem>>
      %dma_start3A_42 = arith.constant 0 : i32
      %dma_start3A_43 = arith.constant 0 : i32
      %dma_start3A_44 = tpu.memref_slice %arg5[%dma_start3A_42, %dma_start3A_43] : memref<10000x128xf32, #tpu.memory_space<hbm>> -> memref<10000x128xf32, #tpu.memory_space<hbm>>
      tpu.enqueue_indirect_dma source(%dma_start3A_44 : memref<10000x128xf32, #tpu.memory_space<hbm>>) target(%arg11 : memref<50x128xf32, #tpu.memory_space<vmem>>) offsets(%dma_start3A_41 : memref<50xi32, #tpu.memory_space<vmem>>) semaphore(%arg17 : memref<!tpu.dma_semaphore, #tpu.memory_space<semaphore_mem>>)
      %dma_start3A_45 = arith.constant 2 : i32
      %dma_start3A_46 = arith.constant 0 : i32
      %dma_start3A_47 = tpu.memref_slice %arg7[%dma_start3A_45, %dma_start3A_46] : memref<40x50xi32, #tpu.memory_space<vmem>> -> memref<1x50xi32, #tpu.memory_space<vmem>>
      %dma_start3A_48 = tpu.memref_squeeze %dma_start3A_47 : memref<1x50xi32, #tpu.memory_space<vmem>> -> memref<50xi32, #tpu.memory_space<vmem>>
      %dma_start3A_49 = arith.constant 0 : i32
      %dma_start3A_50 = arith.constant 0 : i32
      %dma_start3A_51 = tpu.memref_slice %arg5[%dma_start3A_49, %dma_start3A_50] : memref<10000x128xf32, #tpu.memory_space<hbm>> -> memref<10000x128xf32, #tpu.memory_space<hbm>>
      tpu.enqueue_indirect_dma source(%dma_start3A_51 : memref<10000x128xf32, #tpu.memory_space<hbm>>) target(%arg12 : memref<50x128xf32, #tpu.memory_space<vmem>>) offsets(%dma_start3A_48 : memref<50xi32, #tpu.memory_space<vmem>>) semaphore(%arg18 : memref<!tpu.dma_semaphore, #tpu.memory_space<semaphore_mem>>)
      %scan3A_52 = arith.constant 0 : i32
      %scan3A_53 = arith.constant 8 : i32
      %scan3A_54 = arith.addi %scan3A_52, %scan3A_53 : i32
      %scan3A_55 = arith.constant 1 : i32
      scf.for %scan3A_70 = %scan3A_52 to %scan3A_54 step %scan3A_55  : i32 {
        %mul3A_71 = arith.constant 1 : i32
        %mul3A_72 = arith.muli %scan3A_70, %mul3A_71 : i32
        %add3A_73 = arith.constant 0 : i32
        %add3A_74 = arith.addi %add3A_73, %mul3A_72 : i32
        %mul3A_75 = arith.constant 5 : i32
        %mul3A_76 = arith.muli %add3A_74, %mul3A_75 : i32
        %add3A_77 = arith.constant 0 : i32
        %add3A_78 = arith.addi %mul3A_76, %add3A_77 : i32
        %ge3A = arith.constant 2 : i32
        %ge3A_79 = arith.cmpi sge, %add3A_78, %ge3A : i32
        %convert_element_type3A_80 = arith.extui %ge3A_79 : i1 to i32
        %cond3A_81 = arith.constant 0 : i32
        %cond3A_82 = arith.cmpi ne, %convert_element_type3A_80, %cond3A_81 : i32
        scf.if %cond3A_82 {
          %sub3A = arith.constant 2 : i32
          %sub3A_228 = arith.subi %add3A_78, %sub3A : i32
          %dma_wait3A_229 = arith.constant 0 : i32
          %dma_wait3A_230 = tpu.memref_slice %arg8[%sub3A_228, %dma_wait3A_229] : memref<40x50xi32, #tpu.memory_space<vmem>> -> memref<1x50xi32, #tpu.memory_space<vmem>>
          %dma_wait3A_231 = tpu.memref_squeeze %dma_wait3A_230 : memref<1x50xi32, #tpu.memory_space<vmem>> -> memref<50xi32, #tpu.memory_space<vmem>>
          %dma_wait3A_232 = arith.constant 0 : i32
          %dma_wait3A_233 = arith.constant 0 : i32
          %dma_wait3A_234 = tpu.memref_slice %arg15[%dma_wait3A_232, %dma_wait3A_233] : memref<10000x128xf32, #tpu.memory_space<vmem_shared>> -> memref<10000x128xf32, #tpu.memory_space<vmem_shared>>
          tpu.wait_indirect_dma semaphore(%arg24 : memref<!tpu.dma_semaphore, #tpu.memory_space<semaphore_mem>>) src(%arg13 : memref<50x128xf32, #tpu.memory_space<vmem>>) dst(%dma_wait3A_234 : memref<10000x128xf32, #tpu.memory_space<vmem_shared>>)
        } else {
        }
        %add3A_83 = arith.constant 3 : i32
        %add3A_84 = arith.addi %add3A_78, %add3A_83 : i32
        %le3A = arith.constant 39 : i32
        %le3A_85 = arith.cmpi sle, %add3A_84, %le3A : i32
        %convert_element_type3A_86 = arith.extui %le3A_85 : i1 to i32
        %cond3A_87 = arith.constant 0 : i32
        %cond3A_88 = arith.cmpi ne, %convert_element_type3A_86, %cond3A_87 : i32
        scf.if %cond3A_88 {
          %add3A_228 = arith.constant 3 : i32
          %add3A_229 = arith.addi %add3A_78, %add3A_228 : i32
          %dma_start3A_230 = arith.constant 0 : i32
          %dma_start3A_231 = tpu.memref_slice %arg7[%add3A_229, %dma_start3A_230] : memref<40x50xi32, #tpu.memory_space<vmem>> -> memref<1x50xi32, #tpu.memory_space<vmem>>
          %dma_start3A_232 = tpu.memref_squeeze %dma_start3A_231 : memref<1x50xi32, #tpu.memory_space<vmem>> -> memref<50xi32, #tpu.memory_space<vmem>>
          %dma_start3A_233 = arith.constant 0 : i32
          %dma_start3A_234 = arith.constant 0 : i32
          %dma_start3A_235 = tpu.memref_slice %arg5[%dma_start3A_233, %dma_start3A_234] : memref<10000x128xf32, #tpu.memory_space<hbm>> -> memref<10000x128xf32, #tpu.memory_space<hbm>>
          tpu.enqueue_indirect_dma source(%dma_start3A_235 : memref<10000x128xf32, #tpu.memory_space<hbm>>) target(%arg13 : memref<50x128xf32, #tpu.memory_space<vmem>>) offsets(%dma_start3A_232 : memref<50xi32, #tpu.memory_space<vmem>>) semaphore(%arg19 : memref<!tpu.dma_semaphore, #tpu.memory_space<semaphore_mem>>)
        } else {
        }
        %dma_wait3A_89 = arith.constant 0 : i32
        %dma_wait3A_90 = tpu.memref_slice %arg7[%add3A_78, %dma_wait3A_89] : memref<40x50xi32, #tpu.memory_space<vmem>> -> memref<1x50xi32, #tpu.memory_space<vmem>>
        %dma_wait3A_91 = tpu.memref_squeeze %dma_wait3A_90 : memref<1x50xi32, #tpu.memory_space<vmem>> -> memref<50xi32, #tpu.memory_space<vmem>>
        %dma_wait3A_92 = arith.constant 0 : i32
        %dma_wait3A_93 = arith.constant 0 : i32
        %dma_wait3A_94 = tpu.memref_slice %arg5[%dma_wait3A_92, %dma_wait3A_93] : memref<10000x128xf32, #tpu.memory_space<hbm>> -> memref<10000x128xf32, #tpu.memory_space<hbm>>
        tpu.wait_indirect_dma semaphore(%arg16 : memref<!tpu.dma_semaphore, #tpu.memory_space<semaphore_mem>>) src(%dma_wait3A_94 : memref<10000x128xf32, #tpu.memory_space<hbm>>) dst(%arg10 : memref<50x128xf32, #tpu.memory_space<vmem>>)
        %parallel_loop3A_95 = arith.constant 0 : i32
        %parallel_loop3A_96 = arith.constant 50 : i32
        %parallel_loop3A_97 = arith.constant 1 : i32
        scf.for %parallel_loop3A_228 = %parallel_loop3A_95 to %parallel_loop3A_96 step %parallel_loop3A_97  : i32 {
          %parallel_loop3A_229 = arith.constant 50 : i32
          %parallel_loop3A_230 = arith.muli %add3A_78, %parallel_loop3A_229 : i32
          %parallel_loop3A_231 = arith.addi %parallel_loop3A_230, %parallel_loop3A_228 : i32
          %parallel_loop3A_232 = vector.broadcast %parallel_loop3A_231 : i32 to vector<16xi32>
          %parallel_loop3A_233 = tpu.vector_load_idx %arg9[%parallel_loop3A_232] : memref<2000xf32, #tpu.memory_space<vmem>>[vector<16xi32>], vector<16xf32>,
          %parallel_loop3A_234 = arith.index_cast %parallel_loop3A_228 : i32 to index
          %parallel_loop3A_235 = arith.constant 0 : index
          %parallel_loop3A_236 = tpu.vector_load %arg10[%parallel_loop3A_234, %parallel_loop3A_235] {strides = array<i32>} : memref<50x128xf32, #tpu.memory_space<vmem>>, vector<16xf32>,
          %parallel_loop3A_237 = arith.mulf %parallel_loop3A_236, %parallel_loop3A_233 : vector<16xf32>
          %parallel_loop3A_238 = arith.index_cast %parallel_loop3A_228 : i32 to index
          %parallel_loop3A_239 = arith.constant 0 : index
          %parallel_loop3A_240 = tpu.vector_load %arg10[%parallel_loop3A_238, %parallel_loop3A_239] {strides = array<i32>} : memref<50x128xf32, #tpu.memory_space<vmem>>, vector<16xf32>,
          tpu.vector_store %arg10[%parallel_loop3A_238, %parallel_loop3A_239], %parallel_loop3A_237 {strides = array<i32>} : memref<50x128xf32, #tpu.memory_space<vmem>>, vector<16xf32>,
          %parallel_loop3A_241 = arith.index_cast %parallel_loop3A_228 : i32 to index
          %parallel_loop3A_242 = arith.constant 16 : index
          %parallel_loop3A_243 = tpu.vector_load %arg10[%parallel_loop3A_241, %parallel_loop3A_242] {strides = array<i32>} : memref<50x128xf32, #tpu.memory_space<vmem>>, vector<16xf32>,
          %parallel_loop3A_244 = arith.mulf %parallel_loop3A_243, %parallel_loop3A_233 : vector<16xf32>
          %parallel_loop3A_245 = arith.index_cast %parallel_loop3A_228 : i32 to index
          %parallel_loop3A_246 = arith.constant 16 : index
          %parallel_loop3A_247 = tpu.vector_load %arg10[%parallel_loop3A_245, %parallel_loop3A_246] {strides = array<i32>} : memref<50x128xf32, #tpu.memory_space<vmem>>, vector<16xf32>,
          tpu.vector_store %arg10[%parallel_loop3A_245, %parallel_loop3A_246], %parallel_loop3A_244 {strides = array<i32>} : memref<50x128xf32, #tpu.memory_space<vmem>>, vector<16xf32>,
          %parallel_loop3A_248 = arith.index_cast %parallel_loop3A_228 : i32 to index
          %parallel_loop3A_249 = arith.constant 32 : index
          %parallel_loop3A_250 = tpu.vector_load %arg10[%parallel_loop3A_248, %parallel_loop3A_249] {strides = array<i32>} : memref<50x128xf32, #tpu.memory_space<vmem>>, vector<16xf32>,
          %parallel_loop3A_251 = arith.mulf %parallel_loop3A_250, %parallel_loop3A_233 : vector<16xf32>
          %parallel_loop3A_252 = arith.index_cast %parallel_loop3A_228 : i32 to index
          %parallel_loop3A_253 = arith.constant 32 : index
          %parallel_loop3A_254 = tpu.vector_load %arg10[%parallel_loop3A_252, %parallel_loop3A_253] {strides = array<i32>} : memref<50x128xf32, #tpu.memory_space<vmem>>, vector<16xf32>,
          tpu.vector_store %arg10[%parallel_loop3A_252, %parallel_loop3A_253], %parallel_loop3A_251 {strides = array<i32>} : memref<50x128xf32, #tpu.memory_space<vmem>>, vector<16xf32>,
          %parallel_loop3A_255 = arith.index_cast %parallel_loop3A_228 : i32 to index
          %parallel_loop3A_256 = arith.constant 48 : index
          %parallel_loop3A_257 = tpu.vector_load %arg10[%parallel_loop3A_255, %parallel_loop3A_256] {strides = array<i32>} : memref<50x128xf32, #tpu.memory_space<vmem>>, vector<16xf32>,
          %parallel_loop3A_258 = arith.mulf %parallel_loop3A_257, %parallel_loop3A_233 : vector<16xf32>
          %parallel_loop3A_259 = arith.index_cast %parallel_loop3A_228 : i32 to index
          %parallel_loop3A_260 = arith.constant 48 : index
          %parallel_loop3A_261 = tpu.vector_load %arg10[%parallel_loop3A_259, %parallel_loop3A_260] {strides = array<i32>} : memref<50x128xf32, #tpu.memory_space<vmem>>, vector<16xf32>,
          tpu.vector_store %arg10[%parallel_loop3A_259, %parallel_loop3A_260], %parallel_loop3A_258 {strides = array<i32>} : memref<50x128xf32, #tpu.memory_space<vmem>>, vector<16xf32>,
          %parallel_loop3A_262 = arith.index_cast %parallel_loop3A_228 : i32 to index
          %parallel_loop3A_263 = arith.constant 64 : index
          %parallel_loop3A_264 = tpu.vector_load %arg10[%parallel_loop3A_262, %parallel_loop3A_263] {strides = array<i32>} : memref<50x128xf32, #tpu.memory_space<vmem>>, vector<16xf32>,
          %parallel_loop3A_265 = arith.mulf %parallel_loop3A_264, %parallel_loop3A_233 : vector<16xf32>
          %parallel_loop3A_266 = arith.index_cast %parallel_loop3A_228 : i32 to index
          %parallel_loop3A_267 = arith.constant 64 : index
          %parallel_loop3A_268 = tpu.vector_load %arg10[%parallel_loop3A_266, %parallel_loop3A_267] {strides = array<i32>} : memref<50x128xf32, #tpu.memory_space<vmem>>, vector<16xf32>,
          tpu.vector_store %arg10[%parallel_loop3A_266, %parallel_loop3A_267], %parallel_loop3A_265 {strides = array<i32>} : memref<50x128xf32, #tpu.memory_space<vmem>>, vector<16xf32>,
          %parallel_loop3A_269 = arith.index_cast %parallel_loop3A_228 : i32 to index
          %parallel_loop3A_270 = arith.constant 80 : index
          %parallel_loop3A_271 = tpu.vector_load %arg10[%parallel_loop3A_269, %parallel_loop3A_270] {strides = array<i32>} : memref<50x128xf32, #tpu.memory_space<vmem>>, vector<16xf32>,
          %parallel_loop3A_272 = arith.mulf %parallel_loop3A_271, %parallel_loop3A_233 : vector<16xf32>
          %parallel_loop3A_273 = arith.index_cast %parallel_loop3A_228 : i32 to index
          %parallel_loop3A_274 = arith.constant 80 : index
          %parallel_loop3A_275 = tpu.vector_load %arg10[%parallel_loop3A_273, %parallel_loop3A_274] {strides = array<i32>} : memref<50x128xf32, #tpu.memory_space<vmem>>, vector<16xf32>,
          tpu.vector_store %arg10[%parallel_loop3A_273, %parallel_loop3A_274], %parallel_loop3A_272 {strides = array<i32>} : memref<50x128xf32, #tpu.memory_space<vmem>>, vector<16xf32>,
          %parallel_loop3A_276 = arith.index_cast %parallel_loop3A_228 : i32 to index
          %parallel_loop3A_277 = arith.constant 96 : index
          %parallel_loop3A_278 = tpu.vector_load %arg10[%parallel_loop3A_276, %parallel_loop3A_277] {strides = array<i32>} : memref<50x128xf32, #tpu.memory_space<vmem>>, vector<16xf32>,
          %parallel_loop3A_279 = arith.mulf %parallel_loop3A_278, %parallel_loop3A_233 : vector<16xf32>
          %parallel_loop3A_280 = arith.index_cast %parallel_loop3A_228 : i32 to index
          %parallel_loop3A_281 = arith.constant 96 : index
          %parallel_loop3A_282 = tpu.vector_load %arg10[%parallel_loop3A_280, %parallel_loop3A_281] {strides = array<i32>} : memref<50x128xf32, #tpu.memory_space<vmem>>, vector<16xf32>,
          tpu.vector_store %arg10[%parallel_loop3A_280, %parallel_loop3A_281], %parallel_loop3A_279 {strides = array<i32>} : memref<50x128xf32, #tpu.memory_space<vmem>>, vector<16xf32>,
          %parallel_loop3A_283 = arith.index_cast %parallel_loop3A_228 : i32 to index
          %parallel_loop3A_284 = arith.constant 112 : index
          %parallel_loop3A_285 = tpu.vector_load %arg10[%parallel_loop3A_283, %parallel_loop3A_284] {strides = array<i32>} : memref<50x128xf32, #tpu.memory_space<vmem>>, vector<16xf32>,
          %parallel_loop3A_286 = arith.mulf %parallel_loop3A_285, %parallel_loop3A_233 : vector<16xf32>
          %parallel_loop3A_287 = arith.index_cast %parallel_loop3A_228 : i32 to index
          %parallel_loop3A_288 = arith.constant 112 : index
          %parallel_loop3A_289 = tpu.vector_load %arg10[%parallel_loop3A_287, %parallel_loop3A_288] {strides = array<i32>} : memref<50x128xf32, #tpu.memory_space<vmem>>, vector<16xf32>,
          tpu.vector_store %arg10[%parallel_loop3A_287, %parallel_loop3A_288], %parallel_loop3A_286 {strides = array<i32>} : memref<50x128xf32, #tpu.memory_space<vmem>>, vector<16xf32>,
        } {sc.loop_unroll_factor = 5 : i64, sc.parallel_access}
        %dma_start3A_98 = arith.constant 0 : i32
        %dma_start3A_99 = tpu.memref_slice %arg8[%add3A_78, %dma_start3A_98] : memref<40x50xi32, #tpu.memory_space<vmem>> -> memref<1x50xi32, #tpu.memory_space<vmem>>
        %dma_start3A_100 = tpu.memref_squeeze %dma_start3A_99 : memref<1x50xi32, #tpu.memory_space<vmem>> -> memref<50xi32, #tpu.memory_space<vmem>>
        %dma_start3A_101 = arith.constant 0 : i32
        %dma_start3A_102 = arith.constant 0 : i32
        %dma_start3A_103 = tpu.memref_slice %arg15[%dma_start3A_101, %dma_start3A_102] : memref<10000x128xf32, #tpu.memory_space<vmem_shared>> -> memref<10000x128xf32, #tpu.memory_space<vmem_shared>>
        tpu.enqueue_indirect_dma source(%arg10 : memref<50x128xf32, #tpu.memory_space<vmem>>) target(%dma_start3A_103 : memref<10000x128xf32, #tpu.memory_space<vmem_shared>>) offsets(%dma_start3A_100 : memref<50xi32, #tpu.memory_space<vmem>>) semaphore(%arg21 : memref<!tpu.dma_semaphore, #tpu.memory_space<semaphore_mem>>) {add = true}
        %mul3A_104 = arith.constant 5 : i32
        %mul3A_105 = arith.muli %add3A_74, %mul3A_104 : i32
        %add3A_106 = arith.constant 1 : i32
        %add3A_107 = arith.addi %mul3A_105, %add3A_106 : i32
        %ge3A_108 = arith.constant 2 : i32
        %ge3A_109 = arith.cmpi sge, %add3A_107, %ge3A_108 : i32
        %convert_element_type3A_110 = arith.extui %ge3A_109 : i1 to i32
        %cond3A_111 = arith.constant 0 : i32
        %cond3A_112 = arith.cmpi ne, %convert_element_type3A_110, %cond3A_111 : i32
        scf.if %cond3A_112 {
          %sub3A = arith.constant 2 : i32
          %sub3A_228 = arith.subi %add3A_107, %sub3A : i32
          %dma_wait3A_229 = arith.constant 0 : i32
          %dma_wait3A_230 = tpu.memref_slice %arg8[%sub3A_228, %dma_wait3A_229] : memref<40x50xi32, #tpu.memory_space<vmem>> -> memref<1x50xi32, #tpu.memory_space<vmem>>
          %dma_wait3A_231 = tpu.memref_squeeze %dma_wait3A_230 : memref<1x50xi32, #tpu.memory_space<vmem>> -> memref<50xi32, #tpu.memory_space<vmem>>
          %dma_wait3A_232 = arith.constant 0 : i32
          %dma_wait3A_233 = arith.constant 0 : i32
          %dma_wait3A_234 = tpu.memref_slice %arg15[%dma_wait3A_232, %dma_wait3A_233] : memref<10000x128xf32, #tpu.memory_space<vmem_shared>> -> memref<10000x128xf32, #tpu.memory_space<vmem_shared>>
          tpu.wait_indirect_dma semaphore(%arg25 : memref<!tpu.dma_semaphore, #tpu.memory_space<semaphore_mem>>) src(%arg14 : memref<50x128xf32, #tpu.memory_space<vmem>>) dst(%dma_wait3A_234 : memref<10000x128xf32, #tpu.memory_space<vmem_shared>>)
        } else {
        }
        %add3A_113 = arith.constant 3 : i32
        %add3A_114 = arith.addi %add3A_107, %add3A_113 : i32
        %le3A_115 = arith.constant 39 : i32
        %le3A_116 = arith.cmpi sle, %add3A_114, %le3A_115 : i32
        %convert_element_type3A_117 = arith.extui %le3A_116 : i1 to i32
        %cond3A_118 = arith.constant 0 : i32
        %cond3A_119 = arith.cmpi ne, %convert_element_type3A_117, %cond3A_118 : i32
        scf.if %cond3A_119 {
          %add3A_228 = arith.constant 3 : i32
          %add3A_229 = arith.addi %add3A_107, %add3A_228 : i32
          %dma_start3A_230 = arith.constant 0 : i32
          %dma_start3A_231 = tpu.memref_slice %arg7[%add3A_229, %dma_start3A_230] : memref<40x50xi32, #tpu.memory_space<vmem>> -> memref<1x50xi32, #tpu.memory_space<vmem>>
          %dma_start3A_232 = tpu.memref_squeeze %dma_start3A_231 : memref<1x50xi32, #tpu.memory_space<vmem>> -> memref<50xi32, #tpu.memory_space<vmem>>
          %dma_start3A_233 = arith.constant 0 : i32
          %dma_start3A_234 = arith.constant 0 : i32
          %dma_start3A_235 = tpu.memref_slice %arg5[%dma_start3A_233, %dma_start3A_234] : memref<10000x128xf32, #tpu.memory_space<hbm>> -> memref<10000x128xf32, #tpu.memory_space<hbm>>
          tpu.enqueue_indirect_dma source(%dma_start3A_235 : memref<10000x128xf32, #tpu.memory_space<hbm>>) target(%arg14 : memref<50x128xf32, #tpu.memory_space<vmem>>) offsets(%dma_start3A_232 : memref<50xi32, #tpu.memory_space<vmem>>) semaphore(%arg20 : memref<!tpu.dma_semaphore, #tpu.memory_space<semaphore_mem>>)
        } else {
        }
        %dma_wait3A_120 = arith.constant 0 : i32
        %dma_wait3A_121 = tpu.memref_slice %arg7[%add3A_107, %dma_wait3A_120] : memref<40x50xi32, #tpu.memory_space<vmem>> -> memref<1x50xi32, #tpu.memory_space<vmem>>
        %dma_wait3A_122 = tpu.memref_squeeze %dma_wait3A_121 : memref<1x50xi32, #tpu.memory_space<vmem>> -> memref<50xi32, #tpu.memory_space<vmem>>
        %dma_wait3A_123 = arith.constant 0 : i32
        %dma_wait3A_124 = arith.constant 0 : i32
        %dma_wait3A_125 = tpu.memref_slice %arg5[%dma_wait3A_123, %dma_wait3A_124] : memref<10000x128xf32, #tpu.memory_space<hbm>> -> memref<10000x128xf32, #tpu.memory_space<hbm>>
        tpu.wait_indirect_dma semaphore(%arg17 : memref<!tpu.dma_semaphore, #tpu.memory_space<semaphore_mem>>) src(%dma_wait3A_125 : memref<10000x128xf32, #tpu.memory_space<hbm>>) dst(%arg11 : memref<50x128xf32, #tpu.memory_space<vmem>>)
        %parallel_loop3A_126 = arith.constant 0 : i32
        %parallel_loop3A_127 = arith.constant 50 : i32
        %parallel_loop3A_128 = arith.constant 1 : i32
        scf.for %parallel_loop3A_228 = %parallel_loop3A_126 to %parallel_loop3A_127 step %parallel_loop3A_128  : i32 {
          %parallel_loop3A_229 = arith.constant 50 : i32
          %parallel_loop3A_230 = arith.muli %add3A_107, %parallel_loop3A_229 : i32
          %parallel_loop3A_231 = arith.addi %parallel_loop3A_230, %parallel_loop3A_228 : i32
          %parallel_loop3A_232 = vector.broadcast %parallel_loop3A_231 : i32 to vector<16xi32>
          %parallel_loop3A_233 = tpu.vector_load_idx %arg9[%parallel_loop3A_232] : memref<2000xf32, #tpu.memory_space<vmem>>[vector<16xi32>], vector<16xf32>,
          %parallel_loop3A_234 = arith.index_cast %parallel_loop3A_228 : i32 to index
          %parallel_loop3A_235 = arith.constant 0 : index
          %parallel_loop3A_236 = tpu.vector_load %arg11[%parallel_loop3A_234, %parallel_loop3A_235] {strides = array<i32>} : memref<50x128xf32, #tpu.memory_space<vmem>>, vector<16xf32>,
          %parallel_loop3A_237 = arith.mulf %parallel_loop3A_236, %parallel_loop3A_233 : vector<16xf32>
          %parallel_loop3A_238 = arith.index_cast %parallel_loop3A_228 : i32 to index
          %parallel_loop3A_239 = arith.constant 0 : index
          %parallel_loop3A_240 = tpu.vector_load %arg11[%parallel_loop3A_238, %parallel_loop3A_239] {strides = array<i32>} : memref<50x128xf32, #tpu.memory_space<vmem>>, vector<16xf32>,
          tpu.vector_store %arg11[%parallel_loop3A_238, %parallel_loop3A_239], %parallel_loop3A_237 {strides = array<i32>} : memref<50x128xf32, #tpu.memory_space<vmem>>, vector<16xf32>,
          %parallel_loop3A_241 = arith.index_cast %parallel_loop3A_228 : i32 to index
          %parallel_loop3A_242 = arith.constant 16 : index
          %parallel_loop3A_243 = tpu.vector_load %arg11[%parallel_loop3A_241, %parallel_loop3A_242] {strides = array<i32>} : memref<50x128xf32, #tpu.memory_space<vmem>>, vector<16xf32>,
          %parallel_loop3A_244 = arith.mulf %parallel_loop3A_243, %parallel_loop3A_233 : vector<16xf32>
          %parallel_loop3A_245 = arith.index_cast %parallel_loop3A_228 : i32 to index
          %parallel_loop3A_246 = arith.constant 16 : index
          %parallel_loop3A_247 = tpu.vector_load %arg11[%parallel_loop3A_245, %parallel_loop3A_246] {strides = array<i32>} : memref<50x128xf32, #tpu.memory_space<vmem>>, vector<16xf32>,
          tpu.vector_store %arg11[%parallel_loop3A_245, %parallel_loop3A_246], %parallel_loop3A_244 {strides = array<i32>} : memref<50x128xf32, #tpu.memory_space<vmem>>, vector<16xf32>,
          %parallel_loop3A_248 = arith.index_cast %parallel_loop3A_228 : i32 to index
          %parallel_loop3A_249 = arith.constant 32 : index
          %parallel_loop3A_250 = tpu.vector_load %arg11[%parallel_loop3A_248, %parallel_loop3A_249] {strides = array<i32>} : memref<50x128xf32, #tpu.memory_space<vmem>>, vector<16xf32>,
          %parallel_loop3A_251 = arith.mulf %parallel_loop3A_250, %parallel_loop3A_233 : vector<16xf32>
          %parallel_loop3A_252 = arith.index_cast %parallel_loop3A_228 : i32 to index
          %parallel_loop3A_253 = arith.constant 32 : index
          %parallel_loop3A_254 = tpu.vector_load %arg11[%parallel_loop3A_252, %parallel_loop3A_253] {strides = array<i32>} : memref<50x128xf32, #tpu.memory_space<vmem>>, vector<16xf32>,
          tpu.vector_store %arg11[%parallel_loop3A_252, %parallel_loop3A_253], %parallel_loop3A_251 {strides = array<i32>} : memref<50x128xf32, #tpu.memory_space<vmem>>, vector<16xf32>,
          %parallel_loop3A_255 = arith.index_cast %parallel_loop3A_228 : i32 to index
          %parallel_loop3A_256 = arith.constant 48 : index
          %parallel_loop3A_257 = tpu.vector_load %arg11[%parallel_loop3A_255, %parallel_loop3A_256] {strides = array<i32>} : memref<50x128xf32, #tpu.memory_space<vmem>>, vector<16xf32>,
          %parallel_loop3A_258 = arith.mulf %parallel_loop3A_257, %parallel_loop3A_233 : vector<16xf32>
          %parallel_loop3A_259 = arith.index_cast %parallel_loop3A_228 : i32 to index
          %parallel_loop3A_260 = arith.constant 48 : index
          %parallel_loop3A_261 = tpu.vector_load %arg11[%parallel_loop3A_259, %parallel_loop3A_260] {strides = array<i32>} : memref<50x128xf32, #tpu.memory_space<vmem>>, vector<16xf32>,
          tpu.vector_store %arg11[%parallel_loop3A_259, %parallel_loop3A_260], %parallel_loop3A_258 {strides = array<i32>} : memref<50x128xf32, #tpu.memory_space<vmem>>, vector<16xf32>,
          %parallel_loop3A_262 = arith.index_cast %parallel_loop3A_228 : i32 to index
          %parallel_loop3A_263 = arith.constant 64 : index
          %parallel_loop3A_264 = tpu.vector_load %arg11[%parallel_loop3A_262, %parallel_loop3A_263] {strides = array<i32>} : memref<50x128xf32, #tpu.memory_space<vmem>>, vector<16xf32>,
          %parallel_loop3A_265 = arith.mulf %parallel_loop3A_264, %parallel_loop3A_233 : vector<16xf32>
          %parallel_loop3A_266 = arith.index_cast %parallel_loop3A_228 : i32 to index
          %parallel_loop3A_267 = arith.constant 64 : index
          %parallel_loop3A_268 = tpu.vector_load %arg11[%parallel_loop3A_266, %parallel_loop3A_267] {strides = array<i32>} : memref<50x128xf32, #tpu.memory_space<vmem>>, vector<16xf32>,
          tpu.vector_store %arg11[%parallel_loop3A_266, %parallel_loop3A_267], %parallel_loop3A_265 {strides = array<i32>} : memref<50x128xf32, #tpu.memory_space<vmem>>, vector<16xf32>,
          %parallel_loop3A_269 = arith.index_cast %parallel_loop3A_228 : i32 to index
          %parallel_loop3A_270 = arith.constant 80 : index
          %parallel_loop3A_271 = tpu.vector_load %arg11[%parallel_loop3A_269, %parallel_loop3A_270] {strides = array<i32>} : memref<50x128xf32, #tpu.memory_space<vmem>>, vector<16xf32>,
          %parallel_loop3A_272 = arith.mulf %parallel_loop3A_271, %parallel_loop3A_233 : vector<16xf32>
          %parallel_loop3A_273 = arith.index_cast %parallel_loop3A_228 : i32 to index
          %parallel_loop3A_274 = arith.constant 80 : index
          %parallel_loop3A_275 = tpu.vector_load %arg11[%parallel_loop3A_273, %parallel_loop3A_274] {strides = array<i32>} : memref<50x128xf32, #tpu.memory_space<vmem>>, vector<16xf32>,
          tpu.vector_store %arg11[%parallel_loop3A_273, %parallel_loop3A_274], %parallel_loop3A_272 {strides = array<i32>} : memref<50x128xf32, #tpu.memory_space<vmem>>, vector<16xf32>,
          %parallel_loop3A_276 = arith.index_cast %parallel_loop3A_228 : i32 to index
          %parallel_loop3A_277 = arith.constant 96 : index
          %parallel_loop3A_278 = tpu.vector_load %arg11[%parallel_loop3A_276, %parallel_loop3A_277] {strides = array<i32>} : memref<50x128xf32, #tpu.memory_space<vmem>>, vector<16xf32>,
          %parallel_loop3A_279 = arith.mulf %parallel_loop3A_278, %parallel_loop3A_233 : vector<16xf32>
          %parallel_loop3A_280 = arith.index_cast %parallel_loop3A_228 : i32 to index
          %parallel_loop3A_281 = arith.constant 96 : index
          %parallel_loop3A_282 = tpu.vector_load %arg11[%parallel_loop3A_280, %parallel_loop3A_281] {strides = array<i32>} : memref<50x128xf32, #tpu.memory_space<vmem>>, vector<16xf32>,
          tpu.vector_store %arg11[%parallel_loop3A_280, %parallel_loop3A_281], %parallel_loop3A_279 {strides = array<i32>} : memref<50x128xf32, #tpu.memory_space<vmem>>, vector<16xf32>,
          %parallel_loop3A_283 = arith.index_cast %parallel_loop3A_228 : i32 to index
          %parallel_loop3A_284 = arith.constant 112 : index
          %parallel_loop3A_285 = tpu.vector_load %arg11[%parallel_loop3A_283, %parallel_loop3A_284] {strides = array<i32>} : memref<50x128xf32, #tpu.memory_space<vmem>>, vector<16xf32>,
          %parallel_loop3A_286 = arith.mulf %parallel_loop3A_285, %parallel_loop3A_233 : vector<16xf32>
          %parallel_loop3A_287 = arith.index_cast %parallel_loop3A_228 : i32 to index
          %parallel_loop3A_288 = arith.constant 112 : index
          %parallel_loop3A_289 = tpu.vector_load %arg11[%parallel_loop3A_287, %parallel_loop3A_288] {strides = array<i32>} : memref<50x128xf32, #tpu.memory_space<vmem>>, vector<16xf32>,
          tpu.vector_store %arg11[%parallel_loop3A_287, %parallel_loop3A_288], %parallel_loop3A_286 {strides = array<i32>} : memref<50x128xf32, #tpu.memory_space<vmem>>, vector<16xf32>,
        } {sc.loop_unroll_factor = 5 : i64, sc.parallel_access}
        %dma_start3A_129 = arith.constant 0 : i32
        %dma_start3A_130 = tpu.memref_slice %arg8[%add3A_107, %dma_start3A_129] : memref<40x50xi32, #tpu.memory_space<vmem>> -> memref<1x50xi32, #tpu.memory_space<vmem>>
        %dma_start3A_131 = tpu.memref_squeeze %dma_start3A_130 : memref<1x50xi32, #tpu.memory_space<vmem>> -> memref<50xi32, #tpu.memory_space<vmem>>
        %dma_start3A_132 = arith.constant 0 : i32
        %dma_start3A_133 = arith.constant 0 : i32
        %dma_start3A_134 = tpu.memref_slice %arg15[%dma_start3A_132, %dma_start3A_133] : memref<10000x128xf32, #tpu.memory_space<vmem_shared>> -> memref<10000x128xf32, #tpu.memory_space<vmem_shared>>
        tpu.enqueue_indirect_dma source(%arg11 : memref<50x128xf32, #tpu.memory_space<vmem>>) target(%dma_start3A_134 : memref<10000x128xf32, #tpu.memory_space<vmem_shared>>) offsets(%dma_start3A_131 : memref<50xi32, #tpu.memory_space<vmem>>) semaphore(%arg22 : memref<!tpu.dma_semaphore, #tpu.memory_space<semaphore_mem>>) {add = true}
        %mul3A_135 = arith.constant 5 : i32
        %mul3A_136 = arith.muli %add3A_74, %mul3A_135 : i32
        %add3A_137 = arith.constant 2 : i32
        %add3A_138 = arith.addi %mul3A_136, %add3A_137 : i32
        %ge3A_139 = arith.constant 2 : i32
        %ge3A_140 = arith.cmpi sge, %add3A_138, %ge3A_139 : i32
        %convert_element_type3A_141 = arith.extui %ge3A_140 : i1 to i32
        %cond3A_142 = arith.constant 0 : i32
        %cond3A_143 = arith.cmpi ne, %convert_element_type3A_141, %cond3A_142 : i32
        scf.if %cond3A_143 {
          %sub3A = arith.constant 2 : i32
          %sub3A_228 = arith.subi %add3A_138, %sub3A : i32
          %dma_wait3A_229 = arith.constant 0 : i32
          %dma_wait3A_230 = tpu.memref_slice %arg8[%sub3A_228, %dma_wait3A_229] : memref<40x50xi32, #tpu.memory_space<vmem>> -> memref<1x50xi32, #tpu.memory_space<vmem>>
          %dma_wait3A_231 = tpu.memref_squeeze %dma_wait3A_230 : memref<1x50xi32, #tpu.memory_space<vmem>> -> memref<50xi32, #tpu.memory_space<vmem>>
          %dma_wait3A_232 = arith.constant 0 : i32
          %dma_wait3A_233 = arith.constant 0 : i32
          %dma_wait3A_234 = tpu.memref_slice %arg15[%dma_wait3A_232, %dma_wait3A_233] : memref<10000x128xf32, #tpu.memory_space<vmem_shared>> -> memref<10000x128xf32, #tpu.memory_space<vmem_shared>>
          tpu.wait_indirect_dma semaphore(%arg21 : memref<!tpu.dma_semaphore, #tpu.memory_space<semaphore_mem>>) src(%arg10 : memref<50x128xf32, #tpu.memory_space<vmem>>) dst(%dma_wait3A_234 : memref<10000x128xf32, #tpu.memory_space<vmem_shared>>)
        } else {
        }
        %add3A_144 = arith.constant 3 : i32
        %add3A_145 = arith.addi %add3A_138, %add3A_144 : i32
        %le3A_146 = arith.constant 39 : i32
        %le3A_147 = arith.cmpi sle, %add3A_145, %le3A_146 : i32
        %convert_element_type3A_148 = arith.extui %le3A_147 : i1 to i32
        %cond3A_149 = arith.constant 0 : i32
        %cond3A_150 = arith.cmpi ne, %convert_element_type3A_148, %cond3A_149 : i32
        scf.if %cond3A_150 {
          %add3A_228 = arith.constant 3 : i32
          %add3A_229 = arith.addi %add3A_138, %add3A_228 : i32
          %dma_start3A_230 = arith.constant 0 : i32
          %dma_start3A_231 = tpu.memref_slice %arg7[%add3A_229, %dma_start3A_230] : memref<40x50xi32, #tpu.memory_space<vmem>> -> memref<1x50xi32, #tpu.memory_space<vmem>>
          %dma_start3A_232 = tpu.memref_squeeze %dma_start3A_231 : memref<1x50xi32, #tpu.memory_space<vmem>> -> memref<50xi32, #tpu.memory_space<vmem>>
          %dma_start3A_233 = arith.constant 0 : i32
          %dma_start3A_234 = arith.constant 0 : i32
          %dma_start3A_235 = tpu.memref_slice %arg5[%dma_start3A_233, %dma_start3A_234] : memref<10000x128xf32, #tpu.memory_space<hbm>> -> memref<10000x128xf32, #tpu.memory_space<hbm>>
          tpu.enqueue_indirect_dma source(%dma_start3A_235 : memref<10000x128xf32, #tpu.memory_space<hbm>>) target(%arg10 : memref<50x128xf32, #tpu.memory_space<vmem>>) offsets(%dma_start3A_232 : memref<50xi32, #tpu.memory_space<vmem>>) semaphore(%arg16 : memref<!tpu.dma_semaphore, #tpu.memory_space<semaphore_mem>>)
        } else {
        }
        %dma_wait3A_151 = arith.constant 0 : i32
        %dma_wait3A_152 = tpu.memref_slice %arg7[%add3A_138, %dma_wait3A_151] : memref<40x50xi32, #tpu.memory_space<vmem>> -> memref<1x50xi32, #tpu.memory_space<vmem>>
        %dma_wait3A_153 = tpu.memref_squeeze %dma_wait3A_152 : memref<1x50xi32, #tpu.memory_space<vmem>> -> memref<50xi32, #tpu.memory_space<vmem>>
        %dma_wait3A_154 = arith.constant 0 : i32
        %dma_wait3A_155 = arith.constant 0 : i32
        %dma_wait3A_156 = tpu.memref_slice %arg5[%dma_wait3A_154, %dma_wait3A_155] : memref<10000x128xf32, #tpu.memory_space<hbm>> -> memref<10000x128xf32, #tpu.memory_space<hbm>>
        tpu.wait_indirect_dma semaphore(%arg18 : memref<!tpu.dma_semaphore, #tpu.memory_space<semaphore_mem>>) src(%dma_wait3A_156 : memref<10000x128xf32, #tpu.memory_space<hbm>>) dst(%arg12 : memref<50x128xf32, #tpu.memory_space<vmem>>)
        %parallel_loop3A_157 = arith.constant 0 : i32
        %parallel_loop3A_158 = arith.constant 50 : i32
        %parallel_loop3A_159 = arith.constant 1 : i32
        scf.for %parallel_loop3A_228 = %parallel_loop3A_157 to %parallel_loop3A_158 step %parallel_loop3A_159  : i32 {
          %parallel_loop3A_229 = arith.constant 50 : i32
          %parallel_loop3A_230 = arith.muli %add3A_138, %parallel_loop3A_229 : i32
          %parallel_loop3A_231 = arith.addi %parallel_loop3A_230, %parallel_loop3A_228 : i32
          %parallel_loop3A_232 = vector.broadcast %parallel_loop3A_231 : i32 to vector<16xi32>
          %parallel_loop3A_233 = tpu.vector_load_idx %arg9[%parallel_loop3A_232] : memref<2000xf32, #tpu.memory_space<vmem>>[vector<16xi32>], vector<16xf32>,
          %parallel_loop3A_234 = arith.index_cast %parallel_loop3A_228 : i32 to index
          %parallel_loop3A_235 = arith.constant 0 : index
          %parallel_loop3A_236 = tpu.vector_load %arg12[%parallel_loop3A_234, %parallel_loop3A_235] {strides = array<i32>} : memref<50x128xf32, #tpu.memory_space<vmem>>, vector<16xf32>,
          %parallel_loop3A_237 = arith.mulf %parallel_loop3A_236, %parallel_loop3A_233 : vector<16xf32>
          %parallel_loop3A_238 = arith.index_cast %parallel_loop3A_228 : i32 to index
          %parallel_loop3A_239 = arith.constant 0 : index
          %parallel_loop3A_240 = tpu.vector_load %arg12[%parallel_loop3A_238, %parallel_loop3A_239] {strides = array<i32>} : memref<50x128xf32, #tpu.memory_space<vmem>>, vector<16xf32>,
          tpu.vector_store %arg12[%parallel_loop3A_238, %parallel_loop3A_239], %parallel_loop3A_237 {strides = array<i32>} : memref<50x128xf32, #tpu.memory_space<vmem>>, vector<16xf32>,
          %parallel_loop3A_241 = arith.index_cast %parallel_loop3A_228 : i32 to index
          %parallel_loop3A_242 = arith.constant 16 : index
          %parallel_loop3A_243 = tpu.vector_load %arg12[%parallel_loop3A_241, %parallel_loop3A_242] {strides = array<i32>} : memref<50x128xf32, #tpu.memory_space<vmem>>, vector<16xf32>,
          %parallel_loop3A_244 = arith.mulf %parallel_loop3A_243, %parallel_loop3A_233 : vector<16xf32>
          %parallel_loop3A_245 = arith.index_cast %parallel_loop3A_228 : i32 to index
          %parallel_loop3A_246 = arith.constant 16 : index
          %parallel_loop3A_247 = tpu.vector_load %arg12[%parallel_loop3A_245, %parallel_loop3A_246] {strides = array<i32>} : memref<50x128xf32, #tpu.memory_space<vmem>>, vector<16xf32>,
          tpu.vector_store %arg12[%parallel_loop3A_245, %parallel_loop3A_246], %parallel_loop3A_244 {strides = array<i32>} : memref<50x128xf32, #tpu.memory_space<vmem>>, vector<16xf32>,
          %parallel_loop3A_248 = arith.index_cast %parallel_loop3A_228 : i32 to index
          %parallel_loop3A_249 = arith.constant 32 : index
          %parallel_loop3A_250 = tpu.vector_load %arg12[%parallel_loop3A_248, %parallel_loop3A_249] {strides = array<i32>} : memref<50x128xf32, #tpu.memory_space<vmem>>, vector<16xf32>,
          %parallel_loop3A_251 = arith.mulf %parallel_loop3A_250, %parallel_loop3A_233 : vector<16xf32>
          %parallel_loop3A_252 = arith.index_cast %parallel_loop3A_228 : i32 to index
          %parallel_loop3A_253 = arith.constant 32 : index
          %parallel_loop3A_254 = tpu.vector_load %arg12[%parallel_loop3A_252, %parallel_loop3A_253] {strides = array<i32>} : memref<50x128xf32, #tpu.memory_space<vmem>>, vector<16xf32>,
          tpu.vector_store %arg12[%parallel_loop3A_252, %parallel_loop3A_253], %parallel_loop3A_251 {strides = array<i32>} : memref<50x128xf32, #tpu.memory_space<vmem>>, vector<16xf32>,
          %parallel_loop3A_255 = arith.index_cast %parallel_loop3A_228 : i32 to index
          %parallel_loop3A_256 = arith.constant 48 : index
          %parallel_loop3A_257 = tpu.vector_load %arg12[%parallel_loop3A_255, %parallel_loop3A_256] {strides = array<i32>} : memref<50x128xf32, #tpu.memory_space<vmem>>, vector<16xf32>,
          %parallel_loop3A_258 = arith.mulf %parallel_loop3A_257, %parallel_loop3A_233 : vector<16xf32>
          %parallel_loop3A_259 = arith.index_cast %parallel_loop3A_228 : i32 to index
          %parallel_loop3A_260 = arith.constant 48 : index
          %parallel_loop3A_261 = tpu.vector_load %arg12[%parallel_loop3A_259, %parallel_loop3A_260] {strides = array<i32>} : memref<50x128xf32, #tpu.memory_space<vmem>>, vector<16xf32>,
          tpu.vector_store %arg12[%parallel_loop3A_259, %parallel_loop3A_260], %parallel_loop3A_258 {strides = array<i32>} : memref<50x128xf32, #tpu.memory_space<vmem>>, vector<16xf32>,
          %parallel_loop3A_262 = arith.index_cast %parallel_loop3A_228 : i32 to index
          %parallel_loop3A_263 = arith.constant 64 : index
          %parallel_loop3A_264 = tpu.vector_load %arg12[%parallel_loop3A_262, %parallel_loop3A_263] {strides = array<i32>} : memref<50x128xf32, #tpu.memory_space<vmem>>, vector<16xf32>,
          %parallel_loop3A_265 = arith.mulf %parallel_loop3A_264, %parallel_loop3A_233 : vector<16xf32>
          %parallel_loop3A_266 = arith.index_cast %parallel_loop3A_228 : i32 to index
          %parallel_loop3A_267 = arith.constant 64 : index
          %parallel_loop3A_268 = tpu.vector_load %arg12[%parallel_loop3A_266, %parallel_loop3A_267] {strides = array<i32>} : memref<50x128xf32, #tpu.memory_space<vmem>>, vector<16xf32>,
          tpu.vector_store %arg12[%parallel_loop3A_266, %parallel_loop3A_267], %parallel_loop3A_265 {strides = array<i32>} : memref<50x128xf32, #tpu.memory_space<vmem>>, vector<16xf32>,
          %parallel_loop3A_269 = arith.index_cast %parallel_loop3A_228 : i32 to index
          %parallel_loop3A_270 = arith.constant 80 : index
          %parallel_loop3A_271 = tpu.vector_load %arg12[%parallel_loop3A_269, %parallel_loop3A_270] {strides = array<i32>} : memref<50x128xf32, #tpu.memory_space<vmem>>, vector<16xf32>,
          %parallel_loop3A_272 = arith.mulf %parallel_loop3A_271, %parallel_loop3A_233 : vector<16xf32>
          %parallel_loop3A_273 = arith.index_cast %parallel_loop3A_228 : i32 to index
          %parallel_loop3A_274 = arith.constant 80 : index
          %parallel_loop3A_275 = tpu.vector_load %arg12[%parallel_loop3A_273, %parallel_loop3A_274] {strides = array<i32>} : memref<50x128xf32, #tpu.memory_space<vmem>>, vector<16xf32>,
          tpu.vector_store %arg12[%parallel_loop3A_273, %parallel_loop3A_274], %parallel_loop3A_272 {strides = array<i32>} : memref<50x128xf32, #tpu.memory_space<vmem>>, vector<16xf32>,
          %parallel_loop3A_276 = arith.index_cast %parallel_loop3A_228 : i32 to index
          %parallel_loop3A_277 = arith.constant 96 : index
          %parallel_loop3A_278 = tpu.vector_load %arg12[%parallel_loop3A_276, %parallel_loop3A_277] {strides = array<i32>} : memref<50x128xf32, #tpu.memory_space<vmem>>, vector<16xf32>,
          %parallel_loop3A_279 = arith.mulf %parallel_loop3A_278, %parallel_loop3A_233 : vector<16xf32>
          %parallel_loop3A_280 = arith.index_cast %parallel_loop3A_228 : i32 to index
          %parallel_loop3A_281 = arith.constant 96 : index
          %parallel_loop3A_282 = tpu.vector_load %arg12[%parallel_loop3A_280, %parallel_loop3A_281] {strides = array<i32>} : memref<50x128xf32, #tpu.memory_space<vmem>>, vector<16xf32>,
          tpu.vector_store %arg12[%parallel_loop3A_280, %parallel_loop3A_281], %parallel_loop3A_279 {strides = array<i32>} : memref<50x128xf32, #tpu.memory_space<vmem>>, vector<16xf32>,
          %parallel_loop3A_283 = arith.index_cast %parallel_loop3A_228 : i32 to index
          %parallel_loop3A_284 = arith.constant 112 : index
          %parallel_loop3A_285 = tpu.vector_load %arg12[%parallel_loop3A_283, %parallel_loop3A_284] {strides = array<i32>} : memref<50x128xf32, #tpu.memory_space<vmem>>, vector<16xf32>,
          %parallel_loop3A_286 = arith.mulf %parallel_loop3A_285, %parallel_loop3A_233 : vector<16xf32>
          %parallel_loop3A_287 = arith.index_cast %parallel_loop3A_228 : i32 to index
          %parallel_loop3A_288 = arith.constant 112 : index
          %parallel_loop3A_289 = tpu.vector_load %arg12[%parallel_loop3A_287, %parallel_loop3A_288] {strides = array<i32>} : memref<50x128xf32, #tpu.memory_space<vmem>>, vector<16xf32>,
          tpu.vector_store %arg12[%parallel_loop3A_287, %parallel_loop3A_288], %parallel_loop3A_286 {strides = array<i32>} : memref<50x128xf32, #tpu.memory_space<vmem>>, vector<16xf32>,
        } {sc.loop_unroll_factor = 5 : i64, sc.parallel_access}
        %dma_start3A_160 = arith.constant 0 : i32
        %dma_start3A_161 = tpu.memref_slice %arg8[%add3A_138, %dma_start3A_160] : memref<40x50xi32, #tpu.memory_space<vmem>> -> memref<1x50xi32, #tpu.memory_space<vmem>>
        %dma_start3A_162 = tpu.memref_squeeze %dma_start3A_161 : memref<1x50xi32, #tpu.memory_space<vmem>> -> memref<50xi32, #tpu.memory_space<vmem>>
        %dma_start3A_163 = arith.constant 0 : i32
        %dma_start3A_164 = arith.constant 0 : i32
        %dma_start3A_165 = tpu.memref_slice %arg15[%dma_start3A_163, %dma_start3A_164] : memref<10000x128xf32, #tpu.memory_space<vmem_shared>> -> memref<10000x128xf32, #tpu.memory_space<vmem_shared>>
        tpu.enqueue_indirect_dma source(%arg12 : memref<50x128xf32, #tpu.memory_space<vmem>>) target(%dma_start3A_165 : memref<10000x128xf32, #tpu.memory_space<vmem_shared>>) offsets(%dma_start3A_162 : memref<50xi32, #tpu.memory_space<vmem>>) semaphore(%arg23 : memref<!tpu.dma_semaphore, #tpu.memory_space<semaphore_mem>>) {add = true}
        %mul3A_166 = arith.constant 5 : i32
        %mul3A_167 = arith.muli %add3A_74, %mul3A_166 : i32
        %add3A_168 = arith.constant 3 : i32
        %add3A_169 = arith.addi %mul3A_167, %add3A_168 : i32
        %ge3A_170 = arith.constant 2 : i32
        %ge3A_171 = arith.cmpi sge, %add3A_169, %ge3A_170 : i32
        %convert_element_type3A_172 = arith.extui %ge3A_171 : i1 to i32
        %cond3A_173 = arith.constant 0 : i32
        %cond3A_174 = arith.cmpi ne, %convert_element_type3A_172, %cond3A_173 : i32
        scf.if %cond3A_174 {
          %sub3A = arith.constant 2 : i32
          %sub3A_228 = arith.subi %add3A_169, %sub3A : i32
          %dma_wait3A_229 = arith.constant 0 : i32
          %dma_wait3A_230 = tpu.memref_slice %arg8[%sub3A_228, %dma_wait3A_229] : memref<40x50xi32, #tpu.memory_space<vmem>> -> memref<1x50xi32, #tpu.memory_space<vmem>>
          %dma_wait3A_231 = tpu.memref_squeeze %dma_wait3A_230 : memref<1x50xi32, #tpu.memory_space<vmem>> -> memref<50xi32, #tpu.memory_space<vmem>>
          %dma_wait3A_232 = arith.constant 0 : i32
          %dma_wait3A_233 = arith.constant 0 : i32
          %dma_wait3A_234 = tpu.memref_slice %arg15[%dma_wait3A_232, %dma_wait3A_233] : memref<10000x128xf32, #tpu.memory_space<vmem_shared>> -> memref<10000x128xf32, #tpu.memory_space<vmem_shared>>
          tpu.wait_indirect_dma semaphore(%arg22 : memref<!tpu.dma_semaphore, #tpu.memory_space<semaphore_mem>>) src(%arg11 : memref<50x128xf32, #tpu.memory_space<vmem>>) dst(%dma_wait3A_234 : memref<10000x128xf32, #tpu.memory_space<vmem_shared>>)
        } else {
        }
        %add3A_175 = arith.constant 3 : i32
        %add3A_176 = arith.addi %add3A_169, %add3A_175 : i32
        %le3A_177 = arith.constant 39 : i32
        %le3A_178 = arith.cmpi sle, %add3A_176, %le3A_177 : i32
        %convert_element_type3A_179 = arith.extui %le3A_178 : i1 to i32
        %cond3A_180 = arith.constant 0 : i32
        %cond3A_181 = arith.cmpi ne, %convert_element_type3A_179, %cond3A_180 : i32
        scf.if %cond3A_181 {
          %add3A_228 = arith.constant 3 : i32
          %add3A_229 = arith.addi %add3A_169, %add3A_228 : i32
          %dma_start3A_230 = arith.constant 0 : i32
          %dma_start3A_231 = tpu.memref_slice %arg7[%add3A_229, %dma_start3A_230] : memref<40x50xi32, #tpu.memory_space<vmem>> -> memref<1x50xi32, #tpu.memory_space<vmem>>
          %dma_start3A_232 = tpu.memref_squeeze %dma_start3A_231 : memref<1x50xi32, #tpu.memory_space<vmem>> -> memref<50xi32, #tpu.memory_space<vmem>>
          %dma_start3A_233 = arith.constant 0 : i32
          %dma_start3A_234 = arith.constant 0 : i32
          %dma_start3A_235 = tpu.memref_slice %arg5[%dma_start3A_233, %dma_start3A_234] : memref<10000x128xf32, #tpu.memory_space<hbm>> -> memref<10000x128xf32, #tpu.memory_space<hbm>>
          tpu.enqueue_indirect_dma source(%dma_start3A_235 : memref<10000x128xf32, #tpu.memory_space<hbm>>) target(%arg11 : memref<50x128xf32, #tpu.memory_space<vmem>>) offsets(%dma_start3A_232 : memref<50xi32, #tpu.memory_space<vmem>>) semaphore(%arg17 : memref<!tpu.dma_semaphore, #tpu.memory_space<semaphore_mem>>)
        } else {
        }
        %dma_wait3A_182 = arith.constant 0 : i32
        %dma_wait3A_183 = tpu.memref_slice %arg7[%add3A_169, %dma_wait3A_182] : memref<40x50xi32, #tpu.memory_space<vmem>> -> memref<1x50xi32, #tpu.memory_space<vmem>>
        %dma_wait3A_184 = tpu.memref_squeeze %dma_wait3A_183 : memref<1x50xi32, #tpu.memory_space<vmem>> -> memref<50xi32, #tpu.memory_space<vmem>>
        %dma_wait3A_185 = arith.constant 0 : i32
        %dma_wait3A_186 = arith.constant 0 : i32
        %dma_wait3A_187 = tpu.memref_slice %arg5[%dma_wait3A_185, %dma_wait3A_186] : memref<10000x128xf32, #tpu.memory_space<hbm>> -> memref<10000x128xf32, #tpu.memory_space<hbm>>
        tpu.wait_indirect_dma semaphore(%arg19 : memref<!tpu.dma_semaphore, #tpu.memory_space<semaphore_mem>>) src(%dma_wait3A_187 : memref<10000x128xf32, #tpu.memory_space<hbm>>) dst(%arg13 : memref<50x128xf32, #tpu.memory_space<vmem>>)
        %parallel_loop3A_188 = arith.constant 0 : i32
        %parallel_loop3A_189 = arith.constant 50 : i32
        %parallel_loop3A_190 = arith.constant 1 : i32
        scf.for %parallel_loop3A_228 = %parallel_loop3A_188 to %parallel_loop3A_189 step %parallel_loop3A_190  : i32 {
          %parallel_loop3A_229 = arith.constant 50 : i32
          %parallel_loop3A_230 = arith.muli %add3A_169, %parallel_loop3A_229 : i32
          %parallel_loop3A_231 = arith.addi %parallel_loop3A_230, %parallel_loop3A_228 : i32
          %parallel_loop3A_232 = vector.broadcast %parallel_loop3A_231 : i32 to vector<16xi32>
          %parallel_loop3A_233 = tpu.vector_load_idx %arg9[%parallel_loop3A_232] : memref<2000xf32, #tpu.memory_space<vmem>>[vector<16xi32>], vector<16xf32>,
          %parallel_loop3A_234 = arith.index_cast %parallel_loop3A_228 : i32 to index
          %parallel_loop3A_235 = arith.constant 0 : index
          %parallel_loop3A_236 = tpu.vector_load %arg13[%parallel_loop3A_234, %parallel_loop3A_235] {strides = array<i32>} : memref<50x128xf32, #tpu.memory_space<vmem>>, vector<16xf32>,
          %parallel_loop3A_237 = arith.mulf %parallel_loop3A_236, %parallel_loop3A_233 : vector<16xf32>
          %parallel_loop3A_238 = arith.index_cast %parallel_loop3A_228 : i32 to index
          %parallel_loop3A_239 = arith.constant 0 : index
          %parallel_loop3A_240 = tpu.vector_load %arg13[%parallel_loop3A_238, %parallel_loop3A_239] {strides = array<i32>} : memref<50x128xf32, #tpu.memory_space<vmem>>, vector<16xf32>,
          tpu.vector_store %arg13[%parallel_loop3A_238, %parallel_loop3A_239], %parallel_loop3A_237 {strides = array<i32>} : memref<50x128xf32, #tpu.memory_space<vmem>>, vector<16xf32>,
          %parallel_loop3A_241 = arith.index_cast %parallel_loop3A_228 : i32 to index
          %parallel_loop3A_242 = arith.constant 16 : index
          %parallel_loop3A_243 = tpu.vector_load %arg13[%parallel_loop3A_241, %parallel_loop3A_242] {strides = array<i32>} : memref<50x128xf32, #tpu.memory_space<vmem>>, vector<16xf32>,
          %parallel_loop3A_244 = arith.mulf %parallel_loop3A_243, %parallel_loop3A_233 : vector<16xf32>
          %parallel_loop3A_245 = arith.index_cast %parallel_loop3A_228 : i32 to index
          %parallel_loop3A_246 = arith.constant 16 : index
          %parallel_loop3A_247 = tpu.vector_load %arg13[%parallel_loop3A_245, %parallel_loop3A_246] {strides = array<i32>} : memref<50x128xf32, #tpu.memory_space<vmem>>, vector<16xf32>,
          tpu.vector_store %arg13[%parallel_loop3A_245, %parallel_loop3A_246], %parallel_loop3A_244 {strides = array<i32>} : memref<50x128xf32, #tpu.memory_space<vmem>>, vector<16xf32>,
          %parallel_loop3A_248 = arith.index_cast %parallel_loop3A_228 : i32 to index
          %parallel_loop3A_249 = arith.constant 32 : index
          %parallel_loop3A_250 = tpu.vector_load %arg13[%parallel_loop3A_248, %parallel_loop3A_249] {strides = array<i32>} : memref<50x128xf32, #tpu.memory_space<vmem>>, vector<16xf32>,
          %parallel_loop3A_251 = arith.mulf %parallel_loop3A_250, %parallel_loop3A_233 : vector<16xf32>
          %parallel_loop3A_252 = arith.index_cast %parallel_loop3A_228 : i32 to index
          %parallel_loop3A_253 = arith.constant 32 : index
          %parallel_loop3A_254 = tpu.vector_load %arg13[%parallel_loop3A_252, %parallel_loop3A_253] {strides = array<i32>} : memref<50x128xf32, #tpu.memory_space<vmem>>, vector<16xf32>,
          tpu.vector_store %arg13[%parallel_loop3A_252, %parallel_loop3A_253], %parallel_loop3A_251 {strides = array<i32>} : memref<50x128xf32, #tpu.memory_space<vmem>>, vector<16xf32>,
          %parallel_loop3A_255 = arith.index_cast %parallel_loop3A_228 : i32 to index
          %parallel_loop3A_256 = arith.constant 48 : index
          %parallel_loop3A_257 = tpu.vector_load %arg13[%parallel_loop3A_255, %parallel_loop3A_256] {strides = array<i32>} : memref<50x128xf32, #tpu.memory_space<vmem>>, vector<16xf32>,
          %parallel_loop3A_258 = arith.mulf %parallel_loop3A_257, %parallel_loop3A_233 : vector<16xf32>
          %parallel_loop3A_259 = arith.index_cast %parallel_loop3A_228 : i32 to index
          %parallel_loop3A_260 = arith.constant 48 : index
          %parallel_loop3A_261 = tpu.vector_load %arg13[%parallel_loop3A_259, %parallel_loop3A_260] {strides = array<i32>} : memref<50x128xf32, #tpu.memory_space<vmem>>, vector<16xf32>,
          tpu.vector_store %arg13[%parallel_loop3A_259, %parallel_loop3A_260], %parallel_loop3A_258 {strides = array<i32>} : memref<50x128xf32, #tpu.memory_space<vmem>>, vector<16xf32>,
          %parallel_loop3A_262 = arith.index_cast %parallel_loop3A_228 : i32 to index
          %parallel_loop3A_263 = arith.constant 64 : index
          %parallel_loop3A_264 = tpu.vector_load %arg13[%parallel_loop3A_262, %parallel_loop3A_263] {strides = array<i32>} : memref<50x128xf32, #tpu.memory_space<vmem>>, vector<16xf32>,
          %parallel_loop3A_265 = arith.mulf %parallel_loop3A_264, %parallel_loop3A_233 : vector<16xf32>
          %parallel_loop3A_266 = arith.index_cast %parallel_loop3A_228 : i32 to index
          %parallel_loop3A_267 = arith.constant 64 : index
          %parallel_loop3A_268 = tpu.vector_load %arg13[%parallel_loop3A_266, %parallel_loop3A_267] {strides = array<i32>} : memref<50x128xf32, #tpu.memory_space<vmem>>, vector<16xf32>,
          tpu.vector_store %arg13[%parallel_loop3A_266, %parallel_loop3A_267], %parallel_loop3A_265 {strides = array<i32>} : memref<50x128xf32, #tpu.memory_space<vmem>>, vector<16xf32>,
          %parallel_loop3A_269 = arith.index_cast %parallel_loop3A_228 : i32 to index
          %parallel_loop3A_270 = arith.constant 80 : index
          %parallel_loop3A_271 = tpu.vector_load %arg13[%parallel_loop3A_269, %parallel_loop3A_270] {strides = array<i32>} : memref<50x128xf32, #tpu.memory_space<vmem>>, vector<16xf32>,
          %parallel_loop3A_272 = arith.mulf %parallel_loop3A_271, %parallel_loop3A_233 : vector<16xf32>
          %parallel_loop3A_273 = arith.index_cast %parallel_loop3A_228 : i32 to index
          %parallel_loop3A_274 = arith.constant 80 : index
          %parallel_loop3A_275 = tpu.vector_load %arg13[%parallel_loop3A_273, %parallel_loop3A_274] {strides = array<i32>} : memref<50x128xf32, #tpu.memory_space<vmem>>, vector<16xf32>,
          tpu.vector_store %arg13[%parallel_loop3A_273, %parallel_loop3A_274], %parallel_loop3A_272 {strides = array<i32>} : memref<50x128xf32, #tpu.memory_space<vmem>>, vector<16xf32>,
          %parallel_loop3A_276 = arith.index_cast %parallel_loop3A_228 : i32 to index
          %parallel_loop3A_277 = arith.constant 96 : index
          %parallel_loop3A_278 = tpu.vector_load %arg13[%parallel_loop3A_276, %parallel_loop3A_277] {strides = array<i32>} : memref<50x128xf32, #tpu.memory_space<vmem>>, vector<16xf32>,
          %parallel_loop3A_279 = arith.mulf %parallel_loop3A_278, %parallel_loop3A_233 : vector<16xf32>
          %parallel_loop3A_280 = arith.index_cast %parallel_loop3A_228 : i32 to index
          %parallel_loop3A_281 = arith.constant 96 : index
          %parallel_loop3A_282 = tpu.vector_load %arg13[%parallel_loop3A_280, %parallel_loop3A_281] {strides = array<i32>} : memref<50x128xf32, #tpu.memory_space<vmem>>, vector<16xf32>,
          tpu.vector_store %arg13[%parallel_loop3A_280, %parallel_loop3A_281], %parallel_loop3A_279 {strides = array<i32>} : memref<50x128xf32, #tpu.memory_space<vmem>>, vector<16xf32>,
          %parallel_loop3A_283 = arith.index_cast %parallel_loop3A_228 : i32 to index
          %parallel_loop3A_284 = arith.constant 112 : index
          %parallel_loop3A_285 = tpu.vector_load %arg13[%parallel_loop3A_283, %parallel_loop3A_284] {strides = array<i32>} : memref<50x128xf32, #tpu.memory_space<vmem>>, vector<16xf32>,
          %parallel_loop3A_286 = arith.mulf %parallel_loop3A_285, %parallel_loop3A_233 : vector<16xf32>
          %parallel_loop3A_287 = arith.index_cast %parallel_loop3A_228 : i32 to index
          %parallel_loop3A_288 = arith.constant 112 : index
          %parallel_loop3A_289 = tpu.vector_load %arg13[%parallel_loop3A_287, %parallel_loop3A_288] {strides = array<i32>} : memref<50x128xf32, #tpu.memory_space<vmem>>, vector<16xf32>,
          tpu.vector_store %arg13[%parallel_loop3A_287, %parallel_loop3A_288], %parallel_loop3A_286 {strides = array<i32>} : memref<50x128xf32, #tpu.memory_space<vmem>>, vector<16xf32>,
        } {sc.loop_unroll_factor = 5 : i64, sc.parallel_access}
        %dma_start3A_191 = arith.constant 0 : i32
        %dma_start3A_192 = tpu.memref_slice %arg8[%add3A_169, %dma_start3A_191] : memref<40x50xi32, #tpu.memory_space<vmem>> -> memref<1x50xi32, #tpu.memory_space<vmem>>
        %dma_start3A_193 = tpu.memref_squeeze %dma_start3A_192 : memref<1x50xi32, #tpu.memory_space<vmem>> -> memref<50xi32, #tpu.memory_space<vmem>>
        %dma_start3A_194 = arith.constant 0 : i32
        %dma_start3A_195 = arith.constant 0 : i32
        %dma_start3A_196 = tpu.memref_slice %arg15[%dma_start3A_194, %dma_start3A_195] : memref<10000x128xf32, #tpu.memory_space<vmem_shared>> -> memref<10000x128xf32, #tpu.memory_space<vmem_shared>>
        tpu.enqueue_indirect_dma source(%arg13 : memref<50x128xf32, #tpu.memory_space<vmem>>) target(%dma_start3A_196 : memref<10000x128xf32, #tpu.memory_space<vmem_shared>>) offsets(%dma_start3A_193 : memref<50xi32, #tpu.memory_space<vmem>>) semaphore(%arg24 : memref<!tpu.dma_semaphore, #tpu.memory_space<semaphore_mem>>) {add = true}
        %mul3A_197 = arith.constant 5 : i32
        %mul3A_198 = arith.muli %add3A_74, %mul3A_197 : i32
        %add3A_199 = arith.constant 4 : i32
        %add3A_200 = arith.addi %mul3A_198, %add3A_199 : i32
        %ge3A_201 = arith.constant 2 : i32
        %ge3A_202 = arith.cmpi sge, %add3A_200, %ge3A_201 : i32
        %convert_element_type3A_203 = arith.extui %ge3A_202 : i1 to i32
        %cond3A_204 = arith.constant 0 : i32
        %cond3A_205 = arith.cmpi ne, %convert_element_type3A_203, %cond3A_204 : i32
        scf.if %cond3A_205 {
          %sub3A = arith.constant 2 : i32
          %sub3A_228 = arith.subi %add3A_200, %sub3A : i32
          %dma_wait3A_229 = arith.constant 0 : i32
          %dma_wait3A_230 = tpu.memref_slice %arg8[%sub3A_228, %dma_wait3A_229] : memref<40x50xi32, #tpu.memory_space<vmem>> -> memref<1x50xi32, #tpu.memory_space<vmem>>
          %dma_wait3A_231 = tpu.memref_squeeze %dma_wait3A_230 : memref<1x50xi32, #tpu.memory_space<vmem>> -> memref<50xi32, #tpu.memory_space<vmem>>
          %dma_wait3A_232 = arith.constant 0 : i32
          %dma_wait3A_233 = arith.constant 0 : i32
          %dma_wait3A_234 = tpu.memref_slice %arg15[%dma_wait3A_232, %dma_wait3A_233] : memref<10000x128xf32, #tpu.memory_space<vmem_shared>> -> memref<10000x128xf32, #tpu.memory_space<vmem_shared>>
          tpu.wait_indirect_dma semaphore(%arg23 : memref<!tpu.dma_semaphore, #tpu.memory_space<semaphore_mem>>) src(%arg12 : memref<50x128xf32, #tpu.memory_space<vmem>>) dst(%dma_wait3A_234 : memref<10000x128xf32, #tpu.memory_space<vmem_shared>>)
        } else {
        }
        %add3A_206 = arith.constant 3 : i32
        %add3A_207 = arith.addi %add3A_200, %add3A_206 : i32
        %le3A_208 = arith.constant 39 : i32
        %le3A_209 = arith.cmpi sle, %add3A_207, %le3A_208 : i32
        %convert_element_type3A_210 = arith.extui %le3A_209 : i1 to i32
        %cond3A_211 = arith.constant 0 : i32
        %cond3A_212 = arith.cmpi ne, %convert_element_type3A_210, %cond3A_211 : i32
        scf.if %cond3A_212 {
          %add3A_228 = arith.constant 3 : i32
          %add3A_229 = arith.addi %add3A_200, %add3A_228 : i32
          %dma_start3A_230 = arith.constant 0 : i32
          %dma_start3A_231 = tpu.memref_slice %arg7[%add3A_229, %dma_start3A_230] : memref<40x50xi32, #tpu.memory_space<vmem>> -> memref<1x50xi32, #tpu.memory_space<vmem>>
          %dma_start3A_232 = tpu.memref_squeeze %dma_start3A_231 : memref<1x50xi32, #tpu.memory_space<vmem>> -> memref<50xi32, #tpu.memory_space<vmem>>
          %dma_start3A_233 = arith.constant 0 : i32
          %dma_start3A_234 = arith.constant 0 : i32
          %dma_start3A_235 = tpu.memref_slice %arg5[%dma_start3A_233, %dma_start3A_234] : memref<10000x128xf32, #tpu.memory_space<hbm>> -> memref<10000x128xf32, #tpu.memory_space<hbm>>
          tpu.enqueue_indirect_dma source(%dma_start3A_235 : memref<10000x128xf32, #tpu.memory_space<hbm>>) target(%arg12 : memref<50x128xf32, #tpu.memory_space<vmem>>) offsets(%dma_start3A_232 : memref<50xi32, #tpu.memory_space<vmem>>) semaphore(%arg18 : memref<!tpu.dma_semaphore, #tpu.memory_space<semaphore_mem>>)
        } else {
        }
        %dma_wait3A_213 = arith.constant 0 : i32
        %dma_wait3A_214 = tpu.memref_slice %arg7[%add3A_200, %dma_wait3A_213] : memref<40x50xi32, #tpu.memory_space<vmem>> -> memref<1x50xi32, #tpu.memory_space<vmem>>
        %dma_wait3A_215 = tpu.memref_squeeze %dma_wait3A_214 : memref<1x50xi32, #tpu.memory_space<vmem>> -> memref<50xi32, #tpu.memory_space<vmem>>
        %dma_wait3A_216 = arith.constant 0 : i32
        %dma_wait3A_217 = arith.constant 0 : i32
        %dma_wait3A_218 = tpu.memref_slice %arg5[%dma_wait3A_216, %dma_wait3A_217] : memref<10000x128xf32, #tpu.memory_space<hbm>> -> memref<10000x128xf32, #tpu.memory_space<hbm>>
        tpu.wait_indirect_dma semaphore(%arg20 : memref<!tpu.dma_semaphore, #tpu.memory_space<semaphore_mem>>) src(%dma_wait3A_218 : memref<10000x128xf32, #tpu.memory_space<hbm>>) dst(%arg14 : memref<50x128xf32, #tpu.memory_space<vmem>>)
        %parallel_loop3A_219 = arith.constant 0 : i32
        %parallel_loop3A_220 = arith.constant 50 : i32
        %parallel_loop3A_221 = arith.constant 1 : i32
        scf.for %parallel_loop3A_228 = %parallel_loop3A_219 to %parallel_loop3A_220 step %parallel_loop3A_221  : i32 {
          %parallel_loop3A_229 = arith.constant 50 : i32
          %parallel_loop3A_230 = arith.muli %add3A_200, %parallel_loop3A_229 : i32
          %parallel_loop3A_231 = arith.addi %parallel_loop3A_230, %parallel_loop3A_228 : i32
          %parallel_loop3A_232 = vector.broadcast %parallel_loop3A_231 : i32 to vector<16xi32>
          %parallel_loop3A_233 = tpu.vector_load_idx %arg9[%parallel_loop3A_232] : memref<2000xf32, #tpu.memory_space<vmem>>[vector<16xi32>], vector<16xf32>,
          %parallel_loop3A_234 = arith.index_cast %parallel_loop3A_228 : i32 to index
          %parallel_loop3A_235 = arith.constant 0 : index
          %parallel_loop3A_236 = tpu.vector_load %arg14[%parallel_loop3A_234, %parallel_loop3A_235] {strides = array<i32>} : memref<50x128xf32, #tpu.memory_space<vmem>>, vector<16xf32>,
          %parallel_loop3A_237 = arith.mulf %parallel_loop3A_236, %parallel_loop3A_233 : vector<16xf32>
          %parallel_loop3A_238 = arith.index_cast %parallel_loop3A_228 : i32 to index
          %parallel_loop3A_239 = arith.constant 0 : index
          %parallel_loop3A_240 = tpu.vector_load %arg14[%parallel_loop3A_238, %parallel_loop3A_239] {strides = array<i32>} : memref<50x128xf32, #tpu.memory_space<vmem>>, vector<16xf32>,
          tpu.vector_store %arg14[%parallel_loop3A_238, %parallel_loop3A_239], %parallel_loop3A_237 {strides = array<i32>} : memref<50x128xf32, #tpu.memory_space<vmem>>, vector<16xf32>,
          %parallel_loop3A_241 = arith.index_cast %parallel_loop3A_228 : i32 to index
          %parallel_loop3A_242 = arith.constant 16 : index
          %parallel_loop3A_243 = tpu.vector_load %arg14[%parallel_loop3A_241, %parallel_loop3A_242] {strides = array<i32>} : memref<50x128xf32, #tpu.memory_space<vmem>>, vector<16xf32>,
          %parallel_loop3A_244 = arith.mulf %parallel_loop3A_243, %parallel_loop3A_233 : vector<16xf32>
          %parallel_loop3A_245 = arith.index_cast %parallel_loop3A_228 : i32 to index
          %parallel_loop3A_246 = arith.constant 16 : index
          %parallel_loop3A_247 = tpu.vector_load %arg14[%parallel_loop3A_245, %parallel_loop3A_246] {strides = array<i32>} : memref<50x128xf32, #tpu.memory_space<vmem>>, vector<16xf32>,
          tpu.vector_store %arg14[%parallel_loop3A_245, %parallel_loop3A_246], %parallel_loop3A_244 {strides = array<i32>} : memref<50x128xf32, #tpu.memory_space<vmem>>, vector<16xf32>,
          %parallel_loop3A_248 = arith.index_cast %parallel_loop3A_228 : i32 to index
          %parallel_loop3A_249 = arith.constant 32 : index
          %parallel_loop3A_250 = tpu.vector_load %arg14[%parallel_loop3A_248, %parallel_loop3A_249] {strides = array<i32>} : memref<50x128xf32, #tpu.memory_space<vmem>>, vector<16xf32>,
          %parallel_loop3A_251 = arith.mulf %parallel_loop3A_250, %parallel_loop3A_233 : vector<16xf32>
          %parallel_loop3A_252 = arith.index_cast %parallel_loop3A_228 : i32 to index
          %parallel_loop3A_253 = arith.constant 32 : index
          %parallel_loop3A_254 = tpu.vector_load %arg14[%parallel_loop3A_252, %parallel_loop3A_253] {strides = array<i32>} : memref<50x128xf32, #tpu.memory_space<vmem>>, vector<16xf32>,
          tpu.vector_store %arg14[%parallel_loop3A_252, %parallel_loop3A_253], %parallel_loop3A_251 {strides = array<i32>} : memref<50x128xf32, #tpu.memory_space<vmem>>, vector<16xf32>,
          %parallel_loop3A_255 = arith.index_cast %parallel_loop3A_228 : i32 to index
          %parallel_loop3A_256 = arith.constant 48 : index
          %parallel_loop3A_257 = tpu.vector_load %arg14[%parallel_loop3A_255, %parallel_loop3A_256] {strides = array<i32>} : memref<50x128xf32, #tpu.memory_space<vmem>>, vector<16xf32>,
          %parallel_loop3A_258 = arith.mulf %parallel_loop3A_257, %parallel_loop3A_233 : vector<16xf32>
          %parallel_loop3A_259 = arith.index_cast %parallel_loop3A_228 : i32 to index
          %parallel_loop3A_260 = arith.constant 48 : index
          %parallel_loop3A_261 = tpu.vector_load %arg14[%parallel_loop3A_259, %parallel_loop3A_260] {strides = array<i32>} : memref<50x128xf32, #tpu.memory_space<vmem>>, vector<16xf32>,
          tpu.vector_store %arg14[%parallel_loop3A_259, %parallel_loop3A_260], %parallel_loop3A_258 {strides = array<i32>} : memref<50x128xf32, #tpu.memory_space<vmem>>, vector<16xf32>,
          %parallel_loop3A_262 = arith.index_cast %parallel_loop3A_228 : i32 to index
          %parallel_loop3A_263 = arith.constant 64 : index
          %parallel_loop3A_264 = tpu.vector_load %arg14[%parallel_loop3A_262, %parallel_loop3A_263] {strides = array<i32>} : memref<50x128xf32, #tpu.memory_space<vmem>>, vector<16xf32>,
          %parallel_loop3A_265 = arith.mulf %parallel_loop3A_264, %parallel_loop3A_233 : vector<16xf32>
          %parallel_loop3A_266 = arith.index_cast %parallel_loop3A_228 : i32 to index
          %parallel_loop3A_267 = arith.constant 64 : index
          %parallel_loop3A_268 = tpu.vector_load %arg14[%parallel_loop3A_266, %parallel_loop3A_267] {strides = array<i32>} : memref<50x128xf32, #tpu.memory_space<vmem>>, vector<16xf32>,
          tpu.vector_store %arg14[%parallel_loop3A_266, %parallel_loop3A_267], %parallel_loop3A_265 {strides = array<i32>} : memref<50x128xf32, #tpu.memory_space<vmem>>, vector<16xf32>,
          %parallel_loop3A_269 = arith.index_cast %parallel_loop3A_228 : i32 to index
          %parallel_loop3A_270 = arith.constant 80 : index
          %parallel_loop3A_271 = tpu.vector_load %arg14[%parallel_loop3A_269, %parallel_loop3A_270] {strides = array<i32>} : memref<50x128xf32, #tpu.memory_space<vmem>>, vector<16xf32>,
          %parallel_loop3A_272 = arith.mulf %parallel_loop3A_271, %parallel_loop3A_233 : vector<16xf32>
          %parallel_loop3A_273 = arith.index_cast %parallel_loop3A_228 : i32 to index
          %parallel_loop3A_274 = arith.constant 80 : index
          %parallel_loop3A_275 = tpu.vector_load %arg14[%parallel_loop3A_273, %parallel_loop3A_274] {strides = array<i32>} : memref<50x128xf32, #tpu.memory_space<vmem>>, vector<16xf32>,
          tpu.vector_store %arg14[%parallel_loop3A_273, %parallel_loop3A_274], %parallel_loop3A_272 {strides = array<i32>} : memref<50x128xf32, #tpu.memory_space<vmem>>, vector<16xf32>,
          %parallel_loop3A_276 = arith.index_cast %parallel_loop3A_228 : i32 to index
          %parallel_loop3A_277 = arith.constant 96 : index
          %parallel_loop3A_278 = tpu.vector_load %arg14[%parallel_loop3A_276, %parallel_loop3A_277] {strides = array<i32>} : memref<50x128xf32, #tpu.memory_space<vmem>>, vector<16xf32>,
          %parallel_loop3A_279 = arith.mulf %parallel_loop3A_278, %parallel_loop3A_233 : vector<16xf32>
          %parallel_loop3A_280 = arith.index_cast %parallel_loop3A_228 : i32 to index
          %parallel_loop3A_281 = arith.constant 96 : index
          %parallel_loop3A_282 = tpu.vector_load %arg14[%parallel_loop3A_280, %parallel_loop3A_281] {strides = array<i32>} : memref<50x128xf32, #tpu.memory_space<vmem>>, vector<16xf32>,
          tpu.vector_store %arg14[%parallel_loop3A_280, %parallel_loop3A_281], %parallel_loop3A_279 {strides = array<i32>} : memref<50x128xf32, #tpu.memory_space<vmem>>, vector<16xf32>,
          %parallel_loop3A_283 = arith.index_cast %parallel_loop3A_228 : i32 to index
          %parallel_loop3A_284 = arith.constant 112 : index
          %parallel_loop3A_285 = tpu.vector_load %arg14[%parallel_loop3A_283, %parallel_loop3A_284] {strides = array<i32>} : memref<50x128xf32, #tpu.memory_space<vmem>>, vector<16xf32>,
          %parallel_loop3A_286 = arith.mulf %parallel_loop3A_285, %parallel_loop3A_233 : vector<16xf32>
          %parallel_loop3A_287 = arith.index_cast %parallel_loop3A_228 : i32 to index
          %parallel_loop3A_288 = arith.constant 112 : index
          %parallel_loop3A_289 = tpu.vector_load %arg14[%parallel_loop3A_287, %parallel_loop3A_288] {strides = array<i32>} : memref<50x128xf32, #tpu.memory_space<vmem>>, vector<16xf32>,
          tpu.vector_store %arg14[%parallel_loop3A_287, %parallel_loop3A_288], %parallel_loop3A_286 {strides = array<i32>} : memref<50x128xf32, #tpu.memory_space<vmem>>, vector<16xf32>,
        } {sc.loop_unroll_factor = 5 : i64, sc.parallel_access}
        %dma_start3A_222 = arith.constant 0 : i32
        %dma_start3A_223 = tpu.memref_slice %arg8[%add3A_200, %dma_start3A_222] : memref<40x50xi32, #tpu.memory_space<vmem>> -> memref<1x50xi32, #tpu.memory_space<vmem>>
        %dma_start3A_224 = tpu.memref_squeeze %dma_start3A_223 : memref<1x50xi32, #tpu.memory_space<vmem>> -> memref<50xi32, #tpu.memory_space<vmem>>
        %dma_start3A_225 = arith.constant 0 : i32
        %dma_start3A_226 = arith.constant 0 : i32
        %dma_start3A_227 = tpu.memref_slice %arg15[%dma_start3A_225, %dma_start3A_226] : memref<10000x128xf32, #tpu.memory_space<vmem_shared>> -> memref<10000x128xf32, #tpu.memory_space<vmem_shared>>
        tpu.enqueue_indirect_dma source(%arg14 : memref<50x128xf32, #tpu.memory_space<vmem>>) target(%dma_start3A_227 : memref<10000x128xf32, #tpu.memory_space<vmem_shared>>) offsets(%dma_start3A_224 : memref<50xi32, #tpu.memory_space<vmem>>) semaphore(%arg25 : memref<!tpu.dma_semaphore, #tpu.memory_space<semaphore_mem>>) {add = true}
      }
      %scan3A_56 = arith.constant 8 : i32
      %dma_wait3A = arith.constant 38 : i32
      %dma_wait3A_57 = arith.constant 0 : i32
      %dma_wait3A_58 = tpu.memref_slice %arg8[%dma_wait3A, %dma_wait3A_57] : memref<40x50xi32, #tpu.memory_space<vmem>> -> memref<1x50xi32, #tpu.memory_space<vmem>>
      %dma_wait3A_59 = tpu.memref_squeeze %dma_wait3A_58 : memref<1x50xi32, #tpu.memory_space<vmem>> -> memref<50xi32, #tpu.memory_space<vmem>>
      %dma_wait3A_60 = arith.constant 0 : i32
      %dma_wait3A_61 = arith.constant 0 : i32
      %dma_wait3A_62 = tpu.memref_slice %arg15[%dma_wait3A_60, %dma_wait3A_61] : memref<10000x128xf32, #tpu.memory_space<vmem_shared>> -> memref<10000x128xf32, #tpu.memory_space<vmem_shared>>
      tpu.wait_indirect_dma semaphore(%arg24 : memref<!tpu.dma_semaphore, #tpu.memory_space<semaphore_mem>>) src(%arg13 : memref<50x128xf32, #tpu.memory_space<vmem>>) dst(%dma_wait3A_62 : memref<10000x128xf32, #tpu.memory_space<vmem_shared>>)
      %dma_wait3A_63 = arith.constant 39 : i32
      %dma_wait3A_64 = arith.constant 0 : i32
      %dma_wait3A_65 = tpu.memref_slice %arg8[%dma_wait3A_63, %dma_wait3A_64] : memref<40x50xi32, #tpu.memory_space<vmem>> -> memref<1x50xi32, #tpu.memory_space<vmem>>
      %dma_wait3A_66 = tpu.memref_squeeze %dma_wait3A_65 : memref<1x50xi32, #tpu.memory_space<vmem>> -> memref<50xi32, #tpu.memory_space<vmem>>
      %dma_wait3A_67 = arith.constant 0 : i32
      %dma_wait3A_68 = arith.constant 0 : i32
      %dma_wait3A_69 = tpu.memref_slice %arg15[%dma_wait3A_67, %dma_wait3A_68] : memref<10000x128xf32, #tpu.memory_space<vmem_shared>> -> memref<10000x128xf32, #tpu.memory_space<vmem_shared>>
      tpu.wait_indirect_dma semaphore(%arg25 : memref<!tpu.dma_semaphore, #tpu.memory_space<semaphore_mem>>) src(%arg14 : memref<50x128xf32, #tpu.memory_space<vmem>>) dst(%dma_wait3A_69 : memref<10000x128xf32, #tpu.memory_space<vmem_shared>>)
    }
    %scan3A_13 = arith.constant 10 : i32
    %barrier3A_14 = arith.constant 0 : index
    tpu.barrier barrier_id(%barrier3A_14)
    %lt3A_15 = arith.constant 15 : i32
    %lt3A_16 = arith.cmpi slt, %arg1, %lt3A_15 : i32
    %convert_element_type3A = arith.extui %lt3A_16 : i1 to i32
    %cond3A = arith.constant 0 : i32
    %cond3A_17 = arith.cmpi ne, %convert_element_type3A, %cond3A : i32
    scf.if %cond3A_17 {
      %mul3A = arith.constant 640 : i32
      %mul3A_22 = arith.muli %arg1, %mul3A : i32
      %mul3A_23 = arith.constant 640 : i32
      %mul3A_24 = arith.muli %arg1, %mul3A_23 : i32
      "tpu.region"() ({
        %run_scoped3A = tpu.sem_alloc : memref<!tpu.dma_semaphore, #tpu.memory_space<semaphore_mem>>
        %dma_start3A = arith.constant 0 : i32
        %dma_start3A_25 = tpu.memref_slice %arg6[%mul3A_24, %dma_start3A] : memref<10000x128xf32, #tpu.memory_space<hbm>> -> memref<640x128xf32, #tpu.memory_space<hbm>>
        %dma_start3A_26 = arith.constant 0 : i32
        %dma_start3A_27 = tpu.memref_slice %arg15[%mul3A_22, %dma_start3A_26] : memref<10000x128xf32, #tpu.memory_space<vmem_shared>> -> memref<640x128xf32, #tpu.memory_space<vmem_shared>>
        tpu.enqueue_dma source(%dma_start3A_27 : memref<640x128xf32, #tpu.memory_space<vmem_shared>>) target(%dma_start3A_25 : memref<640x128xf32, #tpu.memory_space<hbm>>) target_semaphore(%run_scoped3A : memref<!tpu.dma_semaphore, #tpu.memory_space<semaphore_mem>>)
        %dma_wait3A = arith.constant 0 : i32
        %dma_wait3A_28 = tpu.memref_slice %arg6[%mul3A_24, %dma_wait3A] : memref<10000x128xf32, #tpu.memory_space<hbm>> -> memref<640x128xf32, #tpu.memory_space<hbm>>
        %dma_wait3A_29 = arith.constant 0 : i32
        %dma_wait3A_30 = tpu.memref_slice %arg15[%mul3A_22, %dma_wait3A_29] : memref<10000x128xf32, #tpu.memory_space<vmem_shared>> -> memref<640x128xf32, #tpu.memory_space<vmem_shared>>
        tpu.wait_dma2 semaphore(%run_scoped3A : memref<!tpu.dma_semaphore, #tpu.memory_space<semaphore_mem>>) src(%dma_wait3A_30 : memref<640x128xf32, #tpu.memory_space<vmem_shared>>) dst(%dma_wait3A_28 : memref<640x128xf32, #tpu.memory_space<hbm>>)
        tpu.yield
      }) : () -> ()
    } else {
    }
    %eq3A = arith.constant 15 : i32
    %eq3A_18 = arith.cmpi eq, %arg1, %eq3A : i32
    %convert_element_type3A_19 = arith.extui %eq3A_18 : i1 to i32
    %cond3A_20 = arith.constant 0 : i32
    %cond3A_21 = arith.cmpi ne, %convert_element_type3A_19, %cond3A_20 : i32
    scf.if %cond3A_21 {
      "tpu.region"() ({
        %run_scoped3A = tpu.sem_alloc : memref<!tpu.dma_semaphore, #tpu.memory_space<semaphore_mem>>
        %dma_start3A = arith.constant 9600 : i32
        %dma_start3A_22 = arith.constant 0 : i32
        %dma_start3A_23 = tpu.memref_slice %arg6[%dma_start3A, %dma_start3A_22] : memref<10000x128xf32, #tpu.memory_space<hbm>> -> memref<400x128xf32, #tpu.memory_space<hbm>>
        %dma_start3A_24 = arith.constant 9600 : i32
        %dma_start3A_25 = arith.constant 0 : i32
        %dma_start3A_26 = tpu.memref_slice %arg15[%dma_start3A_24, %dma_start3A_25] : memref<10000x128xf32, #tpu.memory_space<vmem_shared>> -> memref<400x128xf32, #tpu.memory_space<vmem_shared>>
        tpu.enqueue_dma source(%dma_start3A_26 : memref<400x128xf32, #tpu.memory_space<vmem_shared>>) target(%dma_start3A_23 : memref<400x128xf32, #tpu.memory_space<hbm>>) target_semaphore(%run_scoped3A : memref<!tpu.dma_semaphore, #tpu.memory_space<semaphore_mem>>)
        %dma_wait3A = arith.constant 9600 : i32
        %dma_wait3A_27 = arith.constant 0 : i32
        %dma_wait3A_28 = tpu.memref_slice %arg6[%dma_wait3A, %dma_wait3A_27] : memref<10000x128xf32, #tpu.memory_space<hbm>> -> memref<400x128xf32, #tpu.memory_space<hbm>>
        %dma_wait3A_29 = arith.constant 9600 : i32
        %dma_wait3A_30 = arith.constant 0 : i32
        %dma_wait3A_31 = tpu.memref_slice %arg15[%dma_wait3A_29, %dma_wait3A_30] : memref<10000x128xf32, #tpu.memory_space<vmem_shared>> -> memref<400x128xf32, #tpu.memory_space<vmem_shared>>
        tpu.wait_dma2 semaphore(%run_scoped3A : memref<!tpu.dma_semaphore, #tpu.memory_space<semaphore_mem>>) src(%dma_wait3A_31 : memref<400x128xf32, #tpu.memory_space<vmem_shared>>) dst(%dma_wait3A_28 : memref<400x128xf32, #tpu.memory_space<hbm>>)
        tpu.yield
      }) : () -> ()
    } else {
    }
    return
  }
}

#map = affine_map<(d0, d1) -> (0, 0)>
#map1 = affine_map<(d0, d1) -> (0)>
module attributes {stable_mosaic.version = 14 : i64} {
  func.func @_msg_kernel(%arg0: i32, %arg1: i32, %arg2: memref<6400x50xi32, #tpu.memory_space<hbm>>, %arg3: memref<6400x50xi32, #tpu.memory_space<hbm>>, %arg4: memref<320000xf32, #tpu.memory_space<hbm>>, %arg5: memref<10000x128xf32, #tpu.memory_space<hbm>>, %arg6: memref<10000x128xf32, #tpu.memory_space<hbm>>, %arg7: memref<40x50xi32, #tpu.memory_space<vmem>>, %arg8: memref<40x50xi32, #tpu.memory_space<vmem>>, %arg9: memref<2000xf32, #tpu.memory_space<vmem>>, %arg10: memref<50x128xf32, #tpu.memory_space<vmem>>, %arg11: memref<50x128xf32, #tpu.memory_space<vmem>>, %arg12: memref<50x128xf32, #tpu.memory_space<vmem>>, %arg13: memref<50x128xf32, #tpu.memory_space<vmem>>, %arg14: memref<50x128xf32, #tpu.memory_space<vmem>>, %arg15: memref<10000x128xf32, #tpu.memory_space<vmem_shared>>, %arg16: memref<!tpu.dma_semaphore, #tpu.memory_space<semaphore_mem>>, %arg17: memref<!tpu.dma_semaphore, #tpu.memory_space<semaphore_mem>>, %arg18: memref<!tpu.dma_semaphore, #tpu.memory_space<semaphore_mem>>, %arg19: memref<!tpu.dma_semaphore, #tpu.memory_space<semaphore_mem>>, %arg20: memref<!tpu.dma_semaphore, #tpu.memory_space<semaphore_mem>>, %arg21: memref<!tpu.dma_semaphore, #tpu.memory_space<semaphore_mem>>, %arg22: memref<!tpu.dma_semaphore, #tpu.memory_space<semaphore_mem>>, %arg23: memref<!tpu.dma_semaphore, #tpu.memory_space<semaphore_mem>>, %arg24: memref<!tpu.dma_semaphore, #tpu.memory_space<semaphore_mem>>, %arg25: memref<!tpu.dma_semaphore, #tpu.memory_space<semaphore_mem>>) attributes {dimension_semantics = [#tpu.dimension_semantics<core_parallel>, #tpu.dimension_semantics<subcore_parallel>], iteration_bounds = array<i64: 1, 16>, scalar_prefetch = 0 : i64, scratch_operands = 19 : i64, tpu.core_type = #tpu.core_type<sc_vector_subcore>, window_params = [{transform_indices = #map}, {transform_indices = #map}, {transform_indices = #map1}, {transform_indices = #map}, {transform_indices = #map}]} {
    %broadcast_in_dim3A = arith.constant 0.000000e+00 : f32
    %broadcast_in_dim3A_0 = vector.broadcast %broadcast_in_dim3A : f32 to vector<16xf32>
    %parallel_loop3A = arith.constant 0 : i32
    %parallel_loop3A_1 = arith.constant 40 : i32
    %parallel_loop3A_2 = arith.constant 1 : i32
    scf.for %parallel_loop3A_22 = %parallel_loop3A to %parallel_loop3A_1 step %parallel_loop3A_2  : i32 {
      %parallel_loop3A_23 = arith.index_cast %parallel_loop3A_22 : i32 to index
      %parallel_loop3A_24 = arith.constant 0 : index
      %parallel_loop3A_25 = tpu.vector_load %arg10[%parallel_loop3A_23, %parallel_loop3A_24] {strides = array<i32>} : memref<50x128xf32, #tpu.memory_space<vmem>>, vector<16xf32>,
      tpu.vector_store %arg10[%parallel_loop3A_23, %parallel_loop3A_24], %broadcast_in_dim3A_0 {strides = array<i32>} : memref<50x128xf32, #tpu.memory_space<vmem>>, vector<16xf32>,
      %parallel_loop3A_26 = arith.index_cast %parallel_loop3A_22 : i32 to index
      %parallel_loop3A_27 = arith.constant 16 : index
      %parallel_loop3A_28 = tpu.vector_load %arg10[%parallel_loop3A_26, %parallel_loop3A_27] {strides = array<i32>} : memref<50x128xf32, #tpu.memory_space<vmem>>, vector<16xf32>,
      tpu.vector_store %arg10[%parallel_loop3A_26, %parallel_loop3A_27], %broadcast_in_dim3A_0 {strides = array<i32>} : memref<50x128xf32, #tpu.memory_space<vmem>>, vector<16xf32>,
      %parallel_loop3A_29 = arith.index_cast %parallel_loop3A_22 : i32 to index
      %parallel_loop3A_30 = arith.constant 32 : index
      %parallel_loop3A_31 = tpu.vector_load %arg10[%parallel_loop3A_29, %parallel_loop3A_30] {strides = array<i32>} : memref<50x128xf32, #tpu.memory_space<vmem>>, vector<16xf32>,
      tpu.vector_store %arg10[%parallel_loop3A_29, %parallel_loop3A_30], %broadcast_in_dim3A_0 {strides = array<i32>} : memref<50x128xf32, #tpu.memory_space<vmem>>, vector<16xf32>,
      %parallel_loop3A_32 = arith.index_cast %parallel_loop3A_22 : i32 to index
      %parallel_loop3A_33 = arith.constant 48 : index
      %parallel_loop3A_34 = tpu.vector_load %arg10[%parallel_loop3A_32, %parallel_loop3A_33] {strides = array<i32>} : memref<50x128xf32, #tpu.memory_space<vmem>>, vector<16xf32>,
      tpu.vector_store %arg10[%parallel_loop3A_32, %parallel_loop3A_33], %broadcast_in_dim3A_0 {strides = array<i32>} : memref<50x128xf32, #tpu.memory_space<vmem>>, vector<16xf32>,
      %parallel_loop3A_35 = arith.index_cast %parallel_loop3A_22 : i32 to index
      %parallel_loop3A_36 = arith.constant 64 : index
      %parallel_loop3A_37 = tpu.vector_load %arg10[%parallel_loop3A_35, %parallel_loop3A_36] {strides = array<i32>} : memref<50x128xf32, #tpu.memory_space<vmem>>, vector<16xf32>,
      tpu.vector_store %arg10[%parallel_loop3A_35, %parallel_loop3A_36], %broadcast_in_dim3A_0 {strides = array<i32>} : memref<50x128xf32, #tpu.memory_space<vmem>>, vector<16xf32>,
      %parallel_loop3A_38 = arith.index_cast %parallel_loop3A_22 : i32 to index
      %parallel_loop3A_39 = arith.constant 80 : index
      %parallel_loop3A_40 = tpu.vector_load %arg10[%parallel_loop3A_38, %parallel_loop3A_39] {strides = array<i32>} : memref<50x128xf32, #tpu.memory_space<vmem>>, vector<16xf32>,
      tpu.vector_store %arg10[%parallel_loop3A_38, %parallel_loop3A_39], %broadcast_in_dim3A_0 {strides = array<i32>} : memref<50x128xf32, #tpu.memory_space<vmem>>, vector<16xf32>,
      %parallel_loop3A_41 = arith.index_cast %parallel_loop3A_22 : i32 to index
      %parallel_loop3A_42 = arith.constant 96 : index
      %parallel_loop3A_43 = tpu.vector_load %arg10[%parallel_loop3A_41, %parallel_loop3A_42] {strides = array<i32>} : memref<50x128xf32, #tpu.memory_space<vmem>>, vector<16xf32>,
      tpu.vector_store %arg10[%parallel_loop3A_41, %parallel_loop3A_42], %broadcast_in_dim3A_0 {strides = array<i32>} : memref<50x128xf32, #tpu.memory_space<vmem>>, vector<16xf32>,
      %parallel_loop3A_44 = arith.index_cast %parallel_loop3A_22 : i32 to index
      %parallel_loop3A_45 = arith.constant 112 : index
      %parallel_loop3A_46 = tpu.vector_load %arg10[%parallel_loop3A_44, %parallel_loop3A_45] {strides = array<i32>} : memref<50x128xf32, #tpu.memory_space<vmem>>, vector<16xf32>,
      tpu.vector_store %arg10[%parallel_loop3A_44, %parallel_loop3A_45], %broadcast_in_dim3A_0 {strides = array<i32>} : memref<50x128xf32, #tpu.memory_space<vmem>>, vector<16xf32>,
    } {sc.loop_unroll_factor = 1 : i64, sc.parallel_access}
    %lt3A = arith.constant 15 : i32
    %lt3A_3 = arith.cmpi slt, %arg1, %lt3A : i32
    %jit3A = arith.constant 640 : i32
    %jit3A_4 = arith.constant 400 : i32
    %select_n3A = arith.select %lt3A_3, %jit3A, %jit3A_4 : i32
    %scan3A = arith.constant 0 : i32
    %scan3A_5 = arith.constant 16 : i32
    %scan3A_6 = arith.addi %scan3A, %scan3A_5 : i32
    %scan3A_7 = arith.constant 1 : i32
    scf.for %scan3A_22 = %scan3A to %scan3A_6 step %scan3A_7  : i32 {
      %mul3A = arith.constant 1 : i32
      %mul3A_23 = arith.muli %scan3A_22, %mul3A : i32
      %add3A = arith.constant 0 : i32
      %add3A_24 = arith.addi %add3A, %mul3A_23 : i32
      %mul3A_25 = arith.constant 40 : i32
      %mul3A_26 = arith.muli %add3A_24, %mul3A_25 : i32
      %lt3A_27 = arith.cmpi slt, %mul3A_26, %select_n3A : i32
      %convert_element_type3A_28 = arith.extui %lt3A_27 : i1 to i32
      %cond3A_29 = arith.constant 0 : i32
      %cond3A_30 = arith.cmpi ne, %convert_element_type3A_28, %cond3A_29 : i32
      scf.if %cond3A_30 {
        %mul3A_31 = arith.constant 640 : i32
        %mul3A_32 = arith.muli %arg1, %mul3A_31 : i32
        %mul3A_33 = arith.constant 40 : i32
        %mul3A_34 = arith.muli %add3A_24, %mul3A_33 : i32
        %add3A_35 = arith.addi %mul3A_32, %mul3A_34 : i32
        "tpu.region"() ({
          %run_scoped3A = tpu.sem_alloc : memref<!tpu.dma_semaphore, #tpu.memory_space<semaphore_mem>>
          %dma_start3A = arith.constant 0 : i32
          %dma_start3A_36 = arith.constant 0 : i32
          %dma_start3A_37 = tpu.memref_slice %arg10[%dma_start3A, %dma_start3A_36] : memref<50x128xf32, #tpu.memory_space<vmem>> -> memref<40x128xf32, #tpu.memory_space<vmem>>
          %dma_start3A_38 = arith.constant 0 : i32
          %dma_start3A_39 = tpu.memref_slice %arg15[%add3A_35, %dma_start3A_38] : memref<10000x128xf32, #tpu.memory_space<vmem_shared>> -> memref<40x128xf32, #tpu.memory_space<vmem_shared>>
          %dma_start3A_40 = arith.constant 0 : i32
          %dma_start3A_41 = tpu.memref_slice %arg15[%add3A_35, %dma_start3A_40] : memref<10000x128xf32, #tpu.memory_space<vmem_shared>> -> memref<40x128xf32, #tpu.memory_space<vmem_shared>>
          %dma_start3A_42 = arith.constant 0 : i32
          %dma_start3A_43 = arith.constant 0 : i32
          %dma_start3A_44 = tpu.memref_slice %arg10[%dma_start3A_42, %dma_start3A_43] : memref<50x128xf32, #tpu.memory_space<vmem>> -> memref<40x128xf32, #tpu.memory_space<vmem>>
          tpu.enqueue_dma source(%dma_start3A_44 : memref<40x128xf32, #tpu.memory_space<vmem>>) target(%dma_start3A_41 : memref<40x128xf32, #tpu.memory_space<vmem_shared>>) target_semaphore(%run_scoped3A : memref<!tpu.dma_semaphore, #tpu.memory_space<semaphore_mem>>)
          %dma_wait3A = arith.constant 0 : i32
          %dma_wait3A_45 = arith.constant 0 : i32
          %dma_wait3A_46 = tpu.memref_slice %arg10[%dma_wait3A, %dma_wait3A_45] : memref<50x128xf32, #tpu.memory_space<vmem>> -> memref<40x128xf32, #tpu.memory_space<vmem>>
          %dma_wait3A_47 = arith.constant 0 : i32
          %dma_wait3A_48 = tpu.memref_slice %arg15[%add3A_35, %dma_wait3A_47] : memref<10000x128xf32, #tpu.memory_space<vmem_shared>> -> memref<40x128xf32, #tpu.memory_space<vmem_shared>>
          %dma_wait3A_49 = arith.constant 0 : i32
          %dma_wait3A_50 = tpu.memref_slice %arg15[%add3A_35, %dma_wait3A_49] : memref<10000x128xf32, #tpu.memory_space<vmem_shared>> -> memref<40x128xf32, #tpu.memory_space<vmem_shared>>
          %dma_wait3A_51 = arith.constant 0 : i32
          %dma_wait3A_52 = arith.constant 0 : i32
          %dma_wait3A_53 = tpu.memref_slice %arg10[%dma_wait3A_51, %dma_wait3A_52] : memref<50x128xf32, #tpu.memory_space<vmem>> -> memref<40x128xf32, #tpu.memory_space<vmem>>
          tpu.wait_dma2 semaphore(%run_scoped3A : memref<!tpu.dma_semaphore, #tpu.memory_space<semaphore_mem>>) src(%dma_wait3A_53 : memref<40x128xf32, #tpu.memory_space<vmem>>) dst(%dma_wait3A_50 : memref<40x128xf32, #tpu.memory_space<vmem_shared>>)
          tpu.yield
        }) : () -> ()
      } else {
      }
    }
    %scan3A_8 = arith.constant 16 : i32
    %barrier3A = arith.constant 0 : index
    tpu.barrier barrier_id(%barrier3A)
    %scan3A_9 = arith.constant 0 : i32
    %scan3A_10 = arith.constant 10 : i32
    %scan3A_11 = arith.addi %scan3A_9, %scan3A_10 : i32
    %scan3A_12 = arith.constant 1 : i32
    scf.for %scan3A_22 = %scan3A_9 to %scan3A_11 step %scan3A_12  : i32 {
      %mul3A = arith.constant 1 : i32
      %mul3A_23 = arith.muli %scan3A_22, %mul3A : i32
      %add3A = arith.constant 0 : i32
      %add3A_24 = arith.addi %add3A, %mul3A_23 : i32
      %mul3A_25 = arith.constant 400 : i32
      %mul3A_26 = arith.muli %arg1, %mul3A_25 : i32
      %mul3A_27 = arith.constant 40 : i32
      %mul3A_28 = arith.muli %add3A_24, %mul3A_27 : i32
      %add3A_29 = arith.addi %mul3A_26, %mul3A_28 : i32
      "tpu.region"() ({
        %run_scoped3A = tpu.sem_alloc : memref<!tpu.dma_semaphore, #tpu.memory_space<semaphore_mem>>
        %dma_start3A_70 = arith.constant 0 : i32
        %dma_start3A_71 = tpu.memref_slice %arg2[%add3A_29, %dma_start3A_70] : memref<6400x50xi32, #tpu.memory_space<hbm>> -> memref<40x50xi32, #tpu.memory_space<hbm>>
        %dma_start3A_72 = arith.constant 0 : i32
        %dma_start3A_73 = tpu.memref_slice %arg2[%add3A_29, %dma_start3A_72] : memref<6400x50xi32, #tpu.memory_space<hbm>> -> memref<40x50xi32, #tpu.memory_space<hbm>>
        tpu.enqueue_dma source(%dma_start3A_73 : memref<40x50xi32, #tpu.memory_space<hbm>>) target(%arg7 : memref<40x50xi32, #tpu.memory_space<vmem>>) target_semaphore(%run_scoped3A : memref<!tpu.dma_semaphore, #tpu.memory_space<semaphore_mem>>)
        %dma_wait3A_74 = arith.constant 0 : i32
        %dma_wait3A_75 = tpu.memref_slice %arg2[%add3A_29, %dma_wait3A_74] : memref<6400x50xi32, #tpu.memory_space<hbm>> -> memref<40x50xi32, #tpu.memory_space<hbm>>
        %dma_wait3A_76 = arith.constant 0 : i32
        %dma_wait3A_77 = tpu.memref_slice %arg2[%add3A_29, %dma_wait3A_76] : memref<6400x50xi32, #tpu.memory_space<hbm>> -> memref<40x50xi32, #tpu.memory_space<hbm>>
        tpu.wait_dma2 semaphore(%run_scoped3A : memref<!tpu.dma_semaphore, #tpu.memory_space<semaphore_mem>>) src(%dma_wait3A_77 : memref<40x50xi32, #tpu.memory_space<hbm>>) dst(%arg7 : memref<40x50xi32, #tpu.memory_space<vmem>>)
        tpu.yield
      }) : () -> ()
      "tpu.region"() ({
        %run_scoped3A = tpu.sem_alloc : memref<!tpu.dma_semaphore, #tpu.memory_space<semaphore_mem>>
        %dma_start3A_70 = arith.constant 0 : i32
        %dma_start3A_71 = tpu.memref_slice %arg3[%add3A_29, %dma_start3A_70] : memref<6400x50xi32, #tpu.memory_space<hbm>> -> memref<40x50xi32, #tpu.memory_space<hbm>>
        %dma_start3A_72 = arith.constant 0 : i32
        %dma_start3A_73 = tpu.memref_slice %arg3[%add3A_29, %dma_start3A_72] : memref<6400x50xi32, #tpu.memory_space<hbm>> -> memref<40x50xi32, #tpu.memory_space<hbm>>
        tpu.enqueue_dma source(%dma_start3A_73 : memref<40x50xi32, #tpu.memory_space<hbm>>) target(%arg8 : memref<40x50xi32, #tpu.memory_space<vmem>>) target_semaphore(%run_scoped3A : memref<!tpu.dma_semaphore, #tpu.memory_space<semaphore_mem>>)
        %dma_wait3A_74 = arith.constant 0 : i32
        %dma_wait3A_75 = tpu.memref_slice %arg3[%add3A_29, %dma_wait3A_74] : memref<6400x50xi32, #tpu.memory_space<hbm>> -> memref<40x50xi32, #tpu.memory_space<hbm>>
        %dma_wait3A_76 = arith.constant 0 : i32
        %dma_wait3A_77 = tpu.memref_slice %arg3[%add3A_29, %dma_wait3A_76] : memref<6400x50xi32, #tpu.memory_space<hbm>> -> memref<40x50xi32, #tpu.memory_space<hbm>>
        tpu.wait_dma2 semaphore(%run_scoped3A : memref<!tpu.dma_semaphore, #tpu.memory_space<semaphore_mem>>) src(%dma_wait3A_77 : memref<40x50xi32, #tpu.memory_space<hbm>>) dst(%arg8 : memref<40x50xi32, #tpu.memory_space<vmem>>)
        tpu.yield
      }) : () -> ()
      %mul3A_30 = arith.constant 50 : i32
      %mul3A_31 = arith.muli %add3A_29, %mul3A_30 : i32
      "tpu.region"() ({
        %run_scoped3A = tpu.sem_alloc : memref<!tpu.dma_semaphore, #tpu.memory_space<semaphore_mem>>
        %dma_start3A_70 = tpu.memref_slice %arg4[%mul3A_31] : memref<320000xf32, #tpu.memory_space<hbm>> -> memref<2000xf32, #tpu.memory_space<hbm>>
        %dma_start3A_71 = tpu.memref_slice %arg4[%mul3A_31] : memref<320000xf32, #tpu.memory_space<hbm>> -> memref<2000xf32, #tpu.memory_space<hbm>>
        tpu.enqueue_dma source(%dma_start3A_71 : memref<2000xf32, #tpu.memory_space<hbm>>) target(%arg9 : memref<2000xf32, #tpu.memory_space<vmem>>) target_semaphore(%run_scoped3A : memref<!tpu.dma_semaphore, #tpu.memory_space<semaphore_mem>>)
        %dma_wait3A_72 = tpu.memref_slice %arg4[%mul3A_31] : memref<320000xf32, #tpu.memory_space<hbm>> -> memref<2000xf32, #tpu.memory_space<hbm>>
        %dma_wait3A_73 = tpu.memref_slice %arg4[%mul3A_31] : memref<320000xf32, #tpu.memory_space<hbm>> -> memref<2000xf32, #tpu.memory_space<hbm>>
        tpu.wait_dma2 semaphore(%run_scoped3A : memref<!tpu.dma_semaphore, #tpu.memory_space<semaphore_mem>>) src(%dma_wait3A_73 : memref<2000xf32, #tpu.memory_space<hbm>>) dst(%arg9 : memref<2000xf32, #tpu.memory_space<vmem>>)
        tpu.yield
      }) : () -> ()
      %dma_start3A = arith.constant 0 : i32
      %dma_start3A_32 = arith.constant 0 : i32
      %dma_start3A_33 = tpu.memref_slice %arg7[%dma_start3A, %dma_start3A_32] : memref<40x50xi32, #tpu.memory_space<vmem>> -> memref<1x50xi32, #tpu.memory_space<vmem>>
      %dma_start3A_34 = tpu.memref_squeeze %dma_start3A_33 : memref<1x50xi32, #tpu.memory_space<vmem>> -> memref<50xi32, #tpu.memory_space<vmem>>
      %dma_start3A_35 = arith.constant 0 : i32
      %dma_start3A_36 = arith.constant 0 : i32
      %dma_start3A_37 = tpu.memref_slice %arg5[%dma_start3A_35, %dma_start3A_36] : memref<10000x128xf32, #tpu.memory_space<hbm>> -> memref<10000x128xf32, #tpu.memory_space<hbm>>
      tpu.enqueue_indirect_dma source(%dma_start3A_37 : memref<10000x128xf32, #tpu.memory_space<hbm>>) target(%arg10 : memref<50x128xf32, #tpu.memory_space<vmem>>) offsets(%dma_start3A_34 : memref<50xi32, #tpu.memory_space<vmem>>) semaphore(%arg16 : memref<!tpu.dma_semaphore, #tpu.memory_space<semaphore_mem>>)
      %dma_start3A_38 = arith.constant 1 : i32
      %dma_start3A_39 = arith.constant 0 : i32
      %dma_start3A_40 = tpu.memref_slice %arg7[%dma_start3A_38, %dma_start3A_39] : memref<40x50xi32, #tpu.memory_space<vmem>> -> memref<1x50xi32, #tpu.memory_space<vmem>>
      %dma_start3A_41 = tpu.memref_squeeze %dma_start3A_40 : memref<1x50xi32, #tpu.memory_space<vmem>> -> memref<50xi32, #tpu.memory_space<vmem>>
      %dma_start3A_42 = arith.constant 0 : i32
      %dma_start3A_43 = arith.constant 0 : i32
      %dma_start3A_44 = tpu.memref_slice %arg5[%dma_start3A_42, %dma_start3A_43] : memref<10000x128xf32, #tpu.memory_space<hbm>> -> memref<10000x128xf32, #tpu.memory_space<hbm>>
      tpu.enqueue_indirect_dma source(%dma_start3A_44 : memref<10000x128xf32, #tpu.memory_space<hbm>>) target(%arg11 : memref<50x128xf32, #tpu.memory_space<vmem>>) offsets(%dma_start3A_41 : memref<50xi32, #tpu.memory_space<vmem>>) semaphore(%arg17 : memref<!tpu.dma_semaphore, #tpu.memory_space<semaphore_mem>>)
      %dma_start3A_45 = arith.constant 2 : i32
      %dma_start3A_46 = arith.constant 0 : i32
      %dma_start3A_47 = tpu.memref_slice %arg7[%dma_start3A_45, %dma_start3A_46] : memref<40x50xi32, #tpu.memory_space<vmem>> -> memref<1x50xi32, #tpu.memory_space<vmem>>
      %dma_start3A_48 = tpu.memref_squeeze %dma_start3A_47 : memref<1x50xi32, #tpu.memory_space<vmem>> -> memref<50xi32, #tpu.memory_space<vmem>>
      %dma_start3A_49 = arith.constant 0 : i32
      %dma_start3A_50 = arith.constant 0 : i32
      %dma_start3A_51 = tpu.memref_slice %arg5[%dma_start3A_49, %dma_start3A_50] : memref<10000x128xf32, #tpu.memory_space<hbm>> -> memref<10000x128xf32, #tpu.memory_space<hbm>>
      tpu.enqueue_indirect_dma source(%dma_start3A_51 : memref<10000x128xf32, #tpu.memory_space<hbm>>) target(%arg12 : memref<50x128xf32, #tpu.memory_space<vmem>>) offsets(%dma_start3A_48 : memref<50xi32, #tpu.memory_space<vmem>>) semaphore(%arg18 : memref<!tpu.dma_semaphore, #tpu.memory_space<semaphore_mem>>)
      %scan3A_52 = arith.constant 0 : i32
      %scan3A_53 = arith.constant 8 : i32
      %scan3A_54 = arith.addi %scan3A_52, %scan3A_53 : i32
      %scan3A_55 = arith.constant 1 : i32
      scf.for %scan3A_70 = %scan3A_52 to %scan3A_54 step %scan3A_55  : i32 {
        %mul3A_71 = arith.constant 1 : i32
        %mul3A_72 = arith.muli %scan3A_70, %mul3A_71 : i32
        %add3A_73 = arith.constant 0 : i32
        %add3A_74 = arith.addi %add3A_73, %mul3A_72 : i32
        %mul3A_75 = arith.constant 5 : i32
        %mul3A_76 = arith.muli %add3A_74, %mul3A_75 : i32
        %add3A_77 = arith.constant 0 : i32
        %add3A_78 = arith.addi %mul3A_76, %add3A_77 : i32
        %ge3A = arith.constant 2 : i32
        %ge3A_79 = arith.cmpi sge, %add3A_78, %ge3A : i32
        %convert_element_type3A_80 = arith.extui %ge3A_79 : i1 to i32
        %cond3A_81 = arith.constant 0 : i32
        %cond3A_82 = arith.cmpi ne, %convert_element_type3A_80, %cond3A_81 : i32
        scf.if %cond3A_82 {
          %sub3A = arith.constant 2 : i32
          %sub3A_228 = arith.subi %add3A_78, %sub3A : i32
          %dma_wait3A_229 = arith.constant 0 : i32
          %dma_wait3A_230 = tpu.memref_slice %arg8[%sub3A_228, %dma_wait3A_229] : memref<40x50xi32, #tpu.memory_space<vmem>> -> memref<1x50xi32, #tpu.memory_space<vmem>>
          %dma_wait3A_231 = tpu.memref_squeeze %dma_wait3A_230 : memref<1x50xi32, #tpu.memory_space<vmem>> -> memref<50xi32, #tpu.memory_space<vmem>>
          %dma_wait3A_232 = arith.constant 0 : i32
          %dma_wait3A_233 = arith.constant 0 : i32
          %dma_wait3A_234 = tpu.memref_slice %arg15[%dma_wait3A_232, %dma_wait3A_233] : memref<10000x128xf32, #tpu.memory_space<vmem_shared>> -> memref<10000x128xf32, #tpu.memory_space<vmem_shared>>
          tpu.wait_indirect_dma semaphore(%arg24 : memref<!tpu.dma_semaphore, #tpu.memory_space<semaphore_mem>>) src(%arg13 : memref<50x128xf32, #tpu.memory_space<vmem>>) dst(%dma_wait3A_234 : memref<10000x128xf32, #tpu.memory_space<vmem_shared>>)
        } else {
        }
        %add3A_83 = arith.constant 3 : i32
        %add3A_84 = arith.addi %add3A_78, %add3A_83 : i32
        %le3A = arith.constant 39 : i32
        %le3A_85 = arith.cmpi sle, %add3A_84, %le3A : i32
        %convert_element_type3A_86 = arith.extui %le3A_85 : i1 to i32
        %cond3A_87 = arith.constant 0 : i32
        %cond3A_88 = arith.cmpi ne, %convert_element_type3A_86, %cond3A_87 : i32
        scf.if %cond3A_88 {
          %add3A_228 = arith.constant 3 : i32
          %add3A_229 = arith.addi %add3A_78, %add3A_228 : i32
          %dma_start3A_230 = arith.constant 0 : i32
          %dma_start3A_231 = tpu.memref_slice %arg7[%add3A_229, %dma_start3A_230] : memref<40x50xi32, #tpu.memory_space<vmem>> -> memref<1x50xi32, #tpu.memory_space<vmem>>
          %dma_start3A_232 = tpu.memref_squeeze %dma_start3A_231 : memref<1x50xi32, #tpu.memory_space<vmem>> -> memref<50xi32, #tpu.memory_space<vmem>>
          %dma_start3A_233 = arith.constant 0 : i32
          %dma_start3A_234 = arith.constant 0 : i32
          %dma_start3A_235 = tpu.memref_slice %arg5[%dma_start3A_233, %dma_start3A_234] : memref<10000x128xf32, #tpu.memory_space<hbm>> -> memref<10000x128xf32, #tpu.memory_space<hbm>>
          tpu.enqueue_indirect_dma source(%dma_start3A_235 : memref<10000x128xf32, #tpu.memory_space<hbm>>) target(%arg13 : memref<50x128xf32, #tpu.memory_space<vmem>>) offsets(%dma_start3A_232 : memref<50xi32, #tpu.memory_space<vmem>>) semaphore(%arg19 : memref<!tpu.dma_semaphore, #tpu.memory_space<semaphore_mem>>)
        } else {
        }
        %dma_wait3A_89 = arith.constant 0 : i32
        %dma_wait3A_90 = tpu.memref_slice %arg7[%add3A_78, %dma_wait3A_89] : memref<40x50xi32, #tpu.memory_space<vmem>> -> memref<1x50xi32, #tpu.memory_space<vmem>>
        %dma_wait3A_91 = tpu.memref_squeeze %dma_wait3A_90 : memref<1x50xi32, #tpu.memory_space<vmem>> -> memref<50xi32, #tpu.memory_space<vmem>>
        %dma_wait3A_92 = arith.constant 0 : i32
        %dma_wait3A_93 = arith.constant 0 : i32
        %dma_wait3A_94 = tpu.memref_slice %arg5[%dma_wait3A_92, %dma_wait3A_93] : memref<10000x128xf32, #tpu.memory_space<hbm>> -> memref<10000x128xf32, #tpu.memory_space<hbm>>
        tpu.wait_indirect_dma semaphore(%arg16 : memref<!tpu.dma_semaphore, #tpu.memory_space<semaphore_mem>>) src(%dma_wait3A_94 : memref<10000x128xf32, #tpu.memory_space<hbm>>) dst(%arg10 : memref<50x128xf32, #tpu.memory_space<vmem>>)
        %parallel_loop3A_95 = arith.constant 0 : i32
        %parallel_loop3A_96 = arith.constant 50 : i32
        %parallel_loop3A_97 = arith.constant 1 : i32
        scf.for %parallel_loop3A_228 = %parallel_loop3A_95 to %parallel_loop3A_96 step %parallel_loop3A_97  : i32 {
          %parallel_loop3A_229 = arith.constant 50 : i32
          %parallel_loop3A_230 = arith.muli %add3A_78, %parallel_loop3A_229 : i32
          %parallel_loop3A_231 = arith.addi %parallel_loop3A_230, %parallel_loop3A_228 : i32
          %parallel_loop3A_232 = vector.broadcast %parallel_loop3A_231 : i32 to vector<16xi32>
          %parallel_loop3A_233 = tpu.vector_load_idx %arg9[%parallel_loop3A_232] : memref<2000xf32, #tpu.memory_space<vmem>>[vector<16xi32>], vector<16xf32>,
          %parallel_loop3A_234 = arith.index_cast %parallel_loop3A_228 : i32 to index
          %parallel_loop3A_235 = arith.constant 0 : index
          %parallel_loop3A_236 = tpu.vector_load %arg10[%parallel_loop3A_234, %parallel_loop3A_235] {strides = array<i32>} : memref<50x128xf32, #tpu.memory_space<vmem>>, vector<16xf32>,
          %parallel_loop3A_237 = arith.mulf %parallel_loop3A_236, %parallel_loop3A_233 : vector<16xf32>
          %parallel_loop3A_238 = arith.index_cast %parallel_loop3A_228 : i32 to index
          %parallel_loop3A_239 = arith.constant 0 : index
          %parallel_loop3A_240 = tpu.vector_load %arg10[%parallel_loop3A_238, %parallel_loop3A_239] {strides = array<i32>} : memref<50x128xf32, #tpu.memory_space<vmem>>, vector<16xf32>,
          tpu.vector_store %arg10[%parallel_loop3A_238, %parallel_loop3A_239], %parallel_loop3A_237 {strides = array<i32>} : memref<50x128xf32, #tpu.memory_space<vmem>>, vector<16xf32>,
          %parallel_loop3A_241 = arith.index_cast %parallel_loop3A_228 : i32 to index
          %parallel_loop3A_242 = arith.constant 16 : index
          %parallel_loop3A_243 = tpu.vector_load %arg10[%parallel_loop3A_241, %parallel_loop3A_242] {strides = array<i32>} : memref<50x128xf32, #tpu.memory_space<vmem>>, vector<16xf32>,
          %parallel_loop3A_244 = arith.mulf %parallel_loop3A_243, %parallel_loop3A_233 : vector<16xf32>
          %parallel_loop3A_245 = arith.index_cast %parallel_loop3A_228 : i32 to index
          %parallel_loop3A_246 = arith.constant 16 : index
          %parallel_loop3A_247 = tpu.vector_load %arg10[%parallel_loop3A_245, %parallel_loop3A_246] {strides = array<i32>} : memref<50x128xf32, #tpu.memory_space<vmem>>, vector<16xf32>,
          tpu.vector_store %arg10[%parallel_loop3A_245, %parallel_loop3A_246], %parallel_loop3A_244 {strides = array<i32>} : memref<50x128xf32, #tpu.memory_space<vmem>>, vector<16xf32>,
          %parallel_loop3A_248 = arith.index_cast %parallel_loop3A_228 : i32 to index
          %parallel_loop3A_249 = arith.constant 32 : index
          %parallel_loop3A_250 = tpu.vector_load %arg10[%parallel_loop3A_248, %parallel_loop3A_249] {strides = array<i32>} : memref<50x128xf32, #tpu.memory_space<vmem>>, vector<16xf32>,
          %parallel_loop3A_251 = arith.mulf %parallel_loop3A_250, %parallel_loop3A_233 : vector<16xf32>
          %parallel_loop3A_252 = arith.index_cast %parallel_loop3A_228 : i32 to index
          %parallel_loop3A_253 = arith.constant 32 : index
          %parallel_loop3A_254 = tpu.vector_load %arg10[%parallel_loop3A_252, %parallel_loop3A_253] {strides = array<i32>} : memref<50x128xf32, #tpu.memory_space<vmem>>, vector<16xf32>,
          tpu.vector_store %arg10[%parallel_loop3A_252, %parallel_loop3A_253], %parallel_loop3A_251 {strides = array<i32>} : memref<50x128xf32, #tpu.memory_space<vmem>>, vector<16xf32>,
          %parallel_loop3A_255 = arith.index_cast %parallel_loop3A_228 : i32 to index
          %parallel_loop3A_256 = arith.constant 48 : index
          %parallel_loop3A_257 = tpu.vector_load %arg10[%parallel_loop3A_255, %parallel_loop3A_256] {strides = array<i32>} : memref<50x128xf32, #tpu.memory_space<vmem>>, vector<16xf32>,
          %parallel_loop3A_258 = arith.mulf %parallel_loop3A_257, %parallel_loop3A_233 : vector<16xf32>
          %parallel_loop3A_259 = arith.index_cast %parallel_loop3A_228 : i32 to index
          %parallel_loop3A_260 = arith.constant 48 : index
          %parallel_loop3A_261 = tpu.vector_load %arg10[%parallel_loop3A_259, %parallel_loop3A_260] {strides = array<i32>} : memref<50x128xf32, #tpu.memory_space<vmem>>, vector<16xf32>,
          tpu.vector_store %arg10[%parallel_loop3A_259, %parallel_loop3A_260], %parallel_loop3A_258 {strides = array<i32>} : memref<50x128xf32, #tpu.memory_space<vmem>>, vector<16xf32>,
          %parallel_loop3A_262 = arith.index_cast %parallel_loop3A_228 : i32 to index
          %parallel_loop3A_263 = arith.constant 64 : index
          %parallel_loop3A_264 = tpu.vector_load %arg10[%parallel_loop3A_262, %parallel_loop3A_263] {strides = array<i32>} : memref<50x128xf32, #tpu.memory_space<vmem>>, vector<16xf32>,
          %parallel_loop3A_265 = arith.mulf %parallel_loop3A_264, %parallel_loop3A_233 : vector<16xf32>
          %parallel_loop3A_266 = arith.index_cast %parallel_loop3A_228 : i32 to index
          %parallel_loop3A_267 = arith.constant 64 : index
          %parallel_loop3A_268 = tpu.vector_load %arg10[%parallel_loop3A_266, %parallel_loop3A_267] {strides = array<i32>} : memref<50x128xf32, #tpu.memory_space<vmem>>, vector<16xf32>,
          tpu.vector_store %arg10[%parallel_loop3A_266, %parallel_loop3A_267], %parallel_loop3A_265 {strides = array<i32>} : memref<50x128xf32, #tpu.memory_space<vmem>>, vector<16xf32>,
          %parallel_loop3A_269 = arith.index_cast %parallel_loop3A_228 : i32 to index
          %parallel_loop3A_270 = arith.constant 80 : index
          %parallel_loop3A_271 = tpu.vector_load %arg10[%parallel_loop3A_269, %parallel_loop3A_270] {strides = array<i32>} : memref<50x128xf32, #tpu.memory_space<vmem>>, vector<16xf32>,
          %parallel_loop3A_272 = arith.mulf %parallel_loop3A_271, %parallel_loop3A_233 : vector<16xf32>
          %parallel_loop3A_273 = arith.index_cast %parallel_loop3A_228 : i32 to index
          %parallel_loop3A_274 = arith.constant 80 : index
          %parallel_loop3A_275 = tpu.vector_load %arg10[%parallel_loop3A_273, %parallel_loop3A_274] {strides = array<i32>} : memref<50x128xf32, #tpu.memory_space<vmem>>, vector<16xf32>,
          tpu.vector_store %arg10[%parallel_loop3A_273, %parallel_loop3A_274], %parallel_loop3A_272 {strides = array<i32>} : memref<50x128xf32, #tpu.memory_space<vmem>>, vector<16xf32>,
          %parallel_loop3A_276 = arith.index_cast %parallel_loop3A_228 : i32 to index
          %parallel_loop3A_277 = arith.constant 96 : index
          %parallel_loop3A_278 = tpu.vector_load %arg10[%parallel_loop3A_276, %parallel_loop3A_277] {strides = array<i32>} : memref<50x128xf32, #tpu.memory_space<vmem>>, vector<16xf32>,
          %parallel_loop3A_279 = arith.mulf %parallel_loop3A_278, %parallel_loop3A_233 : vector<16xf32>
          %parallel_loop3A_280 = arith.index_cast %parallel_loop3A_228 : i32 to index
          %parallel_loop3A_281 = arith.constant 96 : index
          %parallel_loop3A_282 = tpu.vector_load %arg10[%parallel_loop3A_280, %parallel_loop3A_281] {strides = array<i32>} : memref<50x128xf32, #tpu.memory_space<vmem>>, vector<16xf32>,
          tpu.vector_store %arg10[%parallel_loop3A_280, %parallel_loop3A_281], %parallel_loop3A_279 {strides = array<i32>} : memref<50x128xf32, #tpu.memory_space<vmem>>, vector<16xf32>,
          %parallel_loop3A_283 = arith.index_cast %parallel_loop3A_228 : i32 to index
          %parallel_loop3A_284 = arith.constant 112 : index
          %parallel_loop3A_285 = tpu.vector_load %arg10[%parallel_loop3A_283, %parallel_loop3A_284] {strides = array<i32>} : memref<50x128xf32, #tpu.memory_space<vmem>>, vector<16xf32>,
          %parallel_loop3A_286 = arith.mulf %parallel_loop3A_285, %parallel_loop3A_233 : vector<16xf32>
          %parallel_loop3A_287 = arith.index_cast %parallel_loop3A_228 : i32 to index
          %parallel_loop3A_288 = arith.constant 112 : index
          %parallel_loop3A_289 = tpu.vector_load %arg10[%parallel_loop3A_287, %parallel_loop3A_288] {strides = array<i32>} : memref<50x128xf32, #tpu.memory_space<vmem>>, vector<16xf32>,
          tpu.vector_store %arg10[%parallel_loop3A_287, %parallel_loop3A_288], %parallel_loop3A_286 {strides = array<i32>} : memref<50x128xf32, #tpu.memory_space<vmem>>, vector<16xf32>,
        } {sc.loop_unroll_factor = 5 : i64, sc.parallel_access}
        %dma_start3A_98 = arith.constant 0 : i32
        %dma_start3A_99 = tpu.memref_slice %arg8[%add3A_78, %dma_start3A_98] : memref<40x50xi32, #tpu.memory_space<vmem>> -> memref<1x50xi32, #tpu.memory_space<vmem>>
        %dma_start3A_100 = tpu.memref_squeeze %dma_start3A_99 : memref<1x50xi32, #tpu.memory_space<vmem>> -> memref<50xi32, #tpu.memory_space<vmem>>
        %dma_start3A_101 = arith.constant 0 : i32
        %dma_start3A_102 = arith.constant 0 : i32
        %dma_start3A_103 = tpu.memref_slice %arg15[%dma_start3A_101, %dma_start3A_102] : memref<10000x128xf32, #tpu.memory_space<vmem_shared>> -> memref<10000x128xf32, #tpu.memory_space<vmem_shared>>
        tpu.enqueue_indirect_dma source(%arg10 : memref<50x128xf32, #tpu.memory_space<vmem>>) target(%dma_start3A_103 : memref<10000x128xf32, #tpu.memory_space<vmem_shared>>) offsets(%dma_start3A_100 : memref<50xi32, #tpu.memory_space<vmem>>) semaphore(%arg21 : memref<!tpu.dma_semaphore, #tpu.memory_space<semaphore_mem>>) {add = true}
        %mul3A_104 = arith.constant 5 : i32
        %mul3A_105 = arith.muli %add3A_74, %mul3A_104 : i32
        %add3A_106 = arith.constant 1 : i32
        %add3A_107 = arith.addi %mul3A_105, %add3A_106 : i32
        %ge3A_108 = arith.constant 2 : i32
        %ge3A_109 = arith.cmpi sge, %add3A_107, %ge3A_108 : i32
        %convert_element_type3A_110 = arith.extui %ge3A_109 : i1 to i32
        %cond3A_111 = arith.constant 0 : i32
        %cond3A_112 = arith.cmpi ne, %convert_element_type3A_110, %cond3A_111 : i32
        scf.if %cond3A_112 {
          %sub3A = arith.constant 2 : i32
          %sub3A_228 = arith.subi %add3A_107, %sub3A : i32
          %dma_wait3A_229 = arith.constant 0 : i32
          %dma_wait3A_230 = tpu.memref_slice %arg8[%sub3A_228, %dma_wait3A_229] : memref<40x50xi32, #tpu.memory_space<vmem>> -> memref<1x50xi32, #tpu.memory_space<vmem>>
          %dma_wait3A_231 = tpu.memref_squeeze %dma_wait3A_230 : memref<1x50xi32, #tpu.memory_space<vmem>> -> memref<50xi32, #tpu.memory_space<vmem>>
          %dma_wait3A_232 = arith.constant 0 : i32
          %dma_wait3A_233 = arith.constant 0 : i32
          %dma_wait3A_234 = tpu.memref_slice %arg15[%dma_wait3A_232, %dma_wait3A_233] : memref<10000x128xf32, #tpu.memory_space<vmem_shared>> -> memref<10000x128xf32, #tpu.memory_space<vmem_shared>>
          tpu.wait_indirect_dma semaphore(%arg25 : memref<!tpu.dma_semaphore, #tpu.memory_space<semaphore_mem>>) src(%arg14 : memref<50x128xf32, #tpu.memory_space<vmem>>) dst(%dma_wait3A_234 : memref<10000x128xf32, #tpu.memory_space<vmem_shared>>)
        } else {
        }
        %add3A_113 = arith.constant 3 : i32
        %add3A_114 = arith.addi %add3A_107, %add3A_113 : i32
        %le3A_115 = arith.constant 39 : i32
        %le3A_116 = arith.cmpi sle, %add3A_114, %le3A_115 : i32
        %convert_element_type3A_117 = arith.extui %le3A_116 : i1 to i32
        %cond3A_118 = arith.constant 0 : i32
        %cond3A_119 = arith.cmpi ne, %convert_element_type3A_117, %cond3A_118 : i32
        scf.if %cond3A_119 {
          %add3A_228 = arith.constant 3 : i32
          %add3A_229 = arith.addi %add3A_107, %add3A_228 : i32
          %dma_start3A_230 = arith.constant 0 : i32
          %dma_start3A_231 = tpu.memref_slice %arg7[%add3A_229, %dma_start3A_230] : memref<40x50xi32, #tpu.memory_space<vmem>> -> memref<1x50xi32, #tpu.memory_space<vmem>>
          %dma_start3A_232 = tpu.memref_squeeze %dma_start3A_231 : memref<1x50xi32, #tpu.memory_space<vmem>> -> memref<50xi32, #tpu.memory_space<vmem>>
          %dma_start3A_233 = arith.constant 0 : i32
          %dma_start3A_234 = arith.constant 0 : i32
          %dma_start3A_235 = tpu.memref_slice %arg5[%dma_start3A_233, %dma_start3A_234] : memref<10000x128xf32, #tpu.memory_space<hbm>> -> memref<10000x128xf32, #tpu.memory_space<hbm>>
          tpu.enqueue_indirect_dma source(%dma_start3A_235 : memref<10000x128xf32, #tpu.memory_space<hbm>>) target(%arg14 : memref<50x128xf32, #tpu.memory_space<vmem>>) offsets(%dma_start3A_232 : memref<50xi32, #tpu.memory_space<vmem>>) semaphore(%arg20 : memref<!tpu.dma_semaphore, #tpu.memory_space<semaphore_mem>>)
        } else {
        }
        %dma_wait3A_120 = arith.constant 0 : i32
        %dma_wait3A_121 = tpu.memref_slice %arg7[%add3A_107, %dma_wait3A_120] : memref<40x50xi32, #tpu.memory_space<vmem>> -> memref<1x50xi32, #tpu.memory_space<vmem>>
        %dma_wait3A_122 = tpu.memref_squeeze %dma_wait3A_121 : memref<1x50xi32, #tpu.memory_space<vmem>> -> memref<50xi32, #tpu.memory_space<vmem>>
        %dma_wait3A_123 = arith.constant 0 : i32
        %dma_wait3A_124 = arith.constant 0 : i32
        %dma_wait3A_125 = tpu.memref_slice %arg5[%dma_wait3A_123, %dma_wait3A_124] : memref<10000x128xf32, #tpu.memory_space<hbm>> -> memref<10000x128xf32, #tpu.memory_space<hbm>>
        tpu.wait_indirect_dma semaphore(%arg17 : memref<!tpu.dma_semaphore, #tpu.memory_space<semaphore_mem>>) src(%dma_wait3A_125 : memref<10000x128xf32, #tpu.memory_space<hbm>>) dst(%arg11 : memref<50x128xf32, #tpu.memory_space<vmem>>)
        %parallel_loop3A_126 = arith.constant 0 : i32
        %parallel_loop3A_127 = arith.constant 50 : i32
        %parallel_loop3A_128 = arith.constant 1 : i32
        scf.for %parallel_loop3A_228 = %parallel_loop3A_126 to %parallel_loop3A_127 step %parallel_loop3A_128  : i32 {
          %parallel_loop3A_229 = arith.constant 50 : i32
          %parallel_loop3A_230 = arith.muli %add3A_107, %parallel_loop3A_229 : i32
          %parallel_loop3A_231 = arith.addi %parallel_loop3A_230, %parallel_loop3A_228 : i32
          %parallel_loop3A_232 = vector.broadcast %parallel_loop3A_231 : i32 to vector<16xi32>
          %parallel_loop3A_233 = tpu.vector_load_idx %arg9[%parallel_loop3A_232] : memref<2000xf32, #tpu.memory_space<vmem>>[vector<16xi32>], vector<16xf32>,
          %parallel_loop3A_234 = arith.index_cast %parallel_loop3A_228 : i32 to index
          %parallel_loop3A_235 = arith.constant 0 : index
          %parallel_loop3A_236 = tpu.vector_load %arg11[%parallel_loop3A_234, %parallel_loop3A_235] {strides = array<i32>} : memref<50x128xf32, #tpu.memory_space<vmem>>, vector<16xf32>,
          %parallel_loop3A_237 = arith.mulf %parallel_loop3A_236, %parallel_loop3A_233 : vector<16xf32>
          %parallel_loop3A_238 = arith.index_cast %parallel_loop3A_228 : i32 to index
          %parallel_loop3A_239 = arith.constant 0 : index
          %parallel_loop3A_240 = tpu.vector_load %arg11[%parallel_loop3A_238, %parallel_loop3A_239] {strides = array<i32>} : memref<50x128xf32, #tpu.memory_space<vmem>>, vector<16xf32>,
          tpu.vector_store %arg11[%parallel_loop3A_238, %parallel_loop3A_239], %parallel_loop3A_237 {strides = array<i32>} : memref<50x128xf32, #tpu.memory_space<vmem>>, vector<16xf32>,
          %parallel_loop3A_241 = arith.index_cast %parallel_loop3A_228 : i32 to index
          %parallel_loop3A_242 = arith.constant 16 : index
          %parallel_loop3A_243 = tpu.vector_load %arg11[%parallel_loop3A_241, %parallel_loop3A_242] {strides = array<i32>} : memref<50x128xf32, #tpu.memory_space<vmem>>, vector<16xf32>,
          %parallel_loop3A_244 = arith.mulf %parallel_loop3A_243, %parallel_loop3A_233 : vector<16xf32>
          %parallel_loop3A_245 = arith.index_cast %parallel_loop3A_228 : i32 to index
          %parallel_loop3A_246 = arith.constant 16 : index
          %parallel_loop3A_247 = tpu.vector_load %arg11[%parallel_loop3A_245, %parallel_loop3A_246] {strides = array<i32>} : memref<50x128xf32, #tpu.memory_space<vmem>>, vector<16xf32>,
          tpu.vector_store %arg11[%parallel_loop3A_245, %parallel_loop3A_246], %parallel_loop3A_244 {strides = array<i32>} : memref<50x128xf32, #tpu.memory_space<vmem>>, vector<16xf32>,
          %parallel_loop3A_248 = arith.index_cast %parallel_loop3A_228 : i32 to index
          %parallel_loop3A_249 = arith.constant 32 : index
          %parallel_loop3A_250 = tpu.vector_load %arg11[%parallel_loop3A_248, %parallel_loop3A_249] {strides = array<i32>} : memref<50x128xf32, #tpu.memory_space<vmem>>, vector<16xf32>,
          %parallel_loop3A_251 = arith.mulf %parallel_loop3A_250, %parallel_loop3A_233 : vector<16xf32>
          %parallel_loop3A_252 = arith.index_cast %parallel_loop3A_228 : i32 to index
          %parallel_loop3A_253 = arith.constant 32 : index
          %parallel_loop3A_254 = tpu.vector_load %arg11[%parallel_loop3A_252, %parallel_loop3A_253] {strides = array<i32>} : memref<50x128xf32, #tpu.memory_space<vmem>>, vector<16xf32>,
          tpu.vector_store %arg11[%parallel_loop3A_252, %parallel_loop3A_253], %parallel_loop3A_251 {strides = array<i32>} : memref<50x128xf32, #tpu.memory_space<vmem>>, vector<16xf32>,
          %parallel_loop3A_255 = arith.index_cast %parallel_loop3A_228 : i32 to index
          %parallel_loop3A_256 = arith.constant 48 : index
          %parallel_loop3A_257 = tpu.vector_load %arg11[%parallel_loop3A_255, %parallel_loop3A_256] {strides = array<i32>} : memref<50x128xf32, #tpu.memory_space<vmem>>, vector<16xf32>,
          %parallel_loop3A_258 = arith.mulf %parallel_loop3A_257, %parallel_loop3A_233 : vector<16xf32>
          %parallel_loop3A_259 = arith.index_cast %parallel_loop3A_228 : i32 to index
          %parallel_loop3A_260 = arith.constant 48 : index
          %parallel_loop3A_261 = tpu.vector_load %arg11[%parallel_loop3A_259, %parallel_loop3A_260] {strides = array<i32>} : memref<50x128xf32, #tpu.memory_space<vmem>>, vector<16xf32>,
          tpu.vector_store %arg11[%parallel_loop3A_259, %parallel_loop3A_260], %parallel_loop3A_258 {strides = array<i32>} : memref<50x128xf32, #tpu.memory_space<vmem>>, vector<16xf32>,
          %parallel_loop3A_262 = arith.index_cast %parallel_loop3A_228 : i32 to index
          %parallel_loop3A_263 = arith.constant 64 : index
          %parallel_loop3A_264 = tpu.vector_load %arg11[%parallel_loop3A_262, %parallel_loop3A_263] {strides = array<i32>} : memref<50x128xf32, #tpu.memory_space<vmem>>, vector<16xf32>,
          %parallel_loop3A_265 = arith.mulf %parallel_loop3A_264, %parallel_loop3A_233 : vector<16xf32>
          %parallel_loop3A_266 = arith.index_cast %parallel_loop3A_228 : i32 to index
          %parallel_loop3A_267 = arith.constant 64 : index
          %parallel_loop3A_268 = tpu.vector_load %arg11[%parallel_loop3A_266, %parallel_loop3A_267] {strides = array<i32>} : memref<50x128xf32, #tpu.memory_space<vmem>>, vector<16xf32>,
          tpu.vector_store %arg11[%parallel_loop3A_266, %parallel_loop3A_267], %parallel_loop3A_265 {strides = array<i32>} : memref<50x128xf32, #tpu.memory_space<vmem>>, vector<16xf32>,
          %parallel_loop3A_269 = arith.index_cast %parallel_loop3A_228 : i32 to index
          %parallel_loop3A_270 = arith.constant 80 : index
          %parallel_loop3A_271 = tpu.vector_load %arg11[%parallel_loop3A_269, %parallel_loop3A_270] {strides = array<i32>} : memref<50x128xf32, #tpu.memory_space<vmem>>, vector<16xf32>,
          %parallel_loop3A_272 = arith.mulf %parallel_loop3A_271, %parallel_loop3A_233 : vector<16xf32>
          %parallel_loop3A_273 = arith.index_cast %parallel_loop3A_228 : i32 to index
          %parallel_loop3A_274 = arith.constant 80 : index
          %parallel_loop3A_275 = tpu.vector_load %arg11[%parallel_loop3A_273, %parallel_loop3A_274] {strides = array<i32>} : memref<50x128xf32, #tpu.memory_space<vmem>>, vector<16xf32>,
          tpu.vector_store %arg11[%parallel_loop3A_273, %parallel_loop3A_274], %parallel_loop3A_272 {strides = array<i32>} : memref<50x128xf32, #tpu.memory_space<vmem>>, vector<16xf32>,
          %parallel_loop3A_276 = arith.index_cast %parallel_loop3A_228 : i32 to index
          %parallel_loop3A_277 = arith.constant 96 : index
          %parallel_loop3A_278 = tpu.vector_load %arg11[%parallel_loop3A_276, %parallel_loop3A_277] {strides = array<i32>} : memref<50x128xf32, #tpu.memory_space<vmem>>, vector<16xf32>,
          %parallel_loop3A_279 = arith.mulf %parallel_loop3A_278, %parallel_loop3A_233 : vector<16xf32>
          %parallel_loop3A_280 = arith.index_cast %parallel_loop3A_228 : i32 to index
          %parallel_loop3A_281 = arith.constant 96 : index
          %parallel_loop3A_282 = tpu.vector_load %arg11[%parallel_loop3A_280, %parallel_loop3A_281] {strides = array<i32>} : memref<50x128xf32, #tpu.memory_space<vmem>>, vector<16xf32>,
          tpu.vector_store %arg11[%parallel_loop3A_280, %parallel_loop3A_281], %parallel_loop3A_279 {strides = array<i32>} : memref<50x128xf32, #tpu.memory_space<vmem>>, vector<16xf32>,
          %parallel_loop3A_283 = arith.index_cast %parallel_loop3A_228 : i32 to index
          %parallel_loop3A_284 = arith.constant 112 : index
          %parallel_loop3A_285 = tpu.vector_load %arg11[%parallel_loop3A_283, %parallel_loop3A_284] {strides = array<i32>} : memref<50x128xf32, #tpu.memory_space<vmem>>, vector<16xf32>,
          %parallel_loop3A_286 = arith.mulf %parallel_loop3A_285, %parallel_loop3A_233 : vector<16xf32>
          %parallel_loop3A_287 = arith.index_cast %parallel_loop3A_228 : i32 to index
          %parallel_loop3A_288 = arith.constant 112 : index
          %parallel_loop3A_289 = tpu.vector_load %arg11[%parallel_loop3A_287, %parallel_loop3A_288] {strides = array<i32>} : memref<50x128xf32, #tpu.memory_space<vmem>>, vector<16xf32>,
          tpu.vector_store %arg11[%parallel_loop3A_287, %parallel_loop3A_288], %parallel_loop3A_286 {strides = array<i32>} : memref<50x128xf32, #tpu.memory_space<vmem>>, vector<16xf32>,
        } {sc.loop_unroll_factor = 5 : i64, sc.parallel_access}
        %dma_start3A_129 = arith.constant 0 : i32
        %dma_start3A_130 = tpu.memref_slice %arg8[%add3A_107, %dma_start3A_129] : memref<40x50xi32, #tpu.memory_space<vmem>> -> memref<1x50xi32, #tpu.memory_space<vmem>>
        %dma_start3A_131 = tpu.memref_squeeze %dma_start3A_130 : memref<1x50xi32, #tpu.memory_space<vmem>> -> memref<50xi32, #tpu.memory_space<vmem>>
        %dma_start3A_132 = arith.constant 0 : i32
        %dma_start3A_133 = arith.constant 0 : i32
        %dma_start3A_134 = tpu.memref_slice %arg15[%dma_start3A_132, %dma_start3A_133] : memref<10000x128xf32, #tpu.memory_space<vmem_shared>> -> memref<10000x128xf32, #tpu.memory_space<vmem_shared>>
        tpu.enqueue_indirect_dma source(%arg11 : memref<50x128xf32, #tpu.memory_space<vmem>>) target(%dma_start3A_134 : memref<10000x128xf32, #tpu.memory_space<vmem_shared>>) offsets(%dma_start3A_131 : memref<50xi32, #tpu.memory_space<vmem>>) semaphore(%arg22 : memref<!tpu.dma_semaphore, #tpu.memory_space<semaphore_mem>>) {add = true}
        %mul3A_135 = arith.constant 5 : i32
        %mul3A_136 = arith.muli %add3A_74, %mul3A_135 : i32
        %add3A_137 = arith.constant 2 : i32
        %add3A_138 = arith.addi %mul3A_136, %add3A_137 : i32
        %ge3A_139 = arith.constant 2 : i32
        %ge3A_140 = arith.cmpi sge, %add3A_138, %ge3A_139 : i32
        %convert_element_type3A_141 = arith.extui %ge3A_140 : i1 to i32
        %cond3A_142 = arith.constant 0 : i32
        %cond3A_143 = arith.cmpi ne, %convert_element_type3A_141, %cond3A_142 : i32
        scf.if %cond3A_143 {
          %sub3A = arith.constant 2 : i32
          %sub3A_228 = arith.subi %add3A_138, %sub3A : i32
          %dma_wait3A_229 = arith.constant 0 : i32
          %dma_wait3A_230 = tpu.memref_slice %arg8[%sub3A_228, %dma_wait3A_229] : memref<40x50xi32, #tpu.memory_space<vmem>> -> memref<1x50xi32, #tpu.memory_space<vmem>>
          %dma_wait3A_231 = tpu.memref_squeeze %dma_wait3A_230 : memref<1x50xi32, #tpu.memory_space<vmem>> -> memref<50xi32, #tpu.memory_space<vmem>>
          %dma_wait3A_232 = arith.constant 0 : i32
          %dma_wait3A_233 = arith.constant 0 : i32
          %dma_wait3A_234 = tpu.memref_slice %arg15[%dma_wait3A_232, %dma_wait3A_233] : memref<10000x128xf32, #tpu.memory_space<vmem_shared>> -> memref<10000x128xf32, #tpu.memory_space<vmem_shared>>
          tpu.wait_indirect_dma semaphore(%arg21 : memref<!tpu.dma_semaphore, #tpu.memory_space<semaphore_mem>>) src(%arg10 : memref<50x128xf32, #tpu.memory_space<vmem>>) dst(%dma_wait3A_234 : memref<10000x128xf32, #tpu.memory_space<vmem_shared>>)
        } else {
        }
        %add3A_144 = arith.constant 3 : i32
        %add3A_145 = arith.addi %add3A_138, %add3A_144 : i32
        %le3A_146 = arith.constant 39 : i32
        %le3A_147 = arith.cmpi sle, %add3A_145, %le3A_146 : i32
        %convert_element_type3A_148 = arith.extui %le3A_147 : i1 to i32
        %cond3A_149 = arith.constant 0 : i32
        %cond3A_150 = arith.cmpi ne, %convert_element_type3A_148, %cond3A_149 : i32
        scf.if %cond3A_150 {
          %add3A_228 = arith.constant 3 : i32
          %add3A_229 = arith.addi %add3A_138, %add3A_228 : i32
          %dma_start3A_230 = arith.constant 0 : i32
          %dma_start3A_231 = tpu.memref_slice %arg7[%add3A_229, %dma_start3A_230] : memref<40x50xi32, #tpu.memory_space<vmem>> -> memref<1x50xi32, #tpu.memory_space<vmem>>
          %dma_start3A_232 = tpu.memref_squeeze %dma_start3A_231 : memref<1x50xi32, #tpu.memory_space<vmem>> -> memref<50xi32, #tpu.memory_space<vmem>>
          %dma_start3A_233 = arith.constant 0 : i32
          %dma_start3A_234 = arith.constant 0 : i32
          %dma_start3A_235 = tpu.memref_slice %arg5[%dma_start3A_233, %dma_start3A_234] : memref<10000x128xf32, #tpu.memory_space<hbm>> -> memref<10000x128xf32, #tpu.memory_space<hbm>>
          tpu.enqueue_indirect_dma source(%dma_start3A_235 : memref<10000x128xf32, #tpu.memory_space<hbm>>) target(%arg10 : memref<50x128xf32, #tpu.memory_space<vmem>>) offsets(%dma_start3A_232 : memref<50xi32, #tpu.memory_space<vmem>>) semaphore(%arg16 : memref<!tpu.dma_semaphore, #tpu.memory_space<semaphore_mem>>)
        } else {
        }
        %dma_wait3A_151 = arith.constant 0 : i32
        %dma_wait3A_152 = tpu.memref_slice %arg7[%add3A_138, %dma_wait3A_151] : memref<40x50xi32, #tpu.memory_space<vmem>> -> memref<1x50xi32, #tpu.memory_space<vmem>>
        %dma_wait3A_153 = tpu.memref_squeeze %dma_wait3A_152 : memref<1x50xi32, #tpu.memory_space<vmem>> -> memref<50xi32, #tpu.memory_space<vmem>>
        %dma_wait3A_154 = arith.constant 0 : i32
        %dma_wait3A_155 = arith.constant 0 : i32
        %dma_wait3A_156 = tpu.memref_slice %arg5[%dma_wait3A_154, %dma_wait3A_155] : memref<10000x128xf32, #tpu.memory_space<hbm>> -> memref<10000x128xf32, #tpu.memory_space<hbm>>
        tpu.wait_indirect_dma semaphore(%arg18 : memref<!tpu.dma_semaphore, #tpu.memory_space<semaphore_mem>>) src(%dma_wait3A_156 : memref<10000x128xf32, #tpu.memory_space<hbm>>) dst(%arg12 : memref<50x128xf32, #tpu.memory_space<vmem>>)
        %parallel_loop3A_157 = arith.constant 0 : i32
        %parallel_loop3A_158 = arith.constant 50 : i32
        %parallel_loop3A_159 = arith.constant 1 : i32
        scf.for %parallel_loop3A_228 = %parallel_loop3A_157 to %parallel_loop3A_158 step %parallel_loop3A_159  : i32 {
          %parallel_loop3A_229 = arith.constant 50 : i32
          %parallel_loop3A_230 = arith.muli %add3A_138, %parallel_loop3A_229 : i32
          %parallel_loop3A_231 = arith.addi %parallel_loop3A_230, %parallel_loop3A_228 : i32
          %parallel_loop3A_232 = vector.broadcast %parallel_loop3A_231 : i32 to vector<16xi32>
          %parallel_loop3A_233 = tpu.vector_load_idx %arg9[%parallel_loop3A_232] : memref<2000xf32, #tpu.memory_space<vmem>>[vector<16xi32>], vector<16xf32>,
          %parallel_loop3A_234 = arith.index_cast %parallel_loop3A_228 : i32 to index
          %parallel_loop3A_235 = arith.constant 0 : index
          %parallel_loop3A_236 = tpu.vector_load %arg12[%parallel_loop3A_234, %parallel_loop3A_235] {strides = array<i32>} : memref<50x128xf32, #tpu.memory_space<vmem>>, vector<16xf32>,
          %parallel_loop3A_237 = arith.mulf %parallel_loop3A_236, %parallel_loop3A_233 : vector<16xf32>
          %parallel_loop3A_238 = arith.index_cast %parallel_loop3A_228 : i32 to index
          %parallel_loop3A_239 = arith.constant 0 : index
          %parallel_loop3A_240 = tpu.vector_load %arg12[%parallel_loop3A_238, %parallel_loop3A_239] {strides = array<i32>} : memref<50x128xf32, #tpu.memory_space<vmem>>, vector<16xf32>,
          tpu.vector_store %arg12[%parallel_loop3A_238, %parallel_loop3A_239], %parallel_loop3A_237 {strides = array<i32>} : memref<50x128xf32, #tpu.memory_space<vmem>>, vector<16xf32>,
          %parallel_loop3A_241 = arith.index_cast %parallel_loop3A_228 : i32 to index
          %parallel_loop3A_242 = arith.constant 16 : index
          %parallel_loop3A_243 = tpu.vector_load %arg12[%parallel_loop3A_241, %parallel_loop3A_242] {strides = array<i32>} : memref<50x128xf32, #tpu.memory_space<vmem>>, vector<16xf32>,
          %parallel_loop3A_244 = arith.mulf %parallel_loop3A_243, %parallel_loop3A_233 : vector<16xf32>
          %parallel_loop3A_245 = arith.index_cast %parallel_loop3A_228 : i32 to index
          %parallel_loop3A_246 = arith.constant 16 : index
          %parallel_loop3A_247 = tpu.vector_load %arg12[%parallel_loop3A_245, %parallel_loop3A_246] {strides = array<i32>} : memref<50x128xf32, #tpu.memory_space<vmem>>, vector<16xf32>,
          tpu.vector_store %arg12[%parallel_loop3A_245, %parallel_loop3A_246], %parallel_loop3A_244 {strides = array<i32>} : memref<50x128xf32, #tpu.memory_space<vmem>>, vector<16xf32>,
          %parallel_loop3A_248 = arith.index_cast %parallel_loop3A_228 : i32 to index
          %parallel_loop3A_249 = arith.constant 32 : index
          %parallel_loop3A_250 = tpu.vector_load %arg12[%parallel_loop3A_248, %parallel_loop3A_249] {strides = array<i32>} : memref<50x128xf32, #tpu.memory_space<vmem>>, vector<16xf32>,
          %parallel_loop3A_251 = arith.mulf %parallel_loop3A_250, %parallel_loop3A_233 : vector<16xf32>
          %parallel_loop3A_252 = arith.index_cast %parallel_loop3A_228 : i32 to index
          %parallel_loop3A_253 = arith.constant 32 : index
          %parallel_loop3A_254 = tpu.vector_load %arg12[%parallel_loop3A_252, %parallel_loop3A_253] {strides = array<i32>} : memref<50x128xf32, #tpu.memory_space<vmem>>, vector<16xf32>,
          tpu.vector_store %arg12[%parallel_loop3A_252, %parallel_loop3A_253], %parallel_loop3A_251 {strides = array<i32>} : memref<50x128xf32, #tpu.memory_space<vmem>>, vector<16xf32>,
          %parallel_loop3A_255 = arith.index_cast %parallel_loop3A_228 : i32 to index
          %parallel_loop3A_256 = arith.constant 48 : index
          %parallel_loop3A_257 = tpu.vector_load %arg12[%parallel_loop3A_255, %parallel_loop3A_256] {strides = array<i32>} : memref<50x128xf32, #tpu.memory_space<vmem>>, vector<16xf32>,
          %parallel_loop3A_258 = arith.mulf %parallel_loop3A_257, %parallel_loop3A_233 : vector<16xf32>
          %parallel_loop3A_259 = arith.index_cast %parallel_loop3A_228 : i32 to index
          %parallel_loop3A_260 = arith.constant 48 : index
          %parallel_loop3A_261 = tpu.vector_load %arg12[%parallel_loop3A_259, %parallel_loop3A_260] {strides = array<i32>} : memref<50x128xf32, #tpu.memory_space<vmem>>, vector<16xf32>,
          tpu.vector_store %arg12[%parallel_loop3A_259, %parallel_loop3A_260], %parallel_loop3A_258 {strides = array<i32>} : memref<50x128xf32, #tpu.memory_space<vmem>>, vector<16xf32>,
          %parallel_loop3A_262 = arith.index_cast %parallel_loop3A_228 : i32 to index
          %parallel_loop3A_263 = arith.constant 64 : index
          %parallel_loop3A_264 = tpu.vector_load %arg12[%parallel_loop3A_262, %parallel_loop3A_263] {strides = array<i32>} : memref<50x128xf32, #tpu.memory_space<vmem>>, vector<16xf32>,
          %parallel_loop3A_265 = arith.mulf %parallel_loop3A_264, %parallel_loop3A_233 : vector<16xf32>
          %parallel_loop3A_266 = arith.index_cast %parallel_loop3A_228 : i32 to index
          %parallel_loop3A_267 = arith.constant 64 : index
          %parallel_loop3A_268 = tpu.vector_load %arg12[%parallel_loop3A_266, %parallel_loop3A_267] {strides = array<i32>} : memref<50x128xf32, #tpu.memory_space<vmem>>, vector<16xf32>,
          tpu.vector_store %arg12[%parallel_loop3A_266, %parallel_loop3A_267], %parallel_loop3A_265 {strides = array<i32>} : memref<50x128xf32, #tpu.memory_space<vmem>>, vector<16xf32>,
          %parallel_loop3A_269 = arith.index_cast %parallel_loop3A_228 : i32 to index
          %parallel_loop3A_270 = arith.constant 80 : index
          %parallel_loop3A_271 = tpu.vector_load %arg12[%parallel_loop3A_269, %parallel_loop3A_270] {strides = array<i32>} : memref<50x128xf32, #tpu.memory_space<vmem>>, vector<16xf32>,
          %parallel_loop3A_272 = arith.mulf %parallel_loop3A_271, %parallel_loop3A_233 : vector<16xf32>
          %parallel_loop3A_273 = arith.index_cast %parallel_loop3A_228 : i32 to index
          %parallel_loop3A_274 = arith.constant 80 : index
          %parallel_loop3A_275 = tpu.vector_load %arg12[%parallel_loop3A_273, %parallel_loop3A_274] {strides = array<i32>} : memref<50x128xf32, #tpu.memory_space<vmem>>, vector<16xf32>,
          tpu.vector_store %arg12[%parallel_loop3A_273, %parallel_loop3A_274], %parallel_loop3A_272 {strides = array<i32>} : memref<50x128xf32, #tpu.memory_space<vmem>>, vector<16xf32>,
          %parallel_loop3A_276 = arith.index_cast %parallel_loop3A_228 : i32 to index
          %parallel_loop3A_277 = arith.constant 96 : index
          %parallel_loop3A_278 = tpu.vector_load %arg12[%parallel_loop3A_276, %parallel_loop3A_277] {strides = array<i32>} : memref<50x128xf32, #tpu.memory_space<vmem>>, vector<16xf32>,
          %parallel_loop3A_279 = arith.mulf %parallel_loop3A_278, %parallel_loop3A_233 : vector<16xf32>
          %parallel_loop3A_280 = arith.index_cast %parallel_loop3A_228 : i32 to index
          %parallel_loop3A_281 = arith.constant 96 : index
          %parallel_loop3A_282 = tpu.vector_load %arg12[%parallel_loop3A_280, %parallel_loop3A_281] {strides = array<i32>} : memref<50x128xf32, #tpu.memory_space<vmem>>, vector<16xf32>,
          tpu.vector_store %arg12[%parallel_loop3A_280, %parallel_loop3A_281], %parallel_loop3A_279 {strides = array<i32>} : memref<50x128xf32, #tpu.memory_space<vmem>>, vector<16xf32>,
          %parallel_loop3A_283 = arith.index_cast %parallel_loop3A_228 : i32 to index
          %parallel_loop3A_284 = arith.constant 112 : index
          %parallel_loop3A_285 = tpu.vector_load %arg12[%parallel_loop3A_283, %parallel_loop3A_284] {strides = array<i32>} : memref<50x128xf32, #tpu.memory_space<vmem>>, vector<16xf32>,
          %parallel_loop3A_286 = arith.mulf %parallel_loop3A_285, %parallel_loop3A_233 : vector<16xf32>
          %parallel_loop3A_287 = arith.index_cast %parallel_loop3A_228 : i32 to index
          %parallel_loop3A_288 = arith.constant 112 : index
          %parallel_loop3A_289 = tpu.vector_load %arg12[%parallel_loop3A_287, %parallel_loop3A_288] {strides = array<i32>} : memref<50x128xf32, #tpu.memory_space<vmem>>, vector<16xf32>,
          tpu.vector_store %arg12[%parallel_loop3A_287, %parallel_loop3A_288], %parallel_loop3A_286 {strides = array<i32>} : memref<50x128xf32, #tpu.memory_space<vmem>>, vector<16xf32>,
        } {sc.loop_unroll_factor = 5 : i64, sc.parallel_access}
        %dma_start3A_160 = arith.constant 0 : i32
        %dma_start3A_161 = tpu.memref_slice %arg8[%add3A_138, %dma_start3A_160] : memref<40x50xi32, #tpu.memory_space<vmem>> -> memref<1x50xi32, #tpu.memory_space<vmem>>
        %dma_start3A_162 = tpu.memref_squeeze %dma_start3A_161 : memref<1x50xi32, #tpu.memory_space<vmem>> -> memref<50xi32, #tpu.memory_space<vmem>>
        %dma_start3A_163 = arith.constant 0 : i32
        %dma_start3A_164 = arith.constant 0 : i32
        %dma_start3A_165 = tpu.memref_slice %arg15[%dma_start3A_163, %dma_start3A_164] : memref<10000x128xf32, #tpu.memory_space<vmem_shared>> -> memref<10000x128xf32, #tpu.memory_space<vmem_shared>>
        tpu.enqueue_indirect_dma source(%arg12 : memref<50x128xf32, #tpu.memory_space<vmem>>) target(%dma_start3A_165 : memref<10000x128xf32, #tpu.memory_space<vmem_shared>>) offsets(%dma_start3A_162 : memref<50xi32, #tpu.memory_space<vmem>>) semaphore(%arg23 : memref<!tpu.dma_semaphore, #tpu.memory_space<semaphore_mem>>) {add = true}
        %mul3A_166 = arith.constant 5 : i32
        %mul3A_167 = arith.muli %add3A_74, %mul3A_166 : i32
        %add3A_168 = arith.constant 3 : i32
        %add3A_169 = arith.addi %mul3A_167, %add3A_168 : i32
        %ge3A_170 = arith.constant 2 : i32
        %ge3A_171 = arith.cmpi sge, %add3A_169, %ge3A_170 : i32
        %convert_element_type3A_172 = arith.extui %ge3A_171 : i1 to i32
        %cond3A_173 = arith.constant 0 : i32
        %cond3A_174 = arith.cmpi ne, %convert_element_type3A_172, %cond3A_173 : i32
        scf.if %cond3A_174 {
          %sub3A = arith.constant 2 : i32
          %sub3A_228 = arith.subi %add3A_169, %sub3A : i32
          %dma_wait3A_229 = arith.constant 0 : i32
          %dma_wait3A_230 = tpu.memref_slice %arg8[%sub3A_228, %dma_wait3A_229] : memref<40x50xi32, #tpu.memory_space<vmem>> -> memref<1x50xi32, #tpu.memory_space<vmem>>
          %dma_wait3A_231 = tpu.memref_squeeze %dma_wait3A_230 : memref<1x50xi32, #tpu.memory_space<vmem>> -> memref<50xi32, #tpu.memory_space<vmem>>
          %dma_wait3A_232 = arith.constant 0 : i32
          %dma_wait3A_233 = arith.constant 0 : i32
          %dma_wait3A_234 = tpu.memref_slice %arg15[%dma_wait3A_232, %dma_wait3A_233] : memref<10000x128xf32, #tpu.memory_space<vmem_shared>> -> memref<10000x128xf32, #tpu.memory_space<vmem_shared>>
          tpu.wait_indirect_dma semaphore(%arg22 : memref<!tpu.dma_semaphore, #tpu.memory_space<semaphore_mem>>) src(%arg11 : memref<50x128xf32, #tpu.memory_space<vmem>>) dst(%dma_wait3A_234 : memref<10000x128xf32, #tpu.memory_space<vmem_shared>>)
        } else {
        }
        %add3A_175 = arith.constant 3 : i32
        %add3A_176 = arith.addi %add3A_169, %add3A_175 : i32
        %le3A_177 = arith.constant 39 : i32
        %le3A_178 = arith.cmpi sle, %add3A_176, %le3A_177 : i32
        %convert_element_type3A_179 = arith.extui %le3A_178 : i1 to i32
        %cond3A_180 = arith.constant 0 : i32
        %cond3A_181 = arith.cmpi ne, %convert_element_type3A_179, %cond3A_180 : i32
        scf.if %cond3A_181 {
          %add3A_228 = arith.constant 3 : i32
          %add3A_229 = arith.addi %add3A_169, %add3A_228 : i32
          %dma_start3A_230 = arith.constant 0 : i32
          %dma_start3A_231 = tpu.memref_slice %arg7[%add3A_229, %dma_start3A_230] : memref<40x50xi32, #tpu.memory_space<vmem>> -> memref<1x50xi32, #tpu.memory_space<vmem>>
          %dma_start3A_232 = tpu.memref_squeeze %dma_start3A_231 : memref<1x50xi32, #tpu.memory_space<vmem>> -> memref<50xi32, #tpu.memory_space<vmem>>
          %dma_start3A_233 = arith.constant 0 : i32
          %dma_start3A_234 = arith.constant 0 : i32
          %dma_start3A_235 = tpu.memref_slice %arg5[%dma_start3A_233, %dma_start3A_234] : memref<10000x128xf32, #tpu.memory_space<hbm>> -> memref<10000x128xf32, #tpu.memory_space<hbm>>
          tpu.enqueue_indirect_dma source(%dma_start3A_235 : memref<10000x128xf32, #tpu.memory_space<hbm>>) target(%arg11 : memref<50x128xf32, #tpu.memory_space<vmem>>) offsets(%dma_start3A_232 : memref<50xi32, #tpu.memory_space<vmem>>) semaphore(%arg17 : memref<!tpu.dma_semaphore, #tpu.memory_space<semaphore_mem>>)
        } else {
        }
        %dma_wait3A_182 = arith.constant 0 : i32
        %dma_wait3A_183 = tpu.memref_slice %arg7[%add3A_169, %dma_wait3A_182] : memref<40x50xi32, #tpu.memory_space<vmem>> -> memref<1x50xi32, #tpu.memory_space<vmem>>
        %dma_wait3A_184 = tpu.memref_squeeze %dma_wait3A_183 : memref<1x50xi32, #tpu.memory_space<vmem>> -> memref<50xi32, #tpu.memory_space<vmem>>
        %dma_wait3A_185 = arith.constant 0 : i32
        %dma_wait3A_186 = arith.constant 0 : i32
        %dma_wait3A_187 = tpu.memref_slice %arg5[%dma_wait3A_185, %dma_wait3A_186] : memref<10000x128xf32, #tpu.memory_space<hbm>> -> memref<10000x128xf32, #tpu.memory_space<hbm>>
        tpu.wait_indirect_dma semaphore(%arg19 : memref<!tpu.dma_semaphore, #tpu.memory_space<semaphore_mem>>) src(%dma_wait3A_187 : memref<10000x128xf32, #tpu.memory_space<hbm>>) dst(%arg13 : memref<50x128xf32, #tpu.memory_space<vmem>>)
        %parallel_loop3A_188 = arith.constant 0 : i32
        %parallel_loop3A_189 = arith.constant 50 : i32
        %parallel_loop3A_190 = arith.constant 1 : i32
        scf.for %parallel_loop3A_228 = %parallel_loop3A_188 to %parallel_loop3A_189 step %parallel_loop3A_190  : i32 {
          %parallel_loop3A_229 = arith.constant 50 : i32
          %parallel_loop3A_230 = arith.muli %add3A_169, %parallel_loop3A_229 : i32
          %parallel_loop3A_231 = arith.addi %parallel_loop3A_230, %parallel_loop3A_228 : i32
          %parallel_loop3A_232 = vector.broadcast %parallel_loop3A_231 : i32 to vector<16xi32>
          %parallel_loop3A_233 = tpu.vector_load_idx %arg9[%parallel_loop3A_232] : memref<2000xf32, #tpu.memory_space<vmem>>[vector<16xi32>], vector<16xf32>,
          %parallel_loop3A_234 = arith.index_cast %parallel_loop3A_228 : i32 to index
          %parallel_loop3A_235 = arith.constant 0 : index
          %parallel_loop3A_236 = tpu.vector_load %arg13[%parallel_loop3A_234, %parallel_loop3A_235] {strides = array<i32>} : memref<50x128xf32, #tpu.memory_space<vmem>>, vector<16xf32>,
          %parallel_loop3A_237 = arith.mulf %parallel_loop3A_236, %parallel_loop3A_233 : vector<16xf32>
          %parallel_loop3A_238 = arith.index_cast %parallel_loop3A_228 : i32 to index
          %parallel_loop3A_239 = arith.constant 0 : index
          %parallel_loop3A_240 = tpu.vector_load %arg13[%parallel_loop3A_238, %parallel_loop3A_239] {strides = array<i32>} : memref<50x128xf32, #tpu.memory_space<vmem>>, vector<16xf32>,
          tpu.vector_store %arg13[%parallel_loop3A_238, %parallel_loop3A_239], %parallel_loop3A_237 {strides = array<i32>} : memref<50x128xf32, #tpu.memory_space<vmem>>, vector<16xf32>,
          %parallel_loop3A_241 = arith.index_cast %parallel_loop3A_228 : i32 to index
          %parallel_loop3A_242 = arith.constant 16 : index
          %parallel_loop3A_243 = tpu.vector_load %arg13[%parallel_loop3A_241, %parallel_loop3A_242] {strides = array<i32>} : memref<50x128xf32, #tpu.memory_space<vmem>>, vector<16xf32>,
          %parallel_loop3A_244 = arith.mulf %parallel_loop3A_243, %parallel_loop3A_233 : vector<16xf32>
          %parallel_loop3A_245 = arith.index_cast %parallel_loop3A_228 : i32 to index
          %parallel_loop3A_246 = arith.constant 16 : index
          %parallel_loop3A_247 = tpu.vector_load %arg13[%parallel_loop3A_245, %parallel_loop3A_246] {strides = array<i32>} : memref<50x128xf32, #tpu.memory_space<vmem>>, vector<16xf32>,
          tpu.vector_store %arg13[%parallel_loop3A_245, %parallel_loop3A_246], %parallel_loop3A_244 {strides = array<i32>} : memref<50x128xf32, #tpu.memory_space<vmem>>, vector<16xf32>,
          %parallel_loop3A_248 = arith.index_cast %parallel_loop3A_228 : i32 to index
          %parallel_loop3A_249 = arith.constant 32 : index
          %parallel_loop3A_250 = tpu.vector_load %arg13[%parallel_loop3A_248, %parallel_loop3A_249] {strides = array<i32>} : memref<50x128xf32, #tpu.memory_space<vmem>>, vector<16xf32>,
          %parallel_loop3A_251 = arith.mulf %parallel_loop3A_250, %parallel_loop3A_233 : vector<16xf32>
          %parallel_loop3A_252 = arith.index_cast %parallel_loop3A_228 : i32 to index
          %parallel_loop3A_253 = arith.constant 32 : index
          %parallel_loop3A_254 = tpu.vector_load %arg13[%parallel_loop3A_252, %parallel_loop3A_253] {strides = array<i32>} : memref<50x128xf32, #tpu.memory_space<vmem>>, vector<16xf32>,
          tpu.vector_store %arg13[%parallel_loop3A_252, %parallel_loop3A_253], %parallel_loop3A_251 {strides = array<i32>} : memref<50x128xf32, #tpu.memory_space<vmem>>, vector<16xf32>,
          %parallel_loop3A_255 = arith.index_cast %parallel_loop3A_228 : i32 to index
          %parallel_loop3A_256 = arith.constant 48 : index
          %parallel_loop3A_257 = tpu.vector_load %arg13[%parallel_loop3A_255, %parallel_loop3A_256] {strides = array<i32>} : memref<50x128xf32, #tpu.memory_space<vmem>>, vector<16xf32>,
          %parallel_loop3A_258 = arith.mulf %parallel_loop3A_257, %parallel_loop3A_233 : vector<16xf32>
          %parallel_loop3A_259 = arith.index_cast %parallel_loop3A_228 : i32 to index
          %parallel_loop3A_260 = arith.constant 48 : index
          %parallel_loop3A_261 = tpu.vector_load %arg13[%parallel_loop3A_259, %parallel_loop3A_260] {strides = array<i32>} : memref<50x128xf32, #tpu.memory_space<vmem>>, vector<16xf32>,
          tpu.vector_store %arg13[%parallel_loop3A_259, %parallel_loop3A_260], %parallel_loop3A_258 {strides = array<i32>} : memref<50x128xf32, #tpu.memory_space<vmem>>, vector<16xf32>,
          %parallel_loop3A_262 = arith.index_cast %parallel_loop3A_228 : i32 to index
          %parallel_loop3A_263 = arith.constant 64 : index
          %parallel_loop3A_264 = tpu.vector_load %arg13[%parallel_loop3A_262, %parallel_loop3A_263] {strides = array<i32>} : memref<50x128xf32, #tpu.memory_space<vmem>>, vector<16xf32>,
          %parallel_loop3A_265 = arith.mulf %parallel_loop3A_264, %parallel_loop3A_233 : vector<16xf32>
          %parallel_loop3A_266 = arith.index_cast %parallel_loop3A_228 : i32 to index
          %parallel_loop3A_267 = arith.constant 64 : index
          %parallel_loop3A_268 = tpu.vector_load %arg13[%parallel_loop3A_266, %parallel_loop3A_267] {strides = array<i32>} : memref<50x128xf32, #tpu.memory_space<vmem>>, vector<16xf32>,
          tpu.vector_store %arg13[%parallel_loop3A_266, %parallel_loop3A_267], %parallel_loop3A_265 {strides = array<i32>} : memref<50x128xf32, #tpu.memory_space<vmem>>, vector<16xf32>,
          %parallel_loop3A_269 = arith.index_cast %parallel_loop3A_228 : i32 to index
          %parallel_loop3A_270 = arith.constant 80 : index
          %parallel_loop3A_271 = tpu.vector_load %arg13[%parallel_loop3A_269, %parallel_loop3A_270] {strides = array<i32>} : memref<50x128xf32, #tpu.memory_space<vmem>>, vector<16xf32>,
          %parallel_loop3A_272 = arith.mulf %parallel_loop3A_271, %parallel_loop3A_233 : vector<16xf32>
          %parallel_loop3A_273 = arith.index_cast %parallel_loop3A_228 : i32 to index
          %parallel_loop3A_274 = arith.constant 80 : index
          %parallel_loop3A_275 = tpu.vector_load %arg13[%parallel_loop3A_273, %parallel_loop3A_274] {strides = array<i32>} : memref<50x128xf32, #tpu.memory_space<vmem>>, vector<16xf32>,
          tpu.vector_store %arg13[%parallel_loop3A_273, %parallel_loop3A_274], %parallel_loop3A_272 {strides = array<i32>} : memref<50x128xf32, #tpu.memory_space<vmem>>, vector<16xf32>,
          %parallel_loop3A_276 = arith.index_cast %parallel_loop3A_228 : i32 to index
          %parallel_loop3A_277 = arith.constant 96 : index
          %parallel_loop3A_278 = tpu.vector_load %arg13[%parallel_loop3A_276, %parallel_loop3A_277] {strides = array<i32>} : memref<50x128xf32, #tpu.memory_space<vmem>>, vector<16xf32>,
          %parallel_loop3A_279 = arith.mulf %parallel_loop3A_278, %parallel_loop3A_233 : vector<16xf32>
          %parallel_loop3A_280 = arith.index_cast %parallel_loop3A_228 : i32 to index
          %parallel_loop3A_281 = arith.constant 96 : index
          %parallel_loop3A_282 = tpu.vector_load %arg13[%parallel_loop3A_280, %parallel_loop3A_281] {strides = array<i32>} : memref<50x128xf32, #tpu.memory_space<vmem>>, vector<16xf32>,
          tpu.vector_store %arg13[%parallel_loop3A_280, %parallel_loop3A_281], %parallel_loop3A_279 {strides = array<i32>} : memref<50x128xf32, #tpu.memory_space<vmem>>, vector<16xf32>,
          %parallel_loop3A_283 = arith.index_cast %parallel_loop3A_228 : i32 to index
          %parallel_loop3A_284 = arith.constant 112 : index
          %parallel_loop3A_285 = tpu.vector_load %arg13[%parallel_loop3A_283, %parallel_loop3A_284] {strides = array<i32>} : memref<50x128xf32, #tpu.memory_space<vmem>>, vector<16xf32>,
          %parallel_loop3A_286 = arith.mulf %parallel_loop3A_285, %parallel_loop3A_233 : vector<16xf32>
          %parallel_loop3A_287 = arith.index_cast %parallel_loop3A_228 : i32 to index
          %parallel_loop3A_288 = arith.constant 112 : index
          %parallel_loop3A_289 = tpu.vector_load %arg13[%parallel_loop3A_287, %parallel_loop3A_288] {strides = array<i32>} : memref<50x128xf32, #tpu.memory_space<vmem>>, vector<16xf32>,
          tpu.vector_store %arg13[%parallel_loop3A_287, %parallel_loop3A_288], %parallel_loop3A_286 {strides = array<i32>} : memref<50x128xf32, #tpu.memory_space<vmem>>, vector<16xf32>,
        } {sc.loop_unroll_factor = 5 : i64, sc.parallel_access}
        %dma_start3A_191 = arith.constant 0 : i32
        %dma_start3A_192 = tpu.memref_slice %arg8[%add3A_169, %dma_start3A_191] : memref<40x50xi32, #tpu.memory_space<vmem>> -> memref<1x50xi32, #tpu.memory_space<vmem>>
        %dma_start3A_193 = tpu.memref_squeeze %dma_start3A_192 : memref<1x50xi32, #tpu.memory_space<vmem>> -> memref<50xi32, #tpu.memory_space<vmem>>
        %dma_start3A_194 = arith.constant 0 : i32
        %dma_start3A_195 = arith.constant 0 : i32
        %dma_start3A_196 = tpu.memref_slice %arg15[%dma_start3A_194, %dma_start3A_195] : memref<10000x128xf32, #tpu.memory_space<vmem_shared>> -> memref<10000x128xf32, #tpu.memory_space<vmem_shared>>
        tpu.enqueue_indirect_dma source(%arg13 : memref<50x128xf32, #tpu.memory_space<vmem>>) target(%dma_start3A_196 : memref<10000x128xf32, #tpu.memory_space<vmem_shared>>) offsets(%dma_start3A_193 : memref<50xi32, #tpu.memory_space<vmem>>) semaphore(%arg24 : memref<!tpu.dma_semaphore, #tpu.memory_space<semaphore_mem>>) {add = true}
        %mul3A_197 = arith.constant 5 : i32
        %mul3A_198 = arith.muli %add3A_74, %mul3A_197 : i32
        %add3A_199 = arith.constant 4 : i32
        %add3A_200 = arith.addi %mul3A_198, %add3A_199 : i32
        %ge3A_201 = arith.constant 2 : i32
        %ge3A_202 = arith.cmpi sge, %add3A_200, %ge3A_201 : i32
        %convert_element_type3A_203 = arith.extui %ge3A_202 : i1 to i32
        %cond3A_204 = arith.constant 0 : i32
        %cond3A_205 = arith.cmpi ne, %convert_element_type3A_203, %cond3A_204 : i32
        scf.if %cond3A_205 {
          %sub3A = arith.constant 2 : i32
          %sub3A_228 = arith.subi %add3A_200, %sub3A : i32
          %dma_wait3A_229 = arith.constant 0 : i32
          %dma_wait3A_230 = tpu.memref_slice %arg8[%sub3A_228, %dma_wait3A_229] : memref<40x50xi32, #tpu.memory_space<vmem>> -> memref<1x50xi32, #tpu.memory_space<vmem>>
          %dma_wait3A_231 = tpu.memref_squeeze %dma_wait3A_230 : memref<1x50xi32, #tpu.memory_space<vmem>> -> memref<50xi32, #tpu.memory_space<vmem>>
          %dma_wait3A_232 = arith.constant 0 : i32
          %dma_wait3A_233 = arith.constant 0 : i32
          %dma_wait3A_234 = tpu.memref_slice %arg15[%dma_wait3A_232, %dma_wait3A_233] : memref<10000x128xf32, #tpu.memory_space<vmem_shared>> -> memref<10000x128xf32, #tpu.memory_space<vmem_shared>>
          tpu.wait_indirect_dma semaphore(%arg23 : memref<!tpu.dma_semaphore, #tpu.memory_space<semaphore_mem>>) src(%arg12 : memref<50x128xf32, #tpu.memory_space<vmem>>) dst(%dma_wait3A_234 : memref<10000x128xf32, #tpu.memory_space<vmem_shared>>)
        } else {
        }
        %add3A_206 = arith.constant 3 : i32
        %add3A_207 = arith.addi %add3A_200, %add3A_206 : i32
        %le3A_208 = arith.constant 39 : i32
        %le3A_209 = arith.cmpi sle, %add3A_207, %le3A_208 : i32
        %convert_element_type3A_210 = arith.extui %le3A_209 : i1 to i32
        %cond3A_211 = arith.constant 0 : i32
        %cond3A_212 = arith.cmpi ne, %convert_element_type3A_210, %cond3A_211 : i32
        scf.if %cond3A_212 {
          %add3A_228 = arith.constant 3 : i32
          %add3A_229 = arith.addi %add3A_200, %add3A_228 : i32
          %dma_start3A_230 = arith.constant 0 : i32
          %dma_start3A_231 = tpu.memref_slice %arg7[%add3A_229, %dma_start3A_230] : memref<40x50xi32, #tpu.memory_space<vmem>> -> memref<1x50xi32, #tpu.memory_space<vmem>>
          %dma_start3A_232 = tpu.memref_squeeze %dma_start3A_231 : memref<1x50xi32, #tpu.memory_space<vmem>> -> memref<50xi32, #tpu.memory_space<vmem>>
          %dma_start3A_233 = arith.constant 0 : i32
          %dma_start3A_234 = arith.constant 0 : i32
          %dma_start3A_235 = tpu.memref_slice %arg5[%dma_start3A_233, %dma_start3A_234] : memref<10000x128xf32, #tpu.memory_space<hbm>> -> memref<10000x128xf32, #tpu.memory_space<hbm>>
          tpu.enqueue_indirect_dma source(%dma_start3A_235 : memref<10000x128xf32, #tpu.memory_space<hbm>>) target(%arg12 : memref<50x128xf32, #tpu.memory_space<vmem>>) offsets(%dma_start3A_232 : memref<50xi32, #tpu.memory_space<vmem>>) semaphore(%arg18 : memref<!tpu.dma_semaphore, #tpu.memory_space<semaphore_mem>>)
        } else {
        }
        %dma_wait3A_213 = arith.constant 0 : i32
        %dma_wait3A_214 = tpu.memref_slice %arg7[%add3A_200, %dma_wait3A_213] : memref<40x50xi32, #tpu.memory_space<vmem>> -> memref<1x50xi32, #tpu.memory_space<vmem>>
        %dma_wait3A_215 = tpu.memref_squeeze %dma_wait3A_214 : memref<1x50xi32, #tpu.memory_space<vmem>> -> memref<50xi32, #tpu.memory_space<vmem>>
        %dma_wait3A_216 = arith.constant 0 : i32
        %dma_wait3A_217 = arith.constant 0 : i32
        %dma_wait3A_218 = tpu.memref_slice %arg5[%dma_wait3A_216, %dma_wait3A_217] : memref<10000x128xf32, #tpu.memory_space<hbm>> -> memref<10000x128xf32, #tpu.memory_space<hbm>>
        tpu.wait_indirect_dma semaphore(%arg20 : memref<!tpu.dma_semaphore, #tpu.memory_space<semaphore_mem>>) src(%dma_wait3A_218 : memref<10000x128xf32, #tpu.memory_space<hbm>>) dst(%arg14 : memref<50x128xf32, #tpu.memory_space<vmem>>)
        %parallel_loop3A_219 = arith.constant 0 : i32
        %parallel_loop3A_220 = arith.constant 50 : i32
        %parallel_loop3A_221 = arith.constant 1 : i32
        scf.for %parallel_loop3A_228 = %parallel_loop3A_219 to %parallel_loop3A_220 step %parallel_loop3A_221  : i32 {
          %parallel_loop3A_229 = arith.constant 50 : i32
          %parallel_loop3A_230 = arith.muli %add3A_200, %parallel_loop3A_229 : i32
          %parallel_loop3A_231 = arith.addi %parallel_loop3A_230, %parallel_loop3A_228 : i32
          %parallel_loop3A_232 = vector.broadcast %parallel_loop3A_231 : i32 to vector<16xi32>
          %parallel_loop3A_233 = tpu.vector_load_idx %arg9[%parallel_loop3A_232] : memref<2000xf32, #tpu.memory_space<vmem>>[vector<16xi32>], vector<16xf32>,
          %parallel_loop3A_234 = arith.index_cast %parallel_loop3A_228 : i32 to index
          %parallel_loop3A_235 = arith.constant 0 : index
          %parallel_loop3A_236 = tpu.vector_load %arg14[%parallel_loop3A_234, %parallel_loop3A_235] {strides = array<i32>} : memref<50x128xf32, #tpu.memory_space<vmem>>, vector<16xf32>,
          %parallel_loop3A_237 = arith.mulf %parallel_loop3A_236, %parallel_loop3A_233 : vector<16xf32>
          %parallel_loop3A_238 = arith.index_cast %parallel_loop3A_228 : i32 to index
          %parallel_loop3A_239 = arith.constant 0 : index
          %parallel_loop3A_240 = tpu.vector_load %arg14[%parallel_loop3A_238, %parallel_loop3A_239] {strides = array<i32>} : memref<50x128xf32, #tpu.memory_space<vmem>>, vector<16xf32>,
          tpu.vector_store %arg14[%parallel_loop3A_238, %parallel_loop3A_239], %parallel_loop3A_237 {strides = array<i32>} : memref<50x128xf32, #tpu.memory_space<vmem>>, vector<16xf32>,
          %parallel_loop3A_241 = arith.index_cast %parallel_loop3A_228 : i32 to index
          %parallel_loop3A_242 = arith.constant 16 : index
          %parallel_loop3A_243 = tpu.vector_load %arg14[%parallel_loop3A_241, %parallel_loop3A_242] {strides = array<i32>} : memref<50x128xf32, #tpu.memory_space<vmem>>, vector<16xf32>,
          %parallel_loop3A_244 = arith.mulf %parallel_loop3A_243, %parallel_loop3A_233 : vector<16xf32>
          %parallel_loop3A_245 = arith.index_cast %parallel_loop3A_228 : i32 to index
          %parallel_loop3A_246 = arith.constant 16 : index
          %parallel_loop3A_247 = tpu.vector_load %arg14[%parallel_loop3A_245, %parallel_loop3A_246] {strides = array<i32>} : memref<50x128xf32, #tpu.memory_space<vmem>>, vector<16xf32>,
          tpu.vector_store %arg14[%parallel_loop3A_245, %parallel_loop3A_246], %parallel_loop3A_244 {strides = array<i32>} : memref<50x128xf32, #tpu.memory_space<vmem>>, vector<16xf32>,
          %parallel_loop3A_248 = arith.index_cast %parallel_loop3A_228 : i32 to index
          %parallel_loop3A_249 = arith.constant 32 : index
          %parallel_loop3A_250 = tpu.vector_load %arg14[%parallel_loop3A_248, %parallel_loop3A_249] {strides = array<i32>} : memref<50x128xf32, #tpu.memory_space<vmem>>, vector<16xf32>,
          %parallel_loop3A_251 = arith.mulf %parallel_loop3A_250, %parallel_loop3A_233 : vector<16xf32>
          %parallel_loop3A_252 = arith.index_cast %parallel_loop3A_228 : i32 to index
          %parallel_loop3A_253 = arith.constant 32 : index
          %parallel_loop3A_254 = tpu.vector_load %arg14[%parallel_loop3A_252, %parallel_loop3A_253] {strides = array<i32>} : memref<50x128xf32, #tpu.memory_space<vmem>>, vector<16xf32>,
          tpu.vector_store %arg14[%parallel_loop3A_252, %parallel_loop3A_253], %parallel_loop3A_251 {strides = array<i32>} : memref<50x128xf32, #tpu.memory_space<vmem>>, vector<16xf32>,
          %parallel_loop3A_255 = arith.index_cast %parallel_loop3A_228 : i32 to index
          %parallel_loop3A_256 = arith.constant 48 : index
          %parallel_loop3A_257 = tpu.vector_load %arg14[%parallel_loop3A_255, %parallel_loop3A_256] {strides = array<i32>} : memref<50x128xf32, #tpu.memory_space<vmem>>, vector<16xf32>,
          %parallel_loop3A_258 = arith.mulf %parallel_loop3A_257, %parallel_loop3A_233 : vector<16xf32>
          %parallel_loop3A_259 = arith.index_cast %parallel_loop3A_228 : i32 to index
          %parallel_loop3A_260 = arith.constant 48 : index
          %parallel_loop3A_261 = tpu.vector_load %arg14[%parallel_loop3A_259, %parallel_loop3A_260] {strides = array<i32>} : memref<50x128xf32, #tpu.memory_space<vmem>>, vector<16xf32>,
          tpu.vector_store %arg14[%parallel_loop3A_259, %parallel_loop3A_260], %parallel_loop3A_258 {strides = array<i32>} : memref<50x128xf32, #tpu.memory_space<vmem>>, vector<16xf32>,
          %parallel_loop3A_262 = arith.index_cast %parallel_loop3A_228 : i32 to index
          %parallel_loop3A_263 = arith.constant 64 : index
          %parallel_loop3A_264 = tpu.vector_load %arg14[%parallel_loop3A_262, %parallel_loop3A_263] {strides = array<i32>} : memref<50x128xf32, #tpu.memory_space<vmem>>, vector<16xf32>,
          %parallel_loop3A_265 = arith.mulf %parallel_loop3A_264, %parallel_loop3A_233 : vector<16xf32>
          %parallel_loop3A_266 = arith.index_cast %parallel_loop3A_228 : i32 to index
          %parallel_loop3A_267 = arith.constant 64 : index
          %parallel_loop3A_268 = tpu.vector_load %arg14[%parallel_loop3A_266, %parallel_loop3A_267] {strides = array<i32>} : memref<50x128xf32, #tpu.memory_space<vmem>>, vector<16xf32>,
          tpu.vector_store %arg14[%parallel_loop3A_266, %parallel_loop3A_267], %parallel_loop3A_265 {strides = array<i32>} : memref<50x128xf32, #tpu.memory_space<vmem>>, vector<16xf32>,
          %parallel_loop3A_269 = arith.index_cast %parallel_loop3A_228 : i32 to index
          %parallel_loop3A_270 = arith.constant 80 : index
          %parallel_loop3A_271 = tpu.vector_load %arg14[%parallel_loop3A_269, %parallel_loop3A_270] {strides = array<i32>} : memref<50x128xf32, #tpu.memory_space<vmem>>, vector<16xf32>,
          %parallel_loop3A_272 = arith.mulf %parallel_loop3A_271, %parallel_loop3A_233 : vector<16xf32>
          %parallel_loop3A_273 = arith.index_cast %parallel_loop3A_228 : i32 to index
          %parallel_loop3A_274 = arith.constant 80 : index
          %parallel_loop3A_275 = tpu.vector_load %arg14[%parallel_loop3A_273, %parallel_loop3A_274] {strides = array<i32>} : memref<50x128xf32, #tpu.memory_space<vmem>>, vector<16xf32>,
          tpu.vector_store %arg14[%parallel_loop3A_273, %parallel_loop3A_274], %parallel_loop3A_272 {strides = array<i32>} : memref<50x128xf32, #tpu.memory_space<vmem>>, vector<16xf32>,
          %parallel_loop3A_276 = arith.index_cast %parallel_loop3A_228 : i32 to index
          %parallel_loop3A_277 = arith.constant 96 : index
          %parallel_loop3A_278 = tpu.vector_load %arg14[%parallel_loop3A_276, %parallel_loop3A_277] {strides = array<i32>} : memref<50x128xf32, #tpu.memory_space<vmem>>, vector<16xf32>,
          %parallel_loop3A_279 = arith.mulf %parallel_loop3A_278, %parallel_loop3A_233 : vector<16xf32>
          %parallel_loop3A_280 = arith.index_cast %parallel_loop3A_228 : i32 to index
          %parallel_loop3A_281 = arith.constant 96 : index
          %parallel_loop3A_282 = tpu.vector_load %arg14[%parallel_loop3A_280, %parallel_loop3A_281] {strides = array<i32>} : memref<50x128xf32, #tpu.memory_space<vmem>>, vector<16xf32>,
          tpu.vector_store %arg14[%parallel_loop3A_280, %parallel_loop3A_281], %parallel_loop3A_279 {strides = array<i32>} : memref<50x128xf32, #tpu.memory_space<vmem>>, vector<16xf32>,
          %parallel_loop3A_283 = arith.index_cast %parallel_loop3A_228 : i32 to index
          %parallel_loop3A_284 = arith.constant 112 : index
          %parallel_loop3A_285 = tpu.vector_load %arg14[%parallel_loop3A_283, %parallel_loop3A_284] {strides = array<i32>} : memref<50x128xf32, #tpu.memory_space<vmem>>, vector<16xf32>,
          %parallel_loop3A_286 = arith.mulf %parallel_loop3A_285, %parallel_loop3A_233 : vector<16xf32>
          %parallel_loop3A_287 = arith.index_cast %parallel_loop3A_228 : i32 to index
          %parallel_loop3A_288 = arith.constant 112 : index
          %parallel_loop3A_289 = tpu.vector_load %arg14[%parallel_loop3A_287, %parallel_loop3A_288] {strides = array<i32>} : memref<50x128xf32, #tpu.memory_space<vmem>>, vector<16xf32>,
          tpu.vector_store %arg14[%parallel_loop3A_287, %parallel_loop3A_288], %parallel_loop3A_286 {strides = array<i32>} : memref<50x128xf32, #tpu.memory_space<vmem>>, vector<16xf32>,
        } {sc.loop_unroll_factor = 5 : i64, sc.parallel_access}
        %dma_start3A_222 = arith.constant 0 : i32
        %dma_start3A_223 = tpu.memref_slice %arg8[%add3A_200, %dma_start3A_222] : memref<40x50xi32, #tpu.memory_space<vmem>> -> memref<1x50xi32, #tpu.memory_space<vmem>>
        %dma_start3A_224 = tpu.memref_squeeze %dma_start3A_223 : memref<1x50xi32, #tpu.memory_space<vmem>> -> memref<50xi32, #tpu.memory_space<vmem>>
        %dma_start3A_225 = arith.constant 0 : i32
        %dma_start3A_226 = arith.constant 0 : i32
        %dma_start3A_227 = tpu.memref_slice %arg15[%dma_start3A_225, %dma_start3A_226] : memref<10000x128xf32, #tpu.memory_space<vmem_shared>> -> memref<10000x128xf32, #tpu.memory_space<vmem_shared>>
        tpu.enqueue_indirect_dma source(%arg14 : memref<50x128xf32, #tpu.memory_space<vmem>>) target(%dma_start3A_227 : memref<10000x128xf32, #tpu.memory_space<vmem_shared>>) offsets(%dma_start3A_224 : memref<50xi32, #tpu.memory_space<vmem>>) semaphore(%arg25 : memref<!tpu.dma_semaphore, #tpu.memory_space<semaphore_mem>>) {add = true}
      }
      %scan3A_56 = arith.constant 8 : i32
      %dma_wait3A = arith.constant 38 : i32
      %dma_wait3A_57 = arith.constant 0 : i32
      %dma_wait3A_58 = tpu.memref_slice %arg8[%dma_wait3A, %dma_wait3A_57] : memref<40x50xi32, #tpu.memory_space<vmem>> -> memref<1x50xi32, #tpu.memory_space<vmem>>
      %dma_wait3A_59 = tpu.memref_squeeze %dma_wait3A_58 : memref<1x50xi32, #tpu.memory_space<vmem>> -> memref<50xi32, #tpu.memory_space<vmem>>
      %dma_wait3A_60 = arith.constant 0 : i32
      %dma_wait3A_61 = arith.constant 0 : i32
      %dma_wait3A_62 = tpu.memref_slice %arg15[%dma_wait3A_60, %dma_wait3A_61] : memref<10000x128xf32, #tpu.memory_space<vmem_shared>> -> memref<10000x128xf32, #tpu.memory_space<vmem_shared>>
      tpu.wait_indirect_dma semaphore(%arg24 : memref<!tpu.dma_semaphore, #tpu.memory_space<semaphore_mem>>) src(%arg13 : memref<50x128xf32, #tpu.memory_space<vmem>>) dst(%dma_wait3A_62 : memref<10000x128xf32, #tpu.memory_space<vmem_shared>>)
      %dma_wait3A_63 = arith.constant 39 : i32
      %dma_wait3A_64 = arith.constant 0 : i32
      %dma_wait3A_65 = tpu.memref_slice %arg8[%dma_wait3A_63, %dma_wait3A_64] : memref<40x50xi32, #tpu.memory_space<vmem>> -> memref<1x50xi32, #tpu.memory_space<vmem>>
      %dma_wait3A_66 = tpu.memref_squeeze %dma_wait3A_65 : memref<1x50xi32, #tpu.memory_space<vmem>> -> memref<50xi32, #tpu.memory_space<vmem>>
      %dma_wait3A_67 = arith.constant 0 : i32
      %dma_wait3A_68 = arith.constant 0 : i32
      %dma_wait3A_69 = tpu.memref_slice %arg15[%dma_wait3A_67, %dma_wait3A_68] : memref<10000x128xf32, #tpu.memory_space<vmem_shared>> -> memref<10000x128xf32, #tpu.memory_space<vmem_shared>>
      tpu.wait_indirect_dma semaphore(%arg25 : memref<!tpu.dma_semaphore, #tpu.memory_space<semaphore_mem>>) src(%arg14 : memref<50x128xf32, #tpu.memory_space<vmem>>) dst(%dma_wait3A_69 : memref<10000x128xf32, #tpu.memory_space<vmem_shared>>)
    }
    %scan3A_13 = arith.constant 10 : i32
    %barrier3A_14 = arith.constant 0 : index
    tpu.barrier barrier_id(%barrier3A_14)
    %lt3A_15 = arith.constant 15 : i32
    %lt3A_16 = arith.cmpi slt, %arg1, %lt3A_15 : i32
    %convert_element_type3A = arith.extui %lt3A_16 : i1 to i32
    %cond3A = arith.constant 0 : i32
    %cond3A_17 = arith.cmpi ne, %convert_element_type3A, %cond3A : i32
    scf.if %cond3A_17 {
      %mul3A = arith.constant 640 : i32
      %mul3A_22 = arith.muli %arg1, %mul3A : i32
      %mul3A_23 = arith.constant 640 : i32
      %mul3A_24 = arith.muli %arg1, %mul3A_23 : i32
      "tpu.region"() ({
        %run_scoped3A = tpu.sem_alloc : memref<!tpu.dma_semaphore, #tpu.memory_space<semaphore_mem>>
        %dma_start3A = arith.constant 0 : i32
        %dma_start3A_25 = tpu.memref_slice %arg6[%mul3A_24, %dma_start3A] : memref<10000x128xf32, #tpu.memory_space<hbm>> -> memref<640x128xf32, #tpu.memory_space<hbm>>
        %dma_start3A_26 = arith.constant 0 : i32
        %dma_start3A_27 = tpu.memref_slice %arg15[%mul3A_22, %dma_start3A_26] : memref<10000x128xf32, #tpu.memory_space<vmem_shared>> -> memref<640x128xf32, #tpu.memory_space<vmem_shared>>
        tpu.enqueue_dma source(%dma_start3A_27 : memref<640x128xf32, #tpu.memory_space<vmem_shared>>) target(%dma_start3A_25 : memref<640x128xf32, #tpu.memory_space<hbm>>) target_semaphore(%run_scoped3A : memref<!tpu.dma_semaphore, #tpu.memory_space<semaphore_mem>>)
        %dma_wait3A = arith.constant 0 : i32
        %dma_wait3A_28 = tpu.memref_slice %arg6[%mul3A_24, %dma_wait3A] : memref<10000x128xf32, #tpu.memory_space<hbm>> -> memref<640x128xf32, #tpu.memory_space<hbm>>
        %dma_wait3A_29 = arith.constant 0 : i32
        %dma_wait3A_30 = tpu.memref_slice %arg15[%mul3A_22, %dma_wait3A_29] : memref<10000x128xf32, #tpu.memory_space<vmem_shared>> -> memref<640x128xf32, #tpu.memory_space<vmem_shared>>
        tpu.wait_dma2 semaphore(%run_scoped3A : memref<!tpu.dma_semaphore, #tpu.memory_space<semaphore_mem>>) src(%dma_wait3A_30 : memref<640x128xf32, #tpu.memory_space<vmem_shared>>) dst(%dma_wait3A_28 : memref<640x128xf32, #tpu.memory_space<hbm>>)
        tpu.yield
      }) : () -> ()
    } else {
    }
    %eq3A = arith.constant 15 : i32
    %eq3A_18 = arith.cmpi eq, %arg1, %eq3A : i32
    %convert_element_type3A_19 = arith.extui %eq3A_18 : i1 to i32
    %cond3A_20 = arith.constant 0 : i32
    %cond3A_21 = arith.cmpi ne, %convert_element_type3A_19, %cond3A_20 : i32
    scf.if %cond3A_21 {
      "tpu.region"() ({
        %run_scoped3A = tpu.sem_alloc : memref<!tpu.dma_semaphore, #tpu.memory_space<semaphore_mem>>
        %dma_start3A = arith.constant 9600 : i32
        %dma_start3A_22 = arith.constant 0 : i32
        %dma_start3A_23 = tpu.memref_slice %arg6[%dma_start3A, %dma_start3A_22] : memref<10000x128xf32, #tpu.memory_space<hbm>> -> memref<400x128xf32, #tpu.memory_space<hbm>>
        %dma_start3A_24 = arith.constant 9600 : i32
        %dma_start3A_25 = arith.constant 0 : i32
        %dma_start3A_26 = tpu.memref_slice %arg15[%dma_start3A_24, %dma_start3A_25] : memref<10000x128xf32, #tpu.memory_space<vmem_shared>> -> memref<400x128xf32, #tpu.memory_space<vmem_shared>>
        tpu.enqueue_dma source(%dma_start3A_26 : memref<400x128xf32, #tpu.memory_space<vmem_shared>>) target(%dma_start3A_23 : memref<400x128xf32, #tpu.memory_space<hbm>>) target_semaphore(%run_scoped3A : memref<!tpu.dma_semaphore, #tpu.memory_space<semaphore_mem>>)
        %dma_wait3A = arith.constant 9600 : i32
        %dma_wait3A_27 = arith.constant 0 : i32
        %dma_wait3A_28 = tpu.memref_slice %arg6[%dma_wait3A, %dma_wait3A_27] : memref<10000x128xf32, #tpu.memory_space<hbm>> -> memref<400x128xf32, #tpu.memory_space<hbm>>
        %dma_wait3A_29 = arith.constant 9600 : i32
        %dma_wait3A_30 = arith.constant 0 : i32
        %dma_wait3A_31 = tpu.memref_slice %arg15[%dma_wait3A_29, %dma_wait3A_30] : memref<10000x128xf32, #tpu.memory_space<vmem_shared>> -> memref<400x128xf32, #tpu.memory_space<vmem_shared>>
        tpu.wait_dma2 semaphore(%run_scoped3A : memref<!tpu.dma_semaphore, #tpu.memory_space<semaphore_mem>>) src(%dma_wait3A_31 : memref<400x128xf32, #tpu.memory_space<vmem_shared>>) dst(%dma_wait3A_28 : memref<400x128xf32, #tpu.memory_space<hbm>>)
        tpu.yield
      }) : () -> ()
    } else {
    }
    return
  }
}

module attributes {stable_mosaic.version = 14 : i64} {
  func.func @_tc1_body(%arg0: memref<32x10000xf32, #tpu.memory_space<vmem>>, %arg1: memref<10000x128xf32, #tpu.memory_space<vmem>>, %arg2: memref<128x128xf32, #tpu.memory_space<vmem>>, %arg3: memref<10000x1xf32, #tpu.memory_space<vmem>>, %arg4: memref<10000x128xf32, #tpu.memory_space<vmem>>) attributes {dimension_semantics = [], scalar_prefetch = 0 : i64, scratch_operands = 0 : i64, tpu.core_type = #tpu.core_type<tc>} {
    %get3A = arith.constant 0 : index
    %get3A_0 = arith.constant 0 : index
    %get3A_1 = vector.load %arg0[%get3A, %get3A_0] : memref<32x10000xf32, #tpu.memory_space<vmem>>, vector<32x10000xf32>
    %reduce_sum3A = arith.constant dense<0.000000e+00> : vector<10000xf32>
    %reduce_sum3A_2 = vector.multi_reduction <add>, %get3A_1, %reduce_sum3A [0] : vector<32x10000xf32> to vector<10000xf32>
    %add3A = arith.constant 1.000000e+00 : f32
    %add3A_3 = vector.broadcast %add3A : f32 to vector<10000xf32>
    %add3A_4 = arith.addf %reduce_sum3A_2, %add3A_3 : vector<10000xf32>
    %rsqrt3A = math.rsqrt %add3A_4 : vector<10000xf32>
    %broadcast_in_dim3A = vector.shape_cast %rsqrt3A : vector<10000xf32> to vector<10000x1xf32>
    %get3A_5 = arith.constant 0 : index
    %get3A_6 = arith.constant 0 : index
    %get3A_7 = vector.load %arg1[%get3A_5, %get3A_6] : memref<10000x128xf32, #tpu.memory_space<vmem>>, vector<10000x128xf32>
    %get3A_8 = arith.constant 0 : index
    %get3A_9 = arith.constant 0 : index
    %get3A_10 = vector.load %arg2[%get3A_8, %get3A_9] : memref<128x128xf32, #tpu.memory_space<vmem>>, vector<128x128xf32>
    %dot_general3A = arith.constant dense<0.000000e+00> : vector<10000x128xf32>
    %dot_general3A_11 = tpu.matmul %get3A_7, %get3A_10, %dot_general3A {dimension_numbers = #tpu.dot_dimension_numbers<[1], [0], [0], [1], [0, 0, 1, 1], [], []>, precision = #tpu.contract_precision<fp32>, transpose_lhs_hint = false} : vector<10000x128xf32>, vector<128x128xf32>, vector<10000x128xf32> -> vector<10000x128xf32>
    %swap3A = arith.constant 0 : index
    %swap3A_12 = arith.constant 0 : index
    %swap3A_13 = vector.load %arg3[%swap3A, %swap3A_12] : memref<10000x1xf32, #tpu.memory_space<vmem>>, vector<10000x1xf32>
    tpu.vector_store %arg3[%swap3A, %swap3A_12], %broadcast_in_dim3A {strides = array<i32>} : memref<10000x1xf32, #tpu.memory_space<vmem>>, vector<10000x1xf32>,
    %mul3A = vector.broadcast %broadcast_in_dim3A : vector<10000x1xf32> to vector<10000x128xf32>
    %mul3A_14 = arith.mulf %mul3A, %dot_general3A_11 : vector<10000x128xf32>
    %swap3A_15 = arith.constant 0 : index
    %swap3A_16 = arith.constant 0 : index
    %swap3A_17 = vector.load %arg4[%swap3A_15, %swap3A_16] : memref<10000x128xf32, #tpu.memory_space<vmem>>, vector<10000x128xf32>
    tpu.vector_store %arg4[%swap3A_15, %swap3A_16], %mul3A_14 {strides = array<i32>} : memref<10000x128xf32, #tpu.memory_space<vmem>>, vector<10000x128xf32>,
    return
  }
}

module attributes {stable_mosaic.version = 14 : i64} {
  func.func @_tc2_body(%arg0: memref<10000x128xf32, #tpu.memory_space<vmem>>, %arg1: memref<10000x128xf32, #tpu.memory_space<vmem>>, %arg2: memref<10000x1xf32, #tpu.memory_space<vmem>>, %arg3: memref<128xf32, #tpu.memory_space<vmem>>, %arg4: memref<128x128xf32, #tpu.memory_space<vmem>>, %arg5: memref<10000x128xf32, #tpu.memory_space<vmem>>) attributes {dimension_semantics = [], scalar_prefetch = 0 : i64, scratch_operands = 0 : i64, tpu.core_type = #tpu.core_type<tc>} {
    %get3A = arith.constant 0 : index
    %get3A_0 = arith.constant 0 : index
    %get3A_1 = vector.load %arg2[%get3A, %get3A_0] : memref<10000x1xf32, #tpu.memory_space<vmem>>, vector<10000x1xf32>
    %get3A_2 = arith.constant 0 : index
    %get3A_3 = arith.constant 0 : index
    %get3A_4 = vector.load %arg0[%get3A_2, %get3A_3] : memref<10000x128xf32, #tpu.memory_space<vmem>>, vector<10000x128xf32>
    %get3A_5 = arith.constant 0 : index
    %get3A_6 = arith.constant 0 : index
    %get3A_7 = vector.load %arg1[%get3A_5, %get3A_6] : memref<10000x128xf32, #tpu.memory_space<vmem>>, vector<10000x128xf32>
    %add3A = arith.addf %get3A_4, %get3A_7 : vector<10000x128xf32>
    %mul3A = vector.broadcast %get3A_1 : vector<10000x1xf32> to vector<10000x128xf32>
    %mul3A_8 = arith.mulf %mul3A, %add3A : vector<10000x128xf32>
    %get3A_9 = arith.constant 0 : index
    %get3A_10 = vector.load %arg3[%get3A_9] : memref<128xf32, #tpu.memory_space<vmem>>, vector<128xf32>
    %broadcast_in_dim3A = vector.shape_cast %get3A_10 : vector<128xf32> to vector<1x128xf32>
    %add3A_11 = vector.broadcast %broadcast_in_dim3A : vector<1x128xf32> to vector<10000x128xf32>
    %add3A_12 = arith.addf %mul3A_8, %add3A_11 : vector<10000x128xf32>
    %max3A = arith.constant 0.000000e+00 : f32
    %max3A_13 = vector.broadcast %max3A : f32 to vector<10000x128xf32>
    %max3A_14 = arith.maximumf %add3A_12, %max3A_13 : vector<10000x128xf32>
    %get3A_15 = arith.constant 0 : index
    %get3A_16 = arith.constant 0 : index
    %get3A_17 = vector.load %arg4[%get3A_15, %get3A_16] : memref<128x128xf32, #tpu.memory_space<vmem>>, vector<128x128xf32>
    %dot_general3A = arith.constant dense<0.000000e+00> : vector<10000x128xf32>
    %dot_general3A_18 = tpu.matmul %max3A_14, %get3A_17, %dot_general3A {dimension_numbers = #tpu.dot_dimension_numbers<[1], [0], [0], [1], [0, 0, 1, 1], [], []>, precision = #tpu.contract_precision<fp32>, transpose_lhs_hint = false} : vector<10000x128xf32>, vector<128x128xf32>, vector<10000x128xf32> -> vector<10000x128xf32>
    %mul3A_19 = vector.broadcast %get3A_1 : vector<10000x1xf32> to vector<10000x128xf32>
    %mul3A_20 = arith.mulf %mul3A_19, %dot_general3A_18 : vector<10000x128xf32>
    %swap3A = arith.constant 0 : index
    %swap3A_21 = arith.constant 0 : index
    %swap3A_22 = vector.load %arg5[%swap3A, %swap3A_21] : memref<10000x128xf32, #tpu.memory_space<vmem>>, vector<10000x128xf32>
    tpu.vector_store %arg5[%swap3A, %swap3A_21], %mul3A_20 {strides = array<i32>} : memref<10000x128xf32, #tpu.memory_space<vmem>>, vector<10000x128xf32>,
    return
  }
}

module attributes {stable_mosaic.version = 14 : i64} {
  func.func @_tc3_body(%arg0: memref<10000x128xf32, #tpu.memory_space<vmem>>, %arg1: memref<10000x128xf32, #tpu.memory_space<vmem>>, %arg2: memref<10000x1xf32, #tpu.memory_space<vmem>>, %arg3: memref<128xf32, #tpu.memory_space<vmem>>, %arg4: memref<128x1xf32, #tpu.memory_space<vmem>>, %arg5: memref<10000x1xf32, #tpu.memory_space<vmem>>) attributes {dimension_semantics = [], scalar_prefetch = 0 : i64, scratch_operands = 0 : i64, tpu.core_type = #tpu.core_type<tc>} {
    %get3A = arith.constant 0 : index
    %get3A_0 = arith.constant 0 : index
    %get3A_1 = vector.load %arg2[%get3A, %get3A_0] : memref<10000x1xf32, #tpu.memory_space<vmem>>, vector<10000x1xf32>
    %get3A_2 = arith.constant 0 : index
    %get3A_3 = arith.constant 0 : index
    %get3A_4 = vector.load %arg0[%get3A_2, %get3A_3] : memref<10000x128xf32, #tpu.memory_space<vmem>>, vector<10000x128xf32>
    %get3A_5 = arith.constant 0 : index
    %get3A_6 = arith.constant 0 : index
    %get3A_7 = vector.load %arg1[%get3A_5, %get3A_6] : memref<10000x128xf32, #tpu.memory_space<vmem>>, vector<10000x128xf32>
    %add3A = arith.addf %get3A_4, %get3A_7 : vector<10000x128xf32>
    %mul3A = vector.broadcast %get3A_1 : vector<10000x1xf32> to vector<10000x128xf32>
    %mul3A_8 = arith.mulf %mul3A, %add3A : vector<10000x128xf32>
    %get3A_9 = arith.constant 0 : index
    %get3A_10 = vector.load %arg3[%get3A_9] : memref<128xf32, #tpu.memory_space<vmem>>, vector<128xf32>
    %broadcast_in_dim3A = vector.shape_cast %get3A_10 : vector<128xf32> to vector<1x128xf32>
    %add3A_11 = vector.broadcast %broadcast_in_dim3A : vector<1x128xf32> to vector<10000x128xf32>
    %add3A_12 = arith.addf %mul3A_8, %add3A_11 : vector<10000x128xf32>
    %max3A = arith.constant 0.000000e+00 : f32
    %max3A_13 = vector.broadcast %max3A : f32 to vector<10000x128xf32>
    %max3A_14 = arith.maximumf %add3A_12, %max3A_13 : vector<10000x128xf32>
    %get3A_15 = arith.constant 0 : index
    %get3A_16 = arith.constant 0 : index
    %get3A_17 = vector.load %arg4[%get3A_15, %get3A_16] : memref<128x1xf32, #tpu.memory_space<vmem>>, vector<128x1xf32>
    %dot_general3A = arith.constant dense<0.000000e+00> : vector<10000x1xf32>
    %dot_general3A_18 = tpu.matmul %max3A_14, %get3A_17, %dot_general3A {dimension_numbers = #tpu.dot_dimension_numbers<[1], [0], [0], [1], [0, 0, 1, 1], [], []>, precision = #tpu.contract_precision<fp32>, transpose_lhs_hint = false} : vector<10000x128xf32>, vector<128x1xf32>, vector<10000x1xf32> -> vector<10000x1xf32>
    %mul3A_19 = arith.mulf %get3A_1, %dot_general3A_18 : vector<10000x1xf32>
    %swap3A = arith.constant 0 : index
    %swap3A_20 = arith.constant 0 : index
    %swap3A_21 = vector.load %arg5[%swap3A, %swap3A_20] : memref<10000x1xf32, #tpu.memory_space<vmem>>, vector<10000x1xf32>
    tpu.vector_store %arg5[%swap3A, %swap3A_20], %mul3A_19 {strides = array<i32>} : memref<10000x1xf32, #tpu.memory_space<vmem>>, vector<10000x1xf32>,
    return
  }
}

module attributes {stable_mosaic.version = 14 : i64} {
  func.func @_tc4_body(%arg0: memref<32x10000xf32, #tpu.memory_space<vmem>>, %arg1: memref<10000x1xf32, #tpu.memory_space<vmem>>, %arg2: memref<10000x1xf32, #tpu.memory_space<vmem>>, %arg3: memref<1xf32, #tpu.memory_space<vmem>>, %arg4: memref<10000x1xf32, #tpu.memory_space<vmem>>) attributes {dimension_semantics = [], scalar_prefetch = 0 : i64, scratch_operands = 0 : i64, tpu.core_type = #tpu.core_type<tc>} {
    %get3A = arith.constant 0 : index
    %get3A_0 = arith.constant 0 : index
    %get3A_1 = vector.load %arg0[%get3A, %get3A_0] : memref<32x10000xf32, #tpu.memory_space<vmem>>, vector<32x10000xf32>
    %reduce_sum3A = arith.constant dense<0.000000e+00> : vector<10000xf32>
    %reduce_sum3A_2 = vector.multi_reduction <add>, %get3A_1, %reduce_sum3A [0] : vector<32x10000xf32> to vector<10000xf32>
    %broadcast_in_dim3A = vector.shape_cast %reduce_sum3A_2 : vector<10000xf32> to vector<10000x1xf32>
    %get3A_3 = arith.constant 0 : index
    %get3A_4 = arith.constant 0 : index
    %get3A_5 = vector.load %arg2[%get3A_3, %get3A_4] : memref<10000x1xf32, #tpu.memory_space<vmem>>, vector<10000x1xf32>
    %get3A_6 = arith.constant 0 : index
    %get3A_7 = arith.constant 0 : index
    %get3A_8 = vector.load %arg1[%get3A_6, %get3A_7] : memref<10000x1xf32, #tpu.memory_space<vmem>>, vector<10000x1xf32>
    %add3A = arith.addf %broadcast_in_dim3A, %get3A_8 : vector<10000x1xf32>
    %mul3A = arith.mulf %get3A_5, %add3A : vector<10000x1xf32>
    %get3A_9 = arith.constant 0 : index
    %get3A_10 = vector.load %arg3[%get3A_9] : memref<1xf32, #tpu.memory_space<vmem>>, vector<1xf32>
    %get3A_11 = vector.extract %get3A_10[0] : f32 from vector<1xf32>
    %add3A_12 = vector.broadcast %get3A_11 : f32 to vector<10000x1xf32>
    %add3A_13 = arith.addf %mul3A, %add3A_12 : vector<10000x1xf32>
    %logistic3A = arith.negf %add3A_13 : vector<10000x1xf32>
    %logistic3A_14 = math.exp %logistic3A : vector<10000x1xf32>
    %logistic3A_15 = arith.constant 1.000000e+00 : f32
    %logistic3A_16 = vector.broadcast %logistic3A_15 : f32 to vector<10000x1xf32>
    %logistic3A_17 = arith.addf %logistic3A_16, %logistic3A_14 : vector<10000x1xf32>
    %logistic3A_18 = arith.divf %logistic3A_16, %logistic3A_17 : vector<10000x1xf32>
    %swap3A = arith.constant 0 : index
    %swap3A_19 = arith.constant 0 : index
    %swap3A_20 = vector.load %arg4[%swap3A, %swap3A_19] : memref<10000x1xf32, #tpu.memory_space<vmem>>, vector<10000x1xf32>
    tpu.vector_store %arg4[%swap3A, %swap3A_19], %logistic3A_18 {strides = array<i32>} : memref<10000x1xf32, #tpu.memory_space<vmem>>, vector<10000x1xf32>,
    return
  }
}

</mosaic_0001>

<sc_bundles>
// kernel: kernel.10.cloned.1.call-start
scs
__scs_entry_jumppad:
0x0: {  	(pc) =	sbr.rel $0x88, $3  }
0x1: {  	(tag) =	ssettag $0x0;
	lr =	simm.s32 $0x1  }
0x2: {  	[smem:$0x3F98] =	sst lr;
	_ =	strace $0xD0000000  }
0x3: {  	_ = 	snop  }
0x4: {  	_ = 	snop  }
0x5: {  	_ = 	snop  }
0x6: {  	_ = 	snop  }
0x7: {  	_ = 	snop  }
__scs_overlays_trampoline_lowered:
0x8: {  	[smem:$0x3FA7] =	sst s0  }
0x9: {  	[smem:$0x3FA8] =	sst s1  }
0xa: {  	[smem:$0x3FA9] =	sst s2  }
0xb: {  	[smem:$0x3FAA] =	sst s3  }
0xc: {  	[smem:$0x3FAB] =	sst s4  }
0xd: {  	[smem:$0x3FAC] =	sst s5  }
0xe: {  	[smem:$0x3FAD] =	sst s6  }
0xf: {  	[smem:$0x3FAE] =	sst s7  }
0x10: {  	[smem:$0x3FAF] =	sst s8  }
0x11: {  	[smem:$0x3FB0] =	sst s9;
	s0 =	simm.s32 @!p0 $0x0  }
0x12: {  	s1 =	sld [smem:$0x3F96];
	s0 =	simm.s32 @p0 $0x1  }
0x13: {  	[smem:$0x3FB1] =	sst s0;
	s0 =	simm.s32 @!p1 $0x0  }
0x14: {  	s2 =	sld [smem:$0x3F95];
	s0 =	simm.s32 @p1 $0x1  }
0x15: {  	[smem:$0x3FB2] =	sst s0;
	s0 =	simm.s32 @!p2 $0x0  }
0x16: {  	s3 =	sld [smem:$0x3FDB];
	s0 =	simm.s32 @p2 $0x1  }
0x17: {  	s4 =	simm.s32 $0x1BF5;
	[smem:$0x3FB4] =	sst s0  }
0x18: {  	s0 =	sld [smem:$0x3F97];
	_ =	swait.ge [sflag:s4], $0x0  }
0x19: {  	s7 =	sld [smem:$0x3F98]  }
0x1a: {  	s8 =	sadd.s32 $0xFFFFE003, lr  }
0x1b: {  	s9 =	sadd.s32 $0xFFFFFEF7, lr;
	s5 =	simm.s32 $0xFFFFFFFF;
	p2 =	slt.u32 s8, $0xFFFFF086  }
0x1c: {  	p1 =	slt.u32 s9, $0xF7A;
	s5 =	simm.s32 @!p2 $0x0  }
0x1d: {  	s5 =	simm.s32 @p1 $0x1;
	p0 =	seq.s32 s7, s2  }
0x1e: {  	s7 =	smul.u32 @!p0 $0xF7A, s2;
	p2 =	seq.s32 @!p0 s5, $0x0  }
0x1f: {  	s9 =	smul.u32 $0xF7A, s1;
	s8 =	simm.s32 @!p0 $0x1BF5;
	p2 =	por !p2, p0  }
0x20: {  	[sflag:s8] =	ssyncset.s32 @!p0 $0xFFFFF086;
	s6 =	sadd.s32 @!p0 s3, s7;
	s7 =	simm.s32 @!p0 $0x108  }
0x21: {  	s3 =	sadd.s32 s3, s9;
	s6 =	sadd.s32 @!p0 $0x88, s6;
	s7 =	simm.s32 @p2 $0x1082  }
0x22: {  	[simem:s7], [sflag:s8] =	dma.local @!p0 [hbm:s6], $0xF7A  }
0x23: {  	s9 =	sor.u32 $0xD0000000, s2;
	s6 =	simm.s32 $0x108;
	_ =	swait.ge @!p0 [sflag:s8], $0x0  }
0x24: {  	s3 =	sadd.s32 $0x88, s3;
	s6 =	simm.s32 @!p1 $0x1082;
	[sflag:s4] =	ssyncset.s32 $0xFFFFF086  }
0x25: {  	[simem:s6], [sflag:s4] =	dma.local [hbm:s3], $0xF7A  }
0x26: {  	[smem:$0x3F98] =	sst s1;
	(tag) =	ssettag s2;
	_ =	strace s9  }
0x27: {  	s1 =	sld [smem:$0x3FA8]  }
0x28: {  	s2 =	sld [smem:$0x3FA9]  }
0x29: {  	s4 =	sld [smem:$0x3FAB]  }
0x2a: {  	p0 =	seq.s32 s5, $0x0;
	s5 =	sld [smem:$0x3FAC]  }
0x2b: {  	s6 =	sld [smem:$0x3FAD]  }
0x2c: {  	s7 =	sld [smem:$0x3FAE]  }
0x2d: {  	s3 =	simm.s32 $0x108;
	s8 =	sld [smem:$0x3FAF]  }
0x2e: {  	s3 =	simm.s32 @!p0 $0x1082;
	s9 =	sld [smem:$0x3FB0]  }
0x2f: {  	lr =	sadd.s32 s0, s3;
	s0 =	sld [smem:$0x3FA7]  }
0x30: {  	s3 =	sld [smem:$0x3FAA]  }
0x31: {  	[smem:$0x3FB3] =	sst s10  }
0x32: {  	s10 =	sld [smem:$0x3FB1];
	_ =	sdelay $0x3  }
0x33: {  	p0 =	seq.s32 s10, $0x1;
	s10 =	sld [smem:$0x3FB3];
	_ =	sdelay $0x3  }
0x34: {  	[smem:$0x3FB3] =	sst s10  }
0x35: {  	s10 =	sld [smem:$0x3FB2];
	_ =	sdelay $0x3  }
0x36: {  	p1 =	seq.s32 s10, $0x1;
	s10 =	sld [smem:$0x3FB3];
	_ =	sdelay $0x3  }
0x37: {  	[smem:$0x3FB3] =	sst s10  }
0x38: {  	s10 =	sld [smem:$0x3FB4]  }
0x39: {  	_ = 	snop;
	(pc) =	sbr.ind lr, $3  }
0x3a: {  	_ = 	snop  }
0x3b: {  	_ = 	snop  }
0x3c: {  	p2 =	seq.s32 s10, $0x1;
	s10 =	sld [smem:$0x3FB3]  }
0x3d: {  	_ =	shalt  }
0x3e: {  	_ =	shalt  }
0x3f: {  	_ =	shalt  }
0x40: {  	_ =	shalt  }
0x41: {  	_ =	shalt  }
0x42: {  	_ =	shalt  }
0x43: {  	_ =	shalt  }
0x44: {  	_ =	shalt  }
0x45: {  	_ =	shalt  }
0x46: {  	_ =	shalt  }
0x47: {  	_ =	shalt  }
0x48: {  	_ =	shalt  }
0x49: {  	_ =	shalt  }
0x4a: {  	_ =	shalt  }
0x4b: {  	_ =	shalt  }
0x4c: {  	_ =	shalt  }
0x4d: {  	_ =	shalt  }
0x4e: {  	_ =	shalt  }
0x4f: {  	_ =	shalt  }
0x50: {  	_ =	shalt  }
0x51: {  	_ =	shalt  }
0x52: {  	_ =	shalt  }
0x53: {  	_ =	shalt  }
0x54: {  	_ =	shalt  }
0x55: {  	_ =	shalt  }
0x56: {  	_ =	shalt  }
0x57: {  	_ =	shalt  }
0x58: {  	_ =	shalt  }
0x59: {  	_ =	shalt  }
0x5a: {  	_ =	shalt  }
0x5b: {  	_ =	shalt  }
0x5c: {  	_ =	shalt  }
0x5d: {  	_ =	shalt  }
0x5e: {  	_ =	shalt  }
0x5f: {  	_ =	shalt  }
0x60: {  	_ =	shalt  }
0x61: {  	_ =	shalt  }
0x62: {  	_ =	shalt  }
0x63: {  	_ =	shalt  }
0x64: {  	_ =	shalt  }
0x65: {  	_ =	shalt  }
0x66: {  	_ =	shalt  }
0x67: {  	_ =	shalt  }
0x68: {  	_ =	shalt  }
0x69: {  	_ =	shalt  }
0x6a: {  	_ =	shalt  }
0x6b: {  	_ =	shalt  }
0x6c: {  	_ =	shalt  }
0x6d: {  	_ =	shalt  }
0x6e: {  	_ =	shalt  }
0x6f: {  	_ =	shalt  }
0x70: {  	_ =	shalt  }
0x71: {  	_ =	shalt  }
0x72: {  	_ =	shalt  }
0x73: {  	_ =	shalt  }
0x74: {  	_ =	shalt  }
0x75: {  	_ =	shalt  }
0x76: {  	_ =	shalt  }
0x77: {  	_ =	shalt  }
0x78: {  	_ =	shalt  }
0x79: {  	_ =	shalt  }
0x7a: {  	_ =	shalt  }
0x7b: {  	_ =	shalt  }
0x7c: {  	_ =	shalt  }
0x7d: {  	_ =	shalt  }
0x7e: {  	_ =	shalt  }
0x7f: {  	_ =	shalt  }
0x80: {  	_ =	shalt  }
0x81: {  	_ =	shalt  }
0x82: {  	_ =	shalt  }
0x83: {  	_ =	shalt  }
0x84: {  	_ =	shalt  }
0x85: {  	_ =	shalt  }
0x86: {  	_ =	shalt  }
0x87: {  	_ =	shalt  }
.Lfunc_end0:
.L_simem_size_0:
called_computation_lowered:
.L_overlay_start_0:
0x88: {  	s2 =	sld [smem:$0x3FD9]  }
0x89: {  	s3 =	sld [smem:$0x3FFE];
	_ =	sdelay $0x1  }
0x8a: {  	s1 =	srdreg.scid  }
0x8b: {  	s0 =	sand.u32 $0x1, s1  }
0x8c: {  	s17 =	sshll.u32 s0, $0xA;
	s2 =	sadd.s32 s3, s2  }
0x8d: {  	s2 =	sadd.s32 s2, s17  }
0x8e: {  	[smem:$0x3FBF] =	sst s2  }
0x8f: {  	_ = 	snop  }
0x90: {  	s2 =	sld [smem:$0x3FC7];
	(tm) =	ssettm $0x1  }
0x91: {  	s18 =	sld [smem:$0x3FFB];
	_ =	sdelay $0x3  }
0x92: {  	_ =	strace s18  }
0x93: {  	s3 =	sld [smem:$0x3FFC];
	_ =	sdelay $0x3  }
0x94: {  	_ =	strace s3  }
0x95: {  	s3 =	sld [smem:$0x3FFD];
	_ =	sdelay $0x3  }
0x96: {  	_ =	strace s3  }
0x97: {  	_ =	strace $0x8FFFFFFF  }
0x98: {  	s19 =	sld [smem:$0x3FDB];
	_ =	sdelay $0x1  }
0x99: {  	s4 =	simm.s32 $_scs_section_size  }
0x9a: {  	s5 =	simm.s32 $_size__tile_overlayer_lowered;
	s6 =	simm.s32 $_tile_overlayer_lowered  }
0x9b: {  	s22 =	simm.s32 $0x1BFF;
	s21 =	sshll.u32 s6, $0x1;
	s3 =	sadd.s32 s4, s19  }
0x9c: {  	s7 =	simm.s32 $0x0;
	s20 =	sshll.u32 s5, $0x1;
	s5 =	sadd.s32 s21, s3  }
0x9d: {  	[timem:s7], [sflag:s22] =	dma.local [hbm:s5], s20  }
0x9e: {  	_ =	swait.ge [sflag:s22], s20  }
0x9f: {  	s4 =	ssub.s32 $0x0, s20;
	[sflag:s22] =	ssyncset.done $0x0  }
0xa0: {  	[sflag:s22] =	ssyncadd.s32 s4;
	_ =	sdelay $0x1  }
0xa1: {  	s23 =	simm.s32 $0x1B8B  }
0xa2: {  	_ =	swait.ge [sflag:s23], $0x1  }
0xa3: {  	[sflag:s23] =	ssyncset.done $0x0  }
0xa4: {  	s25 =	simm.s32 $0x1B8E;
	s24 =	sld [smem:$0x3FFE];
	[sflag:s23] =	ssyncadd.s32 $0xFFFFFFFF  }
0xa5: {  	s26 =	simm.s32 $execute0_lowered;
	[smem:$0x3FD2] =	sst s25  }
0xa6: {  	s5 =	sshll.u32 s26, $0x1;
	_ =	strace $0x80000046;
	[dreg:$0x1] =	wrdreg $0xFFFFFFFF  }
0xa7: {  	s28 =	simm.s32 $_size_execute0_lowered;
	s3 =	sadd.s32 s3, s5;
	[dreg:$0x0] =	wrdreg $0x0  }
0xa8: {  	s5 =	sshll.u32 s28, $0x1;
	[dreg:$0x2] =	wrdreg s3  }
0xa9: {  	[dreg:$0x3] =	wrdreg s5  }
0xaa: {  	[dreg:$0x4] =	wrdreg $0xC0  }
0xab: {  	_ =	task [dreg:s7], $0x5FFFF  }
0xac: {  	[dreg:$0x1] =	wrdreg $0xFFFFFFFF  }
0xad: {  	[dreg:$0x0] =	wrdreg $0x60  }
0xae: {  	[dreg:$0x2] =	wrdreg s24  }
0xaf: {  	[dreg:$0x3] =	wrdreg s2  }
0xb0: {  	[dreg:$0x4] =	wrdreg $0x9  }
0xb1: {  	_ =	task.clear_ibuf [dreg:s7], $0x5FFFF;
	_ =	strace $0x90000046  }
0xb2: {  	s29 =	simm.s32 $0x9;
	_ =	strace $0x80000048  }
0xb3: {  	_ =	swait.ge [sflag:s29], $0x1  }
0xb4: {  	[sflag:s29] =	ssyncadd.s32 $0xFFFFFFFF  }
0xb5: {  	_ =	strace $0x90000048  }
0xb6: {  	_ =	sfence  }
0xb7: {  	s30 =	sld [smem:$0x0];
	_ =	sdelay $0x2  }
0xb8: {  	s31 =	sshll.u32 s1, $0xD;
	s1 =	sshrl.u32 s1, $0x2  }
0xb9: {  	s3 =	sand.u32 $0x4000, s31;
	s1 =	sadd.s32 s1, s30  }
0xba: {  	s0 =	sor.u32 s3, s0;
	s1 =	sshll.u32 s1, $0x11  }
0xbb: {  	s0 =	sor.u32 s1, s0  }
0xbc: {  	s0 =	sadd.s32 $0x8F2B, s0  }
0xbd: {  	[sflag:s0] =	ssyncadd.remote.s32 $0x1  }
0xbe: {  	_ =	sfence.sel $0xFFFF  }
0xbf: {  	[dreg:$0x0] =	wrdreg $0xFFFFFFFF;
	(pc) =	sbr.abs _section_cstart, $3  }
0xc0: {  	[dreg:$0x1] =	wrdreg $0xFFFFFFFF  }
0xc1: {  	_ =	task.clear_ibuf [dreg:s7], $0x2FFFF;
	_ =	strace $0x9FFFFFFF  }
0xc2: {  	(tm) =	ssettm $0x7FFFFFFF  }
0xc3: {  	_ =	shalt  }
tec
execute0_lowered:
.L_overlay_start_1:
0x0: {  	(tag) =	ssettag $0x1  }
0x1: {  	s1 =	srdreg.scid  }
0x2: {  	s0 =	stileid.u32;
	s3 =	rddreg [dreg:$0x0]  }
0x3: {  	s5 =	rddreg [dreg:$0x1];
	s4 =	sand.u32 $0x1, s1;
	s30 =	sshll.u32 s0, $0x1  }
0x4: {  	s2 =	simm.s32 $0x0;
	s9 =	simm.s32 $0x4F00;
	s6 =	sor.u32 s4, s30  }
0x5: {  	s1 =	rddreg [dreg:$0x2];
	s4 =	ssub.s32 $0x2, s4;
	s6 =	smul.u32 $0x4E2, s6  }
0x6: {  	s10 =	simm.s32 $0x0;
	[smem:$0x7FF] =	sst s2;
	s31 =	sshrl.u32 s4, $0x1  }
0x7: {  	_ =	strace $0x80000047;
	s8 =	ssub.s32 s4, s31;
	s7 =	sadd.s32 s6, s3  }
0x8: {  	s4 =	sadd.s32 s5, s6;
	s6 =	smax.u32 s8, $0x1;
	s8 =	simm.s32 $0x2780  }
0x9: {  	v0 =	vimm.f32 $0.0e+00;
	s3 =	sadd.s32 $0x2C00, s7;
	s5 =	sadd.s32 $0x16800, s7;
	s7 =	simm.s32 $0x1  }
.LBB2_1:
0xa: {  	[tilespmem:s2], [sflag:$0x1] =	stream.linear.gather [hbm4b:s3+s2], $0x2710, $0x38;
	[tilespmem:$0x7680] =	vst v63  }
0xb: {  	_ =	swait.ge [sflag:s7], $0x2710  }
0xc: {  	[sflag:s7] =	ssyncset.done $0x0  }
0xd: {  	[sflag:s7] =	ssyncadd.s32 $0xFFFFD8F0  }
0xe: {  	[tilespmem:s8], [sflag:$0x1] =	stream.linear.gather [hbm4b:s4+s2], $0x2710, $0x38;
	[tilespmem:$0x7680] =	vst v63  }
0xf: {  	_ =	swait.ge [sflag:s7], $0x2710  }
0x10: {  	[sflag:s7] =	ssyncset.done $0x0  }
0x11: {  	s11 =	simm.s32 $0x0;
	[sflag:s7] =	ssyncadd.s32 $0xFFFFD8F0  }
.LBB2_2:
0x12: {  	p0 =	sne.s32 s11, $0x9C00  }
.Ltmp0:
0x13: {  	_ = 	snop;
	(pc) =	sbr.rel @p0 .LBB2_2-.Ltmp0, $3  }
0x14: {  	_ =	sdelay $0x1  }
0x15: {  	s12 =	sshra.s32 s11, $0x2  }
0x16: {  	s11 =	sadd.s32 $0x40, s11;
	[tilespmem:s12+$0x4F00] =	vst v0  }
0x17: {  	s12 =	simm.s32 $0x0;
	s11 =	simm.s32 $0x40  }
.LBB2_4:
0x18: {  	p0 =	sne.s32 s11, $0x9C00;
	v1 =	vld [tilespmem:s12+$0x0];
	_ =	sdelay $0x2  }
0x19: {  	v2 =	vld [tilespmem:s12+$0x2780]  }
.Ltmp1:
0x1a: {  	(pc) =	sbr.rel @p0 .LBB2_4-.Ltmp1, $2  }
0x1b: {  	_ =	sdelay $0x2  }
0x1c: {  	s12 =	sshra.s32 s11, $0x2;
	s11 =	sadd.s32 $0x40, s11;
	[tilespmem:v1+s9+$0x0] =	vst.idx.add.f32.msk $0xffff, v2  }
0x1d: {  	v1 =	vld [tilespmem:s12+$0x0];
	_ =	sdelay $0x2  }
0x1e: {  	v2 =	vld [tilespmem:s12+$0x2780];
	_ =	sdelay $0x2  }
0x1f: {  	s10 =	sadd.s32 $0x1, s10  }
0x20: {  	p0 =	sne.s32 s10, s6  }
.Ltmp2:
0x21: {  	[tilespmem:v1+s9+$0x0] =	vst.idx.add.f32.msk $0xffff, v2;
	(pc) =	sbr.rel @p0 .LBB2_1-.Ltmp2, $4  }
0x22: {  	[hbm4b:s5+s2] =	stream.linear.scatter [tilespmem:s9], [sflag:$0x1], $0x2710, $0x38;
	[tilespmem:$0x7680] =	vst v63  }
0x23: {  	_ =	swait.ge [sflag:s7], $0x2710  }
0x24: {  	[sflag:s7] =	ssyncset.done $0x0  }
0x25: {  	[sflag:s7] =	ssyncadd.s32 $0xFFFFD8F0  }
0x26: {  	_ =	sfence.sel $0x180000  }
0x27: {  	[bflag:$0x0] =	sbarrier.arrive $0xFFFF  }
0x28: {  	p0 =	sne.s32 s0, $0x0;
	_ =	strace $0x90000047  }
0x29: {  	s0 =	sadd.s32 @!p0 $0x100000, s1;
	[bflag:$0x2] =	sbarrier.arrive $0xFFFF  }
0x2a: {  	[sflag:s0] =	ssyncadd.tile.s32 @!p0 $0x1;
	_ =	shalt  }
.Lfunc_end2:
_tile_overlayer_lowered:
.L_overlay_start_2:
0x2b: {  	(tag) =	ssettag $0x2  }
0x2c: {  	s0 =	rddreg [dreg:$0x0];
	s2 =	stileid.u32  }
0x2d: {  	s1 =	rddreg [dreg:$0x1];
	p0 =	sne.s32 s2, $0x0  }
0x2e: {  	s3 =	rddreg [dreg:$0x2];
	[bflag:$0x3] =	sbarrier.arrive $0xFFFF;
	s2 =	simm.s32 @!p0 $0x1C01  }
0x2f: {  	[timem:s3], [sflag:s2] =	dma.local @!p0 [hbm:s0], s1  }
0x30: {  	s0 =	simm.s32 @!p0 $0x1  }
0x31: {  	_ =	swait.ge @!p0 [sflag:s0], s1  }
0x32: {  	s1 =	ssub.s32 @!p0 $0x0, s1;
	[sflag:s0] =	ssyncset.done @!p0 $0x0  }
0x33: {  	[sflag:s0] =	ssyncadd.s32 @!p0 s1  }
0x34: {  	[bflag:$0x3] =	sbarrier.arrive $0xFFFF  }
0x35: {  	_ =	shalt  }

// kernel: kernel.13.cloned.1.call-start
scs
__scs_entry_jumppad:
0x0: {  	(pc) =	sbr.rel $0x88, $3  }
0x1: {  	(tag) =	ssettag $0x0;
	lr =	simm.s32 $0x1  }
0x2: {  	[smem:$0x3F98] =	sst lr;
	_ =	strace $0xD0000000  }
0x3: {  	_ = 	snop  }
0x4: {  	_ = 	snop  }
0x5: {  	_ = 	snop  }
0x6: {  	_ = 	snop  }
0x7: {  	_ = 	snop  }
__scs_overlays_trampoline_lowered:
0x8: {  	[smem:$0x3FA7] =	sst s0  }
0x9: {  	[smem:$0x3FA8] =	sst s1  }
0xa: {  	[smem:$0x3FA9] =	sst s2  }
0xb: {  	[smem:$0x3FAA] =	sst s3  }
0xc: {  	[smem:$0x3FAB] =	sst s4  }
0xd: {  	[smem:$0x3FAC] =	sst s5  }
0xe: {  	[smem:$0x3FAD] =	sst s6  }
0xf: {  	[smem:$0x3FAE] =	sst s7  }
0x10: {  	[smem:$0x3FAF] =	sst s8  }
0x11: {  	[smem:$0x3FB0] =	sst s9;
	s0 =	simm.s32 @!p0 $0x0  }
0x12: {  	s1 =	sld [smem:$0x3F96];
	s0 =	simm.s32 @p0 $0x1  }
0x13: {  	[smem:$0x3FB1] =	sst s0;
	s0 =	simm.s32 @!p1 $0x0  }
0x14: {  	s2 =	sld [smem:$0x3F95];
	s0 =	simm.s32 @p1 $0x1  }
0x15: {  	[smem:$0x3FB2] =	sst s0;
	s0 =	simm.s32 @!p2 $0x0  }
0x16: {  	s3 =	sld [smem:$0x3FDB];
	s0 =	simm.s32 @p2 $0x1  }
0x17: {  	s4 =	simm.s32 $0x1BF5;
	[smem:$0x3FB4] =	sst s0  }
0x18: {  	s0 =	sld [smem:$0x3F97];
	_ =	swait.ge [sflag:s4], $0x0  }
0x19: {  	s7 =	sld [smem:$0x3F98]  }
0x1a: {  	s8 =	sadd.s32 $0xFFFFE003, lr  }
0x1b: {  	s9 =	sadd.s32 $0xFFFFFEF7, lr;
	s5 =	simm.s32 $0xFFFFFFFF;
	p2 =	slt.u32 s8, $0xFFFFF086  }
0x1c: {  	p1 =	slt.u32 s9, $0xF7A;
	s5 =	simm.s32 @!p2 $0x0  }
0x1d: {  	s5 =	simm.s32 @p1 $0x1;
	p0 =	seq.s32 s7, s2  }
0x1e: {  	s7 =	smul.u32 @!p0 $0xF7A, s2;
	p2 =	seq.s32 @!p0 s5, $0x0  }
0x1f: {  	s9 =	smul.u32 $0xF7A, s1;
	s8 =	simm.s32 @!p0 $0x1BF5;
	p2 =	por !p2, p0  }
0x20: {  	[sflag:s8] =	ssyncset.s32 @!p0 $0xFFFFF086;
	s6 =	sadd.s32 @!p0 s3, s7;
	s7 =	simm.s32 @!p0 $0x108  }
0x21: {  	s3 =	sadd.s32 s3, s9;
	s6 =	sadd.s32 @!p0 $0x88, s6;
	s7 =	simm.s32 @p2 $0x1082  }
0x22: {  	[simem:s7], [sflag:s8] =	dma.local @!p0 [hbm:s6], $0xF7A  }
0x23: {  	s9 =	sor.u32 $0xD0000000, s2;
	s6 =	simm.s32 $0x108;
	_ =	swait.ge @!p0 [sflag:s8], $0x0  }
0x24: {  	s3 =	sadd.s32 $0x88, s3;
	s6 =	simm.s32 @!p1 $0x1082;
	[sflag:s4] =	ssyncset.s32 $0xFFFFF086  }
0x25: {  	[simem:s6], [sflag:s4] =	dma.local [hbm:s3], $0xF7A  }
0x26: {  	[smem:$0x3F98] =	sst s1;
	(tag) =	ssettag s2;
	_ =	strace s9  }
0x27: {  	s1 =	sld [smem:$0x3FA8]  }
0x28: {  	s2 =	sld [smem:$0x3FA9]  }
0x29: {  	s4 =	sld [smem:$0x3FAB]  }
0x2a: {  	p0 =	seq.s32 s5, $0x0;
	s5 =	sld [smem:$0x3FAC]  }
0x2b: {  	s6 =	sld [smem:$0x3FAD]  }
0x2c: {  	s7 =	sld [smem:$0x3FAE]  }
0x2d: {  	s3 =	simm.s32 $0x108;
	s8 =	sld [smem:$0x3FAF]  }
0x2e: {  	s3 =	simm.s32 @!p0 $0x1082;
	s9 =	sld [smem:$0x3FB0]  }
0x2f: {  	lr =	sadd.s32 s0, s3;
	s0 =	sld [smem:$0x3FA7]  }
0x30: {  	s3 =	sld [smem:$0x3FAA]  }
0x31: {  	[smem:$0x3FB3] =	sst s10  }
0x32: {  	s10 =	sld [smem:$0x3FB1];
	_ =	sdelay $0x3  }
0x33: {  	p0 =	seq.s32 s10, $0x1;
	s10 =	sld [smem:$0x3FB3];
	_ =	sdelay $0x3  }
0x34: {  	[smem:$0x3FB3] =	sst s10  }
0x35: {  	s10 =	sld [smem:$0x3FB2];
	_ =	sdelay $0x3  }
0x36: {  	p1 =	seq.s32 s10, $0x1;
	s10 =	sld [smem:$0x3FB3];
	_ =	sdelay $0x3  }
0x37: {  	[smem:$0x3FB3] =	sst s10  }
0x38: {  	s10 =	sld [smem:$0x3FB4]  }
0x39: {  	_ = 	snop;
	(pc) =	sbr.ind lr, $3  }
0x3a: {  	_ = 	snop  }
0x3b: {  	_ = 	snop  }
0x3c: {  	p2 =	seq.s32 s10, $0x1;
	s10 =	sld [smem:$0x3FB3]  }
0x3d: {  	_ =	shalt  }
0x3e: {  	_ =	shalt  }
0x3f: {  	_ =	shalt  }
0x40: {  	_ =	shalt  }
0x41: {  	_ =	shalt  }
0x42: {  	_ =	shalt  }
0x43: {  	_ =	shalt  }
0x44: {  	_ =	shalt  }
0x45: {  	_ =	shalt  }
0x46: {  	_ =	shalt  }
0x47: {  	_ =	shalt  }
0x48: {  	_ =	shalt  }
0x49: {  	_ =	shalt  }
0x4a: {  	_ =	shalt  }
0x4b: {  	_ =	shalt  }
0x4c: {  	_ =	shalt  }
0x4d: {  	_ =	shalt  }
0x4e: {  	_ =	shalt  }
0x4f: {  	_ =	shalt  }
0x50: {  	_ =	shalt  }
0x51: {  	_ =	shalt  }
0x52: {  	_ =	shalt  }
0x53: {  	_ =	shalt  }
0x54: {  	_ =	shalt  }
0x55: {  	_ =	shalt  }
0x56: {  	_ =	shalt  }
0x57: {  	_ =	shalt  }
0x58: {  	_ =	shalt  }
0x59: {  	_ =	shalt  }
0x5a: {  	_ =	shalt  }
0x5b: {  	_ =	shalt  }
0x5c: {  	_ =	shalt  }
0x5d: {  	_ =	shalt  }
0x5e: {  	_ =	shalt  }
0x5f: {  	_ =	shalt  }
0x60: {  	_ =	shalt  }
0x61: {  	_ =	shalt  }
0x62: {  	_ =	shalt  }
0x63: {  	_ =	shalt  }
0x64: {  	_ =	shalt  }
0x65: {  	_ =	shalt  }
0x66: {  	_ =	shalt  }
0x67: {  	_ =	shalt  }
0x68: {  	_ =	shalt  }
0x69: {  	_ =	shalt  }
0x6a: {  	_ =	shalt  }
0x6b: {  	_ =	shalt  }
0x6c: {  	_ =	shalt  }
0x6d: {  	_ =	shalt  }
0x6e: {  	_ =	shalt  }
0x6f: {  	_ =	shalt  }
0x70: {  	_ =	shalt  }
0x71: {  	_ =	shalt  }
0x72: {  	_ =	shalt  }
0x73: {  	_ =	shalt  }
0x74: {  	_ =	shalt  }
0x75: {  	_ =	shalt  }
0x76: {  	_ =	shalt  }
0x77: {  	_ =	shalt  }
0x78: {  	_ =	shalt  }
0x79: {  	_ =	shalt  }
0x7a: {  	_ =	shalt  }
0x7b: {  	_ =	shalt  }
0x7c: {  	_ =	shalt  }
0x7d: {  	_ =	shalt  }
0x7e: {  	_ =	shalt  }
0x7f: {  	_ =	shalt  }
0x80: {  	_ =	shalt  }
0x81: {  	_ =	shalt  }
0x82: {  	_ =	shalt  }
0x83: {  	_ =	shalt  }
0x84: {  	_ =	shalt  }
0x85: {  	_ =	shalt  }
0x86: {  	_ =	shalt  }
0x87: {  	_ =	shalt  }
.Lfunc_end0:
.L_simem_size_0:
called_computation.1_lowered:
.L_overlay_start_0:
0x88: {  	s0 =	sld [smem:$0x3FD9]  }
0x89: {  	s1 =	sld [smem:$0x3FFE];
	_ =	sdelay $0x3  }
0x8a: {  	s0 =	sadd.s32 s1, s0  }
0x8b: {  	[smem:$0x3FBF] =	sst s0  }
0x8c: {  	_ = 	snop  }
0x8d: {  	s0 =	sld [smem:$0x3FC7];
	(tm) =	ssettm $0x1  }
0x8e: {  	s16 =	sld [smem:$0x3FFB];
	_ =	sdelay $0x3  }
0x8f: {  	_ =	strace s16  }
0x90: {  	s1 =	sld [smem:$0x3FFC];
	_ =	sdelay $0x3  }
0x91: {  	_ =	strace s1  }
0x92: {  	s1 =	sld [smem:$0x3FFD];
	_ =	sdelay $0x3  }
0x93: {  	_ =	strace s1  }
0x94: {  	_ =	strace $0x8FFFFFFF  }
0x95: {  	s17 =	sld [smem:$0x3FDB];
	_ =	sdelay $0x1  }
0x96: {  	s2 =	simm.s32 $_scs_section_size  }
0x97: {  	s3 =	simm.s32 $_size__tile_overlayer_lowered;
	s4 =	simm.s32 $_tile_overlayer_lowered  }
0x98: {  	s20 =	simm.s32 $0x1BFF;
	s19 =	sshll.u32 s4, $0x1;
	s1 =	sadd.s32 s2, s17  }
0x99: {  	s5 =	simm.s32 $0x0;
	s18 =	sshll.u32 s3, $0x1;
	s3 =	sadd.s32 s19, s1  }
0x9a: {  	[timem:s5], [sflag:s20] =	dma.local [hbm:s3], s18  }
0x9b: {  	_ =	swait.ge [sflag:s20], s18  }
0x9c: {  	s2 =	ssub.s32 $0x0, s18;
	[sflag:s20] =	ssyncset.done $0x0  }
0x9d: {  	[sflag:s20] =	ssyncadd.s32 s2;
	_ =	sdelay $0x1  }
0x9e: {  	s21 =	simm.s32 $0x1B8B  }
0x9f: {  	_ =	swait.ge [sflag:s21], $0x1  }
0xa0: {  	[sflag:s21] =	ssyncset.done $0x0  }
0xa1: {  	s23 =	simm.s32 $0x1B8E;
	s22 =	sld [smem:$0x3FFE];
	[sflag:s21] =	ssyncadd.s32 $0xFFFFFFFF  }
0xa2: {  	s24 =	simm.s32 $execute0_lowered;
	[smem:$0x3FD2] =	sst s23  }
0xa3: {  	s3 =	sshll.u32 s24, $0x1;
	_ =	strace $0x80000049;
	[dreg:$0x1] =	wrdreg $0xFFFFFFFF  }
0xa4: {  	s25 =	simm.s32 $_size_execute0_lowered;
	s1 =	sadd.s32 s1, s3;
	[dreg:$0x0] =	wrdreg $0x0  }
0xa5: {  	s3 =	sshll.u32 s25, $0x1;
	[dreg:$0x2] =	wrdreg s1  }
0xa6: {  	[dreg:$0x3] =	wrdreg s3  }
0xa7: {  	[dreg:$0x4] =	wrdreg $0xC0  }
0xa8: {  	_ =	task [dreg:s5], $0x5FFFF  }
0xa9: {  	[dreg:$0x1] =	wrdreg $0xFFFFFFFF  }
0xaa: {  	[dreg:$0x0] =	wrdreg $0x60  }
0xab: {  	[dreg:$0x2] =	wrdreg s22  }
0xac: {  	[dreg:$0x3] =	wrdreg s0  }
0xad: {  	[dreg:$0x4] =	wrdreg $0xBC000  }
0xae: {  	[dreg:$0x5] =	wrdreg $0x9  }
0xaf: {  	_ =	task.clear_ibuf [dreg:s5], $0x6FFFF;
	_ =	strace $0x90000049  }
0xb0: {  	s26 =	simm.s32 $0x9;
	_ =	strace $0x8000004B  }
0xb1: {  	_ =	swait.ge [sflag:s26], $0x1  }
0xb2: {  	[sflag:s26] =	ssyncadd.s32 $0xFFFFFFFF  }
0xb3: {  	_ =	strace $0x9000004B  }
0xb4: {  	_ =	sfence  }
0xb5: {  	s28 =	sld [smem:$0x0];
	_ =	sdelay $0x1  }
0xb6: {  	s29 =	srdreg.scid  }
0xb7: {  	s30 =	sshll.u32 s29, $0xD;
	s31 =	sshrl.u32 s29, $0x2  }
0xb8: {  	s2 =	sand.u32 $0x4000, s30;
	s1 =	sand.u32 $0x1, s29;
	s0 =	sadd.s32 s31, s28  }
0xb9: {  	s1 =	sor.u32 s2, s1;
	s0 =	sshll.u32 s0, $0x11  }
0xba: {  	s0 =	sor.u32 s0, s1  }
0xbb: {  	s0 =	sadd.s32 $0x8F2B, s0  }
0xbc: {  	[sflag:s0] =	ssyncadd.remote.s32 $0x1  }
0xbd: {  	_ =	sfence.sel $0xFFFF  }
0xbe: {  	[dreg:$0x0] =	wrdreg $0xFFFFFFFF;
	(pc) =	sbr.abs _section_cstart, $3  }
0xbf: {  	[dreg:$0x1] =	wrdreg $0xFFFFFFFF  }
0xc0: {  	_ =	task.clear_ibuf [dreg:s5], $0x2FFFF;
	_ =	strace $0x9FFFFFFF  }
0xc1: {  	(tm) =	ssettm $0x7FFFFFFF  }
tec
execute0_lowered:
.L_overlay_start_1:
0x0: {  	(tag) =	ssettag $0x1  }
0x1: {  	s0 =	rddreg [dreg:$0x0]  }
0x2: {  	s2 =	rddreg [dreg:$0x2];
	s1 =	simm.s32 $0x0  }
0x3: {  	s6 =	stileid.u32;
	[smem:$0x7FF] =	sst s1;
	s30 =	sadd.s32 $0x39600, s0  }
0x4: {  	s31 =	sadd.s32 $0x20600, s0;
	_ =	strace $0x8000004A;
	[dreg:$0x5] =	wrdreg s30  }
0x5: {  	s7 =	sadd.s32 $0x52600, s0;
	s0 =	sadd.s32 $0x79800, s0;
	[dreg:$0x6] =	wrdreg s31  }
0x6: {  	v0 =	vimm.f32 $0.0e+00;
	s1 =	simm.s32 $0x200;
	[dreg:$0x4] =	wrdreg s0;
	s0 =	simm.s32 $0x0  }
.LBB2_1:
0x7: {  	p0 =	sne.s32 s1, $0x4E00;
	[tilespmem:s0+$0x3070] =	vst v0  }
0x8: {  	[tilespmem:s0+$0x3000] =	vst v0  }
0x9: {  	[tilespmem:s0+$0x3010] =	vst v0  }
.Ltmp0:
0xa: {  	[tilespmem:s0+$0x3020] =	vst v0;
	(pc) =	sbr.rel @p0 .LBB2_1-.Ltmp0, $4  }
0xb: {  	[tilespmem:s0+$0x3030] =	vst v0  }
0xc: {  	[tilespmem:s0+$0x3040] =	vst v0  }
0xd: {  	[tilespmem:s0+$0x3050] =	vst v0  }
0xe: {  	[tilespmem:s0+$0x3060] =	vst v0;
	s0 =	sshra.s32 s1, $0x2;
	s1 =	sadd.s32 $0x200, s1  }
0xf: {  	[tilespmem:s0+$0x3070] =	vst v0  }
0x10: {  	[tilespmem:s0+$0x3000] =	vst v0  }
0x11: {  	[tilespmem:s0+$0x3010] =	vst v0  }
0x12: {  	[tilespmem:s0+$0x3020] =	vst v0  }
0x13: {  	[tilespmem:s0+$0x3030] =	vst v0;
	p0 =	seq.s32 s6, $0xF;
	s1 =	simm.s32 $0x190;
	s3 =	smul.u32 $0x50000, s6  }
0x14: {  	[tilespmem:s0+$0x3040] =	vst v0;
	s1 =	simm.s32 @!p0 $0x280  }
0x15: {  	[tilespmem:s0+$0x3050] =	vst v0;
	s3 =	sshrl.u32 s3, $0x2;
	p1 =	sle.u32 s1, $0x0  }
0x16: {  	[tilespmem:s0+$0x3060] =	vst v0;
	s0 =	sadd.s32 s3, s2;
	s3 =	simm.s32 @!p1 $0x3000;
	s4 =	simm.s32 @!p1 $0xB  }
0x17: {  	[spmem:s0] =	stream.linear.scatter @!p1 [tilespmem:s3], [sflag:$0xB], $0x1400, $0x38;
	[tilespmem:$0x1F480] =	vst v63  }
0x18: {  	_ =	swait.ge @!p1 [sflag:s4], $0x1400  }
0x19: {  	s3 =	simm.s32 $0x28;
	[sflag:s4] =	ssyncset.done @!p1 $0x0  }
.LBB2_3:
0x1a: {  	[sflag:s4] =	ssyncadd.s32 @!p1 $0xFFFFEC00;
	s4 =	smov.u32 s3;
	s3 =	sadd.s32 $0x28, s3  }
0x1b: {  	s0 =	sadd.s32 $0x1400, s0;
	p2 =	sne.s32 s3, $0x280  }
.Ltmp1:
0x1c: {  	p1 =	sge.u32 s4, s1;
	(pc) =	sbr.rel @p2 .LBB2_3-.Ltmp1, $4  }
0x1d: {  	s5 =	simm.s32 @!p1 $0x3000;
	s4 =	simm.s32 @!p1 $0xB  }
0x1e: {  	[spmem:s0] =	stream.linear.scatter @!p1 [tilespmem:s5], [sflag:$0xB], $0x1400, $0x38;
	[tilespmem:$0x1F480] =	vst v63  }
0x1f: {  	_ =	swait.ge @!p1 [sflag:s4], $0x1400  }
0x20: {  	[sflag:s4] =	ssyncset.done @!p1 $0x0  }
0x21: {  	[sflag:s4] =	ssyncadd.s32 @!p1 $0xFFFFEC00;
	s0 =	smul.u32 $0x190, s6  }
0x22: {  	s12 =	simm.s32 $0x2800;
	s13 =	simm.s32 $0x32;
	s14 =	simm.s32 $0x3000  }
0x23: {  	s16 =	simm.s32 $0x4C00;
	s18 =	simm.s32 $0x6800;
	s19 =	simm.s32 $0x8400  }
0x24: {  	s20 =	simm.s32 $0x1;
	s21 =	simm.s32 $0xA000;
	s22 =	simm.s32 $0x2  }
0x25: {  	s23 =	simm.s32 $0x6;
	s24 =	simm.s32 $0x3;
	s25 =	simm.s32 $0x7  }
0x26: {  	s26 =	simm.s32 $0x4;
	s28 =	simm.s32 $0x8;
	[dreg:$0x7] =	wrdreg s0  }
0x27: {  	s29 =	simm.s32 $0x5;
	s1 =	simm.s32 $0x0;
	[bflag:$0x0] =	sbarrier.arrive $0xFFFF  }
.LBB2_5:
0x28: {  	s8 =	smul.u32 $0x28, s1  }
0x29: {  	s0 =	rddreg [dreg:$0x7]  }
0x2a: {  	[dreg:$0x8] =	wrdreg s1;
	s1 =	sadd.s32 s0, s8  }
0x2b: {  	s9 =	rddreg [dreg:$0x5];
	s3 =	sshll.u32 s1, $0x4  }
0x2c: {  	s5 =	simm.s32 $0x0;
	s10 =	simm.s32 $0xB;
	s4 =	sadd.s32 s9, s3  }
0x2d: {  	[tilespmem:s5], [sflag:$0xB] =	stream.linear.gather [hbm4b:s4+s5], $0x1400, $0x38;
	[tilespmem:$0x1F480] =	vst v63  }
0x2e: {  	_ =	swait.ge [sflag:s10], $0x1400  }
0x2f: {  	[sflag:s10] =	ssyncset.done $0x0;
	s11 =	rddreg [dreg:$0x6]  }
0x30: {  	s15 =	simm.s32 $0x1400;
	[sflag:s10] =	ssyncadd.s32 $0xFFFFEC00;
	s3 =	sadd.s32 s11, s3  }
0x31: {  	[tilespmem:s15], [sflag:$0xB] =	stream.linear.gather [hbm4b:s3+s5], $0x1400, $0x38;
	[tilespmem:$0x1F480] =	vst v63  }
0x32: {  	_ =	swait.ge [sflag:s10], $0x1400  }
0x33: {  	s1 =	smul.u32 $0x32, s1;
	[sflag:s10] =	ssyncset.done $0x0  }
0x34: {  	[sflag:s10] =	ssyncadd.s32 $0xFFFFEC00  }
0x35: {  	s1 =	sshrl.u32 s1, $0x3;
	s17 =	rddreg [dreg:$0x1]  }
0x36: {  	s1 =	sadd.s32 s17, s1  }
0x37: {  	[tilespmem:s12], [sflag:$0xB] =	stream.linear.gather [hbm4b:s1+s5], $0x7D0, $0x38;
	[tilespmem:$0x1F480] =	vst v63  }
0x38: {  	_ =	swait.ge [sflag:s10], $0x7D0  }
0x39: {  	[sflag:s10] =	ssyncset.done $0x0  }
0x3a: {  	[sflag:s10] =	ssyncadd.s32 $0xFFFFF830  }
0x3b: {  	[tilespmem:s14], [sflag:$0x1] =	stream.indirect.gather [hbm4b:s7+s13], $0x80, s5, s13, $0xb8;
	[tilespmem:$0x1F480] =	vst v63  }
0x3c: {  	s30 =	simm.s32 $0x80  }
0x3d: {  	[tilespmem:s16], [sflag:$0x2] =	stream.indirect.gather [hbm4b:s7+s13], $0x80, s30, s13, $0xb8;
	[tilespmem:$0x1F480] =	vst v63  }
0x3e: {  	s31 =	simm.s32 $0x100;
	s3 =	simm.s32 $0x0;
	s1 =	simm.s32 $0x0  }
0x3f: {  	[tilespmem:s18], [sflag:$0x3] =	stream.indirect.gather [hbm4b:s7+s13], $0x80, s31, s13, $0xb8;
	[tilespmem:$0x1F480] =	vst v63  }
.LBB2_6:
0x40: {  	s15 =	smul.u32 $0x5, s1;
	p1 =	seq.s32 s1, $0x0  }
0x41: {  	s5 =	simm.s32 @!p1 $0x9  }
0x42: {  	s6 =	sadd.s32 $0xFFFFFFFB, s3;
	_ =	swait.ge @!p1 [sflag:s5], $0x1900;
	s11 =	sshll.u32 s15, $0x9  }
0x43: {  	s8 =	sadd.s32 $0x9, s6;
	[sflag:s5] =	ssyncset.done @!p1 $0x0;
	s4 =	sadd.s32 $0x600, s11  }
0x44: {  	s17 =	sadd.s32 $0x5, s6;
	v0 =	vmov s8;
	[sflag:s5] =	ssyncadd.s32 @!p1 $0xFFFFE700;
	s10 =	sshrl.u32 s4, $0x2  }
0x45: {  	[tilespmem:s19], [sflag:$0x4] =	stream.indirect.gather [hbm4b:s7+s13], $0x80, s10, s13, $0xb8;
	[tilespmem:$0x1F480] =	vst v63  }
0x46: {  	v1 =	vmov s17;
	_ =	swait.ge [sflag:s20], $0x1900  }
0x47: {  	[sflag:s20] =	ssyncset.done $0x0  }
0x48: {  	[sflag:s20] =	ssyncadd.s32 $0xFFFFE700  }
0x49: {  	s5 =	simm.s32 $0x3140;
	v0 =	vld.idx.msk [tilespmem:v0+s12+$0x0], $0xffff  }
0x4a: {  	v2 =	vld [tilespmem:s5+$0x130]  }
0x4b: {  	v1 =	vld.idx.msk [tilespmem:v1+s12+$0x0], $0xffff  }
0x4c: {  	v3 =	vld [tilespmem:s5+$0xFFFFFEC0]  }
0x4d: {  	s30 =	sadd.s32 $0x6, s6;
	v4 =	vld [tilespmem:s5+$0xFFFFFED0]  }
0x4e: {  	v5 =	vmov s30;
	v6 =	vld [tilespmem:s5+$0xFFFFFEE0]  }
0x4f: {  	v7 =	vld [tilespmem:s5+$0xFFFFFEF0]  }
0x50: {  	v8 =	vld [tilespmem:s5+$0xFFFFFF00]  }
0x51: {  	v9 =	vld [tilespmem:s5+$0xFFFFFF10]  }
0x52: {  	v10 =	vld [tilespmem:s5+$0xFFFFFF20]  }
0x53: {  	v5 =	vld.idx.msk [tilespmem:v5+s12+$0x0], $0xffff;
	v3 =	vmul.f32 v3, v1  }
0x54: {  	v11 =	vld [tilespmem:s5+$0xFFFFFF40];
	v2 =	vmul.f32 v2, v0  }
0x55: {  	v12 =	vld [tilespmem:s5+$0xFFFFFF50];
	v4 =	vmul.f32 v4, v1;
	[tilespmem:s5+$0xFFFFFEC0] =	vst v3  }
0x56: {  	v63 =	vld [tilespmem:s5+$0x10];
	v9 =	vmul.f32 v9, v1;
	[tilespmem:s5+$0x130] =	vst v2  }
0x57: {  	s31 =	sadd.s32 $0x7, s6;
	v10 =	vmul.f32 v10, v1;
	v3 =	vld [tilespmem:s5+$0xFFFFFF30];
	[tilespmem:s5+$0xFFFFFED0] =	vst v4  }
0x58: {  	v13 =	vmov s31;
	v2 =	vmul.f32 v6, v1;
	v6 =	vld [tilespmem:s5+$0xFFFFFF60];
	[tilespmem:s5+$0xFFFFFF10] =	vst v9  }
0x59: {  	v4 =	vmul.f32 v7, v1;
	v7 =	vld [tilespmem:s5+$0xFFFFFF70];
	[tilespmem:s5+$0xFFFFFF20] =	vst v10  }
0x5a: {  	v9 =	vmul.f32 v12, v5;
	v10 =	vld [tilespmem:s5+$0xFFFFFFC0];
	[tilespmem:s5+$0xFFFFFEE0] =	vst v2  }
0x5b: {  	[tilespmem:s5+$0xFFFFFEF0] =	vst v4;
	v4 =	vmul.f32 v11, v5;
	v11 =	vld [tilespmem:s5+$0xFFFFFF90]  }
0x5c: {  	v2 =	vmul.f32 v8, v1;
	v8 =	vld [tilespmem:s5+$0xFFFFFF80];
	[tilespmem:s5+$0xFFFFFF50] =	vst v9  }
0x5d: {  	[tilespmem:s5+$0xFFFFFF40] =	vst v4;
	v4 =	vld.idx.msk [tilespmem:v13+s12+$0x0], $0xffff;
	v1 =	vmul.f32 v3, v1  }
0x5e: {  	[tilespmem:s5+$0xFFFFFF00] =	vst v2;
	v2 =	vld [tilespmem:s5+$0xFFFFFFA0];
	v7 =	vmul.f32 v7, v5  }
0x5f: {  	s6 =	sadd.s32 $0x8, s6;
	v3 =	vld [tilespmem:s5+$0xFFFFFFB0];
	[tilespmem:s5+$0xFFFFFF30] =	vst v1;
	v1 =	vmul.f32 v6, v5  }
0x60: {  	v62 =	vmov s6;
	v6 =	vld [tilespmem:s5+$0xFFFFFFD0];
	[tilespmem:s5+$0xFFFFFF70] =	vst v7;
	v7 =	vmul.f32 v11, v5  }
0x61: {  	v9 =	vld [tilespmem:s5+$0xFFFFFFE0];
	[tilespmem:s5+$0xFFFFFF60] =	vst v1;
	v1 =	vmul.f32 v8, v5  }
0x62: {  	v8 =	vld [tilespmem:s5+$0xFFFFFFF0];
	v10 =	vmul.f32 v10, v4;
	[tilespmem:s5+$0xFFFFFF90] =	vst v7  }
0x63: {  	v11 =	vld [tilespmem:s5+$0x0];
	v2 =	vmul.f32 v2, v5;
	[tilespmem:s5+$0xFFFFFF80] =	vst v1  }
0x64: {  	v7 =	vld [tilespmem:s5+$0x20];
	v3 =	vmul.f32 v3, v5;
	[tilespmem:s5+$0xFFFFFFC0] =	vst v10  }
0x65: {  	v1 =	vld.idx.msk [tilespmem:v62+s12+$0x0], $0xffff;
	[tilespmem:s5+$0xFFFFFFA0] =	vst v2;
	v2 =	vmul.f32 v6, v4  }
0x66: {  	v10 =	vld [tilespmem:s5+$0x30];
	[tilespmem:s5+$0xFFFFFFB0] =	vst v3;
	v3 =	vmul.f32 v9, v4  }
0x67: {  	v9 =	vld [tilespmem:s5+$0x40];
	[tilespmem:s5+$0xFFFFFFD0] =	vst v2;
	v2 =	vmul.f32 v8, v4  }
0x68: {  	v8 =	vld [tilespmem:s5+$0x50];
	[tilespmem:s5+$0xFFFFFFE0] =	vst v3;
	v3 =	vmul.f32 v11, v4  }
0x69: {  	v11 =	vld [tilespmem:s5+$0x60];
	v7 =	vmul.f32 v7, v4;
	[tilespmem:s5+$0xFFFFFFF0] =	vst v2  }
0x6a: {  	v6 =	vld [tilespmem:s5+$0x70];
	v2 =	vmul.f32 v63, v4;
	[tilespmem:s5+$0x0] =	vst v3  }
0x6b: {  	v5 =	vld [tilespmem:s5+$0x80];
	v4 =	vmul.f32 v10, v4;
	[tilespmem:s5+$0x20] =	vst v7  }
0x6c: {  	v3 =	vld [tilespmem:s5+$0x90];
	v9 =	vmul.f32 v9, v1;
	[tilespmem:s5+$0x10] =	vst v2  }
0x6d: {  	v2 =	vld [tilespmem:s5+$0xA0];
	[tilespmem:s5+$0x30] =	vst v4;
	v8 =	vmul.f32 v8, v1  }
0x6e: {  	s8 =	simm.s32 $0x0;
	s6 =	simm.s32 $0x3140;
	v4 =	vld [tilespmem:s5+$0xB0];
	[tilespmem:s5+$0x40] =	vst v9;
	v7 =	vmul.f32 v11, v1  }
.LBB2_7:
0x6f: {  	s17 =	sadd.s32 s8, s3;
	s8 =	sadd.s32 $0x5, s8;
	[tilespmem:s5+$0x50] =	vst v8;
	v6 =	vmul.f32 v6, v1;
	v8 =	vld [tilespmem:s5+$0xC0]  }
0x70: {  	s30 =	sadd.s32 $0x5, s17;
	s31 =	sadd.s32 $0x9, s17;
	p2 =	slt.u32 s8, $0x2D;
	[tilespmem:s5+$0x60] =	vst v7;
	v5 =	vmul.f32 v5, v1;
	v7 =	vld [tilespmem:s5+$0xD0]  }
0x71: {  	s9 =	sadd.s32 $0x7, s17;
	v9 =	vmov s30;
	s30 =	sadd.s32 $0x6, s17;
	s17 =	sadd.s32 $0x8, s17;
	v10 =	vmov s31;
	[tilespmem:s5+$0x70] =	vst v6;
	v3 =	vmul.f32 v3, v1;
	v6 =	vld [tilespmem:s5+$0xE0]  }
0x72: {  	v12 =	vmov s9;
	v11 =	vmov s30;
	v13 =	vmov s17;
	[tilespmem:s5+$0x80] =	vst v5;
	v5 =	vld [tilespmem:s5+$0xF0]  }
0x73: {  	v2 =	vmul.f32 v2, v1;
	[tilespmem:s5+$0x90] =	vst v3;
	v1 =	vmul.f32 v4, v1;
	v3 =	vld [tilespmem:s5+$0x100]  }
0x74: {  	v4 =	vmul.f32 v8, v0;
	v8 =	vld [tilespmem:s5+$0x110]  }
0x75: {  	[tilespmem:s5+$0xA0] =	vst v2;
	v2 =	vmul.f32 v7, v0;
	v7 =	vld [tilespmem:s5+$0x120]  }
0x76: {  	s5 =	sadd.s32 $0x280, s5;
	v10 =	vld.idx.msk [tilespmem:v10+s12+$0x0], $0xffff;
	[tilespmem:s6+$0xB0] =	vst v1;
	v1 =	vmul.f32 v6, v0  }
0x77: {  	v6 =	vld [tilespmem:s5+$0x130];
	[tilespmem:s6+$0xC0] =	vst v4;
	v4 =	vmul.f32 v5, v0  }
0x78: {  	v5 =	vld.idx.msk [tilespmem:v9+s12+$0x0], $0xffff;
	[tilespmem:s6+$0xD0] =	vst v2;
	v2 =	vmul.f32 v3, v0  }
0x79: {  	v3 =	vld.idx.msk [tilespmem:v11+s12+$0x0], $0xffff;
	[tilespmem:s6+$0xE0] =	vst v1;
	v8 =	vmul.f32 v8, v0  }
0x7a: {  	v9 =	vld.idx.msk [tilespmem:v12+s12+$0x0], $0xffff;
	[tilespmem:s6+$0xF0] =	vst v4;
	v4 =	vmul.f32 v7, v0  }
0x7b: {  	v1 =	vld.idx.msk [tilespmem:v13+s12+$0x0], $0xffff;
	[tilespmem:s6+$0x100] =	vst v2  }
0x7c: {  	v0 =	vmov v10;
	v2 =	vld [tilespmem:s5+$0xFFFFFEC0];
	v6 =	vmul.f32 v6, v10;
	[tilespmem:s6+$0x110] =	vst v8  }
0x7d: {  	v7 =	vld [tilespmem:s5+$0xFFFFFED0];
	[tilespmem:s6+$0x120] =	vst v4;
	s6 =	smov.u32 s5  }
0x7e: {  	v4 =	vld [tilespmem:s5+$0xFFFFFEE0];
	[tilespmem:s5+$0x130] =	vst v6  }
0x7f: {  	v6 =	vld [tilespmem:s5+$0xFFFFFEF0]  }
0x80: {  	v8 =	vld [tilespmem:s5+$0xFFFFFF00]  }
0x81: {  	v2 =	vmul.f32 v2, v5;
	v10 =	vld [tilespmem:s5+$0xFFFFFF10]  }
0x82: {  	v7 =	vmul.f32 v7, v5;
	v11 =	vld [tilespmem:s5+$0xFFFFFF20]  }
0x83: {  	[tilespmem:s5+$0xFFFFFEC0] =	vst v2;
	v2 =	vmul.f32 v4, v5;
	v4 =	vld [tilespmem:s5+$0xFFFFFF30]  }
0x84: {  	[tilespmem:s5+$0xFFFFFED0] =	vst v7;
	v6 =	vmul.f32 v6, v5;
	v7 =	vld [tilespmem:s5+$0xFFFFFF40]  }
0x85: {  	[tilespmem:s5+$0xFFFFFEE0] =	vst v2;
	v2 =	vmul.f32 v8, v5;
	v8 =	vld [tilespmem:s5+$0xFFFFFF50]  }
0x86: {  	[tilespmem:s5+$0xFFFFFEF0] =	vst v6;
	v6 =	vmul.f32 v10, v5;
	v10 =	vld [tilespmem:s5+$0xFFFFFF60]  }
0x87: {  	[tilespmem:s5+$0xFFFFFF00] =	vst v2;
	v2 =	vmul.f32 v11, v5;
	v11 =	vld [tilespmem:s5+$0xFFFFFF70]  }
0x88: {  	[tilespmem:s5+$0xFFFFFF10] =	vst v6;
	v4 =	vmul.f32 v4, v5;
	v5 =	vld [tilespmem:s5+$0xFFFFFF80]  }
0x89: {  	[tilespmem:s5+$0xFFFFFF20] =	vst v2;
	v2 =	vmul.f32 v7, v3;
	v6 =	vld [tilespmem:s5+$0xFFFFFF90]  }
0x8a: {  	[tilespmem:s5+$0xFFFFFF30] =	vst v4;
	v4 =	vmul.f32 v8, v3;
	v7 =	vld [tilespmem:s5+$0xFFFFFFA0]  }
0x8b: {  	[tilespmem:s5+$0xFFFFFF40] =	vst v2;
	v2 =	vmul.f32 v10, v3;
	v8 =	vld [tilespmem:s5+$0xFFFFFFB0]  }
0x8c: {  	[tilespmem:s5+$0xFFFFFF50] =	vst v4;
	v4 =	vmul.f32 v11, v3;
	v10 =	vld [tilespmem:s5+$0xFFFFFFC0]  }
0x8d: {  	[tilespmem:s5+$0xFFFFFF60] =	vst v2;
	v2 =	vmul.f32 v5, v3;
	v5 =	vld [tilespmem:s5+$0xFFFFFFD0]  }
0x8e: {  	[tilespmem:s5+$0xFFFFFF70] =	vst v4;
	v4 =	vmul.f32 v6, v3;
	v6 =	vld [tilespmem:s5+$0xFFFFFFE0]  }
0x8f: {  	[tilespmem:s5+$0xFFFFFF80] =	vst v2;
	v2 =	vmul.f32 v7, v3;
	v7 =	vld [tilespmem:s5+$0xFFFFFFF0]  }
0x90: {  	[tilespmem:s5+$0xFFFFFF90] =	vst v4;
	v3 =	vmul.f32 v8, v3;
	v4 =	vld [tilespmem:s5+$0x0]  }
0x91: {  	[tilespmem:s5+$0xFFFFFFA0] =	vst v2;
	v2 =	vmul.f32 v10, v9;
	v8 =	vld [tilespmem:s5+$0x10]  }
0x92: {  	[tilespmem:s5+$0xFFFFFFB0] =	vst v3;
	v3 =	vmul.f32 v5, v9;
	v5 =	vld [tilespmem:s5+$0x20]  }
0x93: {  	[tilespmem:s5+$0xFFFFFFC0] =	vst v2;
	v2 =	vmul.f32 v6, v9;
	v10 =	vld [tilespmem:s5+$0x30]  }
0x94: {  	[tilespmem:s5+$0xFFFFFFD0] =	vst v3;
	v3 =	vmul.f32 v7, v9;
	v7 =	vld [tilespmem:s5+$0x40]  }
0x95: {  	[tilespmem:s5+$0xFFFFFFE0] =	vst v2;
	v2 =	vmul.f32 v4, v9;
	v4 =	vld [tilespmem:s5+$0x50]  }
0x96: {  	[tilespmem:s5+$0xFFFFFFF0] =	vst v3;
	v3 =	vmul.f32 v8, v9;
	v11 =	vld [tilespmem:s5+$0x60]  }
.Ltmp2:
0x97: {  	[tilespmem:s5+$0x0] =	vst v2;
	v2 =	vmul.f32 v5, v9;
	v6 =	vld [tilespmem:s5+$0x70];
	(pc) =	sbr.rel @p2 .LBB2_7-.Ltmp2, $4  }
0x98: {  	[tilespmem:s5+$0x10] =	vst v3;
	v8 =	vmul.f32 v10, v9;
	v5 =	vld [tilespmem:s5+$0x80]  }
0x99: {  	[tilespmem:s5+$0x20] =	vst v2;
	v7 =	vmul.f32 v7, v1;
	v3 =	vld [tilespmem:s5+$0x90]  }
0x9a: {  	[tilespmem:s5+$0x30] =	vst v8;
	v8 =	vmul.f32 v4, v1;
	v2 =	vld [tilespmem:s5+$0xA0]  }
0x9b: {  	[tilespmem:s5+$0x40] =	vst v7;
	v7 =	vmul.f32 v11, v1;
	v4 =	vld [tilespmem:s5+$0xB0]  }
0x9c: {  	[tilespmem:s5+$0x50] =	vst v8;
	v6 =	vmul.f32 v6, v1;
	v8 =	vld [tilespmem:s5+$0xC0]  }
0x9d: {  	[tilespmem:s5+$0x60] =	vst v7;
	v5 =	vmul.f32 v5, v1;
	v7 =	vld [tilespmem:s5+$0xD0]  }
0x9e: {  	[tilespmem:s5+$0x70] =	vst v6;
	v3 =	vmul.f32 v3, v1;
	v6 =	vld [tilespmem:s5+$0xE0]  }
0x9f: {  	[tilespmem:s5+$0x80] =	vst v5;
	v5 =	vld [tilespmem:s5+$0xF0];
	v2 =	vmul.f32 v2, v1  }
0xa0: {  	[tilespmem:s5+$0x90] =	vst v3;
	v1 =	vmul.f32 v4, v1;
	v3 =	vld [tilespmem:s5+$0x100]  }
0xa1: {  	v4 =	vmul.f32 v8, v0;
	v8 =	vld [tilespmem:s5+$0x110];
	[tilespmem:s5+$0xA0] =	vst v2  }
0xa2: {  	v2 =	vmul.f32 v7, v0;
	v7 =	vld [tilespmem:s5+$0x120];
	[tilespmem:s6+$0xB0] =	vst v1  }
0xa3: {  	v1 =	vmul.f32 v6, v0;
	[tilespmem:s6+$0xC0] =	vst v4  }
0xa4: {  	v4 =	vmul.f32 v5, v0;
	[tilespmem:s6+$0xD0] =	vst v2  }
0xa5: {  	v2 =	vmul.f32 v3, v0;
	[tilespmem:s6+$0xE0] =	vst v1  }
0xa6: {  	s17 =	smul.u32 $0xA00, s1;
	v1 =	vmul.f32 v8, v0;
	[tilespmem:s6+$0xF0] =	vst v4  }
0xa7: {  	v0 =	vmul.f32 v7, v0;
	[tilespmem:s6+$0x100] =	vst v2  }
0xa8: {  	s31 =	sshra.s32 s17, $0x2;
	[tilespmem:s6+$0x110] =	vst v1  }
0xa9: {  	s5 =	sadd.s32 $0x1400, s31;
	[tilespmem:s6+$0x120] =	vst v0  }
0xaa: {  	[spmem:s2] =	stream.indirect.scatter.add.f32 [tilespmem:s14], [sflag:$0x6], $0x80, s5, s13, $0xb8;
	[tilespmem:$0x1F480] =	vst v63  }
0xab: {  	s5 =	simm.s32 @!p1 $0xA  }
0xac: {  	s6 =	sadd.s32 $0xFFFFFFFB, s3;
	_ =	swait.ge @!p1 [sflag:s5], $0x1900  }
0xad: {  	s11 =	sadd.s32 $0x800, s11;
	s8 =	sadd.s32 $0x3B, s6;
	[sflag:s5] =	ssyncset.done @!p1 $0x0  }
0xae: {  	s0 =	sshrl.u32 s11, $0x2;
	s9 =	sadd.s32 $0x37, s6;
	v0 =	vmov s8;
	[sflag:s5] =	ssyncadd.s32 @!p1 $0xFFFFE700  }
0xaf: {  	[tilespmem:s21], [sflag:$0x5] =	stream.indirect.gather [hbm4b:s7+s13], $0x80, s0, s13, $0xb8;
	[tilespmem:$0x1F480] =	vst v63  }
0xb0: {  	v1 =	vmov s9;
	_ =	swait.ge [sflag:s22], $0x1900  }
0xb1: {  	[sflag:s22] =	ssyncset.done $0x0  }
0xb2: {  	[sflag:s22] =	ssyncadd.s32 $0xFFFFE700  }
0xb3: {  	s5 =	simm.s32 $0x4D40;
	v0 =	vld.idx.msk [tilespmem:v0+s12+$0x0], $0xffff  }
0xb4: {  	v2 =	vld [tilespmem:s5+$0x130]  }
0xb5: {  	v1 =	vld.idx.msk [tilespmem:v1+s12+$0x0], $0xffff  }
0xb6: {  	v3 =	vld [tilespmem:s5+$0xFFFFFEC0]  }
0xb7: {  	s10 =	sadd.s32 $0x38, s6;
	v4 =	vld [tilespmem:s5+$0xFFFFFED0]  }
0xb8: {  	v5 =	vmov s10;
	v6 =	vld [tilespmem:s5+$0xFFFFFEE0]  }
0xb9: {  	v7 =	vld [tilespmem:s5+$0xFFFFFEF0]  }
0xba: {  	v8 =	vld [tilespmem:s5+$0xFFFFFF00]  }
0xbb: {  	v9 =	vld [tilespmem:s5+$0xFFFFFF10]  }
0xbc: {  	v10 =	vld [tilespmem:s5+$0xFFFFFF20]  }
0xbd: {  	v5 =	vld.idx.msk [tilespmem:v5+s12+$0x0], $0xffff;
	v3 =	vmul.f32 v3, v1  }
0xbe: {  	v11 =	vld [tilespmem:s5+$0xFFFFFF40];
	v2 =	vmul.f32 v2, v0  }
0xbf: {  	v12 =	vld [tilespmem:s5+$0xFFFFFF50];
	v4 =	vmul.f32 v4, v1;
	[tilespmem:s5+$0xFFFFFEC0] =	vst v3  }
0xc0: {  	v63 =	vld [tilespmem:s5+$0x10];
	v9 =	vmul.f32 v9, v1;
	[tilespmem:s5+$0x130] =	vst v2  }
0xc1: {  	s31 =	sadd.s32 $0x39, s6;
	v10 =	vmul.f32 v10, v1;
	v3 =	vld [tilespmem:s5+$0xFFFFFF30];
	[tilespmem:s5+$0xFFFFFED0] =	vst v4  }
0xc2: {  	v13 =	vmov s31;
	v2 =	vmul.f32 v6, v1;
	v6 =	vld [tilespmem:s5+$0xFFFFFF60];
	[tilespmem:s5+$0xFFFFFF10] =	vst v9  }
0xc3: {  	v4 =	vmul.f32 v7, v1;
	v7 =	vld [tilespmem:s5+$0xFFFFFF70];
	[tilespmem:s5+$0xFFFFFF20] =	vst v10  }
0xc4: {  	v9 =	vmul.f32 v12, v5;
	v10 =	vld [tilespmem:s5+$0xFFFFFFC0];
	[tilespmem:s5+$0xFFFFFEE0] =	vst v2  }
0xc5: {  	[tilespmem:s5+$0xFFFFFEF0] =	vst v4;
	v4 =	vmul.f32 v11, v5;
	v11 =	vld [tilespmem:s5+$0xFFFFFF90]  }
0xc6: {  	v2 =	vmul.f32 v8, v1;
	v8 =	vld [tilespmem:s5+$0xFFFFFF80];
	[tilespmem:s5+$0xFFFFFF50] =	vst v9  }
0xc7: {  	[tilespmem:s5+$0xFFFFFF40] =	vst v4;
	v4 =	vld.idx.msk [tilespmem:v13+s12+$0x0], $0xffff;
	v1 =	vmul.f32 v3, v1  }
0xc8: {  	[tilespmem:s5+$0xFFFFFF00] =	vst v2;
	v2 =	vld [tilespmem:s5+$0xFFFFFFA0];
	v7 =	vmul.f32 v7, v5  }
0xc9: {  	s6 =	sadd.s32 $0x3A, s6;
	v3 =	vld [tilespmem:s5+$0xFFFFFFB0];
	[tilespmem:s5+$0xFFFFFF30] =	vst v1;
	v1 =	vmul.f32 v6, v5  }
0xca: {  	v62 =	vmov s6;
	v6 =	vld [tilespmem:s5+$0xFFFFFFD0];
	[tilespmem:s5+$0xFFFFFF70] =	vst v7;
	v7 =	vmul.f32 v11, v5  }
0xcb: {  	v9 =	vld [tilespmem:s5+$0xFFFFFFE0];
	[tilespmem:s5+$0xFFFFFF60] =	vst v1;
	v1 =	vmul.f32 v8, v5  }
0xcc: {  	v8 =	vld [tilespmem:s5+$0xFFFFFFF0];
	v10 =	vmul.f32 v10, v4;
	[tilespmem:s5+$0xFFFFFF90] =	vst v7  }
0xcd: {  	v11 =	vld [tilespmem:s5+$0x0];
	v2 =	vmul.f32 v2, v5;
	[tilespmem:s5+$0xFFFFFF80] =	vst v1  }
0xce: {  	v7 =	vld [tilespmem:s5+$0x20];
	v3 =	vmul.f32 v3, v5;
	[tilespmem:s5+$0xFFFFFFC0] =	vst v10  }
0xcf: {  	v1 =	vld.idx.msk [tilespmem:v62+s12+$0x0], $0xffff;
	[tilespmem:s5+$0xFFFFFFA0] =	vst v2;
	v2 =	vmul.f32 v6, v4  }
0xd0: {  	v10 =	vld [tilespmem:s5+$0x30];
	[tilespmem:s5+$0xFFFFFFB0] =	vst v3;
	v3 =	vmul.f32 v9, v4  }
0xd1: {  	v9 =	vld [tilespmem:s5+$0x40];
	[tilespmem:s5+$0xFFFFFFD0] =	vst v2;
	v2 =	vmul.f32 v8, v4  }
0xd2: {  	v8 =	vld [tilespmem:s5+$0x50];
	[tilespmem:s5+$0xFFFFFFE0] =	vst v3;
	v3 =	vmul.f32 v11, v4  }
0xd3: {  	v11 =	vld [tilespmem:s5+$0x60];
	v7 =	vmul.f32 v7, v4;
	[tilespmem:s5+$0xFFFFFFF0] =	vst v2  }
0xd4: {  	v6 =	vld [tilespmem:s5+$0x70];
	v2 =	vmul.f32 v63, v4;
	[tilespmem:s5+$0x0] =	vst v3  }
0xd5: {  	v5 =	vld [tilespmem:s5+$0x80];
	v4 =	vmul.f32 v10, v4;
	[tilespmem:s5+$0x20] =	vst v7  }
0xd6: {  	v3 =	vld [tilespmem:s5+$0x90];
	v9 =	vmul.f32 v9, v1;
	[tilespmem:s5+$0x10] =	vst v2  }
0xd7: {  	v2 =	vld [tilespmem:s5+$0xA0];
	[tilespmem:s5+$0x30] =	vst v4;
	v8 =	vmul.f32 v8, v1  }
0xd8: {  	s30 =	simm.s32 $0x0;
	s6 =	sadd.s32 $0x1, s15;
	s8 =	simm.s32 $0x4D40;
	v4 =	vld [tilespmem:s5+$0xB0];
	[tilespmem:s5+$0x40] =	vst v9;
	v7 =	vmul.f32 v11, v1  }
.LBB2_9:
0xd9: {  	s9 =	sadd.s32 s30, s3;
	s30 =	sadd.s32 $0x5, s30;
	[tilespmem:s5+$0x50] =	vst v8;
	v6 =	vmul.f32 v6, v1;
	v8 =	vld [tilespmem:s5+$0xC0]  }
0xda: {  	s31 =	sadd.s32 $0x37, s9;
	s10 =	sadd.s32 $0x3B, s9;
	p1 =	slt.u32 s30, $0x2D;
	[tilespmem:s5+$0x60] =	vst v7;
	v5 =	vmul.f32 v5, v1;
	v7 =	vld [tilespmem:s5+$0xD0]  }
0xdb: {  	s0 =	sadd.s32 $0x39, s9;
	v9 =	vmov s31;
	s31 =	sadd.s32 $0x38, s9;
	s9 =	sadd.s32 $0x3A, s9;
	v10 =	vmov s10;
	[tilespmem:s5+$0x70] =	vst v6;
	v3 =	vmul.f32 v3, v1;
	v6 =	vld [tilespmem:s5+$0xE0]  }
0xdc: {  	v12 =	vmov s0;
	v11 =	vmov s31;
	v13 =	vmov s9;
	[tilespmem:s5+$0x80] =	vst v5;
	v5 =	vld [tilespmem:s5+$0xF0]  }
0xdd: {  	v2 =	vmul.f32 v2, v1;
	[tilespmem:s5+$0x90] =	vst v3;
	v1 =	vmul.f32 v4, v1;
	v3 =	vld [tilespmem:s5+$0x100]  }
0xde: {  	v4 =	vmul.f32 v8, v0;
	v8 =	vld [tilespmem:s5+$0x110]  }
0xdf: {  	[tilespmem:s5+$0xA0] =	vst v2;
	v2 =	vmul.f32 v7, v0;
	v7 =	vld [tilespmem:s5+$0x120]  }
0xe0: {  	s5 =	sadd.s32 $0x280, s5;
	v10 =	vld.idx.msk [tilespmem:v10+s12+$0x0], $0xffff;
	[tilespmem:s8+$0xB0] =	vst v1;
	v1 =	vmul.f32 v6, v0  }
0xe1: {  	v6 =	vld [tilespmem:s5+$0x130];
	[tilespmem:s8+$0xC0] =	vst v4;
	v4 =	vmul.f32 v5, v0  }
0xe2: {  	v5 =	vld.idx.msk [tilespmem:v9+s12+$0x0], $0xffff;
	[tilespmem:s8+$0xD0] =	vst v2;
	v2 =	vmul.f32 v3, v0  }
0xe3: {  	v3 =	vld.idx.msk [tilespmem:v11+s12+$0x0], $0xffff;
	[tilespmem:s8+$0xE0] =	vst v1;
	v8 =	vmul.f32 v8, v0  }
0xe4: {  	v9 =	vld.idx.msk [tilespmem:v12+s12+$0x0], $0xffff;
	[tilespmem:s8+$0xF0] =	vst v4;
	v4 =	vmul.f32 v7, v0  }
0xe5: {  	v1 =	vld.idx.msk [tilespmem:v13+s12+$0x0], $0xffff;
	[tilespmem:s8+$0x100] =	vst v2  }
0xe6: {  	v0 =	vmov v10;
	v2 =	vld [tilespmem:s5+$0xFFFFFEC0];
	v6 =	vmul.f32 v6, v10;
	[tilespmem:s8+$0x110] =	vst v8  }
0xe7: {  	v7 =	vld [tilespmem:s5+$0xFFFFFED0];
	[tilespmem:s8+$0x120] =	vst v4;
	s8 =	smov.u32 s5  }
0xe8: {  	v4 =	vld [tilespmem:s5+$0xFFFFFEE0];
	[tilespmem:s5+$0x130] =	vst v6  }
0xe9: {  	v6 =	vld [tilespmem:s5+$0xFFFFFEF0]  }
0xea: {  	v8 =	vld [tilespmem:s5+$0xFFFFFF00]  }
0xeb: {  	v2 =	vmul.f32 v2, v5;
	v10 =	vld [tilespmem:s5+$0xFFFFFF10]  }
0xec: {  	v7 =	vmul.f32 v7, v5;
	v11 =	vld [tilespmem:s5+$0xFFFFFF20]  }
0xed: {  	[tilespmem:s5+$0xFFFFFEC0] =	vst v2;
	v2 =	vmul.f32 v4, v5;
	v4 =	vld [tilespmem:s5+$0xFFFFFF30]  }
0xee: {  	[tilespmem:s5+$0xFFFFFED0] =	vst v7;
	v6 =	vmul.f32 v6, v5;
	v7 =	vld [tilespmem:s5+$0xFFFFFF40]  }
0xef: {  	[tilespmem:s5+$0xFFFFFEE0] =	vst v2;
	v2 =	vmul.f32 v8, v5;
	v8 =	vld [tilespmem:s5+$0xFFFFFF50]  }
0xf0: {  	[tilespmem:s5+$0xFFFFFEF0] =	vst v6;
	v6 =	vmul.f32 v10, v5;
	v10 =	vld [tilespmem:s5+$0xFFFFFF60]  }
0xf1: {  	[tilespmem:s5+$0xFFFFFF00] =	vst v2;
	v2 =	vmul.f32 v11, v5;
	v11 =	vld [tilespmem:s5+$0xFFFFFF70]  }
0xf2: {  	[tilespmem:s5+$0xFFFFFF10] =	vst v6;
	v4 =	vmul.f32 v4, v5;
	v5 =	vld [tilespmem:s5+$0xFFFFFF80]  }
0xf3: {  	[tilespmem:s5+$0xFFFFFF20] =	vst v2;
	v2 =	vmul.f32 v7, v3;
	v6 =	vld [tilespmem:s5+$0xFFFFFF90]  }
0xf4: {  	[tilespmem:s5+$0xFFFFFF30] =	vst v4;
	v4 =	vmul.f32 v8, v3;
	v7 =	vld [tilespmem:s5+$0xFFFFFFA0]  }
0xf5: {  	[tilespmem:s5+$0xFFFFFF40] =	vst v2;
	v2 =	vmul.f32 v10, v3;
	v8 =	vld [tilespmem:s5+$0xFFFFFFB0]  }
0xf6: {  	[tilespmem:s5+$0xFFFFFF50] =	vst v4;
	v4 =	vmul.f32 v11, v3;
	v10 =	vld [tilespmem:s5+$0xFFFFFFC0]  }
0xf7: {  	[tilespmem:s5+$0xFFFFFF60] =	vst v2;
	v2 =	vmul.f32 v5, v3;
	v5 =	vld [tilespmem:s5+$0xFFFFFFD0]  }
0xf8: {  	[tilespmem:s5+$0xFFFFFF70] =	vst v4;
	v4 =	vmul.f32 v6, v3;
	v6 =	vld [tilespmem:s5+$0xFFFFFFE0]  }
0xf9: {  	[tilespmem:s5+$0xFFFFFF80] =	vst v2;
	v2 =	vmul.f32 v7, v3;
	v7 =	vld [tilespmem:s5+$0xFFFFFFF0]  }
0xfa: {  	[tilespmem:s5+$0xFFFFFF90] =	vst v4;
	v3 =	vmul.f32 v8, v3;
	v4 =	vld [tilespmem:s5+$0x0]  }
0xfb: {  	[tilespmem:s5+$0xFFFFFFA0] =	vst v2;
	v2 =	vmul.f32 v10, v9;
	v8 =	vld [tilespmem:s5+$0x10]  }
0xfc: {  	[tilespmem:s5+$0xFFFFFFB0] =	vst v3;
	v3 =	vmul.f32 v5, v9;
	v5 =	vld [tilespmem:s5+$0x20]  }
0xfd: {  	[tilespmem:s5+$0xFFFFFFC0] =	vst v2;
	v2 =	vmul.f32 v6, v9;
	v10 =	vld [tilespmem:s5+$0x30]  }
0xfe: {  	[tilespmem:s5+$0xFFFFFFD0] =	vst v3;
	v3 =	vmul.f32 v7, v9;
	v7 =	vld [tilespmem:s5+$0x40]  }
0xff: {  	[tilespmem:s5+$0xFFFFFFE0] =	vst v2;
	v2 =	vmul.f32 v4, v9;
	v4 =	vld [tilespmem:s5+$0x50]  }
0x100: {  	[tilespmem:s5+$0xFFFFFFF0] =	vst v3;
	v3 =	vmul.f32 v8, v9;
	v11 =	vld [tilespmem:s5+$0x60]  }
.Ltmp3:
0x101: {  	[tilespmem:s5+$0x0] =	vst v2;
	v2 =	vmul.f32 v5, v9;
	v6 =	vld [tilespmem:s5+$0x70];
	(pc) =	sbr.rel @p1 .LBB2_9-.Ltmp3, $4  }
0x102: {  	[tilespmem:s5+$0x10] =	vst v3;
	v8 =	vmul.f32 v10, v9;
	v5 =	vld [tilespmem:s5+$0x80]  }
0x103: {  	[tilespmem:s5+$0x20] =	vst v2;
	v7 =	vmul.f32 v7, v1;
	v3 =	vld [tilespmem:s5+$0x90]  }
0x104: {  	[tilespmem:s5+$0x30] =	vst v8;
	v8 =	vmul.f32 v4, v1;
	v2 =	vld [tilespmem:s5+$0xA0]  }
0x105: {  	[tilespmem:s5+$0x40] =	vst v7;
	v7 =	vmul.f32 v11, v1;
	v4 =	vld [tilespmem:s5+$0xB0]  }
0x106: {  	[tilespmem:s5+$0x50] =	vst v8;
	v6 =	vmul.f32 v6, v1;
	v8 =	vld [tilespmem:s5+$0xC0]  }
0x107: {  	[tilespmem:s5+$0x60] =	vst v7;
	v5 =	vmul.f32 v5, v1;
	v7 =	vld [tilespmem:s5+$0xD0]  }
0x108: {  	[tilespmem:s5+$0x70] =	vst v6;
	v3 =	vmul.f32 v3, v1;
	v6 =	vld [tilespmem:s5+$0xE0]  }
0x109: {  	[tilespmem:s5+$0x80] =	vst v5;
	v5 =	vld [tilespmem:s5+$0xF0];
	v2 =	vmul.f32 v2, v1  }
0x10a: {  	[tilespmem:s5+$0x90] =	vst v3;
	v1 =	vmul.f32 v4, v1;
	v3 =	vld [tilespmem:s5+$0x100]  }
0x10b: {  	v4 =	vmul.f32 v8, v0;
	v8 =	vld [tilespmem:s5+$0x110];
	[tilespmem:s5+$0xA0] =	vst v2  }
0x10c: {  	v2 =	vmul.f32 v7, v0;
	v7 =	vld [tilespmem:s5+$0x120];
	[tilespmem:s8+$0xB0] =	vst v1  }
0x10d: {  	v1 =	vmul.f32 v6, v0;
	[tilespmem:s8+$0xC0] =	vst v4  }
0x10e: {  	v4 =	vmul.f32 v5, v0;
	[tilespmem:s8+$0xD0] =	vst v2  }
0x10f: {  	v2 =	vmul.f32 v3, v0;
	[tilespmem:s8+$0xE0] =	vst v1  }
0x110: {  	v1 =	vmul.f32 v8, v0;
	[tilespmem:s8+$0xF0] =	vst v4  }
0x111: {  	s0 =	sshll.u32 s6, $0x7;
	v0 =	vmul.f32 v7, v0;
	[tilespmem:s8+$0x100] =	vst v2  }
0x112: {  	s0 =	sand.u32 $0x3FFFFF80, s0;
	[tilespmem:s8+$0x110] =	vst v1  }
0x113: {  	p1 =	seq.s32 s1, $0x7;
	s31 =	sadd.s32 $0xFFFFFFFB, s3;
	s0 =	sadd.s32 $0x1400, s0;
	[tilespmem:s8+$0x120] =	vst v0  }
0x114: {  	[spmem:s2] =	stream.indirect.scatter.add.f32 [tilespmem:s16], [sflag:$0x7], $0x80, s0, s13, $0xb8;
	[tilespmem:$0x1F480] =	vst v63  }
0x115: {  	s17 =	sshra.s32 @!p1 s17, $0x2;
	s9 =	sadd.s32 $0x6D, s31;
	_ =	swait.ge [sflag:s23], $0x1900  }
0x116: {  	s5 =	simm.s32 @!p1 $0x32;
	s8 =	simm.s32 @!p1 $0x3000;
	[sflag:s23] =	ssyncset.done $0x0  }
0x117: {  	v0 =	vmov s9;
	s9 =	sadd.s32 $0x69, s31;
	s0 =	sadd.s32 @!p1 $0x280, s17;
	[sflag:s23] =	ssyncadd.s32 $0xFFFFE700  }
0x118: {  	[tilespmem:s8], [sflag:$0x1] =	stream.indirect.gather @!p1 [hbm4b:s7+s5], $0x80, s0, s5, $0xb8;
	[tilespmem:$0x1F480] =	vst v63  }
0x119: {  	v1 =	vmov s9;
	_ =	swait.ge [sflag:s24], $0x1900  }
0x11a: {  	[sflag:s24] =	ssyncset.done $0x0  }
0x11b: {  	[sflag:s24] =	ssyncadd.s32 $0xFFFFE700  }
0x11c: {  	s5 =	simm.s32 $0x6940;
	v0 =	vld.idx.msk [tilespmem:v0+s12+$0x0], $0xffff  }
0x11d: {  	v2 =	vld [tilespmem:s5+$0x130]  }
0x11e: {  	v1 =	vld.idx.msk [tilespmem:v1+s12+$0x0], $0xffff  }
0x11f: {  	v3 =	vld [tilespmem:s5+$0xFFFFFEC0]  }
0x120: {  	s10 =	sadd.s32 $0x6A, s31;
	v4 =	vld [tilespmem:s5+$0xFFFFFED0]  }
0x121: {  	v5 =	vmov s10;
	v6 =	vld [tilespmem:s5+$0xFFFFFEE0]  }
0x122: {  	v7 =	vld [tilespmem:s5+$0xFFFFFEF0]  }
0x123: {  	v8 =	vld [tilespmem:s5+$0xFFFFFF00]  }
0x124: {  	v9 =	vld [tilespmem:s5+$0xFFFFFF10]  }
0x125: {  	v10 =	vld [tilespmem:s5+$0xFFFFFF20]  }
0x126: {  	v5 =	vld.idx.msk [tilespmem:v5+s12+$0x0], $0xffff;
	v3 =	vmul.f32 v3, v1  }
0x127: {  	v11 =	vld [tilespmem:s5+$0xFFFFFF40];
	v2 =	vmul.f32 v2, v0  }
0x128: {  	v12 =	vld [tilespmem:s5+$0xFFFFFF50];
	v4 =	vmul.f32 v4, v1;
	[tilespmem:s5+$0xFFFFFEC0] =	vst v3  }
0x129: {  	v63 =	vld [tilespmem:s5+$0x10];
	v9 =	vmul.f32 v9, v1;
	[tilespmem:s5+$0x130] =	vst v2  }
0x12a: {  	s30 =	sadd.s32 $0x6B, s31;
	v10 =	vmul.f32 v10, v1;
	v3 =	vld [tilespmem:s5+$0xFFFFFF30];
	[tilespmem:s5+$0xFFFFFED0] =	vst v4  }
0x12b: {  	v13 =	vmov s30;
	v2 =	vmul.f32 v6, v1;
	v6 =	vld [tilespmem:s5+$0xFFFFFF60];
	[tilespmem:s5+$0xFFFFFF10] =	vst v9  }
0x12c: {  	v4 =	vmul.f32 v7, v1;
	v7 =	vld [tilespmem:s5+$0xFFFFFF70];
	[tilespmem:s5+$0xFFFFFF20] =	vst v10  }
0x12d: {  	v9 =	vmul.f32 v12, v5;
	v10 =	vld [tilespmem:s5+$0xFFFFFFC0];
	[tilespmem:s5+$0xFFFFFEE0] =	vst v2  }
0x12e: {  	[tilespmem:s5+$0xFFFFFEF0] =	vst v4;
	v4 =	vmul.f32 v11, v5;
	v11 =	vld [tilespmem:s5+$0xFFFFFF90]  }
0x12f: {  	v2 =	vmul.f32 v8, v1;
	v8 =	vld [tilespmem:s5+$0xFFFFFF80];
	[tilespmem:s5+$0xFFFFFF50] =	vst v9  }
0x130: {  	[tilespmem:s5+$0xFFFFFF40] =	vst v4;
	v4 =	vld.idx.msk [tilespmem:v13+s12+$0x0], $0xffff;
	v1 =	vmul.f32 v3, v1  }
0x131: {  	[tilespmem:s5+$0xFFFFFF00] =	vst v2;
	v2 =	vld [tilespmem:s5+$0xFFFFFFA0];
	v7 =	vmul.f32 v7, v5  }
0x132: {  	s31 =	sadd.s32 $0x6C, s31;
	v3 =	vld [tilespmem:s5+$0xFFFFFFB0];
	[tilespmem:s5+$0xFFFFFF30] =	vst v1;
	v1 =	vmul.f32 v6, v5  }
0x133: {  	v62 =	vmov s31;
	v6 =	vld [tilespmem:s5+$0xFFFFFFD0];
	[tilespmem:s5+$0xFFFFFF70] =	vst v7;
	v7 =	vmul.f32 v11, v5  }
0x134: {  	v9 =	vld [tilespmem:s5+$0xFFFFFFE0];
	[tilespmem:s5+$0xFFFFFF60] =	vst v1;
	v1 =	vmul.f32 v8, v5  }
0x135: {  	v8 =	vld [tilespmem:s5+$0xFFFFFFF0];
	v10 =	vmul.f32 v10, v4;
	[tilespmem:s5+$0xFFFFFF90] =	vst v7  }
0x136: {  	v11 =	vld [tilespmem:s5+$0x0];
	v2 =	vmul.f32 v2, v5;
	[tilespmem:s5+$0xFFFFFF80] =	vst v1  }
0x137: {  	v7 =	vld [tilespmem:s5+$0x20];
	v3 =	vmul.f32 v3, v5;
	[tilespmem:s5+$0xFFFFFFC0] =	vst v10  }
0x138: {  	v1 =	vld.idx.msk [tilespmem:v62+s12+$0x0], $0xffff;
	[tilespmem:s5+$0xFFFFFFA0] =	vst v2;
	v2 =	vmul.f32 v6, v4  }
0x139: {  	v10 =	vld [tilespmem:s5+$0x30];
	[tilespmem:s5+$0xFFFFFFB0] =	vst v3;
	v3 =	vmul.f32 v9, v4  }
0x13a: {  	v9 =	vld [tilespmem:s5+$0x40];
	[tilespmem:s5+$0xFFFFFFD0] =	vst v2;
	v2 =	vmul.f32 v8, v4  }
0x13b: {  	v8 =	vld [tilespmem:s5+$0x50];
	[tilespmem:s5+$0xFFFFFFE0] =	vst v3;
	v3 =	vmul.f32 v11, v4  }
0x13c: {  	v11 =	vld [tilespmem:s5+$0x60];
	v7 =	vmul.f32 v7, v4;
	[tilespmem:s5+$0xFFFFFFF0] =	vst v2  }
0x13d: {  	v6 =	vld [tilespmem:s5+$0x70];
	v2 =	vmul.f32 v63, v4;
	[tilespmem:s5+$0x0] =	vst v3  }
0x13e: {  	v5 =	vld [tilespmem:s5+$0x80];
	v4 =	vmul.f32 v10, v4;
	[tilespmem:s5+$0x20] =	vst v7  }
0x13f: {  	v3 =	vld [tilespmem:s5+$0x90];
	v9 =	vmul.f32 v9, v1;
	[tilespmem:s5+$0x10] =	vst v2  }
0x140: {  	v2 =	vld [tilespmem:s5+$0xA0];
	[tilespmem:s5+$0x30] =	vst v4;
	v8 =	vmul.f32 v8, v1  }
0x141: {  	s6 =	sadd.s32 $0x2, s15;
	s15 =	simm.s32 $0x0;
	s8 =	simm.s32 $0x6940;
	v4 =	vld [tilespmem:s5+$0xB0];
	[tilespmem:s5+$0x40] =	vst v9;
	v7 =	vmul.f32 v11, v1  }
.LBB2_11:
0x142: {  	s0 =	sadd.s32 s15, s3;
	s15 =	sadd.s32 $0x5, s15;
	[tilespmem:s5+$0x50] =	vst v8;
	v6 =	vmul.f32 v6, v1;
	v8 =	vld [tilespmem:s5+$0xC0]  }
0x143: {  	s9 =	sadd.s32 $0x69, s0;
	s10 =	sadd.s32 $0x6D, s0;
	p2 =	slt.u32 s15, $0x2D;
	[tilespmem:s5+$0x60] =	vst v7;
	v5 =	vmul.f32 v5, v1;
	v7 =	vld [tilespmem:s5+$0xD0]  }
0x144: {  	s30 =	sadd.s32 $0x6B, s0;
	v9 =	vmov s9;
	s9 =	sadd.s32 $0x6A, s0;
	s0 =	sadd.s32 $0x6C, s0;
	v10 =	vmov s10;
	[tilespmem:s5+$0x70] =	vst v6;
	v3 =	vmul.f32 v3, v1;
	v6 =	vld [tilespmem:s5+$0xE0]  }
0x145: {  	v12 =	vmov s30;
	v11 =	vmov s9;
	v13 =	vmov s0;
	[tilespmem:s5+$0x80] =	vst v5;
	v5 =	vld [tilespmem:s5+$0xF0]  }
0x146: {  	v2 =	vmul.f32 v2, v1;
	[tilespmem:s5+$0x90] =	vst v3;
	v1 =	vmul.f32 v4, v1;
	v3 =	vld [tilespmem:s5+$0x100]  }
0x147: {  	v4 =	vmul.f32 v8, v0;
	v8 =	vld [tilespmem:s5+$0x110]  }
0x148: {  	[tilespmem:s5+$0xA0] =	vst v2;
	v2 =	vmul.f32 v7, v0;
	v7 =	vld [tilespmem:s5+$0x120]  }
0x149: {  	s5 =	sadd.s32 $0x280, s5;
	v10 =	vld.idx.msk [tilespmem:v10+s12+$0x0], $0xffff;
	[tilespmem:s8+$0xB0] =	vst v1;
	v1 =	vmul.f32 v6, v0  }
0x14a: {  	v6 =	vld [tilespmem:s5+$0x130];
	[tilespmem:s8+$0xC0] =	vst v4;
	v4 =	vmul.f32 v5, v0  }
0x14b: {  	v5 =	vld.idx.msk [tilespmem:v9+s12+$0x0], $0xffff;
	[tilespmem:s8+$0xD0] =	vst v2;
	v2 =	vmul.f32 v3, v0  }
0x14c: {  	v3 =	vld.idx.msk [tilespmem:v11+s12+$0x0], $0xffff;
	[tilespmem:s8+$0xE0] =	vst v1;
	v8 =	vmul.f32 v8, v0  }
0x14d: {  	v9 =	vld.idx.msk [tilespmem:v12+s12+$0x0], $0xffff;
	[tilespmem:s8+$0xF0] =	vst v4;
	v4 =	vmul.f32 v7, v0  }
0x14e: {  	v1 =	vld.idx.msk [tilespmem:v13+s12+$0x0], $0xffff;
	[tilespmem:s8+$0x100] =	vst v2  }
0x14f: {  	v0 =	vmov v10;
	v2 =	vld [tilespmem:s5+$0xFFFFFEC0];
	v6 =	vmul.f32 v6, v10;
	[tilespmem:s8+$0x110] =	vst v8  }
0x150: {  	v7 =	vld [tilespmem:s5+$0xFFFFFED0];
	[tilespmem:s8+$0x120] =	vst v4;
	s8 =	smov.u32 s5  }
0x151: {  	v4 =	vld [tilespmem:s5+$0xFFFFFEE0];
	[tilespmem:s5+$0x130] =	vst v6  }
0x152: {  	v6 =	vld [tilespmem:s5+$0xFFFFFEF0]  }
0x153: {  	v8 =	vld [tilespmem:s5+$0xFFFFFF00]  }
0x154: {  	v2 =	vmul.f32 v2, v5;
	v10 =	vld [tilespmem:s5+$0xFFFFFF10]  }
0x155: {  	v7 =	vmul.f32 v7, v5;
	v11 =	vld [tilespmem:s5+$0xFFFFFF20]  }
0x156: {  	[tilespmem:s5+$0xFFFFFEC0] =	vst v2;
	v2 =	vmul.f32 v4, v5;
	v4 =	vld [tilespmem:s5+$0xFFFFFF30]  }
0x157: {  	[tilespmem:s5+$0xFFFFFED0] =	vst v7;
	v6 =	vmul.f32 v6, v5;
	v7 =	vld [tilespmem:s5+$0xFFFFFF40]  }
0x158: {  	[tilespmem:s5+$0xFFFFFEE0] =	vst v2;
	v2 =	vmul.f32 v8, v5;
	v8 =	vld [tilespmem:s5+$0xFFFFFF50]  }
0x159: {  	[tilespmem:s5+$0xFFFFFEF0] =	vst v6;
	v6 =	vmul.f32 v10, v5;
	v10 =	vld [tilespmem:s5+$0xFFFFFF60]  }
0x15a: {  	[tilespmem:s5+$0xFFFFFF00] =	vst v2;
	v2 =	vmul.f32 v11, v5;
	v11 =	vld [tilespmem:s5+$0xFFFFFF70]  }
0x15b: {  	[tilespmem:s5+$0xFFFFFF10] =	vst v6;
	v4 =	vmul.f32 v4, v5;
	v5 =	vld [tilespmem:s5+$0xFFFFFF80]  }
0x15c: {  	[tilespmem:s5+$0xFFFFFF20] =	vst v2;
	v2 =	vmul.f32 v7, v3;
	v6 =	vld [tilespmem:s5+$0xFFFFFF90]  }
0x15d: {  	[tilespmem:s5+$0xFFFFFF30] =	vst v4;
	v4 =	vmul.f32 v8, v3;
	v7 =	vld [tilespmem:s5+$0xFFFFFFA0]  }
0x15e: {  	[tilespmem:s5+$0xFFFFFF40] =	vst v2;
	v2 =	vmul.f32 v10, v3;
	v8 =	vld [tilespmem:s5+$0xFFFFFFB0]  }
0x15f: {  	[tilespmem:s5+$0xFFFFFF50] =	vst v4;
	v4 =	vmul.f32 v11, v3;
	v10 =	vld [tilespmem:s5+$0xFFFFFFC0]  }
0x160: {  	[tilespmem:s5+$0xFFFFFF60] =	vst v2;
	v2 =	vmul.f32 v5, v3;
	v5 =	vld [tilespmem:s5+$0xFFFFFFD0]  }
0x161: {  	[tilespmem:s5+$0xFFFFFF70] =	vst v4;
	v4 =	vmul.f32 v6, v3;
	v6 =	vld [tilespmem:s5+$0xFFFFFFE0]  }
0x162: {  	[tilespmem:s5+$0xFFFFFF80] =	vst v2;
	v2 =	vmul.f32 v7, v3;
	v7 =	vld [tilespmem:s5+$0xFFFFFFF0]  }
0x163: {  	[tilespmem:s5+$0xFFFFFF90] =	vst v4;
	v3 =	vmul.f32 v8, v3;
	v4 =	vld [tilespmem:s5+$0x0]  }
0x164: {  	[tilespmem:s5+$0xFFFFFFA0] =	vst v2;
	v2 =	vmul.f32 v10, v9;
	v8 =	vld [tilespmem:s5+$0x10]  }
0x165: {  	[tilespmem:s5+$0xFFFFFFB0] =	vst v3;
	v3 =	vmul.f32 v5, v9;
	v5 =	vld [tilespmem:s5+$0x20]  }
0x166: {  	[tilespmem:s5+$0xFFFFFFC0] =	vst v2;
	v2 =	vmul.f32 v6, v9;
	v10 =	vld [tilespmem:s5+$0x30]  }
0x167: {  	[tilespmem:s5+$0xFFFFFFD0] =	vst v3;
	v3 =	vmul.f32 v7, v9;
	v7 =	vld [tilespmem:s5+$0x40]  }
0x168: {  	[tilespmem:s5+$0xFFFFFFE0] =	vst v2;
	v2 =	vmul.f32 v4, v9;
	v4 =	vld [tilespmem:s5+$0x50]  }
0x169: {  	[tilespmem:s5+$0xFFFFFFF0] =	vst v3;
	v3 =	vmul.f32 v8, v9;
	v11 =	vld [tilespmem:s5+$0x60]  }
.Ltmp4:
0x16a: {  	[tilespmem:s5+$0x0] =	vst v2;
	v2 =	vmul.f32 v5, v9;
	v6 =	vld [tilespmem:s5+$0x70];
	(pc) =	sbr.rel @p2 .LBB2_11-.Ltmp4, $4  }
0x16b: {  	[tilespmem:s5+$0x10] =	vst v3;
	v8 =	vmul.f32 v10, v9;
	v5 =	vld [tilespmem:s5+$0x80]  }
0x16c: {  	[tilespmem:s5+$0x20] =	vst v2;
	v7 =	vmul.f32 v7, v1;
	v3 =	vld [tilespmem:s5+$0x90]  }
0x16d: {  	[tilespmem:s5+$0x30] =	vst v8;
	v8 =	vmul.f32 v4, v1;
	v2 =	vld [tilespmem:s5+$0xA0]  }
0x16e: {  	[tilespmem:s5+$0x40] =	vst v7;
	v7 =	vmul.f32 v11, v1;
	v4 =	vld [tilespmem:s5+$0xB0]  }
0x16f: {  	[tilespmem:s5+$0x50] =	vst v8;
	v6 =	vmul.f32 v6, v1;
	v8 =	vld [tilespmem:s5+$0xC0]  }
0x170: {  	[tilespmem:s5+$0x60] =	vst v7;
	v5 =	vmul.f32 v5, v1;
	v7 =	vld [tilespmem:s5+$0xD0]  }
0x171: {  	[tilespmem:s5+$0x70] =	vst v6;
	v3 =	vmul.f32 v3, v1;
	v6 =	vld [tilespmem:s5+$0xE0]  }
0x172: {  	[tilespmem:s5+$0x80] =	vst v5;
	v5 =	vld [tilespmem:s5+$0xF0];
	v2 =	vmul.f32 v2, v1  }
0x173: {  	[tilespmem:s5+$0x90] =	vst v3;
	v1 =	vmul.f32 v4, v1;
	v3 =	vld [tilespmem:s5+$0x100]  }
0x174: {  	v4 =	vmul.f32 v8, v0;
	v8 =	vld [tilespmem:s5+$0x110];
	[tilespmem:s5+$0xA0] =	vst v2  }
0x175: {  	v2 =	vmul.f32 v7, v0;
	v7 =	vld [tilespmem:s5+$0x120];
	[tilespmem:s8+$0xB0] =	vst v1  }
0x176: {  	v1 =	vmul.f32 v6, v0;
	[tilespmem:s8+$0xC0] =	vst v4  }
0x177: {  	v4 =	vmul.f32 v5, v0;
	[tilespmem:s8+$0xD0] =	vst v2  }
0x178: {  	v2 =	vmul.f32 v3, v0;
	[tilespmem:s8+$0xE0] =	vst v1  }
0x179: {  	v1 =	vmul.f32 v8, v0;
	[tilespmem:s8+$0xF0] =	vst v4  }
0x17a: {  	s0 =	sshll.u32 s6, $0x7;
	v0 =	vmul.f32 v7, v0;
	[tilespmem:s8+$0x100] =	vst v2  }
0x17b: {  	s0 =	sand.u32 $0x3FFFFF80, s0;
	[tilespmem:s8+$0x110] =	vst v1  }
0x17c: {  	s31 =	sadd.s32 $0xFFFFFFFB, s3;
	s0 =	sadd.s32 $0x1400, s0;
	[tilespmem:s8+$0x120] =	vst v0  }
0x17d: {  	[spmem:s2] =	stream.indirect.scatter.add.f32 [tilespmem:s18], [sflag:$0x8], $0x80, s0, s13, $0xb8;
	[tilespmem:$0x1F480] =	vst v63  }
0x17e: {  	s9 =	sadd.s32 $0x9F, s31;
	_ =	swait.ge [sflag:s25], $0x1900  }
0x17f: {  	s10 =	sadd.s32 $0x9B, s31;
	s5 =	simm.s32 @!p1 $0x32;
	[sflag:s25] =	ssyncset.done $0x0  }
0x180: {  	s8 =	simm.s32 @!p1 $0x4C00;
	v0 =	vmov s9;
	s0 =	sadd.s32 @!p1 $0x300, s17;
	[sflag:s25] =	ssyncadd.s32 $0xFFFFE700  }
0x181: {  	[tilespmem:s8], [sflag:$0x2] =	stream.indirect.gather @!p1 [hbm4b:s7+s5], $0x80, s0, s5, $0xb8;
	[tilespmem:$0x1F480] =	vst v63  }
0x182: {  	v1 =	vmov s10;
	_ =	swait.ge [sflag:s26], $0x1900  }
0x183: {  	[sflag:s26] =	ssyncset.done $0x0  }
0x184: {  	[sflag:s26] =	ssyncadd.s32 $0xFFFFE700  }
0x185: {  	s5 =	simm.s32 $0x8540;
	v0 =	vld.idx.msk [tilespmem:v0+s12+$0x0], $0xffff  }
0x186: {  	v2 =	vld [tilespmem:s5+$0x130]  }
0x187: {  	v1 =	vld.idx.msk [tilespmem:v1+s12+$0x0], $0xffff  }
0x188: {  	v3 =	vld [tilespmem:s5+$0xFFFFFEC0]  }
0x189: {  	s15 =	sadd.s32 $0x9C, s31;
	v4 =	vld [tilespmem:s5+$0xFFFFFED0]  }
0x18a: {  	v5 =	vmov s15;
	v6 =	vld [tilespmem:s5+$0xFFFFFEE0]  }
0x18b: {  	v7 =	vld [tilespmem:s5+$0xFFFFFEF0]  }
0x18c: {  	v8 =	vld [tilespmem:s5+$0xFFFFFF00]  }
0x18d: {  	v9 =	vld [tilespmem:s5+$0xFFFFFF10]  }
0x18e: {  	v10 =	vld [tilespmem:s5+$0xFFFFFF20]  }
0x18f: {  	v5 =	vld.idx.msk [tilespmem:v5+s12+$0x0], $0xffff;
	v3 =	vmul.f32 v3, v1  }
0x190: {  	v11 =	vld [tilespmem:s5+$0xFFFFFF40];
	v2 =	vmul.f32 v2, v0  }
0x191: {  	v12 =	vld [tilespmem:s5+$0xFFFFFF50];
	v4 =	vmul.f32 v4, v1;
	[tilespmem:s5+$0xFFFFFEC0] =	vst v3  }
0x192: {  	v63 =	vld [tilespmem:s5+$0x10];
	v9 =	vmul.f32 v9, v1;
	[tilespmem:s5+$0x130] =	vst v2  }
0x193: {  	s30 =	sadd.s32 $0x9D, s31;
	v10 =	vmul.f32 v10, v1;
	v3 =	vld [tilespmem:s5+$0xFFFFFF30];
	[tilespmem:s5+$0xFFFFFED0] =	vst v4  }
0x194: {  	v13 =	vmov s30;
	v2 =	vmul.f32 v6, v1;
	v6 =	vld [tilespmem:s5+$0xFFFFFF60];
	[tilespmem:s5+$0xFFFFFF10] =	vst v9  }
0x195: {  	v4 =	vmul.f32 v7, v1;
	v7 =	vld [tilespmem:s5+$0xFFFFFF70];
	[tilespmem:s5+$0xFFFFFF20] =	vst v10  }
0x196: {  	v9 =	vmul.f32 v12, v5;
	v10 =	vld [tilespmem:s5+$0xFFFFFFC0];
	[tilespmem:s5+$0xFFFFFEE0] =	vst v2  }
0x197: {  	[tilespmem:s5+$0xFFFFFEF0] =	vst v4;
	v4 =	vmul.f32 v11, v5;
	v11 =	vld [tilespmem:s5+$0xFFFFFF90]  }
0x198: {  	v2 =	vmul.f32 v8, v1;
	v8 =	vld [tilespmem:s5+$0xFFFFFF80];
	[tilespmem:s5+$0xFFFFFF50] =	vst v9  }
0x199: {  	[tilespmem:s5+$0xFFFFFF40] =	vst v4;
	v4 =	vld.idx.msk [tilespmem:v13+s12+$0x0], $0xffff;
	v1 =	vmul.f32 v3, v1  }
0x19a: {  	[tilespmem:s5+$0xFFFFFF00] =	vst v2;
	v2 =	vld [tilespmem:s5+$0xFFFFFFA0];
	v7 =	vmul.f32 v7, v5  }
0x19b: {  	s31 =	sadd.s32 $0x9E, s31;
	v3 =	vld [tilespmem:s5+$0xFFFFFFB0];
	[tilespmem:s5+$0xFFFFFF30] =	vst v1;
	v1 =	vmul.f32 v6, v5  }
0x19c: {  	v62 =	vmov s31;
	v6 =	vld [tilespmem:s5+$0xFFFFFFD0];
	[tilespmem:s5+$0xFFFFFF70] =	vst v7;
	v7 =	vmul.f32 v11, v5  }
0x19d: {  	v9 =	vld [tilespmem:s5+$0xFFFFFFE0];
	[tilespmem:s5+$0xFFFFFF60] =	vst v1;
	v1 =	vmul.f32 v8, v5  }
0x19e: {  	v8 =	vld [tilespmem:s5+$0xFFFFFFF0];
	v10 =	vmul.f32 v10, v4;
	[tilespmem:s5+$0xFFFFFF90] =	vst v7  }
0x19f: {  	v11 =	vld [tilespmem:s5+$0x0];
	v2 =	vmul.f32 v2, v5;
	[tilespmem:s5+$0xFFFFFF80] =	vst v1  }
0x1a0: {  	v7 =	vld [tilespmem:s5+$0x20];
	v3 =	vmul.f32 v3, v5;
	[tilespmem:s5+$0xFFFFFFC0] =	vst v10  }
0x1a1: {  	v1 =	vld.idx.msk [tilespmem:v62+s12+$0x0], $0xffff;
	[tilespmem:s5+$0xFFFFFFA0] =	vst v2;
	v2 =	vmul.f32 v6, v4  }
0x1a2: {  	v10 =	vld [tilespmem:s5+$0x30];
	[tilespmem:s5+$0xFFFFFFB0] =	vst v3;
	v3 =	vmul.f32 v9, v4  }
0x1a3: {  	v9 =	vld [tilespmem:s5+$0x40];
	[tilespmem:s5+$0xFFFFFFD0] =	vst v2;
	v2 =	vmul.f32 v8, v4  }
0x1a4: {  	v8 =	vld [tilespmem:s5+$0x50];
	[tilespmem:s5+$0xFFFFFFE0] =	vst v3;
	v3 =	vmul.f32 v11, v4  }
0x1a5: {  	v11 =	vld [tilespmem:s5+$0x60];
	v7 =	vmul.f32 v7, v4;
	[tilespmem:s5+$0xFFFFFFF0] =	vst v2  }
0x1a6: {  	v6 =	vld [tilespmem:s5+$0x70];
	v2 =	vmul.f32 v63, v4;
	[tilespmem:s5+$0x0] =	vst v3  }
0x1a7: {  	v5 =	vld [tilespmem:s5+$0x80];
	v4 =	vmul.f32 v10, v4;
	[tilespmem:s5+$0x20] =	vst v7  }
0x1a8: {  	v3 =	vld [tilespmem:s5+$0x90];
	v9 =	vmul.f32 v9, v1;
	[tilespmem:s5+$0x10] =	vst v2  }
0x1a9: {  	v2 =	vld [tilespmem:s5+$0xA0];
	[tilespmem:s5+$0x30] =	vst v4;
	v8 =	vmul.f32 v8, v1  }
0x1aa: {  	s6 =	simm.s32 $0x8540;
	s8 =	simm.s32 $0x0;
	v4 =	vld [tilespmem:s5+$0xB0];
	[tilespmem:s5+$0x40] =	vst v9;
	v7 =	vmul.f32 v11, v1  }
.LBB2_13:
0x1ab: {  	s0 =	sadd.s32 s8, s3;
	s8 =	sadd.s32 $0x5, s8;
	[tilespmem:s5+$0x50] =	vst v8;
	v6 =	vmul.f32 v6, v1;
	v8 =	vld [tilespmem:s5+$0xC0]  }
0x1ac: {  	s9 =	sadd.s32 $0x9B, s0;
	s10 =	sadd.s32 $0x9F, s0;
	p2 =	slt.u32 s8, $0x2D;
	[tilespmem:s5+$0x60] =	vst v7;
	v5 =	vmul.f32 v5, v1;
	v7 =	vld [tilespmem:s5+$0xD0]  }
0x1ad: {  	s15 =	sadd.s32 $0x9D, s0;
	v9 =	vmov s9;
	s9 =	sadd.s32 $0x9C, s0;
	s0 =	sadd.s32 $0x9E, s0;
	v10 =	vmov s10;
	[tilespmem:s5+$0x70] =	vst v6;
	v3 =	vmul.f32 v3, v1;
	v6 =	vld [tilespmem:s5+$0xE0]  }
0x1ae: {  	v12 =	vmov s15;
	v11 =	vmov s9;
	v13 =	vmov s0;
	[tilespmem:s5+$0x80] =	vst v5;
	v5 =	vld [tilespmem:s5+$0xF0]  }
0x1af: {  	v2 =	vmul.f32 v2, v1;
	[tilespmem:s5+$0x90] =	vst v3;
	v1 =	vmul.f32 v4, v1;
	v3 =	vld [tilespmem:s5+$0x100]  }
0x1b0: {  	v4 =	vmul.f32 v8, v0;
	v8 =	vld [tilespmem:s5+$0x110]  }
0x1b1: {  	[tilespmem:s5+$0xA0] =	vst v2;
	v2 =	vmul.f32 v7, v0;
	v7 =	vld [tilespmem:s5+$0x120]  }
0x1b2: {  	s5 =	sadd.s32 $0x280, s5;
	v10 =	vld.idx.msk [tilespmem:v10+s12+$0x0], $0xffff;
	[tilespmem:s6+$0xB0] =	vst v1;
	v1 =	vmul.f32 v6, v0  }
0x1b3: {  	v6 =	vld [tilespmem:s5+$0x130];
	[tilespmem:s6+$0xC0] =	vst v4;
	v4 =	vmul.f32 v5, v0  }
0x1b4: {  	v5 =	vld.idx.msk [tilespmem:v9+s12+$0x0], $0xffff;
	[tilespmem:s6+$0xD0] =	vst v2;
	v2 =	vmul.f32 v3, v0  }
0x1b5: {  	v3 =	vld.idx.msk [tilespmem:v11+s12+$0x0], $0xffff;
	[tilespmem:s6+$0xE0] =	vst v1;
	v8 =	vmul.f32 v8, v0  }
0x1b6: {  	v9 =	vld.idx.msk [tilespmem:v12+s12+$0x0], $0xffff;
	[tilespmem:s6+$0xF0] =	vst v4;
	v4 =	vmul.f32 v7, v0  }
0x1b7: {  	v1 =	vld.idx.msk [tilespmem:v13+s12+$0x0], $0xffff;
	[tilespmem:s6+$0x100] =	vst v2  }
0x1b8: {  	v0 =	vmov v10;
	v2 =	vld [tilespmem:s5+$0xFFFFFEC0];
	v6 =	vmul.f32 v6, v10;
	[tilespmem:s6+$0x110] =	vst v8  }
0x1b9: {  	v7 =	vld [tilespmem:s5+$0xFFFFFED0];
	[tilespmem:s6+$0x120] =	vst v4;
	s6 =	smov.u32 s5  }
0x1ba: {  	v4 =	vld [tilespmem:s5+$0xFFFFFEE0];
	[tilespmem:s5+$0x130] =	vst v6  }
0x1bb: {  	v6 =	vld [tilespmem:s5+$0xFFFFFEF0]  }
0x1bc: {  	v8 =	vld [tilespmem:s5+$0xFFFFFF00]  }
0x1bd: {  	v2 =	vmul.f32 v2, v5;
	v10 =	vld [tilespmem:s5+$0xFFFFFF10]  }
0x1be: {  	v7 =	vmul.f32 v7, v5;
	v11 =	vld [tilespmem:s5+$0xFFFFFF20]  }
0x1bf: {  	[tilespmem:s5+$0xFFFFFEC0] =	vst v2;
	v2 =	vmul.f32 v4, v5;
	v4 =	vld [tilespmem:s5+$0xFFFFFF30]  }
0x1c0: {  	[tilespmem:s5+$0xFFFFFED0] =	vst v7;
	v6 =	vmul.f32 v6, v5;
	v7 =	vld [tilespmem:s5+$0xFFFFFF40]  }
0x1c1: {  	[tilespmem:s5+$0xFFFFFEE0] =	vst v2;
	v2 =	vmul.f32 v8, v5;
	v8 =	vld [tilespmem:s5+$0xFFFFFF50]  }
0x1c2: {  	[tilespmem:s5+$0xFFFFFEF0] =	vst v6;
	v6 =	vmul.f32 v10, v5;
	v10 =	vld [tilespmem:s5+$0xFFFFFF60]  }
0x1c3: {  	[tilespmem:s5+$0xFFFFFF00] =	vst v2;
	v2 =	vmul.f32 v11, v5;
	v11 =	vld [tilespmem:s5+$0xFFFFFF70]  }
0x1c4: {  	[tilespmem:s5+$0xFFFFFF10] =	vst v6;
	v4 =	vmul.f32 v4, v5;
	v5 =	vld [tilespmem:s5+$0xFFFFFF80]  }
0x1c5: {  	[tilespmem:s5+$0xFFFFFF20] =	vst v2;
	v2 =	vmul.f32 v7, v3;
	v6 =	vld [tilespmem:s5+$0xFFFFFF90]  }
0x1c6: {  	[tilespmem:s5+$0xFFFFFF30] =	vst v4;
	v4 =	vmul.f32 v8, v3;
	v7 =	vld [tilespmem:s5+$0xFFFFFFA0]  }
0x1c7: {  	[tilespmem:s5+$0xFFFFFF40] =	vst v2;
	v2 =	vmul.f32 v10, v3;
	v8 =	vld [tilespmem:s5+$0xFFFFFFB0]  }
0x1c8: {  	[tilespmem:s5+$0xFFFFFF50] =	vst v4;
	v4 =	vmul.f32 v11, v3;
	v10 =	vld [tilespmem:s5+$0xFFFFFFC0]  }
0x1c9: {  	[tilespmem:s5+$0xFFFFFF60] =	vst v2;
	v2 =	vmul.f32 v5, v3;
	v5 =	vld [tilespmem:s5+$0xFFFFFFD0]  }
0x1ca: {  	[tilespmem:s5+$0xFFFFFF70] =	vst v4;
	v4 =	vmul.f32 v6, v3;
	v6 =	vld [tilespmem:s5+$0xFFFFFFE0]  }
0x1cb: {  	[tilespmem:s5+$0xFFFFFF80] =	vst v2;
	v2 =	vmul.f32 v7, v3;
	v7 =	vld [tilespmem:s5+$0xFFFFFFF0]  }
0x1cc: {  	[tilespmem:s5+$0xFFFFFF90] =	vst v4;
	v3 =	vmul.f32 v8, v3;
	v4 =	vld [tilespmem:s5+$0x0]  }
0x1cd: {  	[tilespmem:s5+$0xFFFFFFA0] =	vst v2;
	v2 =	vmul.f32 v10, v9;
	v8 =	vld [tilespmem:s5+$0x10]  }
0x1ce: {  	[tilespmem:s5+$0xFFFFFFB0] =	vst v3;
	v3 =	vmul.f32 v5, v9;
	v5 =	vld [tilespmem:s5+$0x20]  }
0x1cf: {  	[tilespmem:s5+$0xFFFFFFC0] =	vst v2;
	v2 =	vmul.f32 v6, v9;
	v10 =	vld [tilespmem:s5+$0x30]  }
0x1d0: {  	[tilespmem:s5+$0xFFFFFFD0] =	vst v3;
	v3 =	vmul.f32 v7, v9;
	v7 =	vld [tilespmem:s5+$0x40]  }
0x1d1: {  	[tilespmem:s5+$0xFFFFFFE0] =	vst v2;
	v2 =	vmul.f32 v4, v9;
	v4 =	vld [tilespmem:s5+$0x50]  }
0x1d2: {  	[tilespmem:s5+$0xFFFFFFF0] =	vst v3;
	v3 =	vmul.f32 v8, v9;
	v11 =	vld [tilespmem:s5+$0x60]  }
.Ltmp5:
0x1d3: {  	[tilespmem:s5+$0x0] =	vst v2;
	v2 =	vmul.f32 v5, v9;
	v6 =	vld [tilespmem:s5+$0x70];
	(pc) =	sbr.rel @p2 .LBB2_13-.Ltmp5, $4  }
0x1d4: {  	[tilespmem:s5+$0x10] =	vst v3;
	v8 =	vmul.f32 v10, v9;
	v5 =	vld [tilespmem:s5+$0x80]  }
0x1d5: {  	[tilespmem:s5+$0x20] =	vst v2;
	v7 =	vmul.f32 v7, v1;
	v3 =	vld [tilespmem:s5+$0x90]  }
0x1d6: {  	[tilespmem:s5+$0x30] =	vst v8;
	v8 =	vmul.f32 v4, v1;
	v2 =	vld [tilespmem:s5+$0xA0]  }
0x1d7: {  	[tilespmem:s5+$0x40] =	vst v7;
	v7 =	vmul.f32 v11, v1;
	v4 =	vld [tilespmem:s5+$0xB0]  }
0x1d8: {  	[tilespmem:s5+$0x50] =	vst v8;
	v6 =	vmul.f32 v6, v1;
	v8 =	vld [tilespmem:s5+$0xC0]  }
0x1d9: {  	[tilespmem:s5+$0x60] =	vst v7;
	v5 =	vmul.f32 v5, v1;
	v7 =	vld [tilespmem:s5+$0xD0]  }
0x1da: {  	[tilespmem:s5+$0x70] =	vst v6;
	v3 =	vmul.f32 v3, v1;
	v6 =	vld [tilespmem:s5+$0xE0]  }
0x1db: {  	[tilespmem:s5+$0x80] =	vst v5;
	v5 =	vld [tilespmem:s5+$0xF0];
	v2 =	vmul.f32 v2, v1  }
0x1dc: {  	[tilespmem:s5+$0x90] =	vst v3;
	v1 =	vmul.f32 v4, v1;
	v3 =	vld [tilespmem:s5+$0x100]  }
0x1dd: {  	v4 =	vmul.f32 v8, v0;
	v8 =	vld [tilespmem:s5+$0x110];
	[tilespmem:s5+$0xA0] =	vst v2  }
0x1de: {  	v2 =	vmul.f32 v7, v0;
	v7 =	vld [tilespmem:s5+$0x120];
	[tilespmem:s6+$0xB0] =	vst v1  }
0x1df: {  	v1 =	vmul.f32 v6, v0;
	[tilespmem:s6+$0xC0] =	vst v4  }
0x1e0: {  	v4 =	vmul.f32 v5, v0;
	[tilespmem:s6+$0xD0] =	vst v2  }
0x1e1: {  	v2 =	vmul.f32 v3, v0;
	[tilespmem:s6+$0xE0] =	vst v1  }
0x1e2: {  	v1 =	vmul.f32 v8, v0;
	[tilespmem:s6+$0xF0] =	vst v4  }
0x1e3: {  	v0 =	vmul.f32 v7, v0;
	[tilespmem:s6+$0x100] =	vst v2  }
0x1e4: {  	s0 =	sshra.s32 s4, $0x2;
	[tilespmem:s6+$0x110] =	vst v1  }
0x1e5: {  	s0 =	sadd.s32 $0x1400, s0;
	[tilespmem:s6+$0x120] =	vst v0  }
0x1e6: {  	[spmem:s2] =	stream.indirect.scatter.add.f32 [tilespmem:s19], [sflag:$0x9], $0x80, s0, s13, $0xb8;
	[tilespmem:$0x1F480] =	vst v63  }
0x1e7: {  	s10 =	sadd.s32 $0xFFFFFFFB, s3;
	s4 =	simm.s32 @!p1 $0x32;
	_ =	swait.ge [sflag:s28], $0x1900  }
0x1e8: {  	s8 =	sadd.s32 $0xD1, s10;
	s15 =	sadd.s32 $0xCD, s10;
	[sflag:s28] =	ssyncset.done $0x0  }
0x1e9: {  	s6 =	simm.s32 @!p1 $0x6800;
	v0 =	vmov s8;
	s0 =	sadd.s32 @!p1 $0x380, s17;
	[sflag:s28] =	ssyncadd.s32 $0xFFFFE700  }
0x1ea: {  	[tilespmem:s6], [sflag:$0x3] =	stream.indirect.gather @!p1 [hbm4b:s7+s4], $0x80, s0, s4, $0xb8;
	[tilespmem:$0x1F480] =	vst v63  }
0x1eb: {  	v1 =	vmov s15;
	_ =	swait.ge [sflag:s29], $0x1900  }
0x1ec: {  	[sflag:s29] =	ssyncset.done $0x0  }
0x1ed: {  	[sflag:s29] =	ssyncadd.s32 $0xFFFFE700  }
0x1ee: {  	s4 =	simm.s32 $0xA140;
	v0 =	vld.idx.msk [tilespmem:v0+s12+$0x0], $0xffff  }
0x1ef: {  	v2 =	vld [tilespmem:s4+$0x130]  }
0x1f0: {  	v1 =	vld.idx.msk [tilespmem:v1+s12+$0x0], $0xffff  }
0x1f1: {  	v3 =	vld [tilespmem:s4+$0xFFFFFEC0]  }
0x1f2: {  	s17 =	sadd.s32 $0xCE, s10;
	v4 =	vld [tilespmem:s4+$0xFFFFFED0]  }
0x1f3: {  	v5 =	vmov s17;
	v6 =	vld [tilespmem:s4+$0xFFFFFEE0]  }
0x1f4: {  	v7 =	vld [tilespmem:s4+$0xFFFFFEF0]  }
0x1f5: {  	v8 =	vld [tilespmem:s4+$0xFFFFFF00]  }
0x1f6: {  	v9 =	vld [tilespmem:s4+$0xFFFFFF10]  }
0x1f7: {  	v10 =	vld [tilespmem:s4+$0xFFFFFF20]  }
0x1f8: {  	v5 =	vld.idx.msk [tilespmem:v5+s12+$0x0], $0xffff;
	v3 =	vmul.f32 v3, v1  }
0x1f9: {  	v11 =	vld [tilespmem:s4+$0xFFFFFF40];
	v2 =	vmul.f32 v2, v0  }
0x1fa: {  	v12 =	vld [tilespmem:s4+$0xFFFFFF50];
	v4 =	vmul.f32 v4, v1;
	[tilespmem:s4+$0xFFFFFEC0] =	vst v3  }
0x1fb: {  	v63 =	vld [tilespmem:s4+$0x10];
	v9 =	vmul.f32 v9, v1;
	[tilespmem:s4+$0x130] =	vst v2  }
0x1fc: {  	s30 =	sadd.s32 $0xCF, s10;
	v10 =	vmul.f32 v10, v1;
	v3 =	vld [tilespmem:s4+$0xFFFFFF30];
	[tilespmem:s4+$0xFFFFFED0] =	vst v4  }
0x1fd: {  	v13 =	vmov s30;
	v2 =	vmul.f32 v6, v1;
	v6 =	vld [tilespmem:s4+$0xFFFFFF60];
	[tilespmem:s4+$0xFFFFFF10] =	vst v9  }
0x1fe: {  	v4 =	vmul.f32 v7, v1;
	v7 =	vld [tilespmem:s4+$0xFFFFFF70];
	[tilespmem:s4+$0xFFFFFF20] =	vst v10  }
0x1ff: {  	v9 =	vmul.f32 v12, v5;
	v10 =	vld [tilespmem:s4+$0xFFFFFFC0];
	[tilespmem:s4+$0xFFFFFEE0] =	vst v2  }
0x200: {  	[tilespmem:s4+$0xFFFFFEF0] =	vst v4;
	v4 =	vmul.f32 v11, v5;
	v11 =	vld [tilespmem:s4+$0xFFFFFF90]  }
0x201: {  	v2 =	vmul.f32 v8, v1;
	v8 =	vld [tilespmem:s4+$0xFFFFFF80];
	[tilespmem:s4+$0xFFFFFF50] =	vst v9  }
0x202: {  	[tilespmem:s4+$0xFFFFFF40] =	vst v4;
	v4 =	vld.idx.msk [tilespmem:v13+s12+$0x0], $0xffff;
	v1 =	vmul.f32 v3, v1  }
0x203: {  	[tilespmem:s4+$0xFFFFFF00] =	vst v2;
	v2 =	vld [tilespmem:s4+$0xFFFFFFA0];
	v7 =	vmul.f32 v7, v5  }
0x204: {  	s31 =	sadd.s32 $0xD0, s10;
	v3 =	vld [tilespmem:s4+$0xFFFFFFB0];
	[tilespmem:s4+$0xFFFFFF30] =	vst v1;
	v1 =	vmul.f32 v6, v5  }
0x205: {  	v62 =	vmov s31;
	v6 =	vld [tilespmem:s4+$0xFFFFFFD0];
	[tilespmem:s4+$0xFFFFFF70] =	vst v7;
	v7 =	vmul.f32 v11, v5  }
0x206: {  	v9 =	vld [tilespmem:s4+$0xFFFFFFE0];
	[tilespmem:s4+$0xFFFFFF60] =	vst v1;
	v1 =	vmul.f32 v8, v5  }
0x207: {  	v8 =	vld [tilespmem:s4+$0xFFFFFFF0];
	v10 =	vmul.f32 v10, v4;
	[tilespmem:s4+$0xFFFFFF90] =	vst v7  }
0x208: {  	v11 =	vld [tilespmem:s4+$0x0];
	v2 =	vmul.f32 v2, v5;
	[tilespmem:s4+$0xFFFFFF80] =	vst v1  }
0x209: {  	v7 =	vld [tilespmem:s4+$0x20];
	v3 =	vmul.f32 v3, v5;
	[tilespmem:s4+$0xFFFFFFC0] =	vst v10  }
0x20a: {  	v1 =	vld.idx.msk [tilespmem:v62+s12+$0x0], $0xffff;
	[tilespmem:s4+$0xFFFFFFA0] =	vst v2;
	v2 =	vmul.f32 v6, v4  }
0x20b: {  	v10 =	vld [tilespmem:s4+$0x30];
	[tilespmem:s4+$0xFFFFFFB0] =	vst v3;
	v3 =	vmul.f32 v9, v4  }
0x20c: {  	v9 =	vld [tilespmem:s4+$0x40];
	[tilespmem:s4+$0xFFFFFFD0] =	vst v2;
	v2 =	vmul.f32 v8, v4  }
0x20d: {  	v8 =	vld [tilespmem:s4+$0x50];
	[tilespmem:s4+$0xFFFFFFE0] =	vst v3;
	v3 =	vmul.f32 v11, v4  }
0x20e: {  	v11 =	vld [tilespmem:s4+$0x60];
	v7 =	vmul.f32 v7, v4;
	[tilespmem:s4+$0xFFFFFFF0] =	vst v2  }
0x20f: {  	v6 =	vld [tilespmem:s4+$0x70];
	v2 =	vmul.f32 v63, v4;
	[tilespmem:s4+$0x0] =	vst v3  }
0x210: {  	v5 =	vld [tilespmem:s4+$0x80];
	v4 =	vmul.f32 v10, v4;
	[tilespmem:s4+$0x20] =	vst v7  }
0x211: {  	v3 =	vld [tilespmem:s4+$0x90];
	v9 =	vmul.f32 v9, v1;
	[tilespmem:s4+$0x10] =	vst v2  }
0x212: {  	v2 =	vld [tilespmem:s4+$0xA0];
	[tilespmem:s4+$0x30] =	vst v4;
	v8 =	vmul.f32 v8, v1  }
0x213: {  	s5 =	simm.s32 $0xA140;
	s6 =	simm.s32 $0x0;
	v4 =	vld [tilespmem:s4+$0xB0];
	[tilespmem:s4+$0x40] =	vst v9;
	v7 =	vmul.f32 v11, v1  }
.LBB2_15:
0x214: {  	s0 =	sadd.s32 s6, s3;
	s6 =	sadd.s32 $0x5, s6;
	[tilespmem:s4+$0x50] =	vst v8;
	v6 =	vmul.f32 v6, v1;
	v8 =	vld [tilespmem:s4+$0xC0]  }
0x215: {  	s8 =	sadd.s32 $0xCD, s0;
	s9 =	sadd.s32 $0xD1, s0;
	p1 =	slt.u32 s6, $0x2D;
	[tilespmem:s4+$0x60] =	vst v7;
	v5 =	vmul.f32 v5, v1;
	v7 =	vld [tilespmem:s4+$0xD0]  }
0x216: {  	s10 =	sadd.s32 $0xCF, s0;
	v9 =	vmov s8;
	s8 =	sadd.s32 $0xCE, s0;
	s0 =	sadd.s32 $0xD0, s0;
	v10 =	vmov s9;
	[tilespmem:s4+$0x70] =	vst v6;
	v3 =	vmul.f32 v3, v1;
	v6 =	vld [tilespmem:s4+$0xE0]  }
0x217: {  	v12 =	vmov s10;
	v11 =	vmov s8;
	v13 =	vmov s0;
	[tilespmem:s4+$0x80] =	vst v5;
	v5 =	vld [tilespmem:s4+$0xF0]  }
0x218: {  	v2 =	vmul.f32 v2, v1;
	[tilespmem:s4+$0x90] =	vst v3;
	v1 =	vmul.f32 v4, v1;
	v3 =	vld [tilespmem:s4+$0x100]  }
0x219: {  	v4 =	vmul.f32 v8, v0;
	v8 =	vld [tilespmem:s4+$0x110]  }
0x21a: {  	[tilespmem:s4+$0xA0] =	vst v2;
	v2 =	vmul.f32 v7, v0;
	v7 =	vld [tilespmem:s4+$0x120]  }
0x21b: {  	s4 =	sadd.s32 $0x280, s4;
	v10 =	vld.idx.msk [tilespmem:v10+s12+$0x0], $0xffff;
	[tilespmem:s5+$0xB0] =	vst v1;
	v1 =	vmul.f32 v6, v0  }
0x21c: {  	v6 =	vld [tilespmem:s4+$0x130];
	[tilespmem:s5+$0xC0] =	vst v4;
	v4 =	vmul.f32 v5, v0  }
0x21d: {  	v5 =	vld.idx.msk [tilespmem:v9+s12+$0x0], $0xffff;
	[tilespmem:s5+$0xD0] =	vst v2;
	v2 =	vmul.f32 v3, v0  }
0x21e: {  	v3 =	vld.idx.msk [tilespmem:v11+s12+$0x0], $0xffff;
	[tilespmem:s5+$0xE0] =	vst v1;
	v8 =	vmul.f32 v8, v0  }
0x21f: {  	v9 =	vld.idx.msk [tilespmem:v12+s12+$0x0], $0xffff;
	[tilespmem:s5+$0xF0] =	vst v4;
	v4 =	vmul.f32 v7, v0  }
0x220: {  	v1 =	vld.idx.msk [tilespmem:v13+s12+$0x0], $0xffff;
	[tilespmem:s5+$0x100] =	vst v2  }
0x221: {  	v0 =	vmov v10;
	v2 =	vld [tilespmem:s4+$0xFFFFFEC0];
	v6 =	vmul.f32 v6, v10;
	[tilespmem:s5+$0x110] =	vst v8  }
0x222: {  	v7 =	vld [tilespmem:s4+$0xFFFFFED0];
	[tilespmem:s5+$0x120] =	vst v4;
	s5 =	smov.u32 s4  }
0x223: {  	v4 =	vld [tilespmem:s4+$0xFFFFFEE0];
	[tilespmem:s4+$0x130] =	vst v6  }
0x224: {  	v6 =	vld [tilespmem:s4+$0xFFFFFEF0]  }
0x225: {  	v8 =	vld [tilespmem:s4+$0xFFFFFF00]  }
0x226: {  	v2 =	vmul.f32 v2, v5;
	v10 =	vld [tilespmem:s4+$0xFFFFFF10]  }
0x227: {  	v7 =	vmul.f32 v7, v5;
	v11 =	vld [tilespmem:s4+$0xFFFFFF20]  }
0x228: {  	[tilespmem:s4+$0xFFFFFEC0] =	vst v2;
	v2 =	vmul.f32 v4, v5;
	v4 =	vld [tilespmem:s4+$0xFFFFFF30]  }
0x229: {  	[tilespmem:s4+$0xFFFFFED0] =	vst v7;
	v6 =	vmul.f32 v6, v5;
	v7 =	vld [tilespmem:s4+$0xFFFFFF40]  }
0x22a: {  	[tilespmem:s4+$0xFFFFFEE0] =	vst v2;
	v2 =	vmul.f32 v8, v5;
	v8 =	vld [tilespmem:s4+$0xFFFFFF50]  }
0x22b: {  	[tilespmem:s4+$0xFFFFFEF0] =	vst v6;
	v6 =	vmul.f32 v10, v5;
	v10 =	vld [tilespmem:s4+$0xFFFFFF60]  }
0x22c: {  	[tilespmem:s4+$0xFFFFFF00] =	vst v2;
	v2 =	vmul.f32 v11, v5;
	v11 =	vld [tilespmem:s4+$0xFFFFFF70]  }
0x22d: {  	[tilespmem:s4+$0xFFFFFF10] =	vst v6;
	v4 =	vmul.f32 v4, v5;
	v5 =	vld [tilespmem:s4+$0xFFFFFF80]  }
0x22e: {  	[tilespmem:s4+$0xFFFFFF20] =	vst v2;
	v2 =	vmul.f32 v7, v3;
	v6 =	vld [tilespmem:s4+$0xFFFFFF90]  }
0x22f: {  	[tilespmem:s4+$0xFFFFFF30] =	vst v4;
	v4 =	vmul.f32 v8, v3;
	v7 =	vld [tilespmem:s4+$0xFFFFFFA0]  }
0x230: {  	[tilespmem:s4+$0xFFFFFF40] =	vst v2;
	v2 =	vmul.f32 v10, v3;
	v8 =	vld [tilespmem:s4+$0xFFFFFFB0]  }
0x231: {  	[tilespmem:s4+$0xFFFFFF50] =	vst v4;
	v4 =	vmul.f32 v11, v3;
	v10 =	vld [tilespmem:s4+$0xFFFFFFC0]  }
0x232: {  	[tilespmem:s4+$0xFFFFFF60] =	vst v2;
	v2 =	vmul.f32 v5, v3;
	v5 =	vld [tilespmem:s4+$0xFFFFFFD0]  }
0x233: {  	[tilespmem:s4+$0xFFFFFF70] =	vst v4;
	v4 =	vmul.f32 v6, v3;
	v6 =	vld [tilespmem:s4+$0xFFFFFFE0]  }
0x234: {  	[tilespmem:s4+$0xFFFFFF80] =	vst v2;
	v2 =	vmul.f32 v7, v3;
	v7 =	vld [tilespmem:s4+$0xFFFFFFF0]  }
0x235: {  	[tilespmem:s4+$0xFFFFFF90] =	vst v4;
	v3 =	vmul.f32 v8, v3;
	v4 =	vld [tilespmem:s4+$0x0]  }
0x236: {  	[tilespmem:s4+$0xFFFFFFA0] =	vst v2;
	v2 =	vmul.f32 v10, v9;
	v8 =	vld [tilespmem:s4+$0x10]  }
0x237: {  	[tilespmem:s4+$0xFFFFFFB0] =	vst v3;
	v3 =	vmul.f32 v5, v9;
	v5 =	vld [tilespmem:s4+$0x20]  }
0x238: {  	[tilespmem:s4+$0xFFFFFFC0] =	vst v2;
	v2 =	vmul.f32 v6, v9;
	v10 =	vld [tilespmem:s4+$0x30]  }
0x239: {  	[tilespmem:s4+$0xFFFFFFD0] =	vst v3;
	v3 =	vmul.f32 v7, v9;
	v7 =	vld [tilespmem:s4+$0x40]  }
0x23a: {  	[tilespmem:s4+$0xFFFFFFE0] =	vst v2;
	v2 =	vmul.f32 v4, v9;
	v4 =	vld [tilespmem:s4+$0x50]  }
0x23b: {  	[tilespmem:s4+$0xFFFFFFF0] =	vst v3;
	v3 =	vmul.f32 v8, v9;
	v11 =	vld [tilespmem:s4+$0x60]  }
.Ltmp6:
0x23c: {  	[tilespmem:s4+$0x0] =	vst v2;
	v2 =	vmul.f32 v5, v9;
	v6 =	vld [tilespmem:s4+$0x70];
	(pc) =	sbr.rel @p1 .LBB2_15-.Ltmp6, $4  }
0x23d: {  	[tilespmem:s4+$0x10] =	vst v3;
	v8 =	vmul.f32 v10, v9;
	v5 =	vld [tilespmem:s4+$0x80]  }
0x23e: {  	[tilespmem:s4+$0x20] =	vst v2;
	v7 =	vmul.f32 v7, v1;
	v3 =	vld [tilespmem:s4+$0x90]  }
0x23f: {  	[tilespmem:s4+$0x30] =	vst v8;
	v8 =	vmul.f32 v4, v1;
	v2 =	vld [tilespmem:s4+$0xA0]  }
0x240: {  	[tilespmem:s4+$0x40] =	vst v7;
	v7 =	vmul.f32 v11, v1;
	v4 =	vld [tilespmem:s4+$0xB0]  }
0x241: {  	[tilespmem:s4+$0x50] =	vst v8;
	v6 =	vmul.f32 v6, v1;
	v49 =	vld [tilespmem:s4+$0xC0]  }
0x242: {  	v50 =	vld [tilespmem:s4+$0xD0];
	[tilespmem:s4+$0x60] =	vst v7;
	v5 =	vmul.f32 v5, v1  }
0x243: {  	v51 =	vld [tilespmem:s4+$0xE0];
	[tilespmem:s4+$0x70] =	vst v6;
	v3 =	vmul.f32 v3, v1  }
0x244: {  	v52 =	vld [tilespmem:s4+$0xF0];
	[tilespmem:s4+$0x80] =	vst v5;
	v2 =	vmul.f32 v2, v1  }
0x245: {  	v54 =	vld [tilespmem:s4+$0x100];
	[tilespmem:s4+$0x90] =	vst v3;
	v53 =	vmul.f32 v4, v1  }
0x246: {  	v56 =	vld [tilespmem:s4+$0x110];
	v55 =	vmul.f32 v49, v0;
	[tilespmem:s4+$0xA0] =	vst v2  }
0x247: {  	v58 =	vld [tilespmem:s4+$0x120];
	v57 =	vmul.f32 v50, v0;
	[tilespmem:s5+$0xB0] =	vst v53  }
0x248: {  	v59 =	vmul.f32 v51, v0;
	[tilespmem:s5+$0xC0] =	vst v55  }
0x249: {  	s1 =	sadd.s32 $0x1, s1;
	v60 =	vmul.f32 v52, v0;
	[tilespmem:s5+$0xD0] =	vst v57  }
0x24a: {  	p1 =	sne.s32 s1, $0x8;
	v61 =	vmul.f32 v54, v0;
	[tilespmem:s5+$0xE0] =	vst v59  }
.Ltmp7:
0x24b: {  	v62 =	vmul.f32 v56, v0;
	[tilespmem:s5+$0xF0] =	vst v60;
	(pc) =	sbr.rel @p1 .LBB2_6-.Ltmp7, $4  }
0x24c: {  	v63 =	vmul.f32 v58, v0;
	[tilespmem:s5+$0x100] =	vst v61  }
0x24d: {  	s0 =	sshra.s32 s11, $0x2;
	[tilespmem:s5+$0x110] =	vst v62  }
0x24e: {  	s3 =	sadd.s32 $0xFA, s3;
	s0 =	sadd.s32 $0x1400, s0;
	[tilespmem:s5+$0x120] =	vst v63  }
0x24f: {  	[spmem:s2] =	stream.indirect.scatter.add.f32 [tilespmem:s21], [sflag:$0xA], $0x80, s0, s13, $0xb8;
	[tilespmem:$0x1F480] =	vst v63  }
0x250: {  	s0 =	simm.s32 $0x9  }
0x251: {  	_ =	swait.ge [sflag:s0], $0x1900  }
0x252: {  	[sflag:s0] =	ssyncset.done $0x0  }
0x253: {  	s31 =	simm.s32 $0xA;
	[sflag:s0] =	ssyncadd.s32 $0xFFFFE700  }
0x254: {  	_ =	swait.ge [sflag:s31], $0x1900  }
0x255: {  	s1 =	rddreg [dreg:$0x8]  }
0x256: {  	s1 =	sadd.s32 $0x1, s1  }
0x257: {  	p1 =	sne.s32 s1, $0xA  }
.Ltmp8:
0x258: {  	_ = 	snop;
	(pc) =	sbr.rel @p1 .LBB2_5-.Ltmp8, $3  }
0x259: {  	_ =	sdelay $0x1  }
0x25a: {  	[sflag:s31] =	ssyncset.done $0x0  }
0x25b: {  	[sflag:s31] =	ssyncadd.s32 $0xFFFFE700  }
0x25c: {  	[bflag:$0x0] =	sbarrier.arrive $0xFFFF  }
0x25d: {  	s0 =	sadd.s32 @p0 $0x12C000, s2;
	s3 =	simm.s32 @p0 $0x1FCB;
	s5 =	rddreg [dreg:$0x4]  }
0x25e: {  	s4 =	stileid.u32;
	s0 =	sshrl.u32 @p0 s0, $0x3;
	s1 =	sadd.s32 @p0 $0x25800, s5  }
0x25f: {  	[hbm:s1], [sflag:s3] =	dma.local @p0 [spmem:s0], $0x1900  }
0x260: {  	s0 =	simm.s32 @p0 $0xB;
	s1 =	smul.u32 @!p0 $0x50000, s4  }
0x261: {  	_ =	swait.ge @p0 [sflag:s0], $0x1900  }
0x262: {  	s3 =	smul.u32 @!p0 $0x2800, s4;
	[sflag:s0] =	ssyncset.done @p0 $0x0;
	s1 =	sshrl.u32 @!p0 s1, $0x2  }
0x263: {  	[sflag:s0] =	ssyncadd.s32 @p0 $0xFFFFE700;
	s0 =	sadd.s32 @!p0 s1, s2;
	s1 =	sshll.u32 @!p0 s4, $0x6  }
0x264: {  	s2 =	sadd.s32 @!p0 s5, s3;
	s1 =	sor.u32 @!p0 $0x1C0B, s1;
	s0 =	sshrl.u32 @!p0 s0, $0x3  }
0x265: {  	[hbm:s2], [sflag:s1] =	dma.local @!p0 [spmem:s0], $0x2800  }
0x266: {  	s0 =	simm.s32 @!p0 $0xB  }
0x267: {  	_ =	swait.ge @!p0 [sflag:s0], $0x2800  }
0x268: {  	[sflag:s0] =	ssyncset.done @!p0 $0x0  }
0x269: {  	[sflag:s0] =	ssyncadd.s32 @!p0 $0xFFFFD800  }
0x26a: {  	_ =	sfence.sel $0x180000  }
0x26b: {  	[bflag:$0x0] =	sbarrier.arrive $0xFFFF  }
0x26c: {  	_ =	strace $0x9000004A  }
0x26d: {  	[bflag:$0x2] =	sbarrier.arrive $0xFFFF  }
0x26e: {  	p0 =	sne.s32 s4, $0x0;
	s0 =	rddreg [dreg:$0x3]  }
0x26f: {  	s0 =	sadd.s32 @!p0 $0x100000, s0  }
0x270: {  	[sflag:s0] =	ssyncadd.tile.s32 @!p0 $0x1;
	_ =	shalt  }
.Lfunc_end2:
_tile_overlayer_lowered:
.L_overlay_start_2:
0x271: {  	(tag) =	ssettag $0x2  }
0x272: {  	s0 =	rddreg [dreg:$0x0];
	s2 =	stileid.u32  }
0x273: {  	s1 =	rddreg [dreg:$0x1];
	p0 =	sne.s32 s2, $0x0  }
0x274: {  	s3 =	rddreg [dreg:$0x2];
	[bflag:$0x3] =	sbarrier.arrive $0xFFFF;
	s2 =	simm.s32 @!p0 $0x1C0B  }
0x275: {  	[timem:s3], [sflag:s2] =	dma.local @!p0 [hbm:s0], s1  }
0x276: {  	s0 =	simm.s32 @!p0 $0xB  }
0x277: {  	_ =	swait.ge @!p0 [sflag:s0], s1  }
0x278: {  	s1 =	ssub.s32 @!p0 $0x0, s1;
	[sflag:s0] =	ssyncset.done @!p0 $0x0  }
0x279: {  	[sflag:s0] =	ssyncadd.s32 @!p0 s1  }
0x27a: {  	[bflag:$0x3] =	sbarrier.arrive $0xFFFF  }
0x27b: {  	_ =	shalt  }

// kernel: kernel.16.cloned.1.call-start
scs
__scs_entry_jumppad:
0x0: {  	(pc) =	sbr.rel $0x88, $3  }
0x1: {  	(tag) =	ssettag $0x0;
	lr =	simm.s32 $0x1  }
0x2: {  	[smem:$0x3F98] =	sst lr;
	_ =	strace $0xD0000000  }
0x3: {  	_ = 	snop  }
0x4: {  	_ = 	snop  }
0x5: {  	_ = 	snop  }
0x6: {  	_ = 	snop  }
0x7: {  	_ = 	snop  }
__scs_overlays_trampoline_lowered:
0x8: {  	[smem:$0x3FA7] =	sst s0  }
0x9: {  	[smem:$0x3FA8] =	sst s1  }
0xa: {  	[smem:$0x3FA9] =	sst s2  }
0xb: {  	[smem:$0x3FAA] =	sst s3  }
0xc: {  	[smem:$0x3FAB] =	sst s4  }
0xd: {  	[smem:$0x3FAC] =	sst s5  }
0xe: {  	[smem:$0x3FAD] =	sst s6  }
0xf: {  	[smem:$0x3FAE] =	sst s7  }
0x10: {  	[smem:$0x3FAF] =	sst s8  }
0x11: {  	[smem:$0x3FB0] =	sst s9;
	s0 =	simm.s32 @!p0 $0x0  }
0x12: {  	s1 =	sld [smem:$0x3F96];
	s0 =	simm.s32 @p0 $0x1  }
0x13: {  	[smem:$0x3FB1] =	sst s0;
	s0 =	simm.s32 @!p1 $0x0  }
0x14: {  	s2 =	sld [smem:$0x3F95];
	s0 =	simm.s32 @p1 $0x1  }
0x15: {  	[smem:$0x3FB2] =	sst s0;
	s0 =	simm.s32 @!p2 $0x0  }
0x16: {  	s3 =	sld [smem:$0x3FDB];
	s0 =	simm.s32 @p2 $0x1  }
0x17: {  	s4 =	simm.s32 $0x1BF5;
	[smem:$0x3FB4] =	sst s0  }
0x18: {  	s0 =	sld [smem:$0x3F97];
	_ =	swait.ge [sflag:s4], $0x0  }
0x19: {  	s7 =	sld [smem:$0x3F98]  }
0x1a: {  	s8 =	sadd.s32 $0xFFFFE003, lr  }
0x1b: {  	s9 =	sadd.s32 $0xFFFFFEF7, lr;
	s5 =	simm.s32 $0xFFFFFFFF;
	p2 =	slt.u32 s8, $0xFFFFF086  }
0x1c: {  	p1 =	slt.u32 s9, $0xF7A;
	s5 =	simm.s32 @!p2 $0x0  }
0x1d: {  	s5 =	simm.s32 @p1 $0x1;
	p0 =	seq.s32 s7, s2  }
0x1e: {  	s7 =	smul.u32 @!p0 $0xF7A, s2;
	p2 =	seq.s32 @!p0 s5, $0x0  }
0x1f: {  	s9 =	smul.u32 $0xF7A, s1;
	s8 =	simm.s32 @!p0 $0x1BF5;
	p2 =	por !p2, p0  }
0x20: {  	[sflag:s8] =	ssyncset.s32 @!p0 $0xFFFFF086;
	s6 =	sadd.s32 @!p0 s3, s7;
	s7 =	simm.s32 @!p0 $0x108  }
0x21: {  	s3 =	sadd.s32 s3, s9;
	s6 =	sadd.s32 @!p0 $0x88, s6;
	s7 =	simm.s32 @p2 $0x1082  }
0x22: {  	[simem:s7], [sflag:s8] =	dma.local @!p0 [hbm:s6], $0xF7A  }
0x23: {  	s9 =	sor.u32 $0xD0000000, s2;
	s6 =	simm.s32 $0x108;
	_ =	swait.ge @!p0 [sflag:s8], $0x0  }
0x24: {  	s3 =	sadd.s32 $0x88, s3;
	s6 =	simm.s32 @!p1 $0x1082;
	[sflag:s4] =	ssyncset.s32 $0xFFFFF086  }
0x25: {  	[simem:s6], [sflag:s4] =	dma.local [hbm:s3], $0xF7A  }
0x26: {  	[smem:$0x3F98] =	sst s1;
	(tag) =	ssettag s2;
	_ =	strace s9  }
0x27: {  	s1 =	sld [smem:$0x3FA8]  }
0x28: {  	s2 =	sld [smem:$0x3FA9]  }
0x29: {  	s4 =	sld [smem:$0x3FAB]  }
0x2a: {  	p0 =	seq.s32 s5, $0x0;
	s5 =	sld [smem:$0x3FAC]  }
0x2b: {  	s6 =	sld [smem:$0x3FAD]  }
0x2c: {  	s7 =	sld [smem:$0x3FAE]  }
0x2d: {  	s3 =	simm.s32 $0x108;
	s8 =	sld [smem:$0x3FAF]  }
0x2e: {  	s3 =	simm.s32 @!p0 $0x1082;
	s9 =	sld [smem:$0x3FB0]  }
0x2f: {  	lr =	sadd.s32 s0, s3;
	s0 =	sld [smem:$0x3FA7]  }
0x30: {  	s3 =	sld [smem:$0x3FAA]  }
0x31: {  	[smem:$0x3FB3] =	sst s10  }
0x32: {  	s10 =	sld [smem:$0x3FB1];
	_ =	sdelay $0x3  }
0x33: {  	p0 =	seq.s32 s10, $0x1;
	s10 =	sld [smem:$0x3FB3];
	_ =	sdelay $0x3  }
0x34: {  	[smem:$0x3FB3] =	sst s10  }
0x35: {  	s10 =	sld [smem:$0x3FB2];
	_ =	sdelay $0x3  }
0x36: {  	p1 =	seq.s32 s10, $0x1;
	s10 =	sld [smem:$0x3FB3];
	_ =	sdelay $0x3  }
0x37: {  	[smem:$0x3FB3] =	sst s10  }
0x38: {  	s10 =	sld [smem:$0x3FB4]  }
0x39: {  	_ = 	snop;
	(pc) =	sbr.ind lr, $3  }
0x3a: {  	_ = 	snop  }
0x3b: {  	_ = 	snop  }
0x3c: {  	p2 =	seq.s32 s10, $0x1;
	s10 =	sld [smem:$0x3FB3]  }
0x3d: {  	_ =	shalt  }
0x3e: {  	_ =	shalt  }
0x3f: {  	_ =	shalt  }
0x40: {  	_ =	shalt  }
0x41: {  	_ =	shalt  }
0x42: {  	_ =	shalt  }
0x43: {  	_ =	shalt  }
0x44: {  	_ =	shalt  }
0x45: {  	_ =	shalt  }
0x46: {  	_ =	shalt  }
0x47: {  	_ =	shalt  }
0x48: {  	_ =	shalt  }
0x49: {  	_ =	shalt  }
0x4a: {  	_ =	shalt  }
0x4b: {  	_ =	shalt  }
0x4c: {  	_ =	shalt  }
0x4d: {  	_ =	shalt  }
0x4e: {  	_ =	shalt  }
0x4f: {  	_ =	shalt  }
0x50: {  	_ =	shalt  }
0x51: {  	_ =	shalt  }
0x52: {  	_ =	shalt  }
0x53: {  	_ =	shalt  }
0x54: {  	_ =	shalt  }
0x55: {  	_ =	shalt  }
0x56: {  	_ =	shalt  }
0x57: {  	_ =	shalt  }
0x58: {  	_ =	shalt  }
0x59: {  	_ =	shalt  }
0x5a: {  	_ =	shalt  }
0x5b: {  	_ =	shalt  }
0x5c: {  	_ =	shalt  }
0x5d: {  	_ =	shalt  }
0x5e: {  	_ =	shalt  }
0x5f: {  	_ =	shalt  }
0x60: {  	_ =	shalt  }
0x61: {  	_ =	shalt  }
0x62: {  	_ =	shalt  }
0x63: {  	_ =	shalt  }
0x64: {  	_ =	shalt  }
0x65: {  	_ =	shalt  }
0x66: {  	_ =	shalt  }
0x67: {  	_ =	shalt  }
0x68: {  	_ =	shalt  }
0x69: {  	_ =	shalt  }
0x6a: {  	_ =	shalt  }
0x6b: {  	_ =	shalt  }
0x6c: {  	_ =	shalt  }
0x6d: {  	_ =	shalt  }
0x6e: {  	_ =	shalt  }
0x6f: {  	_ =	shalt  }
0x70: {  	_ =	shalt  }
0x71: {  	_ =	shalt  }
0x72: {  	_ =	shalt  }
0x73: {  	_ =	shalt  }
0x74: {  	_ =	shalt  }
0x75: {  	_ =	shalt  }
0x76: {  	_ =	shalt  }
0x77: {  	_ =	shalt  }
0x78: {  	_ =	shalt  }
0x79: {  	_ =	shalt  }
0x7a: {  	_ =	shalt  }
0x7b: {  	_ =	shalt  }
0x7c: {  	_ =	shalt  }
0x7d: {  	_ =	shalt  }
0x7e: {  	_ =	shalt  }
0x7f: {  	_ =	shalt  }
0x80: {  	_ =	shalt  }
0x81: {  	_ =	shalt  }
0x82: {  	_ =	shalt  }
0x83: {  	_ =	shalt  }
0x84: {  	_ =	shalt  }
0x85: {  	_ =	shalt  }
0x86: {  	_ =	shalt  }
0x87: {  	_ =	shalt  }
.Lfunc_end0:
.L_simem_size_0:
called_computation.2_lowered:
.L_overlay_start_0:
0x88: {  	s0 =	sld [smem:$0x3FD9]  }
0x89: {  	s1 =	sld [smem:$0x3FFE];
	_ =	sdelay $0x3  }
0x8a: {  	s0 =	sadd.s32 s1, s0  }
0x8b: {  	[smem:$0x3FBF] =	sst s0  }
0x8c: {  	_ = 	snop  }
0x8d: {  	s0 =	sld [smem:$0x3FC7];
	(tm) =	ssettm $0x1  }
0x8e: {  	s16 =	sld [smem:$0x3FFB];
	_ =	sdelay $0x3  }
0x8f: {  	_ =	strace s16  }
0x90: {  	s1 =	sld [smem:$0x3FFC];
	_ =	sdelay $0x3  }
0x91: {  	_ =	strace s1  }
0x92: {  	s1 =	sld [smem:$0x3FFD];
	_ =	sdelay $0x3  }
0x93: {  	_ =	strace s1  }
0x94: {  	_ =	strace $0x8FFFFFFF  }
0x95: {  	s17 =	sld [smem:$0x3FDB];
	_ =	sdelay $0x1  }
0x96: {  	s2 =	simm.s32 $_scs_section_size  }
0x97: {  	s3 =	simm.s32 $_size__tile_overlayer_lowered;
	s4 =	simm.s32 $_tile_overlayer_lowered  }
0x98: {  	s20 =	simm.s32 $0x1BFF;
	s19 =	sshll.u32 s4, $0x1;
	s1 =	sadd.s32 s2, s17  }
0x99: {  	s5 =	simm.s32 $0x0;
	s18 =	sshll.u32 s3, $0x1;
	s3 =	sadd.s32 s19, s1  }
0x9a: {  	[timem:s5], [sflag:s20] =	dma.local [hbm:s3], s18  }
0x9b: {  	_ =	swait.ge [sflag:s20], s18  }
0x9c: {  	s2 =	ssub.s32 $0x0, s18;
	[sflag:s20] =	ssyncset.done $0x0  }
0x9d: {  	[sflag:s20] =	ssyncadd.s32 s2;
	_ =	sdelay $0x1  }
0x9e: {  	s21 =	simm.s32 $0x1B8B  }
0x9f: {  	_ =	swait.ge [sflag:s21], $0x1  }
0xa0: {  	[sflag:s21] =	ssyncset.done $0x0  }
0xa1: {  	s23 =	simm.s32 $0x1B8E;
	s22 =	sld [smem:$0x3FFE];
	[sflag:s21] =	ssyncadd.s32 $0xFFFFFFFF  }
0xa2: {  	s24 =	simm.s32 $execute0_lowered;
	[smem:$0x3FD2] =	sst s23  }
0xa3: {  	s3 =	sshll.u32 s24, $0x1;
	_ =	strace $0x8000004C;
	[dreg:$0x1] =	wrdreg $0xFFFFFFFF  }
0xa4: {  	s25 =	simm.s32 $_size_execute0_lowered;
	s1 =	sadd.s32 s1, s3;
	[dreg:$0x0] =	wrdreg $0x0  }
0xa5: {  	s3 =	sshll.u32 s25, $0x1;
	[dreg:$0x2] =	wrdreg s1  }
0xa6: {  	[dreg:$0x3] =	wrdreg s3  }
0xa7: {  	[dreg:$0x4] =	wrdreg $0xC0  }
0xa8: {  	_ =	task [dreg:s5], $0x5FFFF  }
0xa9: {  	[dreg:$0x1] =	wrdreg $0xFFFFFFFF  }
0xaa: {  	[dreg:$0x0] =	wrdreg $0x60  }
0xab: {  	[dreg:$0x2] =	wrdreg s22  }
0xac: {  	[dreg:$0x3] =	wrdreg s0  }
0xad: {  	[dreg:$0x4] =	wrdreg $0xBC000  }
0xae: {  	[dreg:$0x5] =	wrdreg $0x9  }
0xaf: {  	_ =	task.clear_ibuf [dreg:s5], $0x6FFFF;
	_ =	strace $0x9000004C  }
0xb0: {  	s26 =	simm.s32 $0x9;
	_ =	strace $0x8000004E  }
0xb1: {  	_ =	swait.ge [sflag:s26], $0x1  }
0xb2: {  	[sflag:s26] =	ssyncadd.s32 $0xFFFFFFFF  }
0xb3: {  	_ =	strace $0x9000004E  }
0xb4: {  	_ =	sfence  }
0xb5: {  	s28 =	sld [smem:$0x0];
	_ =	sdelay $0x1  }
0xb6: {  	s29 =	srdreg.scid  }
0xb7: {  	s30 =	sshll.u32 s29, $0xD;
	s31 =	sshrl.u32 s29, $0x2  }
0xb8: {  	s2 =	sand.u32 $0x4000, s30;
	s1 =	sand.u32 $0x1, s29;
	s0 =	sadd.s32 s31, s28  }
0xb9: {  	s1 =	sor.u32 s2, s1;
	s0 =	sshll.u32 s0, $0x11  }
0xba: {  	s0 =	sor.u32 s0, s1  }
0xbb: {  	s0 =	sadd.s32 $0x8F2B, s0  }
0xbc: {  	[sflag:s0] =	ssyncadd.remote.s32 $0x1  }
0xbd: {  	_ =	sfence.sel $0xFFFF  }
0xbe: {  	[dreg:$0x0] =	wrdreg $0xFFFFFFFF;
	(pc) =	sbr.abs _section_cstart, $3  }
0xbf: {  	[dreg:$0x1] =	wrdreg $0xFFFFFFFF  }
0xc0: {  	_ =	task.clear_ibuf [dreg:s5], $0x2FFFF;
	_ =	strace $0x9FFFFFFF  }
0xc1: {  	(tm) =	ssettm $0x7FFFFFFF  }
tec
execute0_lowered:
.L_overlay_start_1:
0x0: {  	(tag) =	ssettag $0x1  }
0x1: {  	s0 =	rddreg [dreg:$0x0]  }
0x2: {  	s2 =	rddreg [dreg:$0x2];
	s1 =	simm.s32 $0x0  }
0x3: {  	s6 =	stileid.u32;
	[smem:$0x7FF] =	sst s1;
	s30 =	sadd.s32 $0x39600, s0  }
0x4: {  	s31 =	sadd.s32 $0x20600, s0;
	_ =	strace $0x8000004D;
	[dreg:$0x5] =	wrdreg s30  }
0x5: {  	s7 =	sadd.s32 $0x52600, s0;
	s0 =	sadd.s32 $0x79800, s0;
	[dreg:$0x6] =	wrdreg s31  }
0x6: {  	v0 =	vimm.f32 $0.0e+00;
	s1 =	simm.s32 $0x200;
	[dreg:$0x4] =	wrdreg s0;
	s0 =	simm.s32 $0x0  }
.LBB2_1:
0x7: {  	p0 =	sne.s32 s1, $0x4E00;
	[tilespmem:s0+$0x3070] =	vst v0  }
0x8: {  	[tilespmem:s0+$0x3000] =	vst v0  }
0x9: {  	[tilespmem:s0+$0x3010] =	vst v0  }
.Ltmp0:
0xa: {  	[tilespmem:s0+$0x3020] =	vst v0;
	(pc) =	sbr.rel @p0 .LBB2_1-.Ltmp0, $4  }
0xb: {  	[tilespmem:s0+$0x3030] =	vst v0  }
0xc: {  	[tilespmem:s0+$0x3040] =	vst v0  }
0xd: {  	[tilespmem:s0+$0x3050] =	vst v0  }
0xe: {  	[tilespmem:s0+$0x3060] =	vst v0;
	s0 =	sshra.s32 s1, $0x2;
	s1 =	sadd.s32 $0x200, s1  }
0xf: {  	[tilespmem:s0+$0x3070] =	vst v0  }
0x10: {  	[tilespmem:s0+$0x3000] =	vst v0  }
0x11: {  	[tilespmem:s0+$0x3010] =	vst v0  }
0x12: {  	[tilespmem:s0+$0x3020] =	vst v0  }
0x13: {  	[tilespmem:s0+$0x3030] =	vst v0;
	p0 =	seq.s32 s6, $0xF;
	s1 =	simm.s32 $0x190;
	s3 =	smul.u32 $0x50000, s6  }
0x14: {  	[tilespmem:s0+$0x3040] =	vst v0;
	s1 =	simm.s32 @!p0 $0x280  }
0x15: {  	[tilespmem:s0+$0x3050] =	vst v0;
	s3 =	sshrl.u32 s3, $0x2;
	p1 =	sle.u32 s1, $0x0  }
0x16: {  	[tilespmem:s0+$0x3060] =	vst v0;
	s0 =	sadd.s32 s3, s2;
	s3 =	simm.s32 @!p1 $0x3000;
	s4 =	simm.s32 @!p1 $0xB  }
0x17: {  	[spmem:s0] =	stream.linear.scatter @!p1 [tilespmem:s3], [sflag:$0xB], $0x1400, $0x38;
	[tilespmem:$0x1F480] =	vst v63  }
0x18: {  	_ =	swait.ge @!p1 [sflag:s4], $0x1400  }
0x19: {  	s3 =	simm.s32 $0x28;
	[sflag:s4] =	ssyncset.done @!p1 $0x0  }
.LBB2_3:
0x1a: {  	[sflag:s4] =	ssyncadd.s32 @!p1 $0xFFFFEC00;
	s4 =	smov.u32 s3;
	s3 =	sadd.s32 $0x28, s3  }
0x1b: {  	s0 =	sadd.s32 $0x1400, s0;
	p2 =	sne.s32 s3, $0x280  }
.Ltmp1:
0x1c: {  	p1 =	sge.u32 s4, s1;
	(pc) =	sbr.rel @p2 .LBB2_3-.Ltmp1, $4  }
0x1d: {  	s5 =	simm.s32 @!p1 $0x3000;
	s4 =	simm.s32 @!p1 $0xB  }
0x1e: {  	[spmem:s0] =	stream.linear.scatter @!p1 [tilespmem:s5], [sflag:$0xB], $0x1400, $0x38;
	[tilespmem:$0x1F480] =	vst v63  }
0x1f: {  	_ =	swait.ge @!p1 [sflag:s4], $0x1400  }
0x20: {  	[sflag:s4] =	ssyncset.done @!p1 $0x0  }
0x21: {  	[sflag:s4] =	ssyncadd.s32 @!p1 $0xFFFFEC00;
	s0 =	smul.u32 $0x190, s6  }
0x22: {  	s12 =	simm.s32 $0x2800;
	s13 =	simm.s32 $0x32;
	s14 =	simm.s32 $0x3000  }
0x23: {  	s16 =	simm.s32 $0x4C00;
	s18 =	simm.s32 $0x6800;
	s19 =	simm.s32 $0x8400  }
0x24: {  	s20 =	simm.s32 $0x1;
	s21 =	simm.s32 $0xA000;
	s22 =	simm.s32 $0x2  }
0x25: {  	s23 =	simm.s32 $0x6;
	s24 =	simm.s32 $0x3;
	s25 =	simm.s32 $0x7  }
0x26: {  	s26 =	simm.s32 $0x4;
	s28 =	simm.s32 $0x8;
	[dreg:$0x7] =	wrdreg s0  }
0x27: {  	s29 =	simm.s32 $0x5;
	s1 =	simm.s32 $0x0;
	[bflag:$0x0] =	sbarrier.arrive $0xFFFF  }
.LBB2_5:
0x28: {  	s8 =	smul.u32 $0x28, s1  }
0x29: {  	s0 =	rddreg [dreg:$0x7]  }
0x2a: {  	[dreg:$0x8] =	wrdreg s1;
	s1 =	sadd.s32 s0, s8  }
0x2b: {  	s9 =	rddreg [dreg:$0x5];
	s3 =	sshll.u32 s1, $0x4  }
0x2c: {  	s5 =	simm.s32 $0x0;
	s10 =	simm.s32 $0xB;
	s4 =	sadd.s32 s9, s3  }
0x2d: {  	[tilespmem:s5], [sflag:$0xB] =	stream.linear.gather [hbm4b:s4+s5], $0x1400, $0x38;
	[tilespmem:$0x1F480] =	vst v63  }
0x2e: {  	_ =	swait.ge [sflag:s10], $0x1400  }
0x2f: {  	[sflag:s10] =	ssyncset.done $0x0;
	s11 =	rddreg [dreg:$0x6]  }
0x30: {  	s15 =	simm.s32 $0x1400;
	[sflag:s10] =	ssyncadd.s32 $0xFFFFEC00;
	s3 =	sadd.s32 s11, s3  }
0x31: {  	[tilespmem:s15], [sflag:$0xB] =	stream.linear.gather [hbm4b:s3+s5], $0x1400, $0x38;
	[tilespmem:$0x1F480] =	vst v63  }
0x32: {  	_ =	swait.ge [sflag:s10], $0x1400  }
0x33: {  	s1 =	smul.u32 $0x32, s1;
	[sflag:s10] =	ssyncset.done $0x0  }
0x34: {  	[sflag:s10] =	ssyncadd.s32 $0xFFFFEC00  }
0x35: {  	s1 =	sshrl.u32 s1, $0x3;
	s17 =	rddreg [dreg:$0x1]  }
0x36: {  	s1 =	sadd.s32 s17, s1  }
0x37: {  	[tilespmem:s12], [sflag:$0xB] =	stream.linear.gather [hbm4b:s1+s5], $0x7D0, $0x38;
	[tilespmem:$0x1F480] =	vst v63  }
0x38: {  	_ =	swait.ge [sflag:s10], $0x7D0  }
0x39: {  	[sflag:s10] =	ssyncset.done $0x0  }
0x3a: {  	[sflag:s10] =	ssyncadd.s32 $0xFFFFF830  }
0x3b: {  	[tilespmem:s14], [sflag:$0x1] =	stream.indirect.gather [hbm4b:s7+s13], $0x80, s5, s13, $0xb8;
	[tilespmem:$0x1F480] =	vst v63  }
0x3c: {  	s30 =	simm.s32 $0x80  }
0x3d: {  	[tilespmem:s16], [sflag:$0x2] =	stream.indirect.gather [hbm4b:s7+s13], $0x80, s30, s13, $0xb8;
	[tilespmem:$0x1F480] =	vst v63  }
0x3e: {  	s31 =	simm.s32 $0x100;
	s3 =	simm.s32 $0x0;
	s1 =	simm.s32 $0x0  }
0x3f: {  	[tilespmem:s18], [sflag:$0x3] =	stream.indirect.gather [hbm4b:s7+s13], $0x80, s31, s13, $0xb8;
	[tilespmem:$0x1F480] =	vst v63  }
.LBB2_6:
0x40: {  	s15 =	smul.u32 $0x5, s1;
	p1 =	seq.s32 s1, $0x0  }
0x41: {  	s5 =	simm.s32 @!p1 $0x9  }
0x42: {  	s6 =	sadd.s32 $0xFFFFFFFB, s3;
	_ =	swait.ge @!p1 [sflag:s5], $0x1900;
	s11 =	sshll.u32 s15, $0x9  }
0x43: {  	s8 =	sadd.s32 $0x9, s6;
	[sflag:s5] =	ssyncset.done @!p1 $0x0;
	s4 =	sadd.s32 $0x600, s11  }
0x44: {  	s17 =	sadd.s32 $0x5, s6;
	v0 =	vmov s8;
	[sflag:s5] =	ssyncadd.s32 @!p1 $0xFFFFE700;
	s10 =	sshrl.u32 s4, $0x2  }
0x45: {  	[tilespmem:s19], [sflag:$0x4] =	stream.indirect.gather [hbm4b:s7+s13], $0x80, s10, s13, $0xb8;
	[tilespmem:$0x1F480] =	vst v63  }
0x46: {  	v1 =	vmov s17;
	_ =	swait.ge [sflag:s20], $0x1900  }
0x47: {  	[sflag:s20] =	ssyncset.done $0x0  }
0x48: {  	[sflag:s20] =	ssyncadd.s32 $0xFFFFE700  }
0x49: {  	s5 =	simm.s32 $0x3140;
	v0 =	vld.idx.msk [tilespmem:v0+s12+$0x0], $0xffff  }
0x4a: {  	v2 =	vld [tilespmem:s5+$0x130]  }
0x4b: {  	v1 =	vld.idx.msk [tilespmem:v1+s12+$0x0], $0xffff  }
0x4c: {  	v3 =	vld [tilespmem:s5+$0xFFFFFEC0]  }
0x4d: {  	s30 =	sadd.s32 $0x6, s6;
	v4 =	vld [tilespmem:s5+$0xFFFFFED0]  }
0x4e: {  	v5 =	vmov s30;
	v6 =	vld [tilespmem:s5+$0xFFFFFEE0]  }
0x4f: {  	v7 =	vld [tilespmem:s5+$0xFFFFFEF0]  }
0x50: {  	v8 =	vld [tilespmem:s5+$0xFFFFFF00]  }
0x51: {  	v9 =	vld [tilespmem:s5+$0xFFFFFF10]  }
0x52: {  	v10 =	vld [tilespmem:s5+$0xFFFFFF20]  }
0x53: {  	v5 =	vld.idx.msk [tilespmem:v5+s12+$0x0], $0xffff;
	v3 =	vmul.f32 v3, v1  }
0x54: {  	v11 =	vld [tilespmem:s5+$0xFFFFFF40];
	v2 =	vmul.f32 v2, v0  }
0x55: {  	v12 =	vld [tilespmem:s5+$0xFFFFFF50];
	v4 =	vmul.f32 v4, v1;
	[tilespmem:s5+$0xFFFFFEC0] =	vst v3  }
0x56: {  	v63 =	vld [tilespmem:s5+$0x10];
	v9 =	vmul.f32 v9, v1;
	[tilespmem:s5+$0x130] =	vst v2  }
0x57: {  	s31 =	sadd.s32 $0x7, s6;
	v10 =	vmul.f32 v10, v1;
	v3 =	vld [tilespmem:s5+$0xFFFFFF30];
	[tilespmem:s5+$0xFFFFFED0] =	vst v4  }
0x58: {  	v13 =	vmov s31;
	v2 =	vmul.f32 v6, v1;
	v6 =	vld [tilespmem:s5+$0xFFFFFF60];
	[tilespmem:s5+$0xFFFFFF10] =	vst v9  }
0x59: {  	v4 =	vmul.f32 v7, v1;
	v7 =	vld [tilespmem:s5+$0xFFFFFF70];
	[tilespmem:s5+$0xFFFFFF20] =	vst v10  }
0x5a: {  	v9 =	vmul.f32 v12, v5;
	v10 =	vld [tilespmem:s5+$0xFFFFFFC0];
	[tilespmem:s5+$0xFFFFFEE0] =	vst v2  }
0x5b: {  	[tilespmem:s5+$0xFFFFFEF0] =	vst v4;
	v4 =	vmul.f32 v11, v5;
	v11 =	vld [tilespmem:s5+$0xFFFFFF90]  }
0x5c: {  	v2 =	vmul.f32 v8, v1;
	v8 =	vld [tilespmem:s5+$0xFFFFFF80];
	[tilespmem:s5+$0xFFFFFF50] =	vst v9  }
0x5d: {  	[tilespmem:s5+$0xFFFFFF40] =	vst v4;
	v4 =	vld.idx.msk [tilespmem:v13+s12+$0x0], $0xffff;
	v1 =	vmul.f32 v3, v1  }
0x5e: {  	[tilespmem:s5+$0xFFFFFF00] =	vst v2;
	v2 =	vld [tilespmem:s5+$0xFFFFFFA0];
	v7 =	vmul.f32 v7, v5  }
0x5f: {  	s6 =	sadd.s32 $0x8, s6;
	v3 =	vld [tilespmem:s5+$0xFFFFFFB0];
	[tilespmem:s5+$0xFFFFFF30] =	vst v1;
	v1 =	vmul.f32 v6, v5  }
0x60: {  	v62 =	vmov s6;
	v6 =	vld [tilespmem:s5+$0xFFFFFFD0];
	[tilespmem:s5+$0xFFFFFF70] =	vst v7;
	v7 =	vmul.f32 v11, v5  }
0x61: {  	v9 =	vld [tilespmem:s5+$0xFFFFFFE0];
	[tilespmem:s5+$0xFFFFFF60] =	vst v1;
	v1 =	vmul.f32 v8, v5  }
0x62: {  	v8 =	vld [tilespmem:s5+$0xFFFFFFF0];
	v10 =	vmul.f32 v10, v4;
	[tilespmem:s5+$0xFFFFFF90] =	vst v7  }
0x63: {  	v11 =	vld [tilespmem:s5+$0x0];
	v2 =	vmul.f32 v2, v5;
	[tilespmem:s5+$0xFFFFFF80] =	vst v1  }
0x64: {  	v7 =	vld [tilespmem:s5+$0x20];
	v3 =	vmul.f32 v3, v5;
	[tilespmem:s5+$0xFFFFFFC0] =	vst v10  }
0x65: {  	v1 =	vld.idx.msk [tilespmem:v62+s12+$0x0], $0xffff;
	[tilespmem:s5+$0xFFFFFFA0] =	vst v2;
	v2 =	vmul.f32 v6, v4  }
0x66: {  	v10 =	vld [tilespmem:s5+$0x30];
	[tilespmem:s5+$0xFFFFFFB0] =	vst v3;
	v3 =	vmul.f32 v9, v4  }
0x67: {  	v9 =	vld [tilespmem:s5+$0x40];
	[tilespmem:s5+$0xFFFFFFD0] =	vst v2;
	v2 =	vmul.f32 v8, v4  }
0x68: {  	v8 =	vld [tilespmem:s5+$0x50];
	[tilespmem:s5+$0xFFFFFFE0] =	vst v3;
	v3 =	vmul.f32 v11, v4  }
0x69: {  	v11 =	vld [tilespmem:s5+$0x60];
	v7 =	vmul.f32 v7, v4;
	[tilespmem:s5+$0xFFFFFFF0] =	vst v2  }
0x6a: {  	v6 =	vld [tilespmem:s5+$0x70];
	v2 =	vmul.f32 v63, v4;
	[tilespmem:s5+$0x0] =	vst v3  }
0x6b: {  	v5 =	vld [tilespmem:s5+$0x80];
	v4 =	vmul.f32 v10, v4;
	[tilespmem:s5+$0x20] =	vst v7  }
0x6c: {  	v3 =	vld [tilespmem:s5+$0x90];
	v9 =	vmul.f32 v9, v1;
	[tilespmem:s5+$0x10] =	vst v2  }
0x6d: {  	v2 =	vld [tilespmem:s5+$0xA0];
	[tilespmem:s5+$0x30] =	vst v4;
	v8 =	vmul.f32 v8, v1  }
0x6e: {  	s8 =	simm.s32 $0x0;
	s6 =	simm.s32 $0x3140;
	v4 =	vld [tilespmem:s5+$0xB0];
	[tilespmem:s5+$0x40] =	vst v9;
	v7 =	vmul.f32 v11, v1  }
.LBB2_7:
0x6f: {  	s17 =	sadd.s32 s8, s3;
	s8 =	sadd.s32 $0x5, s8;
	[tilespmem:s5+$0x50] =	vst v8;
	v6 =	vmul.f32 v6, v1;
	v8 =	vld [tilespmem:s5+$0xC0]  }
0x70: {  	s30 =	sadd.s32 $0x5, s17;
	s31 =	sadd.s32 $0x9, s17;
	p2 =	slt.u32 s8, $0x2D;
	[tilespmem:s5+$0x60] =	vst v7;
	v5 =	vmul.f32 v5, v1;
	v7 =	vld [tilespmem:s5+$0xD0]  }
0x71: {  	s9 =	sadd.s32 $0x7, s17;
	v9 =	vmov s30;
	s30 =	sadd.s32 $0x6, s17;
	s17 =	sadd.s32 $0x8, s17;
	v10 =	vmov s31;
	[tilespmem:s5+$0x70] =	vst v6;
	v3 =	vmul.f32 v3, v1;
	v6 =	vld [tilespmem:s5+$0xE0]  }
0x72: {  	v12 =	vmov s9;
	v11 =	vmov s30;
	v13 =	vmov s17;
	[tilespmem:s5+$0x80] =	vst v5;
	v5 =	vld [tilespmem:s5+$0xF0]  }
0x73: {  	v2 =	vmul.f32 v2, v1;
	[tilespmem:s5+$0x90] =	vst v3;
	v1 =	vmul.f32 v4, v1;
	v3 =	vld [tilespmem:s5+$0x100]  }
0x74: {  	v4 =	vmul.f32 v8, v0;
	v8 =	vld [tilespmem:s5+$0x110]  }
0x75: {  	[tilespmem:s5+$0xA0] =	vst v2;
	v2 =	vmul.f32 v7, v0;
	v7 =	vld [tilespmem:s5+$0x120]  }
0x76: {  	s5 =	sadd.s32 $0x280, s5;
	v10 =	vld.idx.msk [tilespmem:v10+s12+$0x0], $0xffff;
	[tilespmem:s6+$0xB0] =	vst v1;
	v1 =	vmul.f32 v6, v0  }
0x77: {  	v6 =	vld [tilespmem:s5+$0x130];
	[tilespmem:s6+$0xC0] =	vst v4;
	v4 =	vmul.f32 v5, v0  }
0x78: {  	v5 =	vld.idx.msk [tilespmem:v9+s12+$0x0], $0xffff;
	[tilespmem:s6+$0xD0] =	vst v2;
	v2 =	vmul.f32 v3, v0  }
0x79: {  	v3 =	vld.idx.msk [tilespmem:v11+s12+$0x0], $0xffff;
	[tilespmem:s6+$0xE0] =	vst v1;
	v8 =	vmul.f32 v8, v0  }
0x7a: {  	v9 =	vld.idx.msk [tilespmem:v12+s12+$0x0], $0xffff;
	[tilespmem:s6+$0xF0] =	vst v4;
	v4 =	vmul.f32 v7, v0  }
0x7b: {  	v1 =	vld.idx.msk [tilespmem:v13+s12+$0x0], $0xffff;
	[tilespmem:s6+$0x100] =	vst v2  }
0x7c: {  	v0 =	vmov v10;
	v2 =	vld [tilespmem:s5+$0xFFFFFEC0];
	v6 =	vmul.f32 v6, v10;
	[tilespmem:s6+$0x110] =	vst v8  }
0x7d: {  	v7 =	vld [tilespmem:s5+$0xFFFFFED0];
	[tilespmem:s6+$0x120] =	vst v4;
	s6 =	smov.u32 s5  }
0x7e: {  	v4 =	vld [tilespmem:s5+$0xFFFFFEE0];
	[tilespmem:s5+$0x130] =	vst v6  }
0x7f: {  	v6 =	vld [tilespmem:s5+$0xFFFFFEF0]  }
0x80: {  	v8 =	vld [tilespmem:s5+$0xFFFFFF00]  }
0x81: {  	v2 =	vmul.f32 v2, v5;
	v10 =	vld [tilespmem:s5+$0xFFFFFF10]  }
0x82: {  	v7 =	vmul.f32 v7, v5;
	v11 =	vld [tilespmem:s5+$0xFFFFFF20]  }
0x83: {  	[tilespmem:s5+$0xFFFFFEC0] =	vst v2;
	v2 =	vmul.f32 v4, v5;
	v4 =	vld [tilespmem:s5+$0xFFFFFF30]  }
0x84: {  	[tilespmem:s5+$0xFFFFFED0] =	vst v7;
	v6 =	vmul.f32 v6, v5;
	v7 =	vld [tilespmem:s5+$0xFFFFFF40]  }
0x85: {  	[tilespmem:s5+$0xFFFFFEE0] =	vst v2;
	v2 =	vmul.f32 v8, v5;
	v8 =	vld [tilespmem:s5+$0xFFFFFF50]  }
0x86: {  	[tilespmem:s5+$0xFFFFFEF0] =	vst v6;
	v6 =	vmul.f32 v10, v5;
	v10 =	vld [tilespmem:s5+$0xFFFFFF60]  }
0x87: {  	[tilespmem:s5+$0xFFFFFF00] =	vst v2;
	v2 =	vmul.f32 v11, v5;
	v11 =	vld [tilespmem:s5+$0xFFFFFF70]  }
0x88: {  	[tilespmem:s5+$0xFFFFFF10] =	vst v6;
	v4 =	vmul.f32 v4, v5;
	v5 =	vld [tilespmem:s5+$0xFFFFFF80]  }
0x89: {  	[tilespmem:s5+$0xFFFFFF20] =	vst v2;
	v2 =	vmul.f32 v7, v3;
	v6 =	vld [tilespmem:s5+$0xFFFFFF90]  }
0x8a: {  	[tilespmem:s5+$0xFFFFFF30] =	vst v4;
	v4 =	vmul.f32 v8, v3;
	v7 =	vld [tilespmem:s5+$0xFFFFFFA0]  }
0x8b: {  	[tilespmem:s5+$0xFFFFFF40] =	vst v2;
	v2 =	vmul.f32 v10, v3;
	v8 =	vld [tilespmem:s5+$0xFFFFFFB0]  }
0x8c: {  	[tilespmem:s5+$0xFFFFFF50] =	vst v4;
	v4 =	vmul.f32 v11, v3;
	v10 =	vld [tilespmem:s5+$0xFFFFFFC0]  }
0x8d: {  	[tilespmem:s5+$0xFFFFFF60] =	vst v2;
	v2 =	vmul.f32 v5, v3;
	v5 =	vld [tilespmem:s5+$0xFFFFFFD0]  }
0x8e: {  	[tilespmem:s5+$0xFFFFFF70] =	vst v4;
	v4 =	vmul.f32 v6, v3;
	v6 =	vld [tilespmem:s5+$0xFFFFFFE0]  }
0x8f: {  	[tilespmem:s5+$0xFFFFFF80] =	vst v2;
	v2 =	vmul.f32 v7, v3;
	v7 =	vld [tilespmem:s5+$0xFFFFFFF0]  }
0x90: {  	[tilespmem:s5+$0xFFFFFF90] =	vst v4;
	v3 =	vmul.f32 v8, v3;
	v4 =	vld [tilespmem:s5+$0x0]  }
0x91: {  	[tilespmem:s5+$0xFFFFFFA0] =	vst v2;
	v2 =	vmul.f32 v10, v9;
	v8 =	vld [tilespmem:s5+$0x10]  }
0x92: {  	[tilespmem:s5+$0xFFFFFFB0] =	vst v3;
	v3 =	vmul.f32 v5, v9;
	v5 =	vld [tilespmem:s5+$0x20]  }
0x93: {  	[tilespmem:s5+$0xFFFFFFC0] =	vst v2;
	v2 =	vmul.f32 v6, v9;
	v10 =	vld [tilespmem:s5+$0x30]  }
0x94: {  	[tilespmem:s5+$0xFFFFFFD0] =	vst v3;
	v3 =	vmul.f32 v7, v9;
	v7 =	vld [tilespmem:s5+$0x40]  }
0x95: {  	[tilespmem:s5+$0xFFFFFFE0] =	vst v2;
	v2 =	vmul.f32 v4, v9;
	v4 =	vld [tilespmem:s5+$0x50]  }
0x96: {  	[tilespmem:s5+$0xFFFFFFF0] =	vst v3;
	v3 =	vmul.f32 v8, v9;
	v11 =	vld [tilespmem:s5+$0x60]  }
.Ltmp2:
0x97: {  	[tilespmem:s5+$0x0] =	vst v2;
	v2 =	vmul.f32 v5, v9;
	v6 =	vld [tilespmem:s5+$0x70];
	(pc) =	sbr.rel @p2 .LBB2_7-.Ltmp2, $4  }
0x98: {  	[tilespmem:s5+$0x10] =	vst v3;
	v8 =	vmul.f32 v10, v9;
	v5 =	vld [tilespmem:s5+$0x80]  }
0x99: {  	[tilespmem:s5+$0x20] =	vst v2;
	v7 =	vmul.f32 v7, v1;
	v3 =	vld [tilespmem:s5+$0x90]  }
0x9a: {  	[tilespmem:s5+$0x30] =	vst v8;
	v8 =	vmul.f32 v4, v1;
	v2 =	vld [tilespmem:s5+$0xA0]  }
0x9b: {  	[tilespmem:s5+$0x40] =	vst v7;
	v7 =	vmul.f32 v11, v1;
	v4 =	vld [tilespmem:s5+$0xB0]  }
0x9c: {  	[tilespmem:s5+$0x50] =	vst v8;
	v6 =	vmul.f32 v6, v1;
	v8 =	vld [tilespmem:s5+$0xC0]  }
0x9d: {  	[tilespmem:s5+$0x60] =	vst v7;
	v5 =	vmul.f32 v5, v1;
	v7 =	vld [tilespmem:s5+$0xD0]  }
0x9e: {  	[tilespmem:s5+$0x70] =	vst v6;
	v3 =	vmul.f32 v3, v1;
	v6 =	vld [tilespmem:s5+$0xE0]  }
0x9f: {  	[tilespmem:s5+$0x80] =	vst v5;
	v5 =	vld [tilespmem:s5+$0xF0];
	v2 =	vmul.f32 v2, v1  }
0xa0: {  	[tilespmem:s5+$0x90] =	vst v3;
	v1 =	vmul.f32 v4, v1;
	v3 =	vld [tilespmem:s5+$0x100]  }
0xa1: {  	v4 =	vmul.f32 v8, v0;
	v8 =	vld [tilespmem:s5+$0x110];
	[tilespmem:s5+$0xA0] =	vst v2  }
0xa2: {  	v2 =	vmul.f32 v7, v0;
	v7 =	vld [tilespmem:s5+$0x120];
	[tilespmem:s6+$0xB0] =	vst v1  }
0xa3: {  	v1 =	vmul.f32 v6, v0;
	[tilespmem:s6+$0xC0] =	vst v4  }
0xa4: {  	v4 =	vmul.f32 v5, v0;
	[tilespmem:s6+$0xD0] =	vst v2  }
0xa5: {  	v2 =	vmul.f32 v3, v0;
	[tilespmem:s6+$0xE0] =	vst v1  }
0xa6: {  	s17 =	smul.u32 $0xA00, s1;
	v1 =	vmul.f32 v8, v0;
	[tilespmem:s6+$0xF0] =	vst v4  }
0xa7: {  	v0 =	vmul.f32 v7, v0;
	[tilespmem:s6+$0x100] =	vst v2  }
0xa8: {  	s31 =	sshra.s32 s17, $0x2;
	[tilespmem:s6+$0x110] =	vst v1  }
0xa9: {  	s5 =	sadd.s32 $0x1400, s31;
	[tilespmem:s6+$0x120] =	vst v0  }
0xaa: {  	[spmem:s2] =	stream.indirect.scatter.add.f32 [tilespmem:s14], [sflag:$0x6], $0x80, s5, s13, $0xb8;
	[tilespmem:$0x1F480] =	vst v63  }
0xab: {  	s5 =	simm.s32 @!p1 $0xA  }
0xac: {  	s6 =	sadd.s32 $0xFFFFFFFB, s3;
	_ =	swait.ge @!p1 [sflag:s5], $0x1900  }
0xad: {  	s11 =	sadd.s32 $0x800, s11;
	s8 =	sadd.s32 $0x3B, s6;
	[sflag:s5] =	ssyncset.done @!p1 $0x0  }
0xae: {  	s0 =	sshrl.u32 s11, $0x2;
	s9 =	sadd.s32 $0x37, s6;
	v0 =	vmov s8;
	[sflag:s5] =	ssyncadd.s32 @!p1 $0xFFFFE700  }
0xaf: {  	[tilespmem:s21], [sflag:$0x5] =	stream.indirect.gather [hbm4b:s7+s13], $0x80, s0, s13, $0xb8;
	[tilespmem:$0x1F480] =	vst v63  }
0xb0: {  	v1 =	vmov s9;
	_ =	swait.ge [sflag:s22], $0x1900  }
0xb1: {  	[sflag:s22] =	ssyncset.done $0x0  }
0xb2: {  	[sflag:s22] =	ssyncadd.s32 $0xFFFFE700  }
0xb3: {  	s5 =	simm.s32 $0x4D40;
	v0 =	vld.idx.msk [tilespmem:v0+s12+$0x0], $0xffff  }
0xb4: {  	v2 =	vld [tilespmem:s5+$0x130]  }
0xb5: {  	v1 =	vld.idx.msk [tilespmem:v1+s12+$0x0], $0xffff  }
0xb6: {  	v3 =	vld [tilespmem:s5+$0xFFFFFEC0]  }
0xb7: {  	s10 =	sadd.s32 $0x38, s6;
	v4 =	vld [tilespmem:s5+$0xFFFFFED0]  }
0xb8: {  	v5 =	vmov s10;
	v6 =	vld [tilespmem:s5+$0xFFFFFEE0]  }
0xb9: {  	v7 =	vld [tilespmem:s5+$0xFFFFFEF0]  }
0xba: {  	v8 =	vld [tilespmem:s5+$0xFFFFFF00]  }
0xbb: {  	v9 =	vld [tilespmem:s5+$0xFFFFFF10]  }
0xbc: {  	v10 =	vld [tilespmem:s5+$0xFFFFFF20]  }
0xbd: {  	v5 =	vld.idx.msk [tilespmem:v5+s12+$0x0], $0xffff;
	v3 =	vmul.f32 v3, v1  }
0xbe: {  	v11 =	vld [tilespmem:s5+$0xFFFFFF40];
	v2 =	vmul.f32 v2, v0  }
0xbf: {  	v12 =	vld [tilespmem:s5+$0xFFFFFF50];
	v4 =	vmul.f32 v4, v1;
	[tilespmem:s5+$0xFFFFFEC0] =	vst v3  }
0xc0: {  	v63 =	vld [tilespmem:s5+$0x10];
	v9 =	vmul.f32 v9, v1;
	[tilespmem:s5+$0x130] =	vst v2  }
0xc1: {  	s31 =	sadd.s32 $0x39, s6;
	v10 =	vmul.f32 v10, v1;
	v3 =	vld [tilespmem:s5+$0xFFFFFF30];
	[tilespmem:s5+$0xFFFFFED0] =	vst v4  }
0xc2: {  	v13 =	vmov s31;
	v2 =	vmul.f32 v6, v1;
	v6 =	vld [tilespmem:s5+$0xFFFFFF60];
	[tilespmem:s5+$0xFFFFFF10] =	vst v9  }
0xc3: {  	v4 =	vmul.f32 v7, v1;
	v7 =	vld [tilespmem:s5+$0xFFFFFF70];
	[tilespmem:s5+$0xFFFFFF20] =	vst v10  }
0xc4: {  	v9 =	vmul.f32 v12, v5;
	v10 =	vld [tilespmem:s5+$0xFFFFFFC0];
	[tilespmem:s5+$0xFFFFFEE0] =	vst v2  }
0xc5: {  	[tilespmem:s5+$0xFFFFFEF0] =	vst v4;
	v4 =	vmul.f32 v11, v5;
	v11 =	vld [tilespmem:s5+$0xFFFFFF90]  }
0xc6: {  	v2 =	vmul.f32 v8, v1;
	v8 =	vld [tilespmem:s5+$0xFFFFFF80];
	[tilespmem:s5+$0xFFFFFF50] =	vst v9  }
0xc7: {  	[tilespmem:s5+$0xFFFFFF40] =	vst v4;
	v4 =	vld.idx.msk [tilespmem:v13+s12+$0x0], $0xffff;
	v1 =	vmul.f32 v3, v1  }
0xc8: {  	[tilespmem:s5+$0xFFFFFF00] =	vst v2;
	v2 =	vld [tilespmem:s5+$0xFFFFFFA0];
	v7 =	vmul.f32 v7, v5  }
0xc9: {  	s6 =	sadd.s32 $0x3A, s6;
	v3 =	vld [tilespmem:s5+$0xFFFFFFB0];
	[tilespmem:s5+$0xFFFFFF30] =	vst v1;
	v1 =	vmul.f32 v6, v5  }
0xca: {  	v62 =	vmov s6;
	v6 =	vld [tilespmem:s5+$0xFFFFFFD0];
	[tilespmem:s5+$0xFFFFFF70] =	vst v7;
	v7 =	vmul.f32 v11, v5  }
0xcb: {  	v9 =	vld [tilespmem:s5+$0xFFFFFFE0];
	[tilespmem:s5+$0xFFFFFF60] =	vst v1;
	v1 =	vmul.f32 v8, v5  }
0xcc: {  	v8 =	vld [tilespmem:s5+$0xFFFFFFF0];
	v10 =	vmul.f32 v10, v4;
	[tilespmem:s5+$0xFFFFFF90] =	vst v7  }
0xcd: {  	v11 =	vld [tilespmem:s5+$0x0];
	v2 =	vmul.f32 v2, v5;
	[tilespmem:s5+$0xFFFFFF80] =	vst v1  }
0xce: {  	v7 =	vld [tilespmem:s5+$0x20];
	v3 =	vmul.f32 v3, v5;
	[tilespmem:s5+$0xFFFFFFC0] =	vst v10  }
0xcf: {  	v1 =	vld.idx.msk [tilespmem:v62+s12+$0x0], $0xffff;
	[tilespmem:s5+$0xFFFFFFA0] =	vst v2;
	v2 =	vmul.f32 v6, v4  }
0xd0: {  	v10 =	vld [tilespmem:s5+$0x30];
	[tilespmem:s5+$0xFFFFFFB0] =	vst v3;
	v3 =	vmul.f32 v9, v4  }
0xd1: {  	v9 =	vld [tilespmem:s5+$0x40];
	[tilespmem:s5+$0xFFFFFFD0] =	vst v2;
	v2 =	vmul.f32 v8, v4  }
0xd2: {  	v8 =	vld [tilespmem:s5+$0x50];
	[tilespmem:s5+$0xFFFFFFE0] =	vst v3;
	v3 =	vmul.f32 v11, v4  }
0xd3: {  	v11 =	vld [tilespmem:s5+$0x60];
	v7 =	vmul.f32 v7, v4;
	[tilespmem:s5+$0xFFFFFFF0] =	vst v2  }
0xd4: {  	v6 =	vld [tilespmem:s5+$0x70];
	v2 =	vmul.f32 v63, v4;
	[tilespmem:s5+$0x0] =	vst v3  }
0xd5: {  	v5 =	vld [tilespmem:s5+$0x80];
	v4 =	vmul.f32 v10, v4;
	[tilespmem:s5+$0x20] =	vst v7  }
0xd6: {  	v3 =	vld [tilespmem:s5+$0x90];
	v9 =	vmul.f32 v9, v1;
	[tilespmem:s5+$0x10] =	vst v2  }
0xd7: {  	v2 =	vld [tilespmem:s5+$0xA0];
	[tilespmem:s5+$0x30] =	vst v4;
	v8 =	vmul.f32 v8, v1  }
0xd8: {  	s30 =	simm.s32 $0x0;
	s6 =	sadd.s32 $0x1, s15;
	s8 =	simm.s32 $0x4D40;
	v4 =	vld [tilespmem:s5+$0xB0];
	[tilespmem:s5+$0x40] =	vst v9;
	v7 =	vmul.f32 v11, v1  }
.LBB2_9:
0xd9: {  	s9 =	sadd.s32 s30, s3;
	s30 =	sadd.s32 $0x5, s30;
	[tilespmem:s5+$0x50] =	vst v8;
	v6 =	vmul.f32 v6, v1;
	v8 =	vld [tilespmem:s5+$0xC0]  }
0xda: {  	s31 =	sadd.s32 $0x37, s9;
	s10 =	sadd.s32 $0x3B, s9;
	p1 =	slt.u32 s30, $0x2D;
	[tilespmem:s5+$0x60] =	vst v7;
	v5 =	vmul.f32 v5, v1;
	v7 =	vld [tilespmem:s5+$0xD0]  }
0xdb: {  	s0 =	sadd.s32 $0x39, s9;
	v9 =	vmov s31;
	s31 =	sadd.s32 $0x38, s9;
	s9 =	sadd.s32 $0x3A, s9;
	v10 =	vmov s10;
	[tilespmem:s5+$0x70] =	vst v6;
	v3 =	vmul.f32 v3, v1;
	v6 =	vld [tilespmem:s5+$0xE0]  }
0xdc: {  	v12 =	vmov s0;
	v11 =	vmov s31;
	v13 =	vmov s9;
	[tilespmem:s5+$0x80] =	vst v5;
	v5 =	vld [tilespmem:s5+$0xF0]  }
0xdd: {  	v2 =	vmul.f32 v2, v1;
	[tilespmem:s5+$0x90] =	vst v3;
	v1 =	vmul.f32 v4, v1;
	v3 =	vld [tilespmem:s5+$0x100]  }
0xde: {  	v4 =	vmul.f32 v8, v0;
	v8 =	vld [tilespmem:s5+$0x110]  }
0xdf: {  	[tilespmem:s5+$0xA0] =	vst v2;
	v2 =	vmul.f32 v7, v0;
	v7 =	vld [tilespmem:s5+$0x120]  }
0xe0: {  	s5 =	sadd.s32 $0x280, s5;
	v10 =	vld.idx.msk [tilespmem:v10+s12+$0x0], $0xffff;
	[tilespmem:s8+$0xB0] =	vst v1;
	v1 =	vmul.f32 v6, v0  }
0xe1: {  	v6 =	vld [tilespmem:s5+$0x130];
	[tilespmem:s8+$0xC0] =	vst v4;
	v4 =	vmul.f32 v5, v0  }
0xe2: {  	v5 =	vld.idx.msk [tilespmem:v9+s12+$0x0], $0xffff;
	[tilespmem:s8+$0xD0] =	vst v2;
	v2 =	vmul.f32 v3, v0  }
0xe3: {  	v3 =	vld.idx.msk [tilespmem:v11+s12+$0x0], $0xffff;
	[tilespmem:s8+$0xE0] =	vst v1;
	v8 =	vmul.f32 v8, v0  }
0xe4: {  	v9 =	vld.idx.msk [tilespmem:v12+s12+$0x0], $0xffff;
	[tilespmem:s8+$0xF0] =	vst v4;
	v4 =	vmul.f32 v7, v0  }
0xe5: {  	v1 =	vld.idx.msk [tilespmem:v13+s12+$0x0], $0xffff;
	[tilespmem:s8+$0x100] =	vst v2  }
0xe6: {  	v0 =	vmov v10;
	v2 =	vld [tilespmem:s5+$0xFFFFFEC0];
	v6 =	vmul.f32 v6, v10;
	[tilespmem:s8+$0x110] =	vst v8  }
0xe7: {  	v7 =	vld [tilespmem:s5+$0xFFFFFED0];
	[tilespmem:s8+$0x120] =	vst v4;
	s8 =	smov.u32 s5  }
0xe8: {  	v4 =	vld [tilespmem:s5+$0xFFFFFEE0];
	[tilespmem:s5+$0x130] =	vst v6  }
0xe9: {  	v6 =	vld [tilespmem:s5+$0xFFFFFEF0]  }
0xea: {  	v8 =	vld [tilespmem:s5+$0xFFFFFF00]  }
0xeb: {  	v2 =	vmul.f32 v2, v5;
	v10 =	vld [tilespmem:s5+$0xFFFFFF10]  }
0xec: {  	v7 =	vmul.f32 v7, v5;
	v11 =	vld [tilespmem:s5+$0xFFFFFF20]  }
0xed: {  	[tilespmem:s5+$0xFFFFFEC0] =	vst v2;
	v2 =	vmul.f32 v4, v5;
	v4 =	vld [tilespmem:s5+$0xFFFFFF30]  }
0xee: {  	[tilespmem:s5+$0xFFFFFED0] =	vst v7;
	v6 =	vmul.f32 v6, v5;
	v7 =	vld [tilespmem:s5+$0xFFFFFF40]  }
0xef: {  	[tilespmem:s5+$0xFFFFFEE0] =	vst v2;
	v2 =	vmul.f32 v8, v5;
	v8 =	vld [tilespmem:s5+$0xFFFFFF50]  }
0xf0: {  	[tilespmem:s5+$0xFFFFFEF0] =	vst v6;
	v6 =	vmul.f32 v10, v5;
	v10 =	vld [tilespmem:s5+$0xFFFFFF60]  }
0xf1: {  	[tilespmem:s5+$0xFFFFFF00] =	vst v2;
	v2 =	vmul.f32 v11, v5;
	v11 =	vld [tilespmem:s5+$0xFFFFFF70]  }
0xf2: {  	[tilespmem:s5+$0xFFFFFF10] =	vst v6;
	v4 =	vmul.f32 v4, v5;
	v5 =	vld [tilespmem:s5+$0xFFFFFF80]  }
0xf3: {  	[tilespmem:s5+$0xFFFFFF20] =	vst v2;
	v2 =	vmul.f32 v7, v3;
	v6 =	vld [tilespmem:s5+$0xFFFFFF90]  }
0xf4: {  	[tilespmem:s5+$0xFFFFFF30] =	vst v4;
	v4 =	vmul.f32 v8, v3;
	v7 =	vld [tilespmem:s5+$0xFFFFFFA0]  }
0xf5: {  	[tilespmem:s5+$0xFFFFFF40] =	vst v2;
	v2 =	vmul.f32 v10, v3;
	v8 =	vld [tilespmem:s5+$0xFFFFFFB0]  }
0xf6: {  	[tilespmem:s5+$0xFFFFFF50] =	vst v4;
	v4 =	vmul.f32 v11, v3;
	v10 =	vld [tilespmem:s5+$0xFFFFFFC0]  }
0xf7: {  	[tilespmem:s5+$0xFFFFFF60] =	vst v2;
	v2 =	vmul.f32 v5, v3;
	v5 =	vld [tilespmem:s5+$0xFFFFFFD0]  }
0xf8: {  	[tilespmem:s5+$0xFFFFFF70] =	vst v4;
	v4 =	vmul.f32 v6, v3;
	v6 =	vld [tilespmem:s5+$0xFFFFFFE0]  }
0xf9: {  	[tilespmem:s5+$0xFFFFFF80] =	vst v2;
	v2 =	vmul.f32 v7, v3;
	v7 =	vld [tilespmem:s5+$0xFFFFFFF0]  }
0xfa: {  	[tilespmem:s5+$0xFFFFFF90] =	vst v4;
	v3 =	vmul.f32 v8, v3;
	v4 =	vld [tilespmem:s5+$0x0]  }
0xfb: {  	[tilespmem:s5+$0xFFFFFFA0] =	vst v2;
	v2 =	vmul.f32 v10, v9;
	v8 =	vld [tilespmem:s5+$0x10]  }
0xfc: {  	[tilespmem:s5+$0xFFFFFFB0] =	vst v3;
	v3 =	vmul.f32 v5, v9;
	v5 =	vld [tilespmem:s5+$0x20]  }
0xfd: {  	[tilespmem:s5+$0xFFFFFFC0] =	vst v2;
	v2 =	vmul.f32 v6, v9;
	v10 =	vld [tilespmem:s5+$0x30]  }
0xfe: {  	[tilespmem:s5+$0xFFFFFFD0] =	vst v3;
	v3 =	vmul.f32 v7, v9;
	v7 =	vld [tilespmem:s5+$0x40]  }
0xff: {  	[tilespmem:s5+$0xFFFFFFE0] =	vst v2;
	v2 =	vmul.f32 v4, v9;
	v4 =	vld [tilespmem:s5+$0x50]  }
0x100: {  	[tilespmem:s5+$0xFFFFFFF0] =	vst v3;
	v3 =	vmul.f32 v8, v9;
	v11 =	vld [tilespmem:s5+$0x60]  }
.Ltmp3:
0x101: {  	[tilespmem:s5+$0x0] =	vst v2;
	v2 =	vmul.f32 v5, v9;
	v6 =	vld [tilespmem:s5+$0x70];
	(pc) =	sbr.rel @p1 .LBB2_9-.Ltmp3, $4  }
0x102: {  	[tilespmem:s5+$0x10] =	vst v3;
	v8 =	vmul.f32 v10, v9;
	v5 =	vld [tilespmem:s5+$0x80]  }
0x103: {  	[tilespmem:s5+$0x20] =	vst v2;
	v7 =	vmul.f32 v7, v1;
	v3 =	vld [tilespmem:s5+$0x90]  }
0x104: {  	[tilespmem:s5+$0x30] =	vst v8;
	v8 =	vmul.f32 v4, v1;
	v2 =	vld [tilespmem:s5+$0xA0]  }
0x105: {  	[tilespmem:s5+$0x40] =	vst v7;
	v7 =	vmul.f32 v11, v1;
	v4 =	vld [tilespmem:s5+$0xB0]  }
0x106: {  	[tilespmem:s5+$0x50] =	vst v8;
	v6 =	vmul.f32 v6, v1;
	v8 =	vld [tilespmem:s5+$0xC0]  }
0x107: {  	[tilespmem:s5+$0x60] =	vst v7;
	v5 =	vmul.f32 v5, v1;
	v7 =	vld [tilespmem:s5+$0xD0]  }
0x108: {  	[tilespmem:s5+$0x70] =	vst v6;
	v3 =	vmul.f32 v3, v1;
	v6 =	vld [tilespmem:s5+$0xE0]  }
0x109: {  	[tilespmem:s5+$0x80] =	vst v5;
	v5 =	vld [tilespmem:s5+$0xF0];
	v2 =	vmul.f32 v2, v1  }
0x10a: {  	[tilespmem:s5+$0x90] =	vst v3;
	v1 =	vmul.f32 v4, v1;
	v3 =	vld [tilespmem:s5+$0x100]  }
0x10b: {  	v4 =	vmul.f32 v8, v0;
	v8 =	vld [tilespmem:s5+$0x110];
	[tilespmem:s5+$0xA0] =	vst v2  }
0x10c: {  	v2 =	vmul.f32 v7, v0;
	v7 =	vld [tilespmem:s5+$0x120];
	[tilespmem:s8+$0xB0] =	vst v1  }
0x10d: {  	v1 =	vmul.f32 v6, v0;
	[tilespmem:s8+$0xC0] =	vst v4  }
0x10e: {  	v4 =	vmul.f32 v5, v0;
	[tilespmem:s8+$0xD0] =	vst v2  }
0x10f: {  	v2 =	vmul.f32 v3, v0;
	[tilespmem:s8+$0xE0] =	vst v1  }
0x110: {  	v1 =	vmul.f32 v8, v0;
	[tilespmem:s8+$0xF0] =	vst v4  }
0x111: {  	s0 =	sshll.u32 s6, $0x7;
	v0 =	vmul.f32 v7, v0;
	[tilespmem:s8+$0x100] =	vst v2  }
0x112: {  	s0 =	sand.u32 $0x3FFFFF80, s0;
	[tilespmem:s8+$0x110] =	vst v1  }
0x113: {  	p1 =	seq.s32 s1, $0x7;
	s31 =	sadd.s32 $0xFFFFFFFB, s3;
	s0 =	sadd.s32 $0x1400, s0;
	[tilespmem:s8+$0x120] =	vst v0  }
0x114: {  	[spmem:s2] =	stream.indirect.scatter.add.f32 [tilespmem:s16], [sflag:$0x7], $0x80, s0, s13, $0xb8;
	[tilespmem:$0x1F480] =	vst v63  }
0x115: {  	s17 =	sshra.s32 @!p1 s17, $0x2;
	s9 =	sadd.s32 $0x6D, s31;
	_ =	swait.ge [sflag:s23], $0x1900  }
0x116: {  	s5 =	simm.s32 @!p1 $0x32;
	s8 =	simm.s32 @!p1 $0x3000;
	[sflag:s23] =	ssyncset.done $0x0  }
0x117: {  	v0 =	vmov s9;
	s9 =	sadd.s32 $0x69, s31;
	s0 =	sadd.s32 @!p1 $0x280, s17;
	[sflag:s23] =	ssyncadd.s32 $0xFFFFE700  }
0x118: {  	[tilespmem:s8], [sflag:$0x1] =	stream.indirect.gather @!p1 [hbm4b:s7+s5], $0x80, s0, s5, $0xb8;
	[tilespmem:$0x1F480] =	vst v63  }
0x119: {  	v1 =	vmov s9;
	_ =	swait.ge [sflag:s24], $0x1900  }
0x11a: {  	[sflag:s24] =	ssyncset.done $0x0  }
0x11b: {  	[sflag:s24] =	ssyncadd.s32 $0xFFFFE700  }
0x11c: {  	s5 =	simm.s32 $0x6940;
	v0 =	vld.idx.msk [tilespmem:v0+s12+$0x0], $0xffff  }
0x11d: {  	v2 =	vld [tilespmem:s5+$0x130]  }
0x11e: {  	v1 =	vld.idx.msk [tilespmem:v1+s12+$0x0], $0xffff  }
0x11f: {  	v3 =	vld [tilespmem:s5+$0xFFFFFEC0]  }
0x120: {  	s10 =	sadd.s32 $0x6A, s31;
	v4 =	vld [tilespmem:s5+$0xFFFFFED0]  }
0x121: {  	v5 =	vmov s10;
	v6 =	vld [tilespmem:s5+$0xFFFFFEE0]  }
0x122: {  	v7 =	vld [tilespmem:s5+$0xFFFFFEF0]  }
0x123: {  	v8 =	vld [tilespmem:s5+$0xFFFFFF00]  }
0x124: {  	v9 =	vld [tilespmem:s5+$0xFFFFFF10]  }
0x125: {  	v10 =	vld [tilespmem:s5+$0xFFFFFF20]  }
0x126: {  	v5 =	vld.idx.msk [tilespmem:v5+s12+$0x0], $0xffff;
	v3 =	vmul.f32 v3, v1  }
0x127: {  	v11 =	vld [tilespmem:s5+$0xFFFFFF40];
	v2 =	vmul.f32 v2, v0  }
0x128: {  	v12 =	vld [tilespmem:s5+$0xFFFFFF50];
	v4 =	vmul.f32 v4, v1;
	[tilespmem:s5+$0xFFFFFEC0] =	vst v3  }
0x129: {  	v63 =	vld [tilespmem:s5+$0x10];
	v9 =	vmul.f32 v9, v1;
	[tilespmem:s5+$0x130] =	vst v2  }
0x12a: {  	s30 =	sadd.s32 $0x6B, s31;
	v10 =	vmul.f32 v10, v1;
	v3 =	vld [tilespmem:s5+$0xFFFFFF30];
	[tilespmem:s5+$0xFFFFFED0] =	vst v4  }
0x12b: {  	v13 =	vmov s30;
	v2 =	vmul.f32 v6, v1;
	v6 =	vld [tilespmem:s5+$0xFFFFFF60];
	[tilespmem:s5+$0xFFFFFF10] =	vst v9  }
0x12c: {  	v4 =	vmul.f32 v7, v1;
	v7 =	vld [tilespmem:s5+$0xFFFFFF70];
	[tilespmem:s5+$0xFFFFFF20] =	vst v10  }
0x12d: {  	v9 =	vmul.f32 v12, v5;
	v10 =	vld [tilespmem:s5+$0xFFFFFFC0];
	[tilespmem:s5+$0xFFFFFEE0] =	vst v2  }
0x12e: {  	[tilespmem:s5+$0xFFFFFEF0] =	vst v4;
	v4 =	vmul.f32 v11, v5;
	v11 =	vld [tilespmem:s5+$0xFFFFFF90]  }
0x12f: {  	v2 =	vmul.f32 v8, v1;
	v8 =	vld [tilespmem:s5+$0xFFFFFF80];
	[tilespmem:s5+$0xFFFFFF50] =	vst v9  }
0x130: {  	[tilespmem:s5+$0xFFFFFF40] =	vst v4;
	v4 =	vld.idx.msk [tilespmem:v13+s12+$0x0], $0xffff;
	v1 =	vmul.f32 v3, v1  }
0x131: {  	[tilespmem:s5+$0xFFFFFF00] =	vst v2;
	v2 =	vld [tilespmem:s5+$0xFFFFFFA0];
	v7 =	vmul.f32 v7, v5  }
0x132: {  	s31 =	sadd.s32 $0x6C, s31;
	v3 =	vld [tilespmem:s5+$0xFFFFFFB0];
	[tilespmem:s5+$0xFFFFFF30] =	vst v1;
	v1 =	vmul.f32 v6, v5  }
0x133: {  	v62 =	vmov s31;
	v6 =	vld [tilespmem:s5+$0xFFFFFFD0];
	[tilespmem:s5+$0xFFFFFF70] =	vst v7;
	v7 =	vmul.f32 v11, v5  }
0x134: {  	v9 =	vld [tilespmem:s5+$0xFFFFFFE0];
	[tilespmem:s5+$0xFFFFFF60] =	vst v1;
	v1 =	vmul.f32 v8, v5  }
0x135: {  	v8 =	vld [tilespmem:s5+$0xFFFFFFF0];
	v10 =	vmul.f32 v10, v4;
	[tilespmem:s5+$0xFFFFFF90] =	vst v7  }
0x136: {  	v11 =	vld [tilespmem:s5+$0x0];
	v2 =	vmul.f32 v2, v5;
	[tilespmem:s5+$0xFFFFFF80] =	vst v1  }
0x137: {  	v7 =	vld [tilespmem:s5+$0x20];
	v3 =	vmul.f32 v3, v5;
	[tilespmem:s5+$0xFFFFFFC0] =	vst v10  }
0x138: {  	v1 =	vld.idx.msk [tilespmem:v62+s12+$0x0], $0xffff;
	[tilespmem:s5+$0xFFFFFFA0] =	vst v2;
	v2 =	vmul.f32 v6, v4  }
0x139: {  	v10 =	vld [tilespmem:s5+$0x30];
	[tilespmem:s5+$0xFFFFFFB0] =	vst v3;
	v3 =	vmul.f32 v9, v4  }
0x13a: {  	v9 =	vld [tilespmem:s5+$0x40];
	[tilespmem:s5+$0xFFFFFFD0] =	vst v2;
	v2 =	vmul.f32 v8, v4  }
0x13b: {  	v8 =	vld [tilespmem:s5+$0x50];
	[tilespmem:s5+$0xFFFFFFE0] =	vst v3;
	v3 =	vmul.f32 v11, v4  }
0x13c: {  	v11 =	vld [tilespmem:s5+$0x60];
	v7 =	vmul.f32 v7, v4;
	[tilespmem:s5+$0xFFFFFFF0] =	vst v2  }
0x13d: {  	v6 =	vld [tilespmem:s5+$0x70];
	v2 =	vmul.f32 v63, v4;
	[tilespmem:s5+$0x0] =	vst v3  }
0x13e: {  	v5 =	vld [tilespmem:s5+$0x80];
	v4 =	vmul.f32 v10, v4;
	[tilespmem:s5+$0x20] =	vst v7  }
0x13f: {  	v3 =	vld [tilespmem:s5+$0x90];
	v9 =	vmul.f32 v9, v1;
	[tilespmem:s5+$0x10] =	vst v2  }
0x140: {  	v2 =	vld [tilespmem:s5+$0xA0];
	[tilespmem:s5+$0x30] =	vst v4;
	v8 =	vmul.f32 v8, v1  }
0x141: {  	s6 =	sadd.s32 $0x2, s15;
	s15 =	simm.s32 $0x0;
	s8 =	simm.s32 $0x6940;
	v4 =	vld [tilespmem:s5+$0xB0];
	[tilespmem:s5+$0x40] =	vst v9;
	v7 =	vmul.f32 v11, v1  }
.LBB2_11:
0x142: {  	s0 =	sadd.s32 s15, s3;
	s15 =	sadd.s32 $0x5, s15;
	[tilespmem:s5+$0x50] =	vst v8;
	v6 =	vmul.f32 v6, v1;
	v8 =	vld [tilespmem:s5+$0xC0]  }
0x143: {  	s9 =	sadd.s32 $0x69, s0;
	s10 =	sadd.s32 $0x6D, s0;
	p2 =	slt.u32 s15, $0x2D;
	[tilespmem:s5+$0x60] =	vst v7;
	v5 =	vmul.f32 v5, v1;
	v7 =	vld [tilespmem:s5+$0xD0]  }
0x144: {  	s30 =	sadd.s32 $0x6B, s0;
	v9 =	vmov s9;
	s9 =	sadd.s32 $0x6A, s0;
	s0 =	sadd.s32 $0x6C, s0;
	v10 =	vmov s10;
	[tilespmem:s5+$0x70] =	vst v6;
	v3 =	vmul.f32 v3, v1;
	v6 =	vld [tilespmem:s5+$0xE0]  }
0x145: {  	v12 =	vmov s30;
	v11 =	vmov s9;
	v13 =	vmov s0;
	[tilespmem:s5+$0x80] =	vst v5;
	v5 =	vld [tilespmem:s5+$0xF0]  }
0x146: {  	v2 =	vmul.f32 v2, v1;
	[tilespmem:s5+$0x90] =	vst v3;
	v1 =	vmul.f32 v4, v1;
	v3 =	vld [tilespmem:s5+$0x100]  }
0x147: {  	v4 =	vmul.f32 v8, v0;
	v8 =	vld [tilespmem:s5+$0x110]  }
0x148: {  	[tilespmem:s5+$0xA0] =	vst v2;
	v2 =	vmul.f32 v7, v0;
	v7 =	vld [tilespmem:s5+$0x120]  }
0x149: {  	s5 =	sadd.s32 $0x280, s5;
	v10 =	vld.idx.msk [tilespmem:v10+s12+$0x0], $0xffff;
	[tilespmem:s8+$0xB0] =	vst v1;
	v1 =	vmul.f32 v6, v0  }
0x14a: {  	v6 =	vld [tilespmem:s5+$0x130];
	[tilespmem:s8+$0xC0] =	vst v4;
	v4 =	vmul.f32 v5, v0  }
0x14b: {  	v5 =	vld.idx.msk [tilespmem:v9+s12+$0x0], $0xffff;
	[tilespmem:s8+$0xD0] =	vst v2;
	v2 =	vmul.f32 v3, v0  }
0x14c: {  	v3 =	vld.idx.msk [tilespmem:v11+s12+$0x0], $0xffff;
	[tilespmem:s8+$0xE0] =	vst v1;
	v8 =	vmul.f32 v8, v0  }
0x14d: {  	v9 =	vld.idx.msk [tilespmem:v12+s12+$0x0], $0xffff;
	[tilespmem:s8+$0xF0] =	vst v4;
	v4 =	vmul.f32 v7, v0  }
0x14e: {  	v1 =	vld.idx.msk [tilespmem:v13+s12+$0x0], $0xffff;
	[tilespmem:s8+$0x100] =	vst v2  }
0x14f: {  	v0 =	vmov v10;
	v2 =	vld [tilespmem:s5+$0xFFFFFEC0];
	v6 =	vmul.f32 v6, v10;
	[tilespmem:s8+$0x110] =	vst v8  }
0x150: {  	v7 =	vld [tilespmem:s5+$0xFFFFFED0];
	[tilespmem:s8+$0x120] =	vst v4;
	s8 =	smov.u32 s5  }
0x151: {  	v4 =	vld [tilespmem:s5+$0xFFFFFEE0];
	[tilespmem:s5+$0x130] =	vst v6  }
0x152: {  	v6 =	vld [tilespmem:s5+$0xFFFFFEF0]  }
0x153: {  	v8 =	vld [tilespmem:s5+$0xFFFFFF00]  }
0x154: {  	v2 =	vmul.f32 v2, v5;
	v10 =	vld [tilespmem:s5+$0xFFFFFF10]  }
0x155: {  	v7 =	vmul.f32 v7, v5;
	v11 =	vld [tilespmem:s5+$0xFFFFFF20]  }
0x156: {  	[tilespmem:s5+$0xFFFFFEC0] =	vst v2;
	v2 =	vmul.f32 v4, v5;
	v4 =	vld [tilespmem:s5+$0xFFFFFF30]  }
0x157: {  	[tilespmem:s5+$0xFFFFFED0] =	vst v7;
	v6 =	vmul.f32 v6, v5;
	v7 =	vld [tilespmem:s5+$0xFFFFFF40]  }
0x158: {  	[tilespmem:s5+$0xFFFFFEE0] =	vst v2;
	v2 =	vmul.f32 v8, v5;
	v8 =	vld [tilespmem:s5+$0xFFFFFF50]  }
0x159: {  	[tilespmem:s5+$0xFFFFFEF0] =	vst v6;
	v6 =	vmul.f32 v10, v5;
	v10 =	vld [tilespmem:s5+$0xFFFFFF60]  }
0x15a: {  	[tilespmem:s5+$0xFFFFFF00] =	vst v2;
	v2 =	vmul.f32 v11, v5;
	v11 =	vld [tilespmem:s5+$0xFFFFFF70]  }
0x15b: {  	[tilespmem:s5+$0xFFFFFF10] =	vst v6;
	v4 =	vmul.f32 v4, v5;
	v5 =	vld [tilespmem:s5+$0xFFFFFF80]  }
0x15c: {  	[tilespmem:s5+$0xFFFFFF20] =	vst v2;
	v2 =	vmul.f32 v7, v3;
	v6 =	vld [tilespmem:s5+$0xFFFFFF90]  }
0x15d: {  	[tilespmem:s5+$0xFFFFFF30] =	vst v4;
	v4 =	vmul.f32 v8, v3;
	v7 =	vld [tilespmem:s5+$0xFFFFFFA0]  }
0x15e: {  	[tilespmem:s5+$0xFFFFFF40] =	vst v2;
	v2 =	vmul.f32 v10, v3;
	v8 =	vld [tilespmem:s5+$0xFFFFFFB0]  }
0x15f: {  	[tilespmem:s5+$0xFFFFFF50] =	vst v4;
	v4 =	vmul.f32 v11, v3;
	v10 =	vld [tilespmem:s5+$0xFFFFFFC0]  }
0x160: {  	[tilespmem:s5+$0xFFFFFF60] =	vst v2;
	v2 =	vmul.f32 v5, v3;
	v5 =	vld [tilespmem:s5+$0xFFFFFFD0]  }
0x161: {  	[tilespmem:s5+$0xFFFFFF70] =	vst v4;
	v4 =	vmul.f32 v6, v3;
	v6 =	vld [tilespmem:s5+$0xFFFFFFE0]  }
0x162: {  	[tilespmem:s5+$0xFFFFFF80] =	vst v2;
	v2 =	vmul.f32 v7, v3;
	v7 =	vld [tilespmem:s5+$0xFFFFFFF0]  }
0x163: {  	[tilespmem:s5+$0xFFFFFF90] =	vst v4;
	v3 =	vmul.f32 v8, v3;
	v4 =	vld [tilespmem:s5+$0x0]  }
0x164: {  	[tilespmem:s5+$0xFFFFFFA0] =	vst v2;
	v2 =	vmul.f32 v10, v9;
	v8 =	vld [tilespmem:s5+$0x10]  }
0x165: {  	[tilespmem:s5+$0xFFFFFFB0] =	vst v3;
	v3 =	vmul.f32 v5, v9;
	v5 =	vld [tilespmem:s5+$0x20]  }
0x166: {  	[tilespmem:s5+$0xFFFFFFC0] =	vst v2;
	v2 =	vmul.f32 v6, v9;
	v10 =	vld [tilespmem:s5+$0x30]  }
0x167: {  	[tilespmem:s5+$0xFFFFFFD0] =	vst v3;
	v3 =	vmul.f32 v7, v9;
	v7 =	vld [tilespmem:s5+$0x40]  }
0x168: {  	[tilespmem:s5+$0xFFFFFFE0] =	vst v2;
	v2 =	vmul.f32 v4, v9;
	v4 =	vld [tilespmem:s5+$0x50]  }
0x169: {  	[tilespmem:s5+$0xFFFFFFF0] =	vst v3;
	v3 =	vmul.f32 v8, v9;
	v11 =	vld [tilespmem:s5+$0x60]  }
.Ltmp4:
0x16a: {  	[tilespmem:s5+$0x0] =	vst v2;
	v2 =	vmul.f32 v5, v9;
	v6 =	vld [tilespmem:s5+$0x70];
	(pc) =	sbr.rel @p2 .LBB2_11-.Ltmp4, $4  }
0x16b: {  	[tilespmem:s5+$0x10] =	vst v3;
	v8 =	vmul.f32 v10, v9;
	v5 =	vld [tilespmem:s5+$0x80]  }
0x16c: {  	[tilespmem:s5+$0x20] =	vst v2;
	v7 =	vmul.f32 v7, v1;
	v3 =	vld [tilespmem:s5+$0x90]  }
0x16d: {  	[tilespmem:s5+$0x30] =	vst v8;
	v8 =	vmul.f32 v4, v1;
	v2 =	vld [tilespmem:s5+$0xA0]  }
0x16e: {  	[tilespmem:s5+$0x40] =	vst v7;
	v7 =	vmul.f32 v11, v1;
	v4 =	vld [tilespmem:s5+$0xB0]  }
0x16f: {  	[tilespmem:s5+$0x50] =	vst v8;
	v6 =	vmul.f32 v6, v1;
	v8 =	vld [tilespmem:s5+$0xC0]  }
0x170: {  	[tilespmem:s5+$0x60] =	vst v7;
	v5 =	vmul.f32 v5, v1;
	v7 =	vld [tilespmem:s5+$0xD0]  }
0x171: {  	[tilespmem:s5+$0x70] =	vst v6;
	v3 =	vmul.f32 v3, v1;
	v6 =	vld [tilespmem:s5+$0xE0]  }
0x172: {  	[tilespmem:s5+$0x80] =	vst v5;
	v5 =	vld [tilespmem:s5+$0xF0];
	v2 =	vmul.f32 v2, v1  }
0x173: {  	[tilespmem:s5+$0x90] =	vst v3;
	v1 =	vmul.f32 v4, v1;
	v3 =	vld [tilespmem:s5+$0x100]  }
0x174: {  	v4 =	vmul.f32 v8, v0;
	v8 =	vld [tilespmem:s5+$0x110];
	[tilespmem:s5+$0xA0] =	vst v2  }
0x175: {  	v2 =	vmul.f32 v7, v0;
	v7 =	vld [tilespmem:s5+$0x120];
	[tilespmem:s8+$0xB0] =	vst v1  }
0x176: {  	v1 =	vmul.f32 v6, v0;
	[tilespmem:s8+$0xC0] =	vst v4  }
0x177: {  	v4 =	vmul.f32 v5, v0;
	[tilespmem:s8+$0xD0] =	vst v2  }
0x178: {  	v2 =	vmul.f32 v3, v0;
	[tilespmem:s8+$0xE0] =	vst v1  }
0x179: {  	v1 =	vmul.f32 v8, v0;
	[tilespmem:s8+$0xF0] =	vst v4  }
0x17a: {  	s0 =	sshll.u32 s6, $0x7;
	v0 =	vmul.f32 v7, v0;
	[tilespmem:s8+$0x100] =	vst v2  }
0x17b: {  	s0 =	sand.u32 $0x3FFFFF80, s0;
	[tilespmem:s8+$0x110] =	vst v1  }
0x17c: {  	s31 =	sadd.s32 $0xFFFFFFFB, s3;
	s0 =	sadd.s32 $0x1400, s0;
	[tilespmem:s8+$0x120] =	vst v0  }
0x17d: {  	[spmem:s2] =	stream.indirect.scatter.add.f32 [tilespmem:s18], [sflag:$0x8], $0x80, s0, s13, $0xb8;
	[tilespmem:$0x1F480] =	vst v63  }
0x17e: {  	s9 =	sadd.s32 $0x9F, s31;
	_ =	swait.ge [sflag:s25], $0x1900  }
0x17f: {  	s10 =	sadd.s32 $0x9B, s31;
	s5 =	simm.s32 @!p1 $0x32;
	[sflag:s25] =	ssyncset.done $0x0  }
0x180: {  	s8 =	simm.s32 @!p1 $0x4C00;
	v0 =	vmov s9;
	s0 =	sadd.s32 @!p1 $0x300, s17;
	[sflag:s25] =	ssyncadd.s32 $0xFFFFE700  }
0x181: {  	[tilespmem:s8], [sflag:$0x2] =	stream.indirect.gather @!p1 [hbm4b:s7+s5], $0x80, s0, s5, $0xb8;
	[tilespmem:$0x1F480] =	vst v63  }
0x182: {  	v1 =	vmov s10;
	_ =	swait.ge [sflag:s26], $0x1900  }
0x183: {  	[sflag:s26] =	ssyncset.done $0x0  }
0x184: {  	[sflag:s26] =	ssyncadd.s32 $0xFFFFE700  }
0x185: {  	s5 =	simm.s32 $0x8540;
	v0 =	vld.idx.msk [tilespmem:v0+s12+$0x0], $0xffff  }
0x186: {  	v2 =	vld [tilespmem:s5+$0x130]  }
0x187: {  	v1 =	vld.idx.msk [tilespmem:v1+s12+$0x0], $0xffff  }
0x188: {  	v3 =	vld [tilespmem:s5+$0xFFFFFEC0]  }
0x189: {  	s15 =	sadd.s32 $0x9C, s31;
	v4 =	vld [tilespmem:s5+$0xFFFFFED0]  }
0x18a: {  	v5 =	vmov s15;
	v6 =	vld [tilespmem:s5+$0xFFFFFEE0]  }
0x18b: {  	v7 =	vld [tilespmem:s5+$0xFFFFFEF0]  }
0x18c: {  	v8 =	vld [tilespmem:s5+$0xFFFFFF00]  }
0x18d: {  	v9 =	vld [tilespmem:s5+$0xFFFFFF10]  }
0x18e: {  	v10 =	vld [tilespmem:s5+$0xFFFFFF20]  }
0x18f: {  	v5 =	vld.idx.msk [tilespmem:v5+s12+$0x0], $0xffff;
	v3 =	vmul.f32 v3, v1  }
0x190: {  	v11 =	vld [tilespmem:s5+$0xFFFFFF40];
	v2 =	vmul.f32 v2, v0  }
0x191: {  	v12 =	vld [tilespmem:s5+$0xFFFFFF50];
	v4 =	vmul.f32 v4, v1;
	[tilespmem:s5+$0xFFFFFEC0] =	vst v3  }
0x192: {  	v63 =	vld [tilespmem:s5+$0x10];
	v9 =	vmul.f32 v9, v1;
	[tilespmem:s5+$0x130] =	vst v2  }
0x193: {  	s30 =	sadd.s32 $0x9D, s31;
	v10 =	vmul.f32 v10, v1;
	v3 =	vld [tilespmem:s5+$0xFFFFFF30];
	[tilespmem:s5+$0xFFFFFED0] =	vst v4  }
0x194: {  	v13 =	vmov s30;
	v2 =	vmul.f32 v6, v1;
	v6 =	vld [tilespmem:s5+$0xFFFFFF60];
	[tilespmem:s5+$0xFFFFFF10] =	vst v9  }
0x195: {  	v4 =	vmul.f32 v7, v1;
	v7 =	vld [tilespmem:s5+$0xFFFFFF70];
	[tilespmem:s5+$0xFFFFFF20] =	vst v10  }
0x196: {  	v9 =	vmul.f32 v12, v5;
	v10 =	vld [tilespmem:s5+$0xFFFFFFC0];
	[tilespmem:s5+$0xFFFFFEE0] =	vst v2  }
0x197: {  	[tilespmem:s5+$0xFFFFFEF0] =	vst v4;
	v4 =	vmul.f32 v11, v5;
	v11 =	vld [tilespmem:s5+$0xFFFFFF90]  }
0x198: {  	v2 =	vmul.f32 v8, v1;
	v8 =	vld [tilespmem:s5+$0xFFFFFF80];
	[tilespmem:s5+$0xFFFFFF50] =	vst v9  }
0x199: {  	[tilespmem:s5+$0xFFFFFF40] =	vst v4;
	v4 =	vld.idx.msk [tilespmem:v13+s12+$0x0], $0xffff;
	v1 =	vmul.f32 v3, v1  }
0x19a: {  	[tilespmem:s5+$0xFFFFFF00] =	vst v2;
	v2 =	vld [tilespmem:s5+$0xFFFFFFA0];
	v7 =	vmul.f32 v7, v5  }
0x19b: {  	s31 =	sadd.s32 $0x9E, s31;
	v3 =	vld [tilespmem:s5+$0xFFFFFFB0];
	[tilespmem:s5+$0xFFFFFF30] =	vst v1;
	v1 =	vmul.f32 v6, v5  }
0x19c: {  	v62 =	vmov s31;
	v6 =	vld [tilespmem:s5+$0xFFFFFFD0];
	[tilespmem:s5+$0xFFFFFF70] =	vst v7;
	v7 =	vmul.f32 v11, v5  }
0x19d: {  	v9 =	vld [tilespmem:s5+$0xFFFFFFE0];
	[tilespmem:s5+$0xFFFFFF60] =	vst v1;
	v1 =	vmul.f32 v8, v5  }
0x19e: {  	v8 =	vld [tilespmem:s5+$0xFFFFFFF0];
	v10 =	vmul.f32 v10, v4;
	[tilespmem:s5+$0xFFFFFF90] =	vst v7  }
0x19f: {  	v11 =	vld [tilespmem:s5+$0x0];
	v2 =	vmul.f32 v2, v5;
	[tilespmem:s5+$0xFFFFFF80] =	vst v1  }
0x1a0: {  	v7 =	vld [tilespmem:s5+$0x20];
	v3 =	vmul.f32 v3, v5;
	[tilespmem:s5+$0xFFFFFFC0] =	vst v10  }
0x1a1: {  	v1 =	vld.idx.msk [tilespmem:v62+s12+$0x0], $0xffff;
	[tilespmem:s5+$0xFFFFFFA0] =	vst v2;
	v2 =	vmul.f32 v6, v4  }
0x1a2: {  	v10 =	vld [tilespmem:s5+$0x30];
	[tilespmem:s5+$0xFFFFFFB0] =	vst v3;
	v3 =	vmul.f32 v9, v4  }
0x1a3: {  	v9 =	vld [tilespmem:s5+$0x40];
	[tilespmem:s5+$0xFFFFFFD0] =	vst v2;
	v2 =	vmul.f32 v8, v4  }
0x1a4: {  	v8 =	vld [tilespmem:s5+$0x50];
	[tilespmem:s5+$0xFFFFFFE0] =	vst v3;
	v3 =	vmul.f32 v11, v4  }
0x1a5: {  	v11 =	vld [tilespmem:s5+$0x60];
	v7 =	vmul.f32 v7, v4;
	[tilespmem:s5+$0xFFFFFFF0] =	vst v2  }
0x1a6: {  	v6 =	vld [tilespmem:s5+$0x70];
	v2 =	vmul.f32 v63, v4;
	[tilespmem:s5+$0x0] =	vst v3  }
0x1a7: {  	v5 =	vld [tilespmem:s5+$0x80];
	v4 =	vmul.f32 v10, v4;
	[tilespmem:s5+$0x20] =	vst v7  }
0x1a8: {  	v3 =	vld [tilespmem:s5+$0x90];
	v9 =	vmul.f32 v9, v1;
	[tilespmem:s5+$0x10] =	vst v2  }
0x1a9: {  	v2 =	vld [tilespmem:s5+$0xA0];
	[tilespmem:s5+$0x30] =	vst v4;
	v8 =	vmul.f32 v8, v1  }
0x1aa: {  	s6 =	simm.s32 $0x8540;
	s8 =	simm.s32 $0x0;
	v4 =	vld [tilespmem:s5+$0xB0];
	[tilespmem:s5+$0x40] =	vst v9;
	v7 =	vmul.f32 v11, v1  }
.LBB2_13:
0x1ab: {  	s0 =	sadd.s32 s8, s3;
	s8 =	sadd.s32 $0x5, s8;
	[tilespmem:s5+$0x50] =	vst v8;
	v6 =	vmul.f32 v6, v1;
	v8 =	vld [tilespmem:s5+$0xC0]  }
0x1ac: {  	s9 =	sadd.s32 $0x9B, s0;
	s10 =	sadd.s32 $0x9F, s0;
	p2 =	slt.u32 s8, $0x2D;
	[tilespmem:s5+$0x60] =	vst v7;
	v5 =	vmul.f32 v5, v1;
	v7 =	vld [tilespmem:s5+$0xD0]  }
0x1ad: {  	s15 =	sadd.s32 $0x9D, s0;
	v9 =	vmov s9;
	s9 =	sadd.s32 $0x9C, s0;
	s0 =	sadd.s32 $0x9E, s0;
	v10 =	vmov s10;
	[tilespmem:s5+$0x70] =	vst v6;
	v3 =	vmul.f32 v3, v1;
	v6 =	vld [tilespmem:s5+$0xE0]  }
0x1ae: {  	v12 =	vmov s15;
	v11 =	vmov s9;
	v13 =	vmov s0;
	[tilespmem:s5+$0x80] =	vst v5;
	v5 =	vld [tilespmem:s5+$0xF0]  }
0x1af: {  	v2 =	vmul.f32 v2, v1;
	[tilespmem:s5+$0x90] =	vst v3;
	v1 =	vmul.f32 v4, v1;
	v3 =	vld [tilespmem:s5+$0x100]  }
0x1b0: {  	v4 =	vmul.f32 v8, v0;
	v8 =	vld [tilespmem:s5+$0x110]  }
0x1b1: {  	[tilespmem:s5+$0xA0] =	vst v2;
	v2 =	vmul.f32 v7, v0;
	v7 =	vld [tilespmem:s5+$0x120]  }
0x1b2: {  	s5 =	sadd.s32 $0x280, s5;
	v10 =	vld.idx.msk [tilespmem:v10+s12+$0x0], $0xffff;
	[tilespmem:s6+$0xB0] =	vst v1;
	v1 =	vmul.f32 v6, v0  }
0x1b3: {  	v6 =	vld [tilespmem:s5+$0x130];
	[tilespmem:s6+$0xC0] =	vst v4;
	v4 =	vmul.f32 v5, v0  }
0x1b4: {  	v5 =	vld.idx.msk [tilespmem:v9+s12+$0x0], $0xffff;
	[tilespmem:s6+$0xD0] =	vst v2;
	v2 =	vmul.f32 v3, v0  }
0x1b5: {  	v3 =	vld.idx.msk [tilespmem:v11+s12+$0x0], $0xffff;
	[tilespmem:s6+$0xE0] =	vst v1;
	v8 =	vmul.f32 v8, v0  }
0x1b6: {  	v9 =	vld.idx.msk [tilespmem:v12+s12+$0x0], $0xffff;
	[tilespmem:s6+$0xF0] =	vst v4;
	v4 =	vmul.f32 v7, v0  }
0x1b7: {  	v1 =	vld.idx.msk [tilespmem:v13+s12+$0x0], $0xffff;
	[tilespmem:s6+$0x100] =	vst v2  }
0x1b8: {  	v0 =	vmov v10;
	v2 =	vld [tilespmem:s5+$0xFFFFFEC0];
	v6 =	vmul.f32 v6, v10;
	[tilespmem:s6+$0x110] =	vst v8  }
0x1b9: {  	v7 =	vld [tilespmem:s5+$0xFFFFFED0];
	[tilespmem:s6+$0x120] =	vst v4;
	s6 =	smov.u32 s5  }
0x1ba: {  	v4 =	vld [tilespmem:s5+$0xFFFFFEE0];
	[tilespmem:s5+$0x130] =	vst v6  }
0x1bb: {  	v6 =	vld [tilespmem:s5+$0xFFFFFEF0]  }
0x1bc: {  	v8 =	vld [tilespmem:s5+$0xFFFFFF00]  }
0x1bd: {  	v2 =	vmul.f32 v2, v5;
	v10 =	vld [tilespmem:s5+$0xFFFFFF10]  }
0x1be: {  	v7 =	vmul.f32 v7, v5;
	v11 =	vld [tilespmem:s5+$0xFFFFFF20]  }
0x1bf: {  	[tilespmem:s5+$0xFFFFFEC0] =	vst v2;
	v2 =	vmul.f32 v4, v5;
	v4 =	vld [tilespmem:s5+$0xFFFFFF30]  }
0x1c0: {  	[tilespmem:s5+$0xFFFFFED0] =	vst v7;
	v6 =	vmul.f32 v6, v5;
	v7 =	vld [tilespmem:s5+$0xFFFFFF40]  }
0x1c1: {  	[tilespmem:s5+$0xFFFFFEE0] =	vst v2;
	v2 =	vmul.f32 v8, v5;
	v8 =	vld [tilespmem:s5+$0xFFFFFF50]  }
0x1c2: {  	[tilespmem:s5+$0xFFFFFEF0] =	vst v6;
	v6 =	vmul.f32 v10, v5;
	v10 =	vld [tilespmem:s5+$0xFFFFFF60]  }
0x1c3: {  	[tilespmem:s5+$0xFFFFFF00] =	vst v2;
	v2 =	vmul.f32 v11, v5;
	v11 =	vld [tilespmem:s5+$0xFFFFFF70]  }
0x1c4: {  	[tilespmem:s5+$0xFFFFFF10] =	vst v6;
	v4 =	vmul.f32 v4, v5;
	v5 =	vld [tilespmem:s5+$0xFFFFFF80]  }
0x1c5: {  	[tilespmem:s5+$0xFFFFFF20] =	vst v2;
	v2 =	vmul.f32 v7, v3;
	v6 =	vld [tilespmem:s5+$0xFFFFFF90]  }
0x1c6: {  	[tilespmem:s5+$0xFFFFFF30] =	vst v4;
	v4 =	vmul.f32 v8, v3;
	v7 =	vld [tilespmem:s5+$0xFFFFFFA0]  }
0x1c7: {  	[tilespmem:s5+$0xFFFFFF40] =	vst v2;
	v2 =	vmul.f32 v10, v3;
	v8 =	vld [tilespmem:s5+$0xFFFFFFB0]  }
0x1c8: {  	[tilespmem:s5+$0xFFFFFF50] =	vst v4;
	v4 =	vmul.f32 v11, v3;
	v10 =	vld [tilespmem:s5+$0xFFFFFFC0]  }
0x1c9: {  	[tilespmem:s5+$0xFFFFFF60] =	vst v2;
	v2 =	vmul.f32 v5, v3;
	v5 =	vld [tilespmem:s5+$0xFFFFFFD0]  }
0x1ca: {  	[tilespmem:s5+$0xFFFFFF70] =	vst v4;
	v4 =	vmul.f32 v6, v3;
	v6 =	vld [tilespmem:s5+$0xFFFFFFE0]  }
0x1cb: {  	[tilespmem:s5+$0xFFFFFF80] =	vst v2;
	v2 =	vmul.f32 v7, v3;
	v7 =	vld [tilespmem:s5+$0xFFFFFFF0]  }
0x1cc: {  	[tilespmem:s5+$0xFFFFFF90] =	vst v4;
	v3 =	vmul.f32 v8, v3;
	v4 =	vld [tilespmem:s5+$0x0]  }
0x1cd: {  	[tilespmem:s5+$0xFFFFFFA0] =	vst v2;
	v2 =	vmul.f32 v10, v9;
	v8 =	vld [tilespmem:s5+$0x10]  }
0x1ce: {  	[tilespmem:s5+$0xFFFFFFB0] =	vst v3;
	v3 =	vmul.f32 v5, v9;
	v5 =	vld [tilespmem:s5+$0x20]  }
0x1cf: {  	[tilespmem:s5+$0xFFFFFFC0] =	vst v2;
	v2 =	vmul.f32 v6, v9;
	v10 =	vld [tilespmem:s5+$0x30]  }
0x1d0: {  	[tilespmem:s5+$0xFFFFFFD0] =	vst v3;
	v3 =	vmul.f32 v7, v9;
	v7 =	vld [tilespmem:s5+$0x40]  }
0x1d1: {  	[tilespmem:s5+$0xFFFFFFE0] =	vst v2;
	v2 =	vmul.f32 v4, v9;
	v4 =	vld [tilespmem:s5+$0x50]  }
0x1d2: {  	[tilespmem:s5+$0xFFFFFFF0] =	vst v3;
	v3 =	vmul.f32 v8, v9;
	v11 =	vld [tilespmem:s5+$0x60]  }
.Ltmp5:
0x1d3: {  	[tilespmem:s5+$0x0] =	vst v2;
	v2 =	vmul.f32 v5, v9;
	v6 =	vld [tilespmem:s5+$0x70];
	(pc) =	sbr.rel @p2 .LBB2_13-.Ltmp5, $4  }
0x1d4: {  	[tilespmem:s5+$0x10] =	vst v3;
	v8 =	vmul.f32 v10, v9;
	v5 =	vld [tilespmem:s5+$0x80]  }
0x1d5: {  	[tilespmem:s5+$0x20] =	vst v2;
	v7 =	vmul.f32 v7, v1;
	v3 =	vld [tilespmem:s5+$0x90]  }
0x1d6: {  	[tilespmem:s5+$0x30] =	vst v8;
	v8 =	vmul.f32 v4, v1;
	v2 =	vld [tilespmem:s5+$0xA0]  }
0x1d7: {  	[tilespmem:s5+$0x40] =	vst v7;
	v7 =	vmul.f32 v11, v1;
	v4 =	vld [tilespmem:s5+$0xB0]  }
0x1d8: {  	[tilespmem:s5+$0x50] =	vst v8;
	v6 =	vmul.f32 v6, v1;
	v8 =	vld [tilespmem:s5+$0xC0]  }
0x1d9: {  	[tilespmem:s5+$0x60] =	vst v7;
	v5 =	vmul.f32 v5, v1;
	v7 =	vld [tilespmem:s5+$0xD0]  }
0x1da: {  	[tilespmem:s5+$0x70] =	vst v6;
	v3 =	vmul.f32 v3, v1;
	v6 =	vld [tilespmem:s5+$0xE0]  }
0x1db: {  	[tilespmem:s5+$0x80] =	vst v5;
	v5 =	vld [tilespmem:s5+$0xF0];
	v2 =	vmul.f32 v2, v1  }
0x1dc: {  	[tilespmem:s5+$0x90] =	vst v3;
	v1 =	vmul.f32 v4, v1;
	v3 =	vld [tilespmem:s5+$0x100]  }
0x1dd: {  	v4 =	vmul.f32 v8, v0;
	v8 =	vld [tilespmem:s5+$0x110];
	[tilespmem:s5+$0xA0] =	vst v2  }
0x1de: {  	v2 =	vmul.f32 v7, v0;
	v7 =	vld [tilespmem:s5+$0x120];
	[tilespmem:s6+$0xB0] =	vst v1  }
0x1df: {  	v1 =	vmul.f32 v6, v0;
	[tilespmem:s6+$0xC0] =	vst v4  }
0x1e0: {  	v4 =	vmul.f32 v5, v0;
	[tilespmem:s6+$0xD0] =	vst v2  }
0x1e1: {  	v2 =	vmul.f32 v3, v0;
	[tilespmem:s6+$0xE0] =	vst v1  }
0x1e2: {  	v1 =	vmul.f32 v8, v0;
	[tilespmem:s6+$0xF0] =	vst v4  }
0x1e3: {  	v0 =	vmul.f32 v7, v0;
	[tilespmem:s6+$0x100] =	vst v2  }
0x1e4: {  	s0 =	sshra.s32 s4, $0x2;
	[tilespmem:s6+$0x110] =	vst v1  }
0x1e5: {  	s0 =	sadd.s32 $0x1400, s0;
	[tilespmem:s6+$0x120] =	vst v0  }
0x1e6: {  	[spmem:s2] =	stream.indirect.scatter.add.f32 [tilespmem:s19], [sflag:$0x9], $0x80, s0, s13, $0xb8;
	[tilespmem:$0x1F480] =	vst v63  }
0x1e7: {  	s10 =	sadd.s32 $0xFFFFFFFB, s3;
	s4 =	simm.s32 @!p1 $0x32;
	_ =	swait.ge [sflag:s28], $0x1900  }
0x1e8: {  	s8 =	sadd.s32 $0xD1, s10;
	s15 =	sadd.s32 $0xCD, s10;
	[sflag:s28] =	ssyncset.done $0x0  }
0x1e9: {  	s6 =	simm.s32 @!p1 $0x6800;
	v0 =	vmov s8;
	s0 =	sadd.s32 @!p1 $0x380, s17;
	[sflag:s28] =	ssyncadd.s32 $0xFFFFE700  }
0x1ea: {  	[tilespmem:s6], [sflag:$0x3] =	stream.indirect.gather @!p1 [hbm4b:s7+s4], $0x80, s0, s4, $0xb8;
	[tilespmem:$0x1F480] =	vst v63  }
0x1eb: {  	v1 =	vmov s15;
	_ =	swait.ge [sflag:s29], $0x1900  }
0x1ec: {  	[sflag:s29] =	ssyncset.done $0x0  }
0x1ed: {  	[sflag:s29] =	ssyncadd.s32 $0xFFFFE700  }
0x1ee: {  	s4 =	simm.s32 $0xA140;
	v0 =	vld.idx.msk [tilespmem:v0+s12+$0x0], $0xffff  }
0x1ef: {  	v2 =	vld [tilespmem:s4+$0x130]  }
0x1f0: {  	v1 =	vld.idx.msk [tilespmem:v1+s12+$0x0], $0xffff  }
0x1f1: {  	v3 =	vld [tilespmem:s4+$0xFFFFFEC0]  }
0x1f2: {  	s17 =	sadd.s32 $0xCE, s10;
	v4 =	vld [tilespmem:s4+$0xFFFFFED0]  }
0x1f3: {  	v5 =	vmov s17;
	v6 =	vld [tilespmem:s4+$0xFFFFFEE0]  }
0x1f4: {  	v7 =	vld [tilespmem:s4+$0xFFFFFEF0]  }
0x1f5: {  	v8 =	vld [tilespmem:s4+$0xFFFFFF00]  }
0x1f6: {  	v9 =	vld [tilespmem:s4+$0xFFFFFF10]  }
0x1f7: {  	v10 =	vld [tilespmem:s4+$0xFFFFFF20]  }
0x1f8: {  	v5 =	vld.idx.msk [tilespmem:v5+s12+$0x0], $0xffff;
	v3 =	vmul.f32 v3, v1  }
0x1f9: {  	v11 =	vld [tilespmem:s4+$0xFFFFFF40];
	v2 =	vmul.f32 v2, v0  }
0x1fa: {  	v12 =	vld [tilespmem:s4+$0xFFFFFF50];
	v4 =	vmul.f32 v4, v1;
	[tilespmem:s4+$0xFFFFFEC0] =	vst v3  }
0x1fb: {  	v63 =	vld [tilespmem:s4+$0x10];
	v9 =	vmul.f32 v9, v1;
	[tilespmem:s4+$0x130] =	vst v2  }
0x1fc: {  	s30 =	sadd.s32 $0xCF, s10;
	v10 =	vmul.f32 v10, v1;
	v3 =	vld [tilespmem:s4+$0xFFFFFF30];
	[tilespmem:s4+$0xFFFFFED0] =	vst v4  }
0x1fd: {  	v13 =	vmov s30;
	v2 =	vmul.f32 v6, v1;
	v6 =	vld [tilespmem:s4+$0xFFFFFF60];
	[tilespmem:s4+$0xFFFFFF10] =	vst v9  }
0x1fe: {  	v4 =	vmul.f32 v7, v1;
	v7 =	vld [tilespmem:s4+$0xFFFFFF70];
	[tilespmem:s4+$0xFFFFFF20] =	vst v10  }
0x1ff: {  	v9 =	vmul.f32 v12, v5;
	v10 =	vld [tilespmem:s4+$0xFFFFFFC0];
	[tilespmem:s4+$0xFFFFFEE0] =	vst v2  }
0x200: {  	[tilespmem:s4+$0xFFFFFEF0] =	vst v4;
	v4 =	vmul.f32 v11, v5;
	v11 =	vld [tilespmem:s4+$0xFFFFFF90]  }
0x201: {  	v2 =	vmul.f32 v8, v1;
	v8 =	vld [tilespmem:s4+$0xFFFFFF80];
	[tilespmem:s4+$0xFFFFFF50] =	vst v9  }
0x202: {  	[tilespmem:s4+$0xFFFFFF40] =	vst v4;
	v4 =	vld.idx.msk [tilespmem:v13+s12+$0x0], $0xffff;
	v1 =	vmul.f32 v3, v1  }
0x203: {  	[tilespmem:s4+$0xFFFFFF00] =	vst v2;
	v2 =	vld [tilespmem:s4+$0xFFFFFFA0];
	v7 =	vmul.f32 v7, v5  }
0x204: {  	s31 =	sadd.s32 $0xD0, s10;
	v3 =	vld [tilespmem:s4+$0xFFFFFFB0];
	[tilespmem:s4+$0xFFFFFF30] =	vst v1;
	v1 =	vmul.f32 v6, v5  }
0x205: {  	v62 =	vmov s31;
	v6 =	vld [tilespmem:s4+$0xFFFFFFD0];
	[tilespmem:s4+$0xFFFFFF70] =	vst v7;
	v7 =	vmul.f32 v11, v5  }
0x206: {  	v9 =	vld [tilespmem:s4+$0xFFFFFFE0];
	[tilespmem:s4+$0xFFFFFF60] =	vst v1;
	v1 =	vmul.f32 v8, v5  }
0x207: {  	v8 =	vld [tilespmem:s4+$0xFFFFFFF0];
	v10 =	vmul.f32 v10, v4;
	[tilespmem:s4+$0xFFFFFF90] =	vst v7  }
0x208: {  	v11 =	vld [tilespmem:s4+$0x0];
	v2 =	vmul.f32 v2, v5;
	[tilespmem:s4+$0xFFFFFF80] =	vst v1  }
0x209: {  	v7 =	vld [tilespmem:s4+$0x20];
	v3 =	vmul.f32 v3, v5;
	[tilespmem:s4+$0xFFFFFFC0] =	vst v10  }
0x20a: {  	v1 =	vld.idx.msk [tilespmem:v62+s12+$0x0], $0xffff;
	[tilespmem:s4+$0xFFFFFFA0] =	vst v2;
	v2 =	vmul.f32 v6, v4  }
0x20b: {  	v10 =	vld [tilespmem:s4+$0x30];
	[tilespmem:s4+$0xFFFFFFB0] =	vst v3;
	v3 =	vmul.f32 v9, v4  }
0x20c: {  	v9 =	vld [tilespmem:s4+$0x40];
	[tilespmem:s4+$0xFFFFFFD0] =	vst v2;
	v2 =	vmul.f32 v8, v4  }
0x20d: {  	v8 =	vld [tilespmem:s4+$0x50];
	[tilespmem:s4+$0xFFFFFFE0] =	vst v3;
	v3 =	vmul.f32 v11, v4  }
0x20e: {  	v11 =	vld [tilespmem:s4+$0x60];
	v7 =	vmul.f32 v7, v4;
	[tilespmem:s4+$0xFFFFFFF0] =	vst v2  }
0x20f: {  	v6 =	vld [tilespmem:s4+$0x70];
	v2 =	vmul.f32 v63, v4;
	[tilespmem:s4+$0x0] =	vst v3  }
0x210: {  	v5 =	vld [tilespmem:s4+$0x80];
	v4 =	vmul.f32 v10, v4;
	[tilespmem:s4+$0x20] =	vst v7  }
0x211: {  	v3 =	vld [tilespmem:s4+$0x90];
	v9 =	vmul.f32 v9, v1;
	[tilespmem:s4+$0x10] =	vst v2  }
0x212: {  	v2 =	vld [tilespmem:s4+$0xA0];
	[tilespmem:s4+$0x30] =	vst v4;
	v8 =	vmul.f32 v8, v1  }
0x213: {  	s5 =	simm.s32 $0xA140;
	s6 =	simm.s32 $0x0;
	v4 =	vld [tilespmem:s4+$0xB0];
	[tilespmem:s4+$0x40] =	vst v9;
	v7 =	vmul.f32 v11, v1  }
.LBB2_15:
0x214: {  	s0 =	sadd.s32 s6, s3;
	s6 =	sadd.s32 $0x5, s6;
	[tilespmem:s4+$0x50] =	vst v8;
	v6 =	vmul.f32 v6, v1;
	v8 =	vld [tilespmem:s4+$0xC0]  }
0x215: {  	s8 =	sadd.s32 $0xCD, s0;
	s9 =	sadd.s32 $0xD1, s0;
	p1 =	slt.u32 s6, $0x2D;
	[tilespmem:s4+$0x60] =	vst v7;
	v5 =	vmul.f32 v5, v1;
	v7 =	vld [tilespmem:s4+$0xD0]  }
0x216: {  	s10 =	sadd.s32 $0xCF, s0;
	v9 =	vmov s8;
	s8 =	sadd.s32 $0xCE, s0;
	s0 =	sadd.s32 $0xD0, s0;
	v10 =	vmov s9;
	[tilespmem:s4+$0x70] =	vst v6;
	v3 =	vmul.f32 v3, v1;
	v6 =	vld [tilespmem:s4+$0xE0]  }
0x217: {  	v12 =	vmov s10;
	v11 =	vmov s8;
	v13 =	vmov s0;
	[tilespmem:s4+$0x80] =	vst v5;
	v5 =	vld [tilespmem:s4+$0xF0]  }
0x218: {  	v2 =	vmul.f32 v2, v1;
	[tilespmem:s4+$0x90] =	vst v3;
	v1 =	vmul.f32 v4, v1;
	v3 =	vld [tilespmem:s4+$0x100]  }
0x219: {  	v4 =	vmul.f32 v8, v0;
	v8 =	vld [tilespmem:s4+$0x110]  }
0x21a: {  	[tilespmem:s4+$0xA0] =	vst v2;
	v2 =	vmul.f32 v7, v0;
	v7 =	vld [tilespmem:s4+$0x120]  }
0x21b: {  	s4 =	sadd.s32 $0x280, s4;
	v10 =	vld.idx.msk [tilespmem:v10+s12+$0x0], $0xffff;
	[tilespmem:s5+$0xB0] =	vst v1;
	v1 =	vmul.f32 v6, v0  }
0x21c: {  	v6 =	vld [tilespmem:s4+$0x130];
	[tilespmem:s5+$0xC0] =	vst v4;
	v4 =	vmul.f32 v5, v0  }
0x21d: {  	v5 =	vld.idx.msk [tilespmem:v9+s12+$0x0], $0xffff;
	[tilespmem:s5+$0xD0] =	vst v2;
	v2 =	vmul.f32 v3, v0  }
0x21e: {  	v3 =	vld.idx.msk [tilespmem:v11+s12+$0x0], $0xffff;
	[tilespmem:s5+$0xE0] =	vst v1;
	v8 =	vmul.f32 v8, v0  }
0x21f: {  	v9 =	vld.idx.msk [tilespmem:v12+s12+$0x0], $0xffff;
	[tilespmem:s5+$0xF0] =	vst v4;
	v4 =	vmul.f32 v7, v0  }
0x220: {  	v1 =	vld.idx.msk [tilespmem:v13+s12+$0x0], $0xffff;
	[tilespmem:s5+$0x100] =	vst v2  }
0x221: {  	v0 =	vmov v10;
	v2 =	vld [tilespmem:s4+$0xFFFFFEC0];
	v6 =	vmul.f32 v6, v10;
	[tilespmem:s5+$0x110] =	vst v8  }
0x222: {  	v7 =	vld [tilespmem:s4+$0xFFFFFED0];
	[tilespmem:s5+$0x120] =	vst v4;
	s5 =	smov.u32 s4  }
0x223: {  	v4 =	vld [tilespmem:s4+$0xFFFFFEE0];
	[tilespmem:s4+$0x130] =	vst v6  }
0x224: {  	v6 =	vld [tilespmem:s4+$0xFFFFFEF0]  }
0x225: {  	v8 =	vld [tilespmem:s4+$0xFFFFFF00]  }
0x226: {  	v2 =	vmul.f32 v2, v5;
	v10 =	vld [tilespmem:s4+$0xFFFFFF10]  }
0x227: {  	v7 =	vmul.f32 v7, v5;
	v11 =	vld [tilespmem:s4+$0xFFFFFF20]  }
0x228: {  	[tilespmem:s4+$0xFFFFFEC0] =	vst v2;
	v2 =	vmul.f32 v4, v5;
	v4 =	vld [tilespmem:s4+$0xFFFFFF30]  }
0x229: {  	[tilespmem:s4+$0xFFFFFED0] =	vst v7;
	v6 =	vmul.f32 v6, v5;
	v7 =	vld [tilespmem:s4+$0xFFFFFF40]  }
0x22a: {  	[tilespmem:s4+$0xFFFFFEE0] =	vst v2;
	v2 =	vmul.f32 v8, v5;
	v8 =	vld [tilespmem:s4+$0xFFFFFF50]  }
0x22b: {  	[tilespmem:s4+$0xFFFFFEF0] =	vst v6;
	v6 =	vmul.f32 v10, v5;
	v10 =	vld [tilespmem:s4+$0xFFFFFF60]  }
0x22c: {  	[tilespmem:s4+$0xFFFFFF00] =	vst v2;
	v2 =	vmul.f32 v11, v5;
	v11 =	vld [tilespmem:s4+$0xFFFFFF70]  }
0x22d: {  	[tilespmem:s4+$0xFFFFFF10] =	vst v6;
	v4 =	vmul.f32 v4, v5;
	v5 =	vld [tilespmem:s4+$0xFFFFFF80]  }
0x22e: {  	[tilespmem:s4+$0xFFFFFF20] =	vst v2;
	v2 =	vmul.f32 v7, v3;
	v6 =	vld [tilespmem:s4+$0xFFFFFF90]  }
0x22f: {  	[tilespmem:s4+$0xFFFFFF30] =	vst v4;
	v4 =	vmul.f32 v8, v3;
	v7 =	vld [tilespmem:s4+$0xFFFFFFA0]  }
0x230: {  	[tilespmem:s4+$0xFFFFFF40] =	vst v2;
	v2 =	vmul.f32 v10, v3;
	v8 =	vld [tilespmem:s4+$0xFFFFFFB0]  }
0x231: {  	[tilespmem:s4+$0xFFFFFF50] =	vst v4;
	v4 =	vmul.f32 v11, v3;
	v10 =	vld [tilespmem:s4+$0xFFFFFFC0]  }
0x232: {  	[tilespmem:s4+$0xFFFFFF60] =	vst v2;
	v2 =	vmul.f32 v5, v3;
	v5 =	vld [tilespmem:s4+$0xFFFFFFD0]  }
0x233: {  	[tilespmem:s4+$0xFFFFFF70] =	vst v4;
	v4 =	vmul.f32 v6, v3;
	v6 =	vld [tilespmem:s4+$0xFFFFFFE0]  }
0x234: {  	[tilespmem:s4+$0xFFFFFF80] =	vst v2;
	v2 =	vmul.f32 v7, v3;
	v7 =	vld [tilespmem:s4+$0xFFFFFFF0]  }
0x235: {  	[tilespmem:s4+$0xFFFFFF90] =	vst v4;
	v3 =	vmul.f32 v8, v3;
	v4 =	vld [tilespmem:s4+$0x0]  }
0x236: {  	[tilespmem:s4+$0xFFFFFFA0] =	vst v2;
	v2 =	vmul.f32 v10, v9;
	v8 =	vld [tilespmem:s4+$0x10]  }
0x237: {  	[tilespmem:s4+$0xFFFFFFB0] =	vst v3;
	v3 =	vmul.f32 v5, v9;
	v5 =	vld [tilespmem:s4+$0x20]  }
0x238: {  	[tilespmem:s4+$0xFFFFFFC0] =	vst v2;
	v2 =	vmul.f32 v6, v9;
	v10 =	vld [tilespmem:s4+$0x30]  }
0x239: {  	[tilespmem:s4+$0xFFFFFFD0] =	vst v3;
	v3 =	vmul.f32 v7, v9;
	v7 =	vld [tilespmem:s4+$0x40]  }
0x23a: {  	[tilespmem:s4+$0xFFFFFFE0] =	vst v2;
	v2 =	vmul.f32 v4, v9;
	v4 =	vld [tilespmem:s4+$0x50]  }
0x23b: {  	[tilespmem:s4+$0xFFFFFFF0] =	vst v3;
	v3 =	vmul.f32 v8, v9;
	v11 =	vld [tilespmem:s4+$0x60]  }
.Ltmp6:
0x23c: {  	[tilespmem:s4+$0x0] =	vst v2;
	v2 =	vmul.f32 v5, v9;
	v6 =	vld [tilespmem:s4+$0x70];
	(pc) =	sbr.rel @p1 .LBB2_15-.Ltmp6, $4  }
0x23d: {  	[tilespmem:s4+$0x10] =	vst v3;
	v8 =	vmul.f32 v10, v9;
	v5 =	vld [tilespmem:s4+$0x80]  }
0x23e: {  	[tilespmem:s4+$0x20] =	vst v2;
	v7 =	vmul.f32 v7, v1;
	v3 =	vld [tilespmem:s4+$0x90]  }
0x23f: {  	[tilespmem:s4+$0x30] =	vst v8;
	v8 =	vmul.f32 v4, v1;
	v2 =	vld [tilespmem:s4+$0xA0]  }
0x240: {  	[tilespmem:s4+$0x40] =	vst v7;
	v7 =	vmul.f32 v11, v1;
	v4 =	vld [tilespmem:s4+$0xB0]  }
0x241: {  	[tilespmem:s4+$0x50] =	vst v8;
	v6 =	vmul.f32 v6, v1;
	v49 =	vld [tilespmem:s4+$0xC0]  }
0x242: {  	v50 =	vld [tilespmem:s4+$0xD0];
	[tilespmem:s4+$0x60] =	vst v7;
	v5 =	vmul.f32 v5, v1  }
0x243: {  	v51 =	vld [tilespmem:s4+$0xE0];
	[tilespmem:s4+$0x70] =	vst v6;
	v3 =	vmul.f32 v3, v1  }
0x244: {  	v52 =	vld [tilespmem:s4+$0xF0];
	[tilespmem:s4+$0x80] =	vst v5;
	v2 =	vmul.f32 v2, v1  }
0x245: {  	v54 =	vld [tilespmem:s4+$0x100];
	[tilespmem:s4+$0x90] =	vst v3;
	v53 =	vmul.f32 v4, v1  }
0x246: {  	v56 =	vld [tilespmem:s4+$0x110];
	v55 =	vmul.f32 v49, v0;
	[tilespmem:s4+$0xA0] =	vst v2  }
0x247: {  	v58 =	vld [tilespmem:s4+$0x120];
	v57 =	vmul.f32 v50, v0;
	[tilespmem:s5+$0xB0] =	vst v53  }
0x248: {  	v59 =	vmul.f32 v51, v0;
	[tilespmem:s5+$0xC0] =	vst v55  }
0x249: {  	s1 =	sadd.s32 $0x1, s1;
	v60 =	vmul.f32 v52, v0;
	[tilespmem:s5+$0xD0] =	vst v57  }
0x24a: {  	p1 =	sne.s32 s1, $0x8;
	v61 =	vmul.f32 v54, v0;
	[tilespmem:s5+$0xE0] =	vst v59  }
.Ltmp7:
0x24b: {  	v62 =	vmul.f32 v56, v0;
	[tilespmem:s5+$0xF0] =	vst v60;
	(pc) =	sbr.rel @p1 .LBB2_6-.Ltmp7, $4  }
0x24c: {  	v63 =	vmul.f32 v58, v0;
	[tilespmem:s5+$0x100] =	vst v61  }
0x24d: {  	s0 =	sshra.s32 s11, $0x2;
	[tilespmem:s5+$0x110] =	vst v62  }
0x24e: {  	s3 =	sadd.s32 $0xFA, s3;
	s0 =	sadd.s32 $0x1400, s0;
	[tilespmem:s5+$0x120] =	vst v63  }
0x24f: {  	[spmem:s2] =	stream.indirect.scatter.add.f32 [tilespmem:s21], [sflag:$0xA], $0x80, s0, s13, $0xb8;
	[tilespmem:$0x1F480] =	vst v63  }
0x250: {  	s0 =	simm.s32 $0x9  }
0x251: {  	_ =	swait.ge [sflag:s0], $0x1900  }
0x252: {  	[sflag:s0] =	ssyncset.done $0x0  }
0x253: {  	s31 =	simm.s32 $0xA;
	[sflag:s0] =	ssyncadd.s32 $0xFFFFE700  }
0x254: {  	_ =	swait.ge [sflag:s31], $0x1900  }
0x255: {  	s1 =	rddreg [dreg:$0x8]  }
0x256: {  	s1 =	sadd.s32 $0x1, s1  }
0x257: {  	p1 =	sne.s32 s1, $0xA  }
.Ltmp8:
0x258: {  	_ = 	snop;
	(pc) =	sbr.rel @p1 .LBB2_5-.Ltmp8, $3  }
0x259: {  	_ =	sdelay $0x1  }
0x25a: {  	[sflag:s31] =	ssyncset.done $0x0  }
0x25b: {  	[sflag:s31] =	ssyncadd.s32 $0xFFFFE700  }
0x25c: {  	[bflag:$0x0] =	sbarrier.arrive $0xFFFF  }
0x25d: {  	s0 =	sadd.s32 @p0 $0x12C000, s2;
	s3 =	simm.s32 @p0 $0x1FCB;
	s5 =	rddreg [dreg:$0x4]  }
0x25e: {  	s4 =	stileid.u32;
	s0 =	sshrl.u32 @p0 s0, $0x3;
	s1 =	sadd.s32 @p0 $0x25800, s5  }
0x25f: {  	[hbm:s1], [sflag:s3] =	dma.local @p0 [spmem:s0], $0x1900  }
0x260: {  	s0 =	simm.s32 @p0 $0xB;
	s1 =	smul.u32 @!p0 $0x50000, s4  }
0x261: {  	_ =	swait.ge @p0 [sflag:s0], $0x1900  }
0x262: {  	s3 =	smul.u32 @!p0 $0x2800, s4;
	[sflag:s0] =	ssyncset.done @p0 $0x0;
	s1 =	sshrl.u32 @!p0 s1, $0x2  }
0x263: {  	[sflag:s0] =	ssyncadd.s32 @p0 $0xFFFFE700;
	s0 =	sadd.s32 @!p0 s1, s2;
	s1 =	sshll.u32 @!p0 s4, $0x6  }
0x264: {  	s2 =	sadd.s32 @!p0 s5, s3;
	s1 =	sor.u32 @!p0 $0x1C0B, s1;
	s0 =	sshrl.u32 @!p0 s0, $0x3  }
0x265: {  	[hbm:s2], [sflag:s1] =	dma.local @!p0 [spmem:s0], $0x2800  }
0x266: {  	s0 =	simm.s32 @!p0 $0xB  }
0x267: {  	_ =	swait.ge @!p0 [sflag:s0], $0x2800  }
0x268: {  	[sflag:s0] =	ssyncset.done @!p0 $0x0  }
0x269: {  	[sflag:s0] =	ssyncadd.s32 @!p0 $0xFFFFD800  }
0x26a: {  	_ =	sfence.sel $0x180000  }
0x26b: {  	[bflag:$0x0] =	sbarrier.arrive $0xFFFF  }
0x26c: {  	_ =	strace $0x9000004D  }
0x26d: {  	[bflag:$0x2] =	sbarrier.arrive $0xFFFF  }
0x26e: {  	p0 =	sne.s32 s4, $0x0;
	s0 =	rddreg [dreg:$0x3]  }
0x26f: {  	s0 =	sadd.s32 @!p0 $0x100000, s0  }
0x270: {  	[sflag:s0] =	ssyncadd.tile.s32 @!p0 $0x1;
	_ =	shalt  }
.Lfunc_end2:
_tile_overlayer_lowered:
.L_overlay_start_2:
0x271: {  	(tag) =	ssettag $0x2  }
0x272: {  	s0 =	rddreg [dreg:$0x0];
	s2 =	stileid.u32  }
0x273: {  	s1 =	rddreg [dreg:$0x1];
	p0 =	sne.s32 s2, $0x0  }
0x274: {  	s3 =	rddreg [dreg:$0x2];
	[bflag:$0x3] =	sbarrier.arrive $0xFFFF;
	s2 =	simm.s32 @!p0 $0x1C0B  }
0x275: {  	[timem:s3], [sflag:s2] =	dma.local @!p0 [hbm:s0], s1  }
0x276: {  	s0 =	simm.s32 @!p0 $0xB  }
0x277: {  	_ =	swait.ge @!p0 [sflag:s0], s1  }
0x278: {  	s1 =	ssub.s32 @!p0 $0x0, s1;
	[sflag:s0] =	ssyncset.done @!p0 $0x0  }
0x279: {  	[sflag:s0] =	ssyncadd.s32 @!p0 s1  }
0x27a: {  	[bflag:$0x3] =	sbarrier.arrive $0xFFFF  }
0x27b: {  	_ =	shalt  }

// kernel: kernel.19.cloned.1.call-start
scs
__scs_entry_jumppad:
0x0: {  	(pc) =	sbr.rel $0x88, $3  }
0x1: {  	(tag) =	ssettag $0x0;
	lr =	simm.s32 $0x1  }
0x2: {  	[smem:$0x3F98] =	sst lr;
	_ =	strace $0xD0000000  }
0x3: {  	_ = 	snop  }
0x4: {  	_ = 	snop  }
0x5: {  	_ = 	snop  }
0x6: {  	_ = 	snop  }
0x7: {  	_ = 	snop  }
__scs_overlays_trampoline_lowered:
0x8: {  	[smem:$0x3FA7] =	sst s0  }
0x9: {  	[smem:$0x3FA8] =	sst s1  }
0xa: {  	[smem:$0x3FA9] =	sst s2  }
0xb: {  	[smem:$0x3FAA] =	sst s3  }
0xc: {  	[smem:$0x3FAB] =	sst s4  }
0xd: {  	[smem:$0x3FAC] =	sst s5  }
0xe: {  	[smem:$0x3FAD] =	sst s6  }
0xf: {  	[smem:$0x3FAE] =	sst s7  }
0x10: {  	[smem:$0x3FAF] =	sst s8  }
0x11: {  	[smem:$0x3FB0] =	sst s9;
	s0 =	simm.s32 @!p0 $0x0  }
0x12: {  	s1 =	sld [smem:$0x3F96];
	s0 =	simm.s32 @p0 $0x1  }
0x13: {  	[smem:$0x3FB1] =	sst s0;
	s0 =	simm.s32 @!p1 $0x0  }
0x14: {  	s2 =	sld [smem:$0x3F95];
	s0 =	simm.s32 @p1 $0x1  }
0x15: {  	[smem:$0x3FB2] =	sst s0;
	s0 =	simm.s32 @!p2 $0x0  }
0x16: {  	s3 =	sld [smem:$0x3FDB];
	s0 =	simm.s32 @p2 $0x1  }
0x17: {  	s4 =	simm.s32 $0x1BF5;
	[smem:$0x3FB4] =	sst s0  }
0x18: {  	s0 =	sld [smem:$0x3F97];
	_ =	swait.ge [sflag:s4], $0x0  }
0x19: {  	s7 =	sld [smem:$0x3F98]  }
0x1a: {  	s8 =	sadd.s32 $0xFFFFE003, lr  }
0x1b: {  	s9 =	sadd.s32 $0xFFFFFEF7, lr;
	s5 =	simm.s32 $0xFFFFFFFF;
	p2 =	slt.u32 s8, $0xFFFFF086  }
0x1c: {  	p1 =	slt.u32 s9, $0xF7A;
	s5 =	simm.s32 @!p2 $0x0  }
0x1d: {  	s5 =	simm.s32 @p1 $0x1;
	p0 =	seq.s32 s7, s2  }
0x1e: {  	s7 =	smul.u32 @!p0 $0xF7A, s2;
	p2 =	seq.s32 @!p0 s5, $0x0  }
0x1f: {  	s9 =	smul.u32 $0xF7A, s1;
	s8 =	simm.s32 @!p0 $0x1BF5;
	p2 =	por !p2, p0  }
0x20: {  	[sflag:s8] =	ssyncset.s32 @!p0 $0xFFFFF086;
	s6 =	sadd.s32 @!p0 s3, s7;
	s7 =	simm.s32 @!p0 $0x108  }
0x21: {  	s3 =	sadd.s32 s3, s9;
	s6 =	sadd.s32 @!p0 $0x88, s6;
	s7 =	simm.s32 @p2 $0x1082  }
0x22: {  	[simem:s7], [sflag:s8] =	dma.local @!p0 [hbm:s6], $0xF7A  }
0x23: {  	s9 =	sor.u32 $0xD0000000, s2;
	s6 =	simm.s32 $0x108;
	_ =	swait.ge @!p0 [sflag:s8], $0x0  }
0x24: {  	s3 =	sadd.s32 $0x88, s3;
	s6 =	simm.s32 @!p1 $0x1082;
	[sflag:s4] =	ssyncset.s32 $0xFFFFF086  }
0x25: {  	[simem:s6], [sflag:s4] =	dma.local [hbm:s3], $0xF7A  }
0x26: {  	[smem:$0x3F98] =	sst s1;
	(tag) =	ssettag s2;
	_ =	strace s9  }
0x27: {  	s1 =	sld [smem:$0x3FA8]  }
0x28: {  	s2 =	sld [smem:$0x3FA9]  }
0x29: {  	s4 =	sld [smem:$0x3FAB]  }
0x2a: {  	p0 =	seq.s32 s5, $0x0;
	s5 =	sld [smem:$0x3FAC]  }
0x2b: {  	s6 =	sld [smem:$0x3FAD]  }
0x2c: {  	s7 =	sld [smem:$0x3FAE]  }
0x2d: {  	s3 =	simm.s32 $0x108;
	s8 =	sld [smem:$0x3FAF]  }
0x2e: {  	s3 =	simm.s32 @!p0 $0x1082;
	s9 =	sld [smem:$0x3FB0]  }
0x2f: {  	lr =	sadd.s32 s0, s3;
	s0 =	sld [smem:$0x3FA7]  }
0x30: {  	s3 =	sld [smem:$0x3FAA]  }
0x31: {  	[smem:$0x3FB3] =	sst s10  }
0x32: {  	s10 =	sld [smem:$0x3FB1];
	_ =	sdelay $0x3  }
0x33: {  	p0 =	seq.s32 s10, $0x1;
	s10 =	sld [smem:$0x3FB3];
	_ =	sdelay $0x3  }
0x34: {  	[smem:$0x3FB3] =	sst s10  }
0x35: {  	s10 =	sld [smem:$0x3FB2];
	_ =	sdelay $0x3  }
0x36: {  	p1 =	seq.s32 s10, $0x1;
	s10 =	sld [smem:$0x3FB3];
	_ =	sdelay $0x3  }
0x37: {  	[smem:$0x3FB3] =	sst s10  }
0x38: {  	s10 =	sld [smem:$0x3FB4]  }
0x39: {  	_ = 	snop;
	(pc) =	sbr.ind lr, $3  }
0x3a: {  	_ = 	snop  }
0x3b: {  	_ = 	snop  }
0x3c: {  	p2 =	seq.s32 s10, $0x1;
	s10 =	sld [smem:$0x3FB3]  }
0x3d: {  	_ =	shalt  }
0x3e: {  	_ =	shalt  }
0x3f: {  	_ =	shalt  }
0x40: {  	_ =	shalt  }
0x41: {  	_ =	shalt  }
0x42: {  	_ =	shalt  }
0x43: {  	_ =	shalt  }
0x44: {  	_ =	shalt  }
0x45: {  	_ =	shalt  }
0x46: {  	_ =	shalt  }
0x47: {  	_ =	shalt  }
0x48: {  	_ =	shalt  }
0x49: {  	_ =	shalt  }
0x4a: {  	_ =	shalt  }
0x4b: {  	_ =	shalt  }
0x4c: {  	_ =	shalt  }
0x4d: {  	_ =	shalt  }
0x4e: {  	_ =	shalt  }
0x4f: {  	_ =	shalt  }
0x50: {  	_ =	shalt  }
0x51: {  	_ =	shalt  }
0x52: {  	_ =	shalt  }
0x53: {  	_ =	shalt  }
0x54: {  	_ =	shalt  }
0x55: {  	_ =	shalt  }
0x56: {  	_ =	shalt  }
0x57: {  	_ =	shalt  }
0x58: {  	_ =	shalt  }
0x59: {  	_ =	shalt  }
0x5a: {  	_ =	shalt  }
0x5b: {  	_ =	shalt  }
0x5c: {  	_ =	shalt  }
0x5d: {  	_ =	shalt  }
0x5e: {  	_ =	shalt  }
0x5f: {  	_ =	shalt  }
0x60: {  	_ =	shalt  }
0x61: {  	_ =	shalt  }
0x62: {  	_ =	shalt  }
0x63: {  	_ =	shalt  }
0x64: {  	_ =	shalt  }
0x65: {  	_ =	shalt  }
0x66: {  	_ =	shalt  }
0x67: {  	_ =	shalt  }
0x68: {  	_ =	shalt  }
0x69: {  	_ =	shalt  }
0x6a: {  	_ =	shalt  }
0x6b: {  	_ =	shalt  }
0x6c: {  	_ =	shalt  }
0x6d: {  	_ =	shalt  }
0x6e: {  	_ =	shalt  }
0x6f: {  	_ =	shalt  }
0x70: {  	_ =	shalt  }
0x71: {  	_ =	shalt  }
0x72: {  	_ =	shalt  }
0x73: {  	_ =	shalt  }
0x74: {  	_ =	shalt  }
0x75: {  	_ =	shalt  }
0x76: {  	_ =	shalt  }
0x77: {  	_ =	shalt  }
0x78: {  	_ =	shalt  }
0x79: {  	_ =	shalt  }
0x7a: {  	_ =	shalt  }
0x7b: {  	_ =	shalt  }
0x7c: {  	_ =	shalt  }
0x7d: {  	_ =	shalt  }
0x7e: {  	_ =	shalt  }
0x7f: {  	_ =	shalt  }
0x80: {  	_ =	shalt  }
0x81: {  	_ =	shalt  }
0x82: {  	_ =	shalt  }
0x83: {  	_ =	shalt  }
0x84: {  	_ =	shalt  }
0x85: {  	_ =	shalt  }
0x86: {  	_ =	shalt  }
0x87: {  	_ =	shalt  }
.Lfunc_end0:
.L_simem_size_0:
called_computation.3_lowered:
.L_overlay_start_0:
0x88: {  	s2 =	sld [smem:$0x3FD9]  }
0x89: {  	s3 =	sld [smem:$0x3FFE];
	_ =	sdelay $0x1  }
0x8a: {  	s1 =	srdreg.scid  }
0x8b: {  	s0 =	sand.u32 $0x1, s1  }
0x8c: {  	s17 =	sshll.u32 s0, $0xA;
	s2 =	sadd.s32 s3, s2  }
0x8d: {  	s2 =	sadd.s32 s2, s17  }
0x8e: {  	[smem:$0x3FBF] =	sst s2  }
0x8f: {  	_ = 	snop  }
0x90: {  	s2 =	sld [smem:$0x3FC7];
	(tm) =	ssettm $0x1  }
0x91: {  	s18 =	sld [smem:$0x3FFB];
	_ =	sdelay $0x3  }
0x92: {  	_ =	strace s18  }
0x93: {  	s3 =	sld [smem:$0x3FFC];
	_ =	sdelay $0x3  }
0x94: {  	_ =	strace s3  }
0x95: {  	s3 =	sld [smem:$0x3FFD];
	_ =	sdelay $0x3  }
0x96: {  	_ =	strace s3  }
0x97: {  	_ =	strace $0x8FFFFFFF  }
0x98: {  	s19 =	sld [smem:$0x3FDB];
	_ =	sdelay $0x1  }
0x99: {  	s4 =	simm.s32 $_scs_section_size  }
0x9a: {  	s5 =	simm.s32 $_size__tile_overlayer_lowered;
	s6 =	simm.s32 $_tile_overlayer_lowered  }
0x9b: {  	s22 =	simm.s32 $0x1BFF;
	s21 =	sshll.u32 s6, $0x1;
	s3 =	sadd.s32 s4, s19  }
0x9c: {  	s7 =	simm.s32 $0x0;
	s20 =	sshll.u32 s5, $0x1;
	s5 =	sadd.s32 s21, s3  }
0x9d: {  	[timem:s7], [sflag:s22] =	dma.local [hbm:s5], s20  }
0x9e: {  	_ =	swait.ge [sflag:s22], s20  }
0x9f: {  	s4 =	ssub.s32 $0x0, s20;
	[sflag:s22] =	ssyncset.done $0x0  }
0xa0: {  	[sflag:s22] =	ssyncadd.s32 s4;
	_ =	sdelay $0x1  }
0xa1: {  	s23 =	simm.s32 $0x1B8B  }
0xa2: {  	_ =	swait.ge [sflag:s23], $0x1  }
0xa3: {  	[sflag:s23] =	ssyncset.done $0x0  }
0xa4: {  	s25 =	simm.s32 $0x1B8E;
	s24 =	sld [smem:$0x3FFE];
	[sflag:s23] =	ssyncadd.s32 $0xFFFFFFFF  }
0xa5: {  	s26 =	simm.s32 $execute0_lowered;
	[smem:$0x3FD2] =	sst s25  }
0xa6: {  	s5 =	sshll.u32 s26, $0x1;
	_ =	strace $0x8000004F;
	[dreg:$0x1] =	wrdreg $0xFFFFFFFF  }
0xa7: {  	s28 =	simm.s32 $_size_execute0_lowered;
	s3 =	sadd.s32 s3, s5;
	[dreg:$0x0] =	wrdreg $0x0  }
0xa8: {  	s5 =	sshll.u32 s28, $0x1;
	[dreg:$0x2] =	wrdreg s3  }
0xa9: {  	[dreg:$0x3] =	wrdreg s5  }
0xaa: {  	[dreg:$0x4] =	wrdreg $0xC0  }
0xab: {  	_ =	task [dreg:s7], $0x5FFFF  }
0xac: {  	[dreg:$0x1] =	wrdreg $0xFFFFFFFF  }
0xad: {  	[dreg:$0x0] =	wrdreg $0x60  }
0xae: {  	[dreg:$0x2] =	wrdreg s24  }
0xaf: {  	[dreg:$0x3] =	wrdreg s2  }
0xb0: {  	[dreg:$0x4] =	wrdreg $0x9  }
0xb1: {  	_ =	task.clear_ibuf [dreg:s7], $0x5FFFF;
	_ =	strace $0x9000004F  }
0xb2: {  	s29 =	simm.s32 $0x9;
	_ =	strace $0x80000051  }
0xb3: {  	_ =	swait.ge [sflag:s29], $0x1  }
0xb4: {  	[sflag:s29] =	ssyncadd.s32 $0xFFFFFFFF  }
0xb5: {  	_ =	strace $0x90000051  }
0xb6: {  	_ =	sfence  }
0xb7: {  	s30 =	sld [smem:$0x0];
	_ =	sdelay $0x2  }
0xb8: {  	s31 =	sshll.u32 s1, $0xD;
	s1 =	sshrl.u32 s1, $0x2  }
0xb9: {  	s3 =	sand.u32 $0x4000, s31;
	s1 =	sadd.s32 s1, s30  }
0xba: {  	s0 =	sor.u32 s3, s0;
	s1 =	sshll.u32 s1, $0x11  }
0xbb: {  	s0 =	sor.u32 s1, s0  }
0xbc: {  	s0 =	sadd.s32 $0x8F2B, s0  }
0xbd: {  	[sflag:s0] =	ssyncadd.remote.s32 $0x1  }
0xbe: {  	_ =	sfence.sel $0xFFFF  }
0xbf: {  	[dreg:$0x0] =	wrdreg $0xFFFFFFFF;
	(pc) =	sbr.abs _section_cstart, $3  }
0xc0: {  	[dreg:$0x1] =	wrdreg $0xFFFFFFFF  }
0xc1: {  	_ =	task.clear_ibuf [dreg:s7], $0x2FFFF;
	_ =	strace $0x9FFFFFFF  }
0xc2: {  	(tm) =	ssettm $0x7FFFFFFF  }
0xc3: {  	_ =	shalt  }
tec
execute0_lowered:
.L_overlay_start_1:
0x0: {  	(tag) =	ssettag $0x1  }
0x1: {  	s4 =	rddreg [dreg:$0x0];
	s1 =	srdreg.scid  }
0x2: {  	s0 =	stileid.u32;
	s6 =	rddreg [dreg:$0x1]  }
0x3: {  	s2 =	simm.s32 $0x0;
	s10 =	simm.s32 $0x2780;
	s11 =	simm.s32 $0x4F00  }
0x4: {  	s12 =	simm.s32 $0x7680;
	s3 =	sand.u32 $0x1, s1;
	s5 =	sshll.u32 s0, $0x1  }
0x5: {  	s13 =	simm.s32 $0x9E00;
	s14 =	simm.s32 $0x0;
	s5 =	sor.u32 s3, s5  }
0x6: {  	[smem:$0x7FF] =	sst s2;
	s30 =	ssub.s32 $0x2, s3;
	s7 =	smul.u32 $0x4E2, s5  }
0x7: {  	s1 =	rddreg [dreg:$0x2];
	_ =	strace $0x80000050;
	s31 =	sshrl.u32 s30, $0x1  }
0x8: {  	s3 =	sadd.s32 $0x16800, s4;
	s9 =	ssub.s32 s30, s31;
	s8 =	sadd.s32 s7, s4  }
0x9: {  	s6 =	sadd.s32 s6, s7;
	s4 =	sadd.s32 $0xCA00, s8;
	s5 =	sadd.s32 $0x2C00, s8  }
0xa: {  	v0 =	vimm.f32 $0.0e+00;
	s7 =	sadd.s32 $0x16E00, s8;
	s8 =	smax.u32 s9, $0x1;
	s9 =	simm.s32 $0x1  }
.LBB2_1:
0xb: {  	[tilespmem:s2], [sflag:$0x1] =	stream.linear.gather [hbm4b:s4+s2], $0x2710, $0x38;
	[tilespmem:$0xC580] =	vst v63  }
0xc: {  	_ =	swait.ge [sflag:s9], $0x2710  }
0xd: {  	[sflag:s9] =	ssyncset.done $0x0  }
0xe: {  	[sflag:s9] =	ssyncadd.s32 $0xFFFFD8F0  }
0xf: {  	[tilespmem:s10], [sflag:$0x1] =	stream.linear.gather [hbm4b:s5+s2], $0x2710, $0x38;
	[tilespmem:$0xC580] =	vst v63  }
0x10: {  	_ =	swait.ge [sflag:s9], $0x2710  }
0x11: {  	[sflag:s9] =	ssyncset.done $0x0  }
0x12: {  	[sflag:s9] =	ssyncadd.s32 $0xFFFFD8F0  }
0x13: {  	[tilespmem:s11], [sflag:$0x1] =	stream.linear.gather [hbm4b:s6+s2], $0x2710, $0x38;
	[tilespmem:$0xC580] =	vst v63  }
0x14: {  	_ =	swait.ge [sflag:s9], $0x2710  }
0x15: {  	[sflag:s9] =	ssyncset.done $0x0  }
0x16: {  	[sflag:s9] =	ssyncadd.s32 $0xFFFFD8F0  }
0x17: {  	[tilespmem:s12], [sflag:$0x1] =	stream.linear.gather [hbm4b:s3+s2], $0x2780, $0x38;
	[tilespmem:$0xC580] =	vst v63  }
0x18: {  	_ =	swait.ge [sflag:s9], $0x2780  }
0x19: {  	[sflag:s9] =	ssyncset.done $0x0  }
0x1a: {  	s15 =	simm.s32 $0x0;
	[sflag:s9] =	ssyncadd.s32 $0xFFFFD880  }
.LBB2_2:
0x1b: {  	p0 =	sne.s32 s15, $0x9C00  }
.Ltmp0:
0x1c: {  	_ = 	snop;
	(pc) =	sbr.rel @p0 .LBB2_2-.Ltmp0, $3  }
0x1d: {  	_ =	sdelay $0x1  }
0x1e: {  	s16 =	sshra.s32 s15, $0x2  }
0x1f: {  	s15 =	sadd.s32 $0x40, s15;
	[tilespmem:s16+$0x9E00] =	vst v0  }
0x20: {  	s16 =	simm.s32 $0x0;
	s15 =	simm.s32 $0x40  }
.LBB2_4:
0x21: {  	p0 =	sne.s32 s15, $0x9C00;
	v1 =	vld [tilespmem:s16+$0x0];
	_ =	sdelay $0x6  }
0x22: {  	v2 =	vld [tilespmem:s16+$0x2780]  }
0x23: {  	v1 =	vld.idx.msk [tilespmem:v1+s12+$0x0], $0xffff  }
0x24: {  	v3 =	vld [tilespmem:s16+$0x4F00];
	_ =	sdelay $0x2  }
.Ltmp1:
0x25: {  	(pc) =	sbr.rel @p0 .LBB2_4-.Ltmp1, $3  }
0x26: {  	_ = 	snop  }
0x27: {  	v1 =	vmul.f32 v3, v1;
	_ =	sdelay $0x1  }
0x28: {  	s16 =	sshra.s32 s15, $0x2;
	s15 =	sadd.s32 $0x40, s15;
	[tilespmem:v2+s13+$0x0] =	vst.idx.add.f32.msk $0xffff, v1  }
0x29: {  	v1 =	vld [tilespmem:s16+$0x0];
	_ =	sdelay $0x5  }
0x2a: {  	v2 =	vld [tilespmem:s16+$0x2780]  }
0x2b: {  	v3 =	vld [tilespmem:s16+$0x4F00]  }
0x2c: {  	v1 =	vld.idx.msk [tilespmem:v1+s12+$0x0], $0xffff;
	_ =	sdelay $0x4  }
0x2d: {  	s14 =	sadd.s32 $0x1, s14;
	v1 =	vmul.f32 v3, v1  }
0x2e: {  	p0 =	sne.s32 s14, s8  }
.Ltmp2:
0x2f: {  	[tilespmem:v2+s13+$0x0] =	vst.idx.add.f32.msk $0xffff, v1;
	(pc) =	sbr.rel @p0 .LBB2_1-.Ltmp2, $4  }
0x30: {  	[hbm4b:s7+s2] =	stream.linear.scatter [tilespmem:s13], [sflag:$0x1], $0x2710, $0x38;
	[tilespmem:$0xC580] =	vst v63  }
0x31: {  	_ =	swait.ge [sflag:s9], $0x2710  }
0x32: {  	[sflag:s9] =	ssyncset.done $0x0  }
0x33: {  	[sflag:s9] =	ssyncadd.s32 $0xFFFFD8F0  }
0x34: {  	_ =	sfence.sel $0x180000  }
0x35: {  	[bflag:$0x0] =	sbarrier.arrive $0xFFFF  }
0x36: {  	p0 =	sne.s32 s0, $0x0;
	_ =	strace $0x90000050  }
0x37: {  	s0 =	sadd.s32 @!p0 $0x100000, s1;
	[bflag:$0x2] =	sbarrier.arrive $0xFFFF  }
0x38: {  	[sflag:s0] =	ssyncadd.tile.s32 @!p0 $0x1;
	_ =	shalt  }
.Lfunc_end2:
_tile_overlayer_lowered:
.L_overlay_start_2:
0x39: {  	(tag) =	ssettag $0x2  }
0x3a: {  	s0 =	rddreg [dreg:$0x0];
	s2 =	stileid.u32  }
0x3b: {  	s1 =	rddreg [dreg:$0x1];
	p0 =	sne.s32 s2, $0x0  }
0x3c: {  	s3 =	rddreg [dreg:$0x2];
	[bflag:$0x3] =	sbarrier.arrive $0xFFFF;
	s2 =	simm.s32 @!p0 $0x1C01  }
0x3d: {  	[timem:s3], [sflag:s2] =	dma.local @!p0 [hbm:s0], s1  }
0x3e: {  	s0 =	simm.s32 @!p0 $0x1  }
0x3f: {  	_ =	swait.ge @!p0 [sflag:s0], s1  }
0x40: {  	s1 =	ssub.s32 @!p0 $0x0, s1;
	[sflag:s0] =	ssyncset.done @!p0 $0x0  }
0x41: {  	[sflag:s0] =	ssyncadd.s32 @!p0 s1  }
0x42: {  	[bflag:$0x3] =	sbarrier.arrive $0xFFFF  }
0x43: {  	_ =	shalt  }

</sc_bundles>
